<compile_context>
chip_gen: v7x
topology: tpu7x:2x2x1
jax: 0.10.2.dev20260603
libtpu: 0.0.44.dev20260713+nightly
codegen_flags: <defaults>
</compile_context>

<pallas_src>
import functools

import jax
import jax.numpy as jnp
from jax import lax
from jax.experimental import pallas as pl
from jax.experimental.pallas import tpu as pltpu
from jax.experimental.pallas import tpu_sc as plsc

NUM_CORES = 2
NUM_SUBCORES = 16
LANES = 16
NUM_WORKERS = NUM_CORES * NUM_SUBCORES

SUBLANE = 8
LANE128 = 128

T1C = 15
NBUF = 2
UNROLL = 8


@functools.partial(jax.jit, static_argnums=(2, 3))
def _onehot_sc(idx, zsrc, batch, nb_digits):
    rows_per_worker = batch // NUM_WORKERS
    t0n = batch // LANE128
    t0_per_worker = t0n // NUM_WORKERS
    num_t1 = nb_digits // SUBLANE
    starts = list(range(0, num_t1, T1C))
    sizes = [min(T1C, num_t1 - s) for s in starts]
    chunks = len(starts)
    groups = rows_per_worker // LANES

    mesh = plsc.VectorSubcoreMesh(core_axis_name="c", subcore_axis_name="s")

    def body(idx_hbm, zsrc_hbm, out_hbm, idx_v, *bufs_sems):
        bufs, sems = bufs_sems[:NBUF], bufs_sems[NBUF:]
        wid = lax.axis_index("c") * NUM_SUBCORES + lax.axis_index("s")
        row_base = wid * rows_per_worker
        t0_base = wid * t0_per_worker

        pltpu.sync_copy(idx_hbm.at[pl.ds(row_base, rows_per_worker)], idx_v)
        init = [pltpu.async_copy(zsrc_hbm, bufs[b], sems[b])
                for b in range(NBUF)]

        iota = lax.iota(jnp.int32, LANES)
        ones = jnp.full((LANES,), 1.0, jnp.float32)
        zeros = jnp.zeros((LANES,), jnp.float32)

        def span(k):
            lo = starts[k] * SUBLANE
            return lo, lo + sizes[k] * SUBLANE

        def scan_chunk(ko, buf, kz=None):
            olo, ohi = span(ko)
            if kz is not None:
                zlo, zhi = span(kz)

            def it(g0, _):
                for u in range(UNROLL):
                    g = g0 * UNROLL + u
                    col_v = idx_v[pl.ds(g * LANES, LANES)]
                    t1_all = lax.shift_right_logical(col_v, 3)
                    a_v = lax.bitwise_and(col_v, 7)
                    t0_v = jnp.full((LANES,), lax.shift_right_logical(g, 3),
                                    jnp.int32)
                    b_v = lax.shift_left(lax.bitwise_and(g, 7), 4) + iota
                    if kz is not None:
                        mz = jnp.logical_and(col_v >= zlo, col_v < zhi)
                        plsc.store_scatter(
                            buf, [t1_all - starts[kz], t0_v, a_v, b_v],
                            zeros, mask=mz)
                    mo = jnp.logical_and(col_v >= olo, col_v < ohi)
                    plsc.store_scatter(
                        buf, [t1_all - starts[ko], t0_v, a_v, b_v],
                        ones, mask=mo)
                return 0

            lax.fori_loop(0, groups // UNROLL, it, 0, unroll=False)

        descs = [None] * chunks
        for c in range(chunks):
            b = c % NBUF
            if c < NBUF:
                init[b].wait()
                scan_chunk(c, bufs[b])
            else:
                descs[c - NBUF].wait()
                scan_chunk(c, bufs[b], kz=c - NBUF)
            sz = sizes[c]
            src_ref = bufs[b] if sz == T1C else bufs[b].at[pl.ds(0, sz)]
            descs[c] = pltpu.async_copy(
                src_ref,
                out_hbm.at[pl.ds(starts[c], sz),
                           pl.ds(t0_base, t0_per_worker)],
                sems[b])
        for c in range(chunks - NBUF, chunks):
            descs[c].wait()

    f = pl.kernel(
        body,
        out_type=jax.ShapeDtypeStruct((num_t1, t0n, SUBLANE, LANE128),
                                      jnp.float32),
        mesh=mesh,
        scratch_types=(
            [pltpu.VMEM((rows_per_worker,), jnp.int32)]
            + [pltpu.VMEM((T1C, t0_per_worker, SUBLANE, LANE128), jnp.float32)
               for _ in range(NBUF)]
            + [pltpu.SemaphoreType.DMA for _ in range(NBUF)]
        ),
        compiler_params=pltpu.CompilerParams(
            needs_layout_passes=False,
            use_tc_tiling_on_sc=False,
        ),
    )
    t = f(idx, zsrc)
    return t.transpose(1, 3, 0, 2).reshape(batch, nb_digits)


def kernel(onehot_buf, long_tensor, nb_digits):
    del nb_digits
    batch, digits = onehot_buf.shape
    idx = long_tensor.reshape(-1).astype(jnp.int32)
    zsrc = jnp.zeros((T1C, (batch // LANE128) // NUM_WORKERS, SUBLANE,
                      LANE128), jnp.float32)
    return _onehot_sc(idx, zsrc, batch, digits)

# --- scband reference (transcript-rebuilt; emitter-appended) ---
"""Pipeline reference for scband-lazy-t2-oh-79637283603266 (READ-ONLY COPY).

The authoritative reference and input builder live on the scoring server;
editing this copy changes nothing except your own understanding.
"""

import jax, jax.numpy as jnp
import numpy as np


def setup_inputs(seed: int = 0) -> dict:
    key = jax.random.key(seed)
    k1, = jax.random.split(key, 1)
    batch = 16384
    nb_digits = 1000
    onehot_buf = jnp.zeros((batch, nb_digits), dtype=jnp.float32)
    long_tensor = jax.random.randint(k1, (batch, 1), 0, nb_digits, dtype=jnp.int64)
    return {"onehot_buf": onehot_buf, "long_tensor": long_tensor, "nb_digits": nb_digits}


def reference(onehot_buf, long_tensor, nb_digits):
    # Faithful translation of LazyT2OH.__call__:
    # persistent buffer is zeroed, then scatter_(1, long_tensor, 1) writes 1.0
    # at column long_tensor[i, j] of row i.
    batch = long_tensor.shape[0]
    buf = onehot_buf * 0.0  # self._onehot.zero_()
    rows = jnp.arange(batch)[:, None]  # [B, 1], broadcasts against long_tensor [B, 1]
    onehot = buf.at[rows, long_tensor].set(1.0)  # scatter_(dim=1, index, 1)
    return onehot

if __name__ == "__main__":
    import jax
    _d = setup_inputs()
    print(jax.jit(kernel)(*tuple(_d.values())))

</pallas_src>

<mosaic_0001>
#map = affine_map<(d0, d1) -> (0)>
#map1 = affine_map<(d0, d1) -> (0, 0, 0, 0)>
module attributes {stable_mosaic.version = 14 : i64} {
  func.func @body(%arg0: i32, %arg1: i32, %arg2: memref<16384xi32, #tpu.memory_space<hbm>>, %arg3: memref<15x4x8x128xf32, #tpu.memory_space<hbm>>, %arg4: memref<125x128x8x128xf32, #tpu.memory_space<hbm>>, %arg5: memref<512xi32, #tpu.memory_space<vmem>>, %arg6: memref<15x4x8x128xf32, #tpu.memory_space<vmem>>, %arg7: memref<15x4x8x128xf32, #tpu.memory_space<vmem>>, %arg8: memref<!tpu.dma_semaphore, #tpu.memory_space<semaphore_mem>>, %arg9: memref<!tpu.dma_semaphore, #tpu.memory_space<semaphore_mem>>) attributes {dimension_semantics = [#tpu.dimension_semantics<core_parallel>, #tpu.dimension_semantics<subcore_parallel>], iteration_bounds = array<i64: 2, 16>, scalar_prefetch = 0 : i64, scratch_operands = 5 : i64, tpu.core_type = #tpu.core_type<sc_vector_subcore>, window_params = [{transform_indices = #map}, {transform_indices = #map1}, {transform_indices = #map1}]} {
    %mul3A = arith.constant 16 : i32
    %mul3A_0 = arith.muli %arg0, %mul3A : i32
    %add3A = arith.addi %mul3A_0, %arg1 : i32
    %mul3A_1 = arith.constant 512 : i32
    %mul3A_2 = arith.muli %add3A, %mul3A_1 : i32
    %mul3A_3 = arith.constant 4 : i32
    %mul3A_4 = arith.muli %add3A, %mul3A_3 : i32
    "tpu.region"() ({
      %run_scoped3A = tpu.sem_alloc : memref<!tpu.dma_semaphore, #tpu.memory_space<semaphore_mem>>
      %dma_start3A_232 = tpu.memref_slice %arg2[%mul3A_2] : memref<16384xi32, #tpu.memory_space<hbm>> -> memref<512xi32, #tpu.memory_space<hbm>>
      %dma_start3A_233 = tpu.memref_slice %arg2[%mul3A_2] : memref<16384xi32, #tpu.memory_space<hbm>> -> memref<512xi32, #tpu.memory_space<hbm>>
      tpu.enqueue_dma source(%dma_start3A_233 : memref<512xi32, #tpu.memory_space<hbm>>) target(%arg5 : memref<512xi32, #tpu.memory_space<vmem>>) target_semaphore(%run_scoped3A : memref<!tpu.dma_semaphore, #tpu.memory_space<semaphore_mem>>)
      %dma_wait3A_234 = tpu.memref_slice %arg2[%mul3A_2] : memref<16384xi32, #tpu.memory_space<hbm>> -> memref<512xi32, #tpu.memory_space<hbm>>
      %dma_wait3A_235 = tpu.memref_slice %arg2[%mul3A_2] : memref<16384xi32, #tpu.memory_space<hbm>> -> memref<512xi32, #tpu.memory_space<hbm>>
      tpu.wait_dma2 semaphore(%run_scoped3A : memref<!tpu.dma_semaphore, #tpu.memory_space<semaphore_mem>>) src(%dma_wait3A_235 : memref<512xi32, #tpu.memory_space<hbm>>) dst(%arg5 : memref<512xi32, #tpu.memory_space<vmem>>)
      tpu.yield
    }) : () -> ()
    tpu.enqueue_dma source(%arg3 : memref<15x4x8x128xf32, #tpu.memory_space<hbm>>) target(%arg6 : memref<15x4x8x128xf32, #tpu.memory_space<vmem>>) target_semaphore(%arg8 : memref<!tpu.dma_semaphore, #tpu.memory_space<semaphore_mem>>)
    tpu.enqueue_dma source(%arg3 : memref<15x4x8x128xf32, #tpu.memory_space<hbm>>) target(%arg7 : memref<15x4x8x128xf32, #tpu.memory_space<vmem>>) target_semaphore(%arg9 : memref<!tpu.dma_semaphore, #tpu.memory_space<semaphore_mem>>)
    %iota3A = tpu.iota {dimensions = array<i32: 0>} : vector<16xi32>
    %broadcast_in_dim3A = arith.constant 1.000000e+00 : f32
    %broadcast_in_dim3A_5 = vector.broadcast %broadcast_in_dim3A : f32 to vector<16xf32>
    %broadcast_in_dim3A_6 = arith.constant 0.000000e+00 : f32
    %broadcast_in_dim3A_7 = vector.broadcast %broadcast_in_dim3A_6 : f32 to vector<16xf32>
    tpu.wait_dma2 semaphore(%arg8 : memref<!tpu.dma_semaphore, #tpu.memory_space<semaphore_mem>>) src(%arg3 : memref<15x4x8x128xf32, #tpu.memory_space<hbm>>) dst(%arg6 : memref<15x4x8x128xf32, #tpu.memory_space<vmem>>)
    %scan3A = arith.constant 0 : i32
    %scan3A_8 = arith.constant 0 : i32
    %scan3A_9 = arith.constant 4 : i32
    %scan3A_10 = arith.addi %scan3A_8, %scan3A_9 : i32
    %scan3A_11 = arith.constant 1 : i32
    %scan3A_12 = scf.for %scan3A_232 = %scan3A_8 to %scan3A_10 step %scan3A_11 iter_args(%scan3A_233 = %scan3A) -> (i32)  : i32 {
      %mul3A_234 = arith.constant 8 : i32
      %mul3A_235 = arith.muli %scan3A_232, %mul3A_234 : i32
      %add3A_236 = arith.constant 0 : i32
      %add3A_237 = arith.addi %mul3A_235, %add3A_236 : i32
      %mul3A_238 = arith.constant 16 : i32
      %mul3A_239 = arith.muli %add3A_237, %mul3A_238 : i32
      %get3A = arith.index_cast %mul3A_239 : i32 to index
      %get3A_240 = tpu.vector_load %arg5[%get3A] {strides = array<i32>} : memref<512xi32, #tpu.memory_space<vmem>>, vector<16xi32>,
      %shift_right_logical3A = arith.constant 3 : i32
      %shift_right_logical3A_241 = vector.broadcast %shift_right_logical3A : i32 to vector<16xi32>
      %shift_right_logical3A_242 = arith.shrui %get3A_240, %shift_right_logical3A_241 : vector<16xi32>
      %and3A = arith.constant 7 : i32
      %and3A_243 = vector.broadcast %and3A : i32 to vector<16xi32>
      %and3A_244 = arith.andi %get3A_240, %and3A_243 : vector<16xi32>
      %shift_right_logical3A_245 = arith.constant 3 : i32
      %shift_right_logical3A_246 = arith.shrui %add3A_237, %shift_right_logical3A_245 : i32
      %broadcast_in_dim3A_247 = vector.broadcast %shift_right_logical3A_246 : i32 to vector<16xi32>
      %and3A_248 = arith.constant 7 : i32
      %and3A_249 = arith.andi %add3A_237, %and3A_248 : i32
      %shift_left3A = arith.constant 4 : i32
      %shift_left3A_250 = arith.shli %and3A_249, %shift_left3A : i32
      %add3A_251 = vector.broadcast %shift_left3A_250 : i32 to vector<16xi32>
      %add3A_252 = arith.addi %add3A_251, %iota3A : vector<16xi32>
      %ge3A = arith.constant 0 : i32
      %ge3A_253 = vector.broadcast %ge3A : i32 to vector<16xi32>
      %ge3A_254 = arith.cmpi sge, %get3A_240, %ge3A_253 : vector<16xi32>
      %lt3A = arith.constant 120 : i32
      %lt3A_255 = vector.broadcast %lt3A : i32 to vector<16xi32>
      %lt3A_256 = arith.cmpi slt, %get3A_240, %lt3A_255 : vector<16xi32>
      %and3A_257 = arith.andi %ge3A_254, %lt3A_256 : vector<16xi1>
      %sub3A = arith.constant 0 : i32
      %sub3A_258 = vector.broadcast %sub3A : i32 to vector<16xi32>
      %sub3A_259 = arith.subi %shift_right_logical3A_242, %sub3A_258 : vector<16xi32>
      tpu.vector_store_idx %arg6[%sub3A_259, %broadcast_in_dim3A_247, %and3A_244, %add3A_252], %broadcast_in_dim3A_5 masked %and3A_257 : memref<15x4x8x128xf32, #tpu.memory_space<vmem>>[vector<16xi32>, vector<16xi32>, vector<16xi32>, vector<16xi32>], vector<16xf32>, vector<16xi1>
      %mul3A_260 = arith.constant 8 : i32
      %mul3A_261 = arith.muli %scan3A_232, %mul3A_260 : i32
      %add3A_262 = arith.constant 1 : i32
      %add3A_263 = arith.addi %mul3A_261, %add3A_262 : i32
      %mul3A_264 = arith.constant 16 : i32
      %mul3A_265 = arith.muli %add3A_263, %mul3A_264 : i32
      %get3A_266 = arith.index_cast %mul3A_265 : i32 to index
      %get3A_267 = tpu.vector_load %arg5[%get3A_266] {strides = array<i32>} : memref<512xi32, #tpu.memory_space<vmem>>, vector<16xi32>,
      %shift_right_logical3A_268 = arith.constant 3 : i32
      %shift_right_logical3A_269 = vector.broadcast %shift_right_logical3A_268 : i32 to vector<16xi32>
      %shift_right_logical3A_270 = arith.shrui %get3A_267, %shift_right_logical3A_269 : vector<16xi32>
      %and3A_271 = arith.constant 7 : i32
      %and3A_272 = vector.broadcast %and3A_271 : i32 to vector<16xi32>
      %and3A_273 = arith.andi %get3A_267, %and3A_272 : vector<16xi32>
      %shift_right_logical3A_274 = arith.constant 3 : i32
      %shift_right_logical3A_275 = arith.shrui %add3A_263, %shift_right_logical3A_274 : i32
      %broadcast_in_dim3A_276 = vector.broadcast %shift_right_logical3A_275 : i32 to vector<16xi32>
      %and3A_277 = arith.constant 7 : i32
      %and3A_278 = arith.andi %add3A_263, %and3A_277 : i32
      %shift_left3A_279 = arith.constant 4 : i32
      %shift_left3A_280 = arith.shli %and3A_278, %shift_left3A_279 : i32
      %add3A_281 = vector.broadcast %shift_left3A_280 : i32 to vector<16xi32>
      %add3A_282 = arith.addi %add3A_281, %iota3A : vector<16xi32>
      %ge3A_283 = arith.constant 0 : i32
      %ge3A_284 = vector.broadcast %ge3A_283 : i32 to vector<16xi32>
      %ge3A_285 = arith.cmpi sge, %get3A_267, %ge3A_284 : vector<16xi32>
      %lt3A_286 = arith.constant 120 : i32
      %lt3A_287 = vector.broadcast %lt3A_286 : i32 to vector<16xi32>
      %lt3A_288 = arith.cmpi slt, %get3A_267, %lt3A_287 : vector<16xi32>
      %and3A_289 = arith.andi %ge3A_285, %lt3A_288 : vector<16xi1>
      %sub3A_290 = arith.constant 0 : i32
      %sub3A_291 = vector.broadcast %sub3A_290 : i32 to vector<16xi32>
      %sub3A_292 = arith.subi %shift_right_logical3A_270, %sub3A_291 : vector<16xi32>
      tpu.vector_store_idx %arg6[%sub3A_292, %broadcast_in_dim3A_276, %and3A_273, %add3A_282], %broadcast_in_dim3A_5 masked %and3A_289 : memref<15x4x8x128xf32, #tpu.memory_space<vmem>>[vector<16xi32>, vector<16xi32>, vector<16xi32>, vector<16xi32>], vector<16xf32>, vector<16xi1>
      %mul3A_293 = arith.constant 8 : i32
      %mul3A_294 = arith.muli %scan3A_232, %mul3A_293 : i32
      %add3A_295 = arith.constant 2 : i32
      %add3A_296 = arith.addi %mul3A_294, %add3A_295 : i32
      %mul3A_297 = arith.constant 16 : i32
      %mul3A_298 = arith.muli %add3A_296, %mul3A_297 : i32
      %get3A_299 = arith.index_cast %mul3A_298 : i32 to index
      %get3A_300 = tpu.vector_load %arg5[%get3A_299] {strides = array<i32>} : memref<512xi32, #tpu.memory_space<vmem>>, vector<16xi32>,
      %shift_right_logical3A_301 = arith.constant 3 : i32
      %shift_right_logical3A_302 = vector.broadcast %shift_right_logical3A_301 : i32 to vector<16xi32>
      %shift_right_logical3A_303 = arith.shrui %get3A_300, %shift_right_logical3A_302 : vector<16xi32>
      %and3A_304 = arith.constant 7 : i32
      %and3A_305 = vector.broadcast %and3A_304 : i32 to vector<16xi32>
      %and3A_306 = arith.andi %get3A_300, %and3A_305 : vector<16xi32>
      %shift_right_logical3A_307 = arith.constant 3 : i32
      %shift_right_logical3A_308 = arith.shrui %add3A_296, %shift_right_logical3A_307 : i32
      %broadcast_in_dim3A_309 = vector.broadcast %shift_right_logical3A_308 : i32 to vector<16xi32>
      %and3A_310 = arith.constant 7 : i32
      %and3A_311 = arith.andi %add3A_296, %and3A_310 : i32
      %shift_left3A_312 = arith.constant 4 : i32
      %shift_left3A_313 = arith.shli %and3A_311, %shift_left3A_312 : i32
      %add3A_314 = vector.broadcast %shift_left3A_313 : i32 to vector<16xi32>
      %add3A_315 = arith.addi %add3A_314, %iota3A : vector<16xi32>
      %ge3A_316 = arith.constant 0 : i32
      %ge3A_317 = vector.broadcast %ge3A_316 : i32 to vector<16xi32>
      %ge3A_318 = arith.cmpi sge, %get3A_300, %ge3A_317 : vector<16xi32>
      %lt3A_319 = arith.constant 120 : i32
      %lt3A_320 = vector.broadcast %lt3A_319 : i32 to vector<16xi32>
      %lt3A_321 = arith.cmpi slt, %get3A_300, %lt3A_320 : vector<16xi32>
      %and3A_322 = arith.andi %ge3A_318, %lt3A_321 : vector<16xi1>
      %sub3A_323 = arith.constant 0 : i32
      %sub3A_324 = vector.broadcast %sub3A_323 : i32 to vector<16xi32>
      %sub3A_325 = arith.subi %shift_right_logical3A_303, %sub3A_324 : vector<16xi32>
      tpu.vector_store_idx %arg6[%sub3A_325, %broadcast_in_dim3A_309, %and3A_306, %add3A_315], %broadcast_in_dim3A_5 masked %and3A_322 : memref<15x4x8x128xf32, #tpu.memory_space<vmem>>[vector<16xi32>, vector<16xi32>, vector<16xi32>, vector<16xi32>], vector<16xf32>, vector<16xi1>
      %mul3A_326 = arith.constant 8 : i32
      %mul3A_327 = arith.muli %scan3A_232, %mul3A_326 : i32
      %add3A_328 = arith.constant 3 : i32
      %add3A_329 = arith.addi %mul3A_327, %add3A_328 : i32
      %mul3A_330 = arith.constant 16 : i32
      %mul3A_331 = arith.muli %add3A_329, %mul3A_330 : i32
      %get3A_332 = arith.index_cast %mul3A_331 : i32 to index
      %get3A_333 = tpu.vector_load %arg5[%get3A_332] {strides = array<i32>} : memref<512xi32, #tpu.memory_space<vmem>>, vector<16xi32>,
      %shift_right_logical3A_334 = arith.constant 3 : i32
      %shift_right_logical3A_335 = vector.broadcast %shift_right_logical3A_334 : i32 to vector<16xi32>
      %shift_right_logical3A_336 = arith.shrui %get3A_333, %shift_right_logical3A_335 : vector<16xi32>
      %and3A_337 = arith.constant 7 : i32
      %and3A_338 = vector.broadcast %and3A_337 : i32 to vector<16xi32>
      %and3A_339 = arith.andi %get3A_333, %and3A_338 : vector<16xi32>
      %shift_right_logical3A_340 = arith.constant 3 : i32
      %shift_right_logical3A_341 = arith.shrui %add3A_329, %shift_right_logical3A_340 : i32
      %broadcast_in_dim3A_342 = vector.broadcast %shift_right_logical3A_341 : i32 to vector<16xi32>
      %and3A_343 = arith.constant 7 : i32
      %and3A_344 = arith.andi %add3A_329, %and3A_343 : i32
      %shift_left3A_345 = arith.constant 4 : i32
      %shift_left3A_346 = arith.shli %and3A_344, %shift_left3A_345 : i32
      %add3A_347 = vector.broadcast %shift_left3A_346 : i32 to vector<16xi32>
      %add3A_348 = arith.addi %add3A_347, %iota3A : vector<16xi32>
      %ge3A_349 = arith.constant 0 : i32
      %ge3A_350 = vector.broadcast %ge3A_349 : i32 to vector<16xi32>
      %ge3A_351 = arith.cmpi sge, %get3A_333, %ge3A_350 : vector<16xi32>
      %lt3A_352 = arith.constant 120 : i32
      %lt3A_353 = vector.broadcast %lt3A_352 : i32 to vector<16xi32>
      %lt3A_354 = arith.cmpi slt, %get3A_333, %lt3A_353 : vector<16xi32>
      %and3A_355 = arith.andi %ge3A_351, %lt3A_354 : vector<16xi1>
      %sub3A_356 = arith.constant 0 : i32
      %sub3A_357 = vector.broadcast %sub3A_356 : i32 to vector<16xi32>
      %sub3A_358 = arith.subi %shift_right_logical3A_336, %sub3A_357 : vector<16xi32>
      tpu.vector_store_idx %arg6[%sub3A_358, %broadcast_in_dim3A_342, %and3A_339, %add3A_348], %broadcast_in_dim3A_5 masked %and3A_355 : memref<15x4x8x128xf32, #tpu.memory_space<vmem>>[vector<16xi32>, vector<16xi32>, vector<16xi32>, vector<16xi32>], vector<16xf32>, vector<16xi1>
      %mul3A_359 = arith.constant 8 : i32
      %mul3A_360 = arith.muli %scan3A_232, %mul3A_359 : i32
      %add3A_361 = arith.constant 4 : i32
      %add3A_362 = arith.addi %mul3A_360, %add3A_361 : i32
      %mul3A_363 = arith.constant 16 : i32
      %mul3A_364 = arith.muli %add3A_362, %mul3A_363 : i32
      %get3A_365 = arith.index_cast %mul3A_364 : i32 to index
      %get3A_366 = tpu.vector_load %arg5[%get3A_365] {strides = array<i32>} : memref<512xi32, #tpu.memory_space<vmem>>, vector<16xi32>,
      %shift_right_logical3A_367 = arith.constant 3 : i32
      %shift_right_logical3A_368 = vector.broadcast %shift_right_logical3A_367 : i32 to vector<16xi32>
      %shift_right_logical3A_369 = arith.shrui %get3A_366, %shift_right_logical3A_368 : vector<16xi32>
      %and3A_370 = arith.constant 7 : i32
      %and3A_371 = vector.broadcast %and3A_370 : i32 to vector<16xi32>
      %and3A_372 = arith.andi %get3A_366, %and3A_371 : vector<16xi32>
      %shift_right_logical3A_373 = arith.constant 3 : i32
      %shift_right_logical3A_374 = arith.shrui %add3A_362, %shift_right_logical3A_373 : i32
      %broadcast_in_dim3A_375 = vector.broadcast %shift_right_logical3A_374 : i32 to vector<16xi32>
      %and3A_376 = arith.constant 7 : i32
      %and3A_377 = arith.andi %add3A_362, %and3A_376 : i32
      %shift_left3A_378 = arith.constant 4 : i32
      %shift_left3A_379 = arith.shli %and3A_377, %shift_left3A_378 : i32
      %add3A_380 = vector.broadcast %shift_left3A_379 : i32 to vector<16xi32>
      %add3A_381 = arith.addi %add3A_380, %iota3A : vector<16xi32>
      %ge3A_382 = arith.constant 0 : i32
      %ge3A_383 = vector.broadcast %ge3A_382 : i32 to vector<16xi32>
      %ge3A_384 = arith.cmpi sge, %get3A_366, %ge3A_383 : vector<16xi32>
      %lt3A_385 = arith.constant 120 : i32
      %lt3A_386 = vector.broadcast %lt3A_385 : i32 to vector<16xi32>
      %lt3A_387 = arith.cmpi slt, %get3A_366, %lt3A_386 : vector<16xi32>
      %and3A_388 = arith.andi %ge3A_384, %lt3A_387 : vector<16xi1>
      %sub3A_389 = arith.constant 0 : i32
      %sub3A_390 = vector.broadcast %sub3A_389 : i32 to vector<16xi32>
      %sub3A_391 = arith.subi %shift_right_logical3A_369, %sub3A_390 : vector<16xi32>
      tpu.vector_store_idx %arg6[%sub3A_391, %broadcast_in_dim3A_375, %and3A_372, %add3A_381], %broadcast_in_dim3A_5 masked %and3A_388 : memref<15x4x8x128xf32, #tpu.memory_space<vmem>>[vector<16xi32>, vector<16xi32>, vector<16xi32>, vector<16xi32>], vector<16xf32>, vector<16xi1>
      %mul3A_392 = arith.constant 8 : i32
      %mul3A_393 = arith.muli %scan3A_232, %mul3A_392 : i32
      %add3A_394 = arith.constant 5 : i32
      %add3A_395 = arith.addi %mul3A_393, %add3A_394 : i32
      %mul3A_396 = arith.constant 16 : i32
      %mul3A_397 = arith.muli %add3A_395, %mul3A_396 : i32
      %get3A_398 = arith.index_cast %mul3A_397 : i32 to index
      %get3A_399 = tpu.vector_load %arg5[%get3A_398] {strides = array<i32>} : memref<512xi32, #tpu.memory_space<vmem>>, vector<16xi32>,
      %shift_right_logical3A_400 = arith.constant 3 : i32
      %shift_right_logical3A_401 = vector.broadcast %shift_right_logical3A_400 : i32 to vector<16xi32>
      %shift_right_logical3A_402 = arith.shrui %get3A_399, %shift_right_logical3A_401 : vector<16xi32>
      %and3A_403 = arith.constant 7 : i32
      %and3A_404 = vector.broadcast %and3A_403 : i32 to vector<16xi32>
      %and3A_405 = arith.andi %get3A_399, %and3A_404 : vector<16xi32>
      %shift_right_logical3A_406 = arith.constant 3 : i32
      %shift_right_logical3A_407 = arith.shrui %add3A_395, %shift_right_logical3A_406 : i32
      %broadcast_in_dim3A_408 = vector.broadcast %shift_right_logical3A_407 : i32 to vector<16xi32>
      %and3A_409 = arith.constant 7 : i32
      %and3A_410 = arith.andi %add3A_395, %and3A_409 : i32
      %shift_left3A_411 = arith.constant 4 : i32
      %shift_left3A_412 = arith.shli %and3A_410, %shift_left3A_411 : i32
      %add3A_413 = vector.broadcast %shift_left3A_412 : i32 to vector<16xi32>
      %add3A_414 = arith.addi %add3A_413, %iota3A : vector<16xi32>
      %ge3A_415 = arith.constant 0 : i32
      %ge3A_416 = vector.broadcast %ge3A_415 : i32 to vector<16xi32>
      %ge3A_417 = arith.cmpi sge, %get3A_399, %ge3A_416 : vector<16xi32>
      %lt3A_418 = arith.constant 120 : i32
      %lt3A_419 = vector.broadcast %lt3A_418 : i32 to vector<16xi32>
      %lt3A_420 = arith.cmpi slt, %get3A_399, %lt3A_419 : vector<16xi32>
      %and3A_421 = arith.andi %ge3A_417, %lt3A_420 : vector<16xi1>
      %sub3A_422 = arith.constant 0 : i32
      %sub3A_423 = vector.broadcast %sub3A_422 : i32 to vector<16xi32>
      %sub3A_424 = arith.subi %shift_right_logical3A_402, %sub3A_423 : vector<16xi32>
      tpu.vector_store_idx %arg6[%sub3A_424, %broadcast_in_dim3A_408, %and3A_405, %add3A_414], %broadcast_in_dim3A_5 masked %and3A_421 : memref<15x4x8x128xf32, #tpu.memory_space<vmem>>[vector<16xi32>, vector<16xi32>, vector<16xi32>, vector<16xi32>], vector<16xf32>, vector<16xi1>
      %mul3A_425 = arith.constant 8 : i32
      %mul3A_426 = arith.muli %scan3A_232, %mul3A_425 : i32
      %add3A_427 = arith.constant 6 : i32
      %add3A_428 = arith.addi %mul3A_426, %add3A_427 : i32
      %mul3A_429 = arith.constant 16 : i32
      %mul3A_430 = arith.muli %add3A_428, %mul3A_429 : i32
      %get3A_431 = arith.index_cast %mul3A_430 : i32 to index
      %get3A_432 = tpu.vector_load %arg5[%get3A_431] {strides = array<i32>} : memref<512xi32, #tpu.memory_space<vmem>>, vector<16xi32>,
      %shift_right_logical3A_433 = arith.constant 3 : i32
      %shift_right_logical3A_434 = vector.broadcast %shift_right_logical3A_433 : i32 to vector<16xi32>
      %shift_right_logical3A_435 = arith.shrui %get3A_432, %shift_right_logical3A_434 : vector<16xi32>
      %and3A_436 = arith.constant 7 : i32
      %and3A_437 = vector.broadcast %and3A_436 : i32 to vector<16xi32>
      %and3A_438 = arith.andi %get3A_432, %and3A_437 : vector<16xi32>
      %shift_right_logical3A_439 = arith.constant 3 : i32
      %shift_right_logical3A_440 = arith.shrui %add3A_428, %shift_right_logical3A_439 : i32
      %broadcast_in_dim3A_441 = vector.broadcast %shift_right_logical3A_440 : i32 to vector<16xi32>
      %and3A_442 = arith.constant 7 : i32
      %and3A_443 = arith.andi %add3A_428, %and3A_442 : i32
      %shift_left3A_444 = arith.constant 4 : i32
      %shift_left3A_445 = arith.shli %and3A_443, %shift_left3A_444 : i32
      %add3A_446 = vector.broadcast %shift_left3A_445 : i32 to vector<16xi32>
      %add3A_447 = arith.addi %add3A_446, %iota3A : vector<16xi32>
      %ge3A_448 = arith.constant 0 : i32
      %ge3A_449 = vector.broadcast %ge3A_448 : i32 to vector<16xi32>
      %ge3A_450 = arith.cmpi sge, %get3A_432, %ge3A_449 : vector<16xi32>
      %lt3A_451 = arith.constant 120 : i32
      %lt3A_452 = vector.broadcast %lt3A_451 : i32 to vector<16xi32>
      %lt3A_453 = arith.cmpi slt, %get3A_432, %lt3A_452 : vector<16xi32>
      %and3A_454 = arith.andi %ge3A_450, %lt3A_453 : vector<16xi1>
      %sub3A_455 = arith.constant 0 : i32
      %sub3A_456 = vector.broadcast %sub3A_455 : i32 to vector<16xi32>
      %sub3A_457 = arith.subi %shift_right_logical3A_435, %sub3A_456 : vector<16xi32>
      tpu.vector_store_idx %arg6[%sub3A_457, %broadcast_in_dim3A_441, %and3A_438, %add3A_447], %broadcast_in_dim3A_5 masked %and3A_454 : memref<15x4x8x128xf32, #tpu.memory_space<vmem>>[vector<16xi32>, vector<16xi32>, vector<16xi32>, vector<16xi32>], vector<16xf32>, vector<16xi1>
      %mul3A_458 = arith.constant 8 : i32
      %mul3A_459 = arith.muli %scan3A_232, %mul3A_458 : i32
      %add3A_460 = arith.constant 7 : i32
      %add3A_461 = arith.addi %mul3A_459, %add3A_460 : i32
      %mul3A_462 = arith.constant 16 : i32
      %mul3A_463 = arith.muli %add3A_461, %mul3A_462 : i32
      %get3A_464 = arith.index_cast %mul3A_463 : i32 to index
      %get3A_465 = tpu.vector_load %arg5[%get3A_464] {strides = array<i32>} : memref<512xi32, #tpu.memory_space<vmem>>, vector<16xi32>,
      %shift_right_logical3A_466 = arith.constant 3 : i32
      %shift_right_logical3A_467 = vector.broadcast %shift_right_logical3A_466 : i32 to vector<16xi32>
      %shift_right_logical3A_468 = arith.shrui %get3A_465, %shift_right_logical3A_467 : vector<16xi32>
      %and3A_469 = arith.constant 7 : i32
      %and3A_470 = vector.broadcast %and3A_469 : i32 to vector<16xi32>
      %and3A_471 = arith.andi %get3A_465, %and3A_470 : vector<16xi32>
      %shift_right_logical3A_472 = arith.constant 3 : i32
      %shift_right_logical3A_473 = arith.shrui %add3A_461, %shift_right_logical3A_472 : i32
      %broadcast_in_dim3A_474 = vector.broadcast %shift_right_logical3A_473 : i32 to vector<16xi32>
      %and3A_475 = arith.constant 7 : i32
      %and3A_476 = arith.andi %add3A_461, %and3A_475 : i32
      %shift_left3A_477 = arith.constant 4 : i32
      %shift_left3A_478 = arith.shli %and3A_476, %shift_left3A_477 : i32
      %add3A_479 = vector.broadcast %shift_left3A_478 : i32 to vector<16xi32>
      %add3A_480 = arith.addi %add3A_479, %iota3A : vector<16xi32>
      %ge3A_481 = arith.constant 0 : i32
      %ge3A_482 = vector.broadcast %ge3A_481 : i32 to vector<16xi32>
      %ge3A_483 = arith.cmpi sge, %get3A_465, %ge3A_482 : vector<16xi32>
      %lt3A_484 = arith.constant 120 : i32
      %lt3A_485 = vector.broadcast %lt3A_484 : i32 to vector<16xi32>
      %lt3A_486 = arith.cmpi slt, %get3A_465, %lt3A_485 : vector<16xi32>
      %and3A_487 = arith.andi %ge3A_483, %lt3A_486 : vector<16xi1>
      %sub3A_488 = arith.constant 0 : i32
      %sub3A_489 = vector.broadcast %sub3A_488 : i32 to vector<16xi32>
      %sub3A_490 = arith.subi %shift_right_logical3A_468, %sub3A_489 : vector<16xi32>
      tpu.vector_store_idx %arg6[%sub3A_490, %broadcast_in_dim3A_474, %and3A_471, %add3A_480], %broadcast_in_dim3A_5 masked %and3A_487 : memref<15x4x8x128xf32, #tpu.memory_space<vmem>>[vector<16xi32>, vector<16xi32>, vector<16xi32>, vector<16xi32>], vector<16xf32>, vector<16xi1>
      %scan3A_491 = arith.constant 0 : i32
      scf.yield %scan3A_491 : i32
    }
    %scan3A_13 = arith.constant 4 : i32
    %dma_start3A = arith.constant 0 : i32
    %dma_start3A_14 = arith.constant 0 : i32
    %dma_start3A_15 = arith.constant 0 : i32
    %dma_start3A_16 = tpu.memref_slice %arg4[%dma_start3A, %mul3A_4, %dma_start3A_14, %dma_start3A_15] : memref<125x128x8x128xf32, #tpu.memory_space<hbm>> -> memref<15x4x8x128xf32, #tpu.memory_space<hbm>>
    %dma_start3A_17 = arith.constant 0 : i32
    %dma_start3A_18 = arith.constant 0 : i32
    %dma_start3A_19 = arith.constant 0 : i32
    %dma_start3A_20 = tpu.memref_slice %arg4[%dma_start3A_17, %mul3A_4, %dma_start3A_18, %dma_start3A_19] : memref<125x128x8x128xf32, #tpu.memory_space<hbm>> -> memref<15x4x8x128xf32, #tpu.memory_space<hbm>>
    tpu.enqueue_dma source(%arg6 : memref<15x4x8x128xf32, #tpu.memory_space<vmem>>) target(%dma_start3A_20 : memref<15x4x8x128xf32, #tpu.memory_space<hbm>>) target_semaphore(%arg8 : memref<!tpu.dma_semaphore, #tpu.memory_space<semaphore_mem>>)
    tpu.wait_dma2 semaphore(%arg9 : memref<!tpu.dma_semaphore, #tpu.memory_space<semaphore_mem>>) src(%arg3 : memref<15x4x8x128xf32, #tpu.memory_space<hbm>>) dst(%arg7 : memref<15x4x8x128xf32, #tpu.memory_space<vmem>>)
    %scan3A_21 = arith.constant 0 : i32
    %scan3A_22 = arith.constant 0 : i32
    %scan3A_23 = arith.constant 4 : i32
    %scan3A_24 = arith.addi %scan3A_22, %scan3A_23 : i32
    %scan3A_25 = arith.constant 1 : i32
    %scan3A_26 = scf.for %scan3A_232 = %scan3A_22 to %scan3A_24 step %scan3A_25 iter_args(%scan3A_233 = %scan3A_21) -> (i32)  : i32 {
      %mul3A_234 = arith.constant 8 : i32
      %mul3A_235 = arith.muli %scan3A_232, %mul3A_234 : i32
      %add3A_236 = arith.constant 0 : i32
      %add3A_237 = arith.addi %mul3A_235, %add3A_236 : i32
      %mul3A_238 = arith.constant 16 : i32
      %mul3A_239 = arith.muli %add3A_237, %mul3A_238 : i32
      %get3A = arith.index_cast %mul3A_239 : i32 to index
      %get3A_240 = tpu.vector_load %arg5[%get3A] {strides = array<i32>} : memref<512xi32, #tpu.memory_space<vmem>>, vector<16xi32>,
      %shift_right_logical3A = arith.constant 3 : i32
      %shift_right_logical3A_241 = vector.broadcast %shift_right_logical3A : i32 to vector<16xi32>
      %shift_right_logical3A_242 = arith.shrui %get3A_240, %shift_right_logical3A_241 : vector<16xi32>
      %and3A = arith.constant 7 : i32
      %and3A_243 = vector.broadcast %and3A : i32 to vector<16xi32>
      %and3A_244 = arith.andi %get3A_240, %and3A_243 : vector<16xi32>
      %shift_right_logical3A_245 = arith.constant 3 : i32
      %shift_right_logical3A_246 = arith.shrui %add3A_237, %shift_right_logical3A_245 : i32
      %broadcast_in_dim3A_247 = vector.broadcast %shift_right_logical3A_246 : i32 to vector<16xi32>
      %and3A_248 = arith.constant 7 : i32
      %and3A_249 = arith.andi %add3A_237, %and3A_248 : i32
      %shift_left3A = arith.constant 4 : i32
      %shift_left3A_250 = arith.shli %and3A_249, %shift_left3A : i32
      %add3A_251 = vector.broadcast %shift_left3A_250 : i32 to vector<16xi32>
      %add3A_252 = arith.addi %add3A_251, %iota3A : vector<16xi32>
      %ge3A = arith.constant 120 : i32
      %ge3A_253 = vector.broadcast %ge3A : i32 to vector<16xi32>
      %ge3A_254 = arith.cmpi sge, %get3A_240, %ge3A_253 : vector<16xi32>
      %lt3A = arith.constant 240 : i32
      %lt3A_255 = vector.broadcast %lt3A : i32 to vector<16xi32>
      %lt3A_256 = arith.cmpi slt, %get3A_240, %lt3A_255 : vector<16xi32>
      %and3A_257 = arith.andi %ge3A_254, %lt3A_256 : vector<16xi1>
      %sub3A = arith.constant 15 : i32
      %sub3A_258 = vector.broadcast %sub3A : i32 to vector<16xi32>
      %sub3A_259 = arith.subi %shift_right_logical3A_242, %sub3A_258 : vector<16xi32>
      tpu.vector_store_idx %arg7[%sub3A_259, %broadcast_in_dim3A_247, %and3A_244, %add3A_252], %broadcast_in_dim3A_5 masked %and3A_257 : memref<15x4x8x128xf32, #tpu.memory_space<vmem>>[vector<16xi32>, vector<16xi32>, vector<16xi32>, vector<16xi32>], vector<16xf32>, vector<16xi1>
      %mul3A_260 = arith.constant 8 : i32
      %mul3A_261 = arith.muli %scan3A_232, %mul3A_260 : i32
      %add3A_262 = arith.constant 1 : i32
      %add3A_263 = arith.addi %mul3A_261, %add3A_262 : i32
      %mul3A_264 = arith.constant 16 : i32
      %mul3A_265 = arith.muli %add3A_263, %mul3A_264 : i32
      %get3A_266 = arith.index_cast %mul3A_265 : i32 to index
      %get3A_267 = tpu.vector_load %arg5[%get3A_266] {strides = array<i32>} : memref<512xi32, #tpu.memory_space<vmem>>, vector<16xi32>,
      %shift_right_logical3A_268 = arith.constant 3 : i32
      %shift_right_logical3A_269 = vector.broadcast %shift_right_logical3A_268 : i32 to vector<16xi32>
      %shift_right_logical3A_270 = arith.shrui %get3A_267, %shift_right_logical3A_269 : vector<16xi32>
      %and3A_271 = arith.constant 7 : i32
      %and3A_272 = vector.broadcast %and3A_271 : i32 to vector<16xi32>
      %and3A_273 = arith.andi %get3A_267, %and3A_272 : vector<16xi32>
      %shift_right_logical3A_274 = arith.constant 3 : i32
      %shift_right_logical3A_275 = arith.shrui %add3A_263, %shift_right_logical3A_274 : i32
      %broadcast_in_dim3A_276 = vector.broadcast %shift_right_logical3A_275 : i32 to vector<16xi32>
      %and3A_277 = arith.constant 7 : i32
      %and3A_278 = arith.andi %add3A_263, %and3A_277 : i32
      %shift_left3A_279 = arith.constant 4 : i32
      %shift_left3A_280 = arith.shli %and3A_278, %shift_left3A_279 : i32
      %add3A_281 = vector.broadcast %shift_left3A_280 : i32 to vector<16xi32>
      %add3A_282 = arith.addi %add3A_281, %iota3A : vector<16xi32>
      %ge3A_283 = arith.constant 120 : i32
      %ge3A_284 = vector.broadcast %ge3A_283 : i32 to vector<16xi32>
      %ge3A_285 = arith.cmpi sge, %get3A_267, %ge3A_284 : vector<16xi32>
      %lt3A_286 = arith.constant 240 : i32
      %lt3A_287 = vector.broadcast %lt3A_286 : i32 to vector<16xi32>
      %lt3A_288 = arith.cmpi slt, %get3A_267, %lt3A_287 : vector<16xi32>
      %and3A_289 = arith.andi %ge3A_285, %lt3A_288 : vector<16xi1>
      %sub3A_290 = arith.constant 15 : i32
      %sub3A_291 = vector.broadcast %sub3A_290 : i32 to vector<16xi32>
      %sub3A_292 = arith.subi %shift_right_logical3A_270, %sub3A_291 : vector<16xi32>
      tpu.vector_store_idx %arg7[%sub3A_292, %broadcast_in_dim3A_276, %and3A_273, %add3A_282], %broadcast_in_dim3A_5 masked %and3A_289 : memref<15x4x8x128xf32, #tpu.memory_space<vmem>>[vector<16xi32>, vector<16xi32>, vector<16xi32>, vector<16xi32>], vector<16xf32>, vector<16xi1>
      %mul3A_293 = arith.constant 8 : i32
      %mul3A_294 = arith.muli %scan3A_232, %mul3A_293 : i32
      %add3A_295 = arith.constant 2 : i32
      %add3A_296 = arith.addi %mul3A_294, %add3A_295 : i32
      %mul3A_297 = arith.constant 16 : i32
      %mul3A_298 = arith.muli %add3A_296, %mul3A_297 : i32
      %get3A_299 = arith.index_cast %mul3A_298 : i32 to index
      %get3A_300 = tpu.vector_load %arg5[%get3A_299] {strides = array<i32>} : memref<512xi32, #tpu.memory_space<vmem>>, vector<16xi32>,
      %shift_right_logical3A_301 = arith.constant 3 : i32
      %shift_right_logical3A_302 = vector.broadcast %shift_right_logical3A_301 : i32 to vector<16xi32>
      %shift_right_logical3A_303 = arith.shrui %get3A_300, %shift_right_logical3A_302 : vector<16xi32>
      %and3A_304 = arith.constant 7 : i32
      %and3A_305 = vector.broadcast %and3A_304 : i32 to vector<16xi32>
      %and3A_306 = arith.andi %get3A_300, %and3A_305 : vector<16xi32>
      %shift_right_logical3A_307 = arith.constant 3 : i32
      %shift_right_logical3A_308 = arith.shrui %add3A_296, %shift_right_logical3A_307 : i32
      %broadcast_in_dim3A_309 = vector.broadcast %shift_right_logical3A_308 : i32 to vector<16xi32>
      %and3A_310 = arith.constant 7 : i32
      %and3A_311 = arith.andi %add3A_296, %and3A_310 : i32
      %shift_left3A_312 = arith.constant 4 : i32
      %shift_left3A_313 = arith.shli %and3A_311, %shift_left3A_312 : i32
      %add3A_314 = vector.broadcast %shift_left3A_313 : i32 to vector<16xi32>
      %add3A_315 = arith.addi %add3A_314, %iota3A : vector<16xi32>
      %ge3A_316 = arith.constant 120 : i32
      %ge3A_317 = vector.broadcast %ge3A_316 : i32 to vector<16xi32>
      %ge3A_318 = arith.cmpi sge, %get3A_300, %ge3A_317 : vector<16xi32>
      %lt3A_319 = arith.constant 240 : i32
      %lt3A_320 = vector.broadcast %lt3A_319 : i32 to vector<16xi32>
      %lt3A_321 = arith.cmpi slt, %get3A_300, %lt3A_320 : vector<16xi32>
      %and3A_322 = arith.andi %ge3A_318, %lt3A_321 : vector<16xi1>
      %sub3A_323 = arith.constant 15 : i32
      %sub3A_324 = vector.broadcast %sub3A_323 : i32 to vector<16xi32>
      %sub3A_325 = arith.subi %shift_right_logical3A_303, %sub3A_324 : vector<16xi32>
      tpu.vector_store_idx %arg7[%sub3A_325, %broadcast_in_dim3A_309, %and3A_306, %add3A_315], %broadcast_in_dim3A_5 masked %and3A_322 : memref<15x4x8x128xf32, #tpu.memory_space<vmem>>[vector<16xi32>, vector<16xi32>, vector<16xi32>, vector<16xi32>], vector<16xf32>, vector<16xi1>
      %mul3A_326 = arith.constant 8 : i32
      %mul3A_327 = arith.muli %scan3A_232, %mul3A_326 : i32
      %add3A_328 = arith.constant 3 : i32
      %add3A_329 = arith.addi %mul3A_327, %add3A_328 : i32
      %mul3A_330 = arith.constant 16 : i32
      %mul3A_331 = arith.muli %add3A_329, %mul3A_330 : i32
      %get3A_332 = arith.index_cast %mul3A_331 : i32 to index
      %get3A_333 = tpu.vector_load %arg5[%get3A_332] {strides = array<i32>} : memref<512xi32, #tpu.memory_space<vmem>>, vector<16xi32>,
      %shift_right_logical3A_334 = arith.constant 3 : i32
      %shift_right_logical3A_335 = vector.broadcast %shift_right_logical3A_334 : i32 to vector<16xi32>
      %shift_right_logical3A_336 = arith.shrui %get3A_333, %shift_right_logical3A_335 : vector<16xi32>
      %and3A_337 = arith.constant 7 : i32
      %and3A_338 = vector.broadcast %and3A_337 : i32 to vector<16xi32>
      %and3A_339 = arith.andi %get3A_333, %and3A_338 : vector<16xi32>
      %shift_right_logical3A_340 = arith.constant 3 : i32
      %shift_right_logical3A_341 = arith.shrui %add3A_329, %shift_right_logical3A_340 : i32
      %broadcast_in_dim3A_342 = vector.broadcast %shift_right_logical3A_341 : i32 to vector<16xi32>
      %and3A_343 = arith.constant 7 : i32
      %and3A_344 = arith.andi %add3A_329, %and3A_343 : i32
      %shift_left3A_345 = arith.constant 4 : i32
      %shift_left3A_346 = arith.shli %and3A_344, %shift_left3A_345 : i32
      %add3A_347 = vector.broadcast %shift_left3A_346 : i32 to vector<16xi32>
      %add3A_348 = arith.addi %add3A_347, %iota3A : vector<16xi32>
      %ge3A_349 = arith.constant 120 : i32
      %ge3A_350 = vector.broadcast %ge3A_349 : i32 to vector<16xi32>
      %ge3A_351 = arith.cmpi sge, %get3A_333, %ge3A_350 : vector<16xi32>
      %lt3A_352 = arith.constant 240 : i32
      %lt3A_353 = vector.broadcast %lt3A_352 : i32 to vector<16xi32>
      %lt3A_354 = arith.cmpi slt, %get3A_333, %lt3A_353 : vector<16xi32>
      %and3A_355 = arith.andi %ge3A_351, %lt3A_354 : vector<16xi1>
      %sub3A_356 = arith.constant 15 : i32
      %sub3A_357 = vector.broadcast %sub3A_356 : i32 to vector<16xi32>
      %sub3A_358 = arith.subi %shift_right_logical3A_336, %sub3A_357 : vector<16xi32>
      tpu.vector_store_idx %arg7[%sub3A_358, %broadcast_in_dim3A_342, %and3A_339, %add3A_348], %broadcast_in_dim3A_5 masked %and3A_355 : memref<15x4x8x128xf32, #tpu.memory_space<vmem>>[vector<16xi32>, vector<16xi32>, vector<16xi32>, vector<16xi32>], vector<16xf32>, vector<16xi1>
      %mul3A_359 = arith.constant 8 : i32
      %mul3A_360 = arith.muli %scan3A_232, %mul3A_359 : i32
      %add3A_361 = arith.constant 4 : i32
      %add3A_362 = arith.addi %mul3A_360, %add3A_361 : i32
      %mul3A_363 = arith.constant 16 : i32
      %mul3A_364 = arith.muli %add3A_362, %mul3A_363 : i32
      %get3A_365 = arith.index_cast %mul3A_364 : i32 to index
      %get3A_366 = tpu.vector_load %arg5[%get3A_365] {strides = array<i32>} : memref<512xi32, #tpu.memory_space<vmem>>, vector<16xi32>,
      %shift_right_logical3A_367 = arith.constant 3 : i32
      %shift_right_logical3A_368 = vector.broadcast %shift_right_logical3A_367 : i32 to vector<16xi32>
      %shift_right_logical3A_369 = arith.shrui %get3A_366, %shift_right_logical3A_368 : vector<16xi32>
      %and3A_370 = arith.constant 7 : i32
      %and3A_371 = vector.broadcast %and3A_370 : i32 to vector<16xi32>
      %and3A_372 = arith.andi %get3A_366, %and3A_371 : vector<16xi32>
      %shift_right_logical3A_373 = arith.constant 3 : i32
      %shift_right_logical3A_374 = arith.shrui %add3A_362, %shift_right_logical3A_373 : i32
      %broadcast_in_dim3A_375 = vector.broadcast %shift_right_logical3A_374 : i32 to vector<16xi32>
      %and3A_376 = arith.constant 7 : i32
      %and3A_377 = arith.andi %add3A_362, %and3A_376 : i32
      %shift_left3A_378 = arith.constant 4 : i32
      %shift_left3A_379 = arith.shli %and3A_377, %shift_left3A_378 : i32
      %add3A_380 = vector.broadcast %shift_left3A_379 : i32 to vector<16xi32>
      %add3A_381 = arith.addi %add3A_380, %iota3A : vector<16xi32>
      %ge3A_382 = arith.constant 120 : i32
      %ge3A_383 = vector.broadcast %ge3A_382 : i32 to vector<16xi32>
      %ge3A_384 = arith.cmpi sge, %get3A_366, %ge3A_383 : vector<16xi32>
      %lt3A_385 = arith.constant 240 : i32
      %lt3A_386 = vector.broadcast %lt3A_385 : i32 to vector<16xi32>
      %lt3A_387 = arith.cmpi slt, %get3A_366, %lt3A_386 : vector<16xi32>
      %and3A_388 = arith.andi %ge3A_384, %lt3A_387 : vector<16xi1>
      %sub3A_389 = arith.constant 15 : i32
      %sub3A_390 = vector.broadcast %sub3A_389 : i32 to vector<16xi32>
      %sub3A_391 = arith.subi %shift_right_logical3A_369, %sub3A_390 : vector<16xi32>
      tpu.vector_store_idx %arg7[%sub3A_391, %broadcast_in_dim3A_375, %and3A_372, %add3A_381], %broadcast_in_dim3A_5 masked %and3A_388 : memref<15x4x8x128xf32, #tpu.memory_space<vmem>>[vector<16xi32>, vector<16xi32>, vector<16xi32>, vector<16xi32>], vector<16xf32>, vector<16xi1>
      %mul3A_392 = arith.constant 8 : i32
      %mul3A_393 = arith.muli %scan3A_232, %mul3A_392 : i32
      %add3A_394 = arith.constant 5 : i32
      %add3A_395 = arith.addi %mul3A_393, %add3A_394 : i32
      %mul3A_396 = arith.constant 16 : i32
      %mul3A_397 = arith.muli %add3A_395, %mul3A_396 : i32
      %get3A_398 = arith.index_cast %mul3A_397 : i32 to index
      %get3A_399 = tpu.vector_load %arg5[%get3A_398] {strides = array<i32>} : memref<512xi32, #tpu.memory_space<vmem>>, vector<16xi32>,
      %shift_right_logical3A_400 = arith.constant 3 : i32
      %shift_right_logical3A_401 = vector.broadcast %shift_right_logical3A_400 : i32 to vector<16xi32>
      %shift_right_logical3A_402 = arith.shrui %get3A_399, %shift_right_logical3A_401 : vector<16xi32>
      %and3A_403 = arith.constant 7 : i32
      %and3A_404 = vector.broadcast %and3A_403 : i32 to vector<16xi32>
      %and3A_405 = arith.andi %get3A_399, %and3A_404 : vector<16xi32>
      %shift_right_logical3A_406 = arith.constant 3 : i32
      %shift_right_logical3A_407 = arith.shrui %add3A_395, %shift_right_logical3A_406 : i32
      %broadcast_in_dim3A_408 = vector.broadcast %shift_right_logical3A_407 : i32 to vector<16xi32>
      %and3A_409 = arith.constant 7 : i32
      %and3A_410 = arith.andi %add3A_395, %and3A_409 : i32
      %shift_left3A_411 = arith.constant 4 : i32
      %shift_left3A_412 = arith.shli %and3A_410, %shift_left3A_411 : i32
      %add3A_413 = vector.broadcast %shift_left3A_412 : i32 to vector<16xi32>
      %add3A_414 = arith.addi %add3A_413, %iota3A : vector<16xi32>
      %ge3A_415 = arith.constant 120 : i32
      %ge3A_416 = vector.broadcast %ge3A_415 : i32 to vector<16xi32>
      %ge3A_417 = arith.cmpi sge, %get3A_399, %ge3A_416 : vector<16xi32>
      %lt3A_418 = arith.constant 240 : i32
      %lt3A_419 = vector.broadcast %lt3A_418 : i32 to vector<16xi32>
      %lt3A_420 = arith.cmpi slt, %get3A_399, %lt3A_419 : vector<16xi32>
      %and3A_421 = arith.andi %ge3A_417, %lt3A_420 : vector<16xi1>
      %sub3A_422 = arith.constant 15 : i32
      %sub3A_423 = vector.broadcast %sub3A_422 : i32 to vector<16xi32>
      %sub3A_424 = arith.subi %shift_right_logical3A_402, %sub3A_423 : vector<16xi32>
      tpu.vector_store_idx %arg7[%sub3A_424, %broadcast_in_dim3A_408, %and3A_405, %add3A_414], %broadcast_in_dim3A_5 masked %and3A_421 : memref<15x4x8x128xf32, #tpu.memory_space<vmem>>[vector<16xi32>, vector<16xi32>, vector<16xi32>, vector<16xi32>], vector<16xf32>, vector<16xi1>
      %mul3A_425 = arith.constant 8 : i32
      %mul3A_426 = arith.muli %scan3A_232, %mul3A_425 : i32
      %add3A_427 = arith.constant 6 : i32
      %add3A_428 = arith.addi %mul3A_426, %add3A_427 : i32
      %mul3A_429 = arith.constant 16 : i32
      %mul3A_430 = arith.muli %add3A_428, %mul3A_429 : i32
      %get3A_431 = arith.index_cast %mul3A_430 : i32 to index
      %get3A_432 = tpu.vector_load %arg5[%get3A_431] {strides = array<i32>} : memref<512xi32, #tpu.memory_space<vmem>>, vector<16xi32>,
      %shift_right_logical3A_433 = arith.constant 3 : i32
      %shift_right_logical3A_434 = vector.broadcast %shift_right_logical3A_433 : i32 to vector<16xi32>
      %shift_right_logical3A_435 = arith.shrui %get3A_432, %shift_right_logical3A_434 : vector<16xi32>
      %and3A_436 = arith.constant 7 : i32
      %and3A_437 = vector.broadcast %and3A_436 : i32 to vector<16xi32>
      %and3A_438 = arith.andi %get3A_432, %and3A_437 : vector<16xi32>
      %shift_right_logical3A_439 = arith.constant 3 : i32
      %shift_right_logical3A_440 = arith.shrui %add3A_428, %shift_right_logical3A_439 : i32
      %broadcast_in_dim3A_441 = vector.broadcast %shift_right_logical3A_440 : i32 to vector<16xi32>
      %and3A_442 = arith.constant 7 : i32
      %and3A_443 = arith.andi %add3A_428, %and3A_442 : i32
      %shift_left3A_444 = arith.constant 4 : i32
      %shift_left3A_445 = arith.shli %and3A_443, %shift_left3A_444 : i32
      %add3A_446 = vector.broadcast %shift_left3A_445 : i32 to vector<16xi32>
      %add3A_447 = arith.addi %add3A_446, %iota3A : vector<16xi32>
      %ge3A_448 = arith.constant 120 : i32
      %ge3A_449 = vector.broadcast %ge3A_448 : i32 to vector<16xi32>
      %ge3A_450 = arith.cmpi sge, %get3A_432, %ge3A_449 : vector<16xi32>
      %lt3A_451 = arith.constant 240 : i32
      %lt3A_452 = vector.broadcast %lt3A_451 : i32 to vector<16xi32>
      %lt3A_453 = arith.cmpi slt, %get3A_432, %lt3A_452 : vector<16xi32>
      %and3A_454 = arith.andi %ge3A_450, %lt3A_453 : vector<16xi1>
      %sub3A_455 = arith.constant 15 : i32
      %sub3A_456 = vector.broadcast %sub3A_455 : i32 to vector<16xi32>
      %sub3A_457 = arith.subi %shift_right_logical3A_435, %sub3A_456 : vector<16xi32>
      tpu.vector_store_idx %arg7[%sub3A_457, %broadcast_in_dim3A_441, %and3A_438, %add3A_447], %broadcast_in_dim3A_5 masked %and3A_454 : memref<15x4x8x128xf32, #tpu.memory_space<vmem>>[vector<16xi32>, vector<16xi32>, vector<16xi32>, vector<16xi32>], vector<16xf32>, vector<16xi1>
      %mul3A_458 = arith.constant 8 : i32
      %mul3A_459 = arith.muli %scan3A_232, %mul3A_458 : i32
      %add3A_460 = arith.constant 7 : i32
      %add3A_461 = arith.addi %mul3A_459, %add3A_460 : i32
      %mul3A_462 = arith.constant 16 : i32
      %mul3A_463 = arith.muli %add3A_461, %mul3A_462 : i32
      %get3A_464 = arith.index_cast %mul3A_463 : i32 to index
      %get3A_465 = tpu.vector_load %arg5[%get3A_464] {strides = array<i32>} : memref<512xi32, #tpu.memory_space<vmem>>, vector<16xi32>,
      %shift_right_logical3A_466 = arith.constant 3 : i32
      %shift_right_logical3A_467 = vector.broadcast %shift_right_logical3A_466 : i32 to vector<16xi32>
      %shift_right_logical3A_468 = arith.shrui %get3A_465, %shift_right_logical3A_467 : vector<16xi32>
      %and3A_469 = arith.constant 7 : i32
      %and3A_470 = vector.broadcast %and3A_469 : i32 to vector<16xi32>
      %and3A_471 = arith.andi %get3A_465, %and3A_470 : vector<16xi32>
      %shift_right_logical3A_472 = arith.constant 3 : i32
      %shift_right_logical3A_473 = arith.shrui %add3A_461, %shift_right_logical3A_472 : i32
      %broadcast_in_dim3A_474 = vector.broadcast %shift_right_logical3A_473 : i32 to vector<16xi32>
      %and3A_475 = arith.constant 7 : i32
      %and3A_476 = arith.andi %add3A_461, %and3A_475 : i32
      %shift_left3A_477 = arith.constant 4 : i32
      %shift_left3A_478 = arith.shli %and3A_476, %shift_left3A_477 : i32
      %add3A_479 = vector.broadcast %shift_left3A_478 : i32 to vector<16xi32>
      %add3A_480 = arith.addi %add3A_479, %iota3A : vector<16xi32>
      %ge3A_481 = arith.constant 120 : i32
      %ge3A_482 = vector.broadcast %ge3A_481 : i32 to vector<16xi32>
      %ge3A_483 = arith.cmpi sge, %get3A_465, %ge3A_482 : vector<16xi32>
      %lt3A_484 = arith.constant 240 : i32
      %lt3A_485 = vector.broadcast %lt3A_484 : i32 to vector<16xi32>
      %lt3A_486 = arith.cmpi slt, %get3A_465, %lt3A_485 : vector<16xi32>
      %and3A_487 = arith.andi %ge3A_483, %lt3A_486 : vector<16xi1>
      %sub3A_488 = arith.constant 15 : i32
      %sub3A_489 = vector.broadcast %sub3A_488 : i32 to vector<16xi32>
      %sub3A_490 = arith.subi %shift_right_logical3A_468, %sub3A_489 : vector<16xi32>
      tpu.vector_store_idx %arg7[%sub3A_490, %broadcast_in_dim3A_474, %and3A_471, %add3A_480], %broadcast_in_dim3A_5 masked %and3A_487 : memref<15x4x8x128xf32, #tpu.memory_space<vmem>>[vector<16xi32>, vector<16xi32>, vector<16xi32>, vector<16xi32>], vector<16xf32>, vector<16xi1>
      %scan3A_491 = arith.constant 0 : i32
      scf.yield %scan3A_491 : i32
    }
    %scan3A_27 = arith.constant 4 : i32
    %dma_start3A_28 = arith.constant 15 : i32
    %dma_start3A_29 = arith.constant 0 : i32
    %dma_start3A_30 = arith.constant 0 : i32
    %dma_start3A_31 = tpu.memref_slice %arg4[%dma_start3A_28, %mul3A_4, %dma_start3A_29, %dma_start3A_30] : memref<125x128x8x128xf32, #tpu.memory_space<hbm>> -> memref<15x4x8x128xf32, #tpu.memory_space<hbm>>
    %dma_start3A_32 = arith.constant 15 : i32
    %dma_start3A_33 = arith.constant 0 : i32
    %dma_start3A_34 = arith.constant 0 : i32
    %dma_start3A_35 = tpu.memref_slice %arg4[%dma_start3A_32, %mul3A_4, %dma_start3A_33, %dma_start3A_34] : memref<125x128x8x128xf32, #tpu.memory_space<hbm>> -> memref<15x4x8x128xf32, #tpu.memory_space<hbm>>
    tpu.enqueue_dma source(%arg7 : memref<15x4x8x128xf32, #tpu.memory_space<vmem>>) target(%dma_start3A_35 : memref<15x4x8x128xf32, #tpu.memory_space<hbm>>) target_semaphore(%arg9 : memref<!tpu.dma_semaphore, #tpu.memory_space<semaphore_mem>>)
    %dma_wait3A = arith.constant 0 : i32
    %dma_wait3A_36 = arith.constant 0 : i32
    %dma_wait3A_37 = arith.constant 0 : i32
    %dma_wait3A_38 = tpu.memref_slice %arg4[%dma_wait3A, %mul3A_4, %dma_wait3A_36, %dma_wait3A_37] : memref<125x128x8x128xf32, #tpu.memory_space<hbm>> -> memref<15x4x8x128xf32, #tpu.memory_space<hbm>>
    %dma_wait3A_39 = arith.constant 0 : i32
    %dma_wait3A_40 = arith.constant 0 : i32
    %dma_wait3A_41 = arith.constant 0 : i32
    %dma_wait3A_42 = tpu.memref_slice %arg4[%dma_wait3A_39, %mul3A_4, %dma_wait3A_40, %dma_wait3A_41] : memref<125x128x8x128xf32, #tpu.memory_space<hbm>> -> memref<15x4x8x128xf32, #tpu.memory_space<hbm>>
    tpu.wait_dma2 semaphore(%arg8 : memref<!tpu.dma_semaphore, #tpu.memory_space<semaphore_mem>>) src(%arg6 : memref<15x4x8x128xf32, #tpu.memory_space<vmem>>) dst(%dma_wait3A_42 : memref<15x4x8x128xf32, #tpu.memory_space<hbm>>)
    %scan3A_43 = arith.constant 0 : i32
    %scan3A_44 = arith.constant 0 : i32
    %scan3A_45 = arith.constant 4 : i32
    %scan3A_46 = arith.addi %scan3A_44, %scan3A_45 : i32
    %scan3A_47 = arith.constant 1 : i32
    %scan3A_48 = scf.for %scan3A_232 = %scan3A_44 to %scan3A_46 step %scan3A_47 iter_args(%scan3A_233 = %scan3A_43) -> (i32)  : i32 {
      %mul3A_234 = arith.constant 8 : i32
      %mul3A_235 = arith.muli %scan3A_232, %mul3A_234 : i32
      %add3A_236 = arith.constant 0 : i32
      %add3A_237 = arith.addi %mul3A_235, %add3A_236 : i32
      %mul3A_238 = arith.constant 16 : i32
      %mul3A_239 = arith.muli %add3A_237, %mul3A_238 : i32
      %get3A = arith.index_cast %mul3A_239 : i32 to index
      %get3A_240 = tpu.vector_load %arg5[%get3A] {strides = array<i32>} : memref<512xi32, #tpu.memory_space<vmem>>, vector<16xi32>,
      %shift_right_logical3A = arith.constant 3 : i32
      %shift_right_logical3A_241 = vector.broadcast %shift_right_logical3A : i32 to vector<16xi32>
      %shift_right_logical3A_242 = arith.shrui %get3A_240, %shift_right_logical3A_241 : vector<16xi32>
      %and3A = arith.constant 7 : i32
      %and3A_243 = vector.broadcast %and3A : i32 to vector<16xi32>
      %and3A_244 = arith.andi %get3A_240, %and3A_243 : vector<16xi32>
      %shift_right_logical3A_245 = arith.constant 3 : i32
      %shift_right_logical3A_246 = arith.shrui %add3A_237, %shift_right_logical3A_245 : i32
      %broadcast_in_dim3A_247 = vector.broadcast %shift_right_logical3A_246 : i32 to vector<16xi32>
      %and3A_248 = arith.constant 7 : i32
      %and3A_249 = arith.andi %add3A_237, %and3A_248 : i32
      %shift_left3A = arith.constant 4 : i32
      %shift_left3A_250 = arith.shli %and3A_249, %shift_left3A : i32
      %add3A_251 = vector.broadcast %shift_left3A_250 : i32 to vector<16xi32>
      %add3A_252 = arith.addi %add3A_251, %iota3A : vector<16xi32>
      %ge3A = arith.constant 0 : i32
      %ge3A_253 = vector.broadcast %ge3A : i32 to vector<16xi32>
      %ge3A_254 = arith.cmpi sge, %get3A_240, %ge3A_253 : vector<16xi32>
      %lt3A = arith.constant 120 : i32
      %lt3A_255 = vector.broadcast %lt3A : i32 to vector<16xi32>
      %lt3A_256 = arith.cmpi slt, %get3A_240, %lt3A_255 : vector<16xi32>
      %and3A_257 = arith.andi %ge3A_254, %lt3A_256 : vector<16xi1>
      %sub3A = arith.constant 0 : i32
      %sub3A_258 = vector.broadcast %sub3A : i32 to vector<16xi32>
      %sub3A_259 = arith.subi %shift_right_logical3A_242, %sub3A_258 : vector<16xi32>
      tpu.vector_store_idx %arg6[%sub3A_259, %broadcast_in_dim3A_247, %and3A_244, %add3A_252], %broadcast_in_dim3A_7 masked %and3A_257 : memref<15x4x8x128xf32, #tpu.memory_space<vmem>>[vector<16xi32>, vector<16xi32>, vector<16xi32>, vector<16xi32>], vector<16xf32>, vector<16xi1>
      %ge3A_260 = arith.constant 240 : i32
      %ge3A_261 = vector.broadcast %ge3A_260 : i32 to vector<16xi32>
      %ge3A_262 = arith.cmpi sge, %get3A_240, %ge3A_261 : vector<16xi32>
      %lt3A_263 = arith.constant 360 : i32
      %lt3A_264 = vector.broadcast %lt3A_263 : i32 to vector<16xi32>
      %lt3A_265 = arith.cmpi slt, %get3A_240, %lt3A_264 : vector<16xi32>
      %and3A_266 = arith.andi %ge3A_262, %lt3A_265 : vector<16xi1>
      %sub3A_267 = arith.constant 30 : i32
      %sub3A_268 = vector.broadcast %sub3A_267 : i32 to vector<16xi32>
      %sub3A_269 = arith.subi %shift_right_logical3A_242, %sub3A_268 : vector<16xi32>
      tpu.vector_store_idx %arg6[%sub3A_269, %broadcast_in_dim3A_247, %and3A_244, %add3A_252], %broadcast_in_dim3A_5 masked %and3A_266 : memref<15x4x8x128xf32, #tpu.memory_space<vmem>>[vector<16xi32>, vector<16xi32>, vector<16xi32>, vector<16xi32>], vector<16xf32>, vector<16xi1>
      %mul3A_270 = arith.constant 8 : i32
      %mul3A_271 = arith.muli %scan3A_232, %mul3A_270 : i32
      %add3A_272 = arith.constant 1 : i32
      %add3A_273 = arith.addi %mul3A_271, %add3A_272 : i32
      %mul3A_274 = arith.constant 16 : i32
      %mul3A_275 = arith.muli %add3A_273, %mul3A_274 : i32
      %get3A_276 = arith.index_cast %mul3A_275 : i32 to index
      %get3A_277 = tpu.vector_load %arg5[%get3A_276] {strides = array<i32>} : memref<512xi32, #tpu.memory_space<vmem>>, vector<16xi32>,
      %shift_right_logical3A_278 = arith.constant 3 : i32
      %shift_right_logical3A_279 = vector.broadcast %shift_right_logical3A_278 : i32 to vector<16xi32>
      %shift_right_logical3A_280 = arith.shrui %get3A_277, %shift_right_logical3A_279 : vector<16xi32>
      %and3A_281 = arith.constant 7 : i32
      %and3A_282 = vector.broadcast %and3A_281 : i32 to vector<16xi32>
      %and3A_283 = arith.andi %get3A_277, %and3A_282 : vector<16xi32>
      %shift_right_logical3A_284 = arith.constant 3 : i32
      %shift_right_logical3A_285 = arith.shrui %add3A_273, %shift_right_logical3A_284 : i32
      %broadcast_in_dim3A_286 = vector.broadcast %shift_right_logical3A_285 : i32 to vector<16xi32>
      %and3A_287 = arith.constant 7 : i32
      %and3A_288 = arith.andi %add3A_273, %and3A_287 : i32
      %shift_left3A_289 = arith.constant 4 : i32
      %shift_left3A_290 = arith.shli %and3A_288, %shift_left3A_289 : i32
      %add3A_291 = vector.broadcast %shift_left3A_290 : i32 to vector<16xi32>
      %add3A_292 = arith.addi %add3A_291, %iota3A : vector<16xi32>
      %ge3A_293 = arith.constant 0 : i32
      %ge3A_294 = vector.broadcast %ge3A_293 : i32 to vector<16xi32>
      %ge3A_295 = arith.cmpi sge, %get3A_277, %ge3A_294 : vector<16xi32>
      %lt3A_296 = arith.constant 120 : i32
      %lt3A_297 = vector.broadcast %lt3A_296 : i32 to vector<16xi32>
      %lt3A_298 = arith.cmpi slt, %get3A_277, %lt3A_297 : vector<16xi32>
      %and3A_299 = arith.andi %ge3A_295, %lt3A_298 : vector<16xi1>
      %sub3A_300 = arith.constant 0 : i32
      %sub3A_301 = vector.broadcast %sub3A_300 : i32 to vector<16xi32>
      %sub3A_302 = arith.subi %shift_right_logical3A_280, %sub3A_301 : vector<16xi32>
      tpu.vector_store_idx %arg6[%sub3A_302, %broadcast_in_dim3A_286, %and3A_283, %add3A_292], %broadcast_in_dim3A_7 masked %and3A_299 : memref<15x4x8x128xf32, #tpu.memory_space<vmem>>[vector<16xi32>, vector<16xi32>, vector<16xi32>, vector<16xi32>], vector<16xf32>, vector<16xi1>
      %ge3A_303 = arith.constant 240 : i32
      %ge3A_304 = vector.broadcast %ge3A_303 : i32 to vector<16xi32>
      %ge3A_305 = arith.cmpi sge, %get3A_277, %ge3A_304 : vector<16xi32>
      %lt3A_306 = arith.constant 360 : i32
      %lt3A_307 = vector.broadcast %lt3A_306 : i32 to vector<16xi32>
      %lt3A_308 = arith.cmpi slt, %get3A_277, %lt3A_307 : vector<16xi32>
      %and3A_309 = arith.andi %ge3A_305, %lt3A_308 : vector<16xi1>
      %sub3A_310 = arith.constant 30 : i32
      %sub3A_311 = vector.broadcast %sub3A_310 : i32 to vector<16xi32>
      %sub3A_312 = arith.subi %shift_right_logical3A_280, %sub3A_311 : vector<16xi32>
      tpu.vector_store_idx %arg6[%sub3A_312, %broadcast_in_dim3A_286, %and3A_283, %add3A_292], %broadcast_in_dim3A_5 masked %and3A_309 : memref<15x4x8x128xf32, #tpu.memory_space<vmem>>[vector<16xi32>, vector<16xi32>, vector<16xi32>, vector<16xi32>], vector<16xf32>, vector<16xi1>
      %mul3A_313 = arith.constant 8 : i32
      %mul3A_314 = arith.muli %scan3A_232, %mul3A_313 : i32
      %add3A_315 = arith.constant 2 : i32
      %add3A_316 = arith.addi %mul3A_314, %add3A_315 : i32
      %mul3A_317 = arith.constant 16 : i32
      %mul3A_318 = arith.muli %add3A_316, %mul3A_317 : i32
      %get3A_319 = arith.index_cast %mul3A_318 : i32 to index
      %get3A_320 = tpu.vector_load %arg5[%get3A_319] {strides = array<i32>} : memref<512xi32, #tpu.memory_space<vmem>>, vector<16xi32>,
      %shift_right_logical3A_321 = arith.constant 3 : i32
      %shift_right_logical3A_322 = vector.broadcast %shift_right_logical3A_321 : i32 to vector<16xi32>
      %shift_right_logical3A_323 = arith.shrui %get3A_320, %shift_right_logical3A_322 : vector<16xi32>
      %and3A_324 = arith.constant 7 : i32
      %and3A_325 = vector.broadcast %and3A_324 : i32 to vector<16xi32>
      %and3A_326 = arith.andi %get3A_320, %and3A_325 : vector<16xi32>
      %shift_right_logical3A_327 = arith.constant 3 : i32
      %shift_right_logical3A_328 = arith.shrui %add3A_316, %shift_right_logical3A_327 : i32
      %broadcast_in_dim3A_329 = vector.broadcast %shift_right_logical3A_328 : i32 to vector<16xi32>
      %and3A_330 = arith.constant 7 : i32
      %and3A_331 = arith.andi %add3A_316, %and3A_330 : i32
      %shift_left3A_332 = arith.constant 4 : i32
      %shift_left3A_333 = arith.shli %and3A_331, %shift_left3A_332 : i32
      %add3A_334 = vector.broadcast %shift_left3A_333 : i32 to vector<16xi32>
      %add3A_335 = arith.addi %add3A_334, %iota3A : vector<16xi32>
      %ge3A_336 = arith.constant 0 : i32
      %ge3A_337 = vector.broadcast %ge3A_336 : i32 to vector<16xi32>
      %ge3A_338 = arith.cmpi sge, %get3A_320, %ge3A_337 : vector<16xi32>
      %lt3A_339 = arith.constant 120 : i32
      %lt3A_340 = vector.broadcast %lt3A_339 : i32 to vector<16xi32>
      %lt3A_341 = arith.cmpi slt, %get3A_320, %lt3A_340 : vector<16xi32>
      %and3A_342 = arith.andi %ge3A_338, %lt3A_341 : vector<16xi1>
      %sub3A_343 = arith.constant 0 : i32
      %sub3A_344 = vector.broadcast %sub3A_343 : i32 to vector<16xi32>
      %sub3A_345 = arith.subi %shift_right_logical3A_323, %sub3A_344 : vector<16xi32>
      tpu.vector_store_idx %arg6[%sub3A_345, %broadcast_in_dim3A_329, %and3A_326, %add3A_335], %broadcast_in_dim3A_7 masked %and3A_342 : memref<15x4x8x128xf32, #tpu.memory_space<vmem>>[vector<16xi32>, vector<16xi32>, vector<16xi32>, vector<16xi32>], vector<16xf32>, vector<16xi1>
      %ge3A_346 = arith.constant 240 : i32
      %ge3A_347 = vector.broadcast %ge3A_346 : i32 to vector<16xi32>
      %ge3A_348 = arith.cmpi sge, %get3A_320, %ge3A_347 : vector<16xi32>
      %lt3A_349 = arith.constant 360 : i32
      %lt3A_350 = vector.broadcast %lt3A_349 : i32 to vector<16xi32>
      %lt3A_351 = arith.cmpi slt, %get3A_320, %lt3A_350 : vector<16xi32>
      %and3A_352 = arith.andi %ge3A_348, %lt3A_351 : vector<16xi1>
      %sub3A_353 = arith.constant 30 : i32
      %sub3A_354 = vector.broadcast %sub3A_353 : i32 to vector<16xi32>
      %sub3A_355 = arith.subi %shift_right_logical3A_323, %sub3A_354 : vector<16xi32>
      tpu.vector_store_idx %arg6[%sub3A_355, %broadcast_in_dim3A_329, %and3A_326, %add3A_335], %broadcast_in_dim3A_5 masked %and3A_352 : memref<15x4x8x128xf32, #tpu.memory_space<vmem>>[vector<16xi32>, vector<16xi32>, vector<16xi32>, vector<16xi32>], vector<16xf32>, vector<16xi1>
      %mul3A_356 = arith.constant 8 : i32
      %mul3A_357 = arith.muli %scan3A_232, %mul3A_356 : i32
      %add3A_358 = arith.constant 3 : i32
      %add3A_359 = arith.addi %mul3A_357, %add3A_358 : i32
      %mul3A_360 = arith.constant 16 : i32
      %mul3A_361 = arith.muli %add3A_359, %mul3A_360 : i32
      %get3A_362 = arith.index_cast %mul3A_361 : i32 to index
      %get3A_363 = tpu.vector_load %arg5[%get3A_362] {strides = array<i32>} : memref<512xi32, #tpu.memory_space<vmem>>, vector<16xi32>,
      %shift_right_logical3A_364 = arith.constant 3 : i32
      %shift_right_logical3A_365 = vector.broadcast %shift_right_logical3A_364 : i32 to vector<16xi32>
      %shift_right_logical3A_366 = arith.shrui %get3A_363, %shift_right_logical3A_365 : vector<16xi32>
      %and3A_367 = arith.constant 7 : i32
      %and3A_368 = vector.broadcast %and3A_367 : i32 to vector<16xi32>
      %and3A_369 = arith.andi %get3A_363, %and3A_368 : vector<16xi32>
      %shift_right_logical3A_370 = arith.constant 3 : i32
      %shift_right_logical3A_371 = arith.shrui %add3A_359, %shift_right_logical3A_370 : i32
      %broadcast_in_dim3A_372 = vector.broadcast %shift_right_logical3A_371 : i32 to vector<16xi32>
      %and3A_373 = arith.constant 7 : i32
      %and3A_374 = arith.andi %add3A_359, %and3A_373 : i32
      %shift_left3A_375 = arith.constant 4 : i32
      %shift_left3A_376 = arith.shli %and3A_374, %shift_left3A_375 : i32
      %add3A_377 = vector.broadcast %shift_left3A_376 : i32 to vector<16xi32>
      %add3A_378 = arith.addi %add3A_377, %iota3A : vector<16xi32>
      %ge3A_379 = arith.constant 0 : i32
      %ge3A_380 = vector.broadcast %ge3A_379 : i32 to vector<16xi32>
      %ge3A_381 = arith.cmpi sge, %get3A_363, %ge3A_380 : vector<16xi32>
      %lt3A_382 = arith.constant 120 : i32
      %lt3A_383 = vector.broadcast %lt3A_382 : i32 to vector<16xi32>
      %lt3A_384 = arith.cmpi slt, %get3A_363, %lt3A_383 : vector<16xi32>
      %and3A_385 = arith.andi %ge3A_381, %lt3A_384 : vector<16xi1>
      %sub3A_386 = arith.constant 0 : i32
      %sub3A_387 = vector.broadcast %sub3A_386 : i32 to vector<16xi32>
      %sub3A_388 = arith.subi %shift_right_logical3A_366, %sub3A_387 : vector<16xi32>
      tpu.vector_store_idx %arg6[%sub3A_388, %broadcast_in_dim3A_372, %and3A_369, %add3A_378], %broadcast_in_dim3A_7 masked %and3A_385 : memref<15x4x8x128xf32, #tpu.memory_space<vmem>>[vector<16xi32>, vector<16xi32>, vector<16xi32>, vector<16xi32>], vector<16xf32>, vector<16xi1>
      %ge3A_389 = arith.constant 240 : i32
      %ge3A_390 = vector.broadcast %ge3A_389 : i32 to vector<16xi32>
      %ge3A_391 = arith.cmpi sge, %get3A_363, %ge3A_390 : vector<16xi32>
      %lt3A_392 = arith.constant 360 : i32
      %lt3A_393 = vector.broadcast %lt3A_392 : i32 to vector<16xi32>
      %lt3A_394 = arith.cmpi slt, %get3A_363, %lt3A_393 : vector<16xi32>
      %and3A_395 = arith.andi %ge3A_391, %lt3A_394 : vector<16xi1>
      %sub3A_396 = arith.constant 30 : i32
      %sub3A_397 = vector.broadcast %sub3A_396 : i32 to vector<16xi32>
      %sub3A_398 = arith.subi %shift_right_logical3A_366, %sub3A_397 : vector<16xi32>
      tpu.vector_store_idx %arg6[%sub3A_398, %broadcast_in_dim3A_372, %and3A_369, %add3A_378], %broadcast_in_dim3A_5 masked %and3A_395 : memref<15x4x8x128xf32, #tpu.memory_space<vmem>>[vector<16xi32>, vector<16xi32>, vector<16xi32>, vector<16xi32>], vector<16xf32>, vector<16xi1>
      %mul3A_399 = arith.constant 8 : i32
      %mul3A_400 = arith.muli %scan3A_232, %mul3A_399 : i32
      %add3A_401 = arith.constant 4 : i32
      %add3A_402 = arith.addi %mul3A_400, %add3A_401 : i32
      %mul3A_403 = arith.constant 16 : i32
      %mul3A_404 = arith.muli %add3A_402, %mul3A_403 : i32
      %get3A_405 = arith.index_cast %mul3A_404 : i32 to index
      %get3A_406 = tpu.vector_load %arg5[%get3A_405] {strides = array<i32>} : memref<512xi32, #tpu.memory_space<vmem>>, vector<16xi32>,
      %shift_right_logical3A_407 = arith.constant 3 : i32
      %shift_right_logical3A_408 = vector.broadcast %shift_right_logical3A_407 : i32 to vector<16xi32>
      %shift_right_logical3A_409 = arith.shrui %get3A_406, %shift_right_logical3A_408 : vector<16xi32>
      %and3A_410 = arith.constant 7 : i32
      %and3A_411 = vector.broadcast %and3A_410 : i32 to vector<16xi32>
      %and3A_412 = arith.andi %get3A_406, %and3A_411 : vector<16xi32>
      %shift_right_logical3A_413 = arith.constant 3 : i32
      %shift_right_logical3A_414 = arith.shrui %add3A_402, %shift_right_logical3A_413 : i32
      %broadcast_in_dim3A_415 = vector.broadcast %shift_right_logical3A_414 : i32 to vector<16xi32>
      %and3A_416 = arith.constant 7 : i32
      %and3A_417 = arith.andi %add3A_402, %and3A_416 : i32
      %shift_left3A_418 = arith.constant 4 : i32
      %shift_left3A_419 = arith.shli %and3A_417, %shift_left3A_418 : i32
      %add3A_420 = vector.broadcast %shift_left3A_419 : i32 to vector<16xi32>
      %add3A_421 = arith.addi %add3A_420, %iota3A : vector<16xi32>
      %ge3A_422 = arith.constant 0 : i32
      %ge3A_423 = vector.broadcast %ge3A_422 : i32 to vector<16xi32>
      %ge3A_424 = arith.cmpi sge, %get3A_406, %ge3A_423 : vector<16xi32>
      %lt3A_425 = arith.constant 120 : i32
      %lt3A_426 = vector.broadcast %lt3A_425 : i32 to vector<16xi32>
      %lt3A_427 = arith.cmpi slt, %get3A_406, %lt3A_426 : vector<16xi32>
      %and3A_428 = arith.andi %ge3A_424, %lt3A_427 : vector<16xi1>
      %sub3A_429 = arith.constant 0 : i32
      %sub3A_430 = vector.broadcast %sub3A_429 : i32 to vector<16xi32>
      %sub3A_431 = arith.subi %shift_right_logical3A_409, %sub3A_430 : vector<16xi32>
      tpu.vector_store_idx %arg6[%sub3A_431, %broadcast_in_dim3A_415, %and3A_412, %add3A_421], %broadcast_in_dim3A_7 masked %and3A_428 : memref<15x4x8x128xf32, #tpu.memory_space<vmem>>[vector<16xi32>, vector<16xi32>, vector<16xi32>, vector<16xi32>], vector<16xf32>, vector<16xi1>
      %ge3A_432 = arith.constant 240 : i32
      %ge3A_433 = vector.broadcast %ge3A_432 : i32 to vector<16xi32>
      %ge3A_434 = arith.cmpi sge, %get3A_406, %ge3A_433 : vector<16xi32>
      %lt3A_435 = arith.constant 360 : i32
      %lt3A_436 = vector.broadcast %lt3A_435 : i32 to vector<16xi32>
      %lt3A_437 = arith.cmpi slt, %get3A_406, %lt3A_436 : vector<16xi32>
      %and3A_438 = arith.andi %ge3A_434, %lt3A_437 : vector<16xi1>
      %sub3A_439 = arith.constant 30 : i32
      %sub3A_440 = vector.broadcast %sub3A_439 : i32 to vector<16xi32>
      %sub3A_441 = arith.subi %shift_right_logical3A_409, %sub3A_440 : vector<16xi32>
      tpu.vector_store_idx %arg6[%sub3A_441, %broadcast_in_dim3A_415, %and3A_412, %add3A_421], %broadcast_in_dim3A_5 masked %and3A_438 : memref<15x4x8x128xf32, #tpu.memory_space<vmem>>[vector<16xi32>, vector<16xi32>, vector<16xi32>, vector<16xi32>], vector<16xf32>, vector<16xi1>
      %mul3A_442 = arith.constant 8 : i32
      %mul3A_443 = arith.muli %scan3A_232, %mul3A_442 : i32
      %add3A_444 = arith.constant 5 : i32
      %add3A_445 = arith.addi %mul3A_443, %add3A_444 : i32
      %mul3A_446 = arith.constant 16 : i32
      %mul3A_447 = arith.muli %add3A_445, %mul3A_446 : i32
      %get3A_448 = arith.index_cast %mul3A_447 : i32 to index
      %get3A_449 = tpu.vector_load %arg5[%get3A_448] {strides = array<i32>} : memref<512xi32, #tpu.memory_space<vmem>>, vector<16xi32>,
      %shift_right_logical3A_450 = arith.constant 3 : i32
      %shift_right_logical3A_451 = vector.broadcast %shift_right_logical3A_450 : i32 to vector<16xi32>
      %shift_right_logical3A_452 = arith.shrui %get3A_449, %shift_right_logical3A_451 : vector<16xi32>
      %and3A_453 = arith.constant 7 : i32
      %and3A_454 = vector.broadcast %and3A_453 : i32 to vector<16xi32>
      %and3A_455 = arith.andi %get3A_449, %and3A_454 : vector<16xi32>
      %shift_right_logical3A_456 = arith.constant 3 : i32
      %shift_right_logical3A_457 = arith.shrui %add3A_445, %shift_right_logical3A_456 : i32
      %broadcast_in_dim3A_458 = vector.broadcast %shift_right_logical3A_457 : i32 to vector<16xi32>
      %and3A_459 = arith.constant 7 : i32
      %and3A_460 = arith.andi %add3A_445, %and3A_459 : i32
      %shift_left3A_461 = arith.constant 4 : i32
      %shift_left3A_462 = arith.shli %and3A_460, %shift_left3A_461 : i32
      %add3A_463 = vector.broadcast %shift_left3A_462 : i32 to vector<16xi32>
      %add3A_464 = arith.addi %add3A_463, %iota3A : vector<16xi32>
      %ge3A_465 = arith.constant 0 : i32
      %ge3A_466 = vector.broadcast %ge3A_465 : i32 to vector<16xi32>
      %ge3A_467 = arith.cmpi sge, %get3A_449, %ge3A_466 : vector<16xi32>
      %lt3A_468 = arith.constant 120 : i32
      %lt3A_469 = vector.broadcast %lt3A_468 : i32 to vector<16xi32>
      %lt3A_470 = arith.cmpi slt, %get3A_449, %lt3A_469 : vector<16xi32>
      %and3A_471 = arith.andi %ge3A_467, %lt3A_470 : vector<16xi1>
      %sub3A_472 = arith.constant 0 : i32
      %sub3A_473 = vector.broadcast %sub3A_472 : i32 to vector<16xi32>
      %sub3A_474 = arith.subi %shift_right_logical3A_452, %sub3A_473 : vector<16xi32>
      tpu.vector_store_idx %arg6[%sub3A_474, %broadcast_in_dim3A_458, %and3A_455, %add3A_464], %broadcast_in_dim3A_7 masked %and3A_471 : memref<15x4x8x128xf32, #tpu.memory_space<vmem>>[vector<16xi32>, vector<16xi32>, vector<16xi32>, vector<16xi32>], vector<16xf32>, vector<16xi1>
      %ge3A_475 = arith.constant 240 : i32
      %ge3A_476 = vector.broadcast %ge3A_475 : i32 to vector<16xi32>
      %ge3A_477 = arith.cmpi sge, %get3A_449, %ge3A_476 : vector<16xi32>
      %lt3A_478 = arith.constant 360 : i32
      %lt3A_479 = vector.broadcast %lt3A_478 : i32 to vector<16xi32>
      %lt3A_480 = arith.cmpi slt, %get3A_449, %lt3A_479 : vector<16xi32>
      %and3A_481 = arith.andi %ge3A_477, %lt3A_480 : vector<16xi1>
      %sub3A_482 = arith.constant 30 : i32
      %sub3A_483 = vector.broadcast %sub3A_482 : i32 to vector<16xi32>
      %sub3A_484 = arith.subi %shift_right_logical3A_452, %sub3A_483 : vector<16xi32>
      tpu.vector_store_idx %arg6[%sub3A_484, %broadcast_in_dim3A_458, %and3A_455, %add3A_464], %broadcast_in_dim3A_5 masked %and3A_481 : memref<15x4x8x128xf32, #tpu.memory_space<vmem>>[vector<16xi32>, vector<16xi32>, vector<16xi32>, vector<16xi32>], vector<16xf32>, vector<16xi1>
      %mul3A_485 = arith.constant 8 : i32
      %mul3A_486 = arith.muli %scan3A_232, %mul3A_485 : i32
      %add3A_487 = arith.constant 6 : i32
      %add3A_488 = arith.addi %mul3A_486, %add3A_487 : i32
      %mul3A_489 = arith.constant 16 : i32
      %mul3A_490 = arith.muli %add3A_488, %mul3A_489 : i32
      %get3A_491 = arith.index_cast %mul3A_490 : i32 to index
      %get3A_492 = tpu.vector_load %arg5[%get3A_491] {strides = array<i32>} : memref<512xi32, #tpu.memory_space<vmem>>, vector<16xi32>,
      %shift_right_logical3A_493 = arith.constant 3 : i32
      %shift_right_logical3A_494 = vector.broadcast %shift_right_logical3A_493 : i32 to vector<16xi32>
      %shift_right_logical3A_495 = arith.shrui %get3A_492, %shift_right_logical3A_494 : vector<16xi32>
      %and3A_496 = arith.constant 7 : i32
      %and3A_497 = vector.broadcast %and3A_496 : i32 to vector<16xi32>
      %and3A_498 = arith.andi %get3A_492, %and3A_497 : vector<16xi32>
      %shift_right_logical3A_499 = arith.constant 3 : i32
      %shift_right_logical3A_500 = arith.shrui %add3A_488, %shift_right_logical3A_499 : i32
      %broadcast_in_dim3A_501 = vector.broadcast %shift_right_logical3A_500 : i32 to vector<16xi32>
      %and3A_502 = arith.constant 7 : i32
      %and3A_503 = arith.andi %add3A_488, %and3A_502 : i32
      %shift_left3A_504 = arith.constant 4 : i32
      %shift_left3A_505 = arith.shli %and3A_503, %shift_left3A_504 : i32
      %add3A_506 = vector.broadcast %shift_left3A_505 : i32 to vector<16xi32>
      %add3A_507 = arith.addi %add3A_506, %iota3A : vector<16xi32>
      %ge3A_508 = arith.constant 0 : i32
      %ge3A_509 = vector.broadcast %ge3A_508 : i32 to vector<16xi32>
      %ge3A_510 = arith.cmpi sge, %get3A_492, %ge3A_509 : vector<16xi32>
      %lt3A_511 = arith.constant 120 : i32
      %lt3A_512 = vector.broadcast %lt3A_511 : i32 to vector<16xi32>
      %lt3A_513 = arith.cmpi slt, %get3A_492, %lt3A_512 : vector<16xi32>
      %and3A_514 = arith.andi %ge3A_510, %lt3A_513 : vector<16xi1>
      %sub3A_515 = arith.constant 0 : i32
      %sub3A_516 = vector.broadcast %sub3A_515 : i32 to vector<16xi32>
      %sub3A_517 = arith.subi %shift_right_logical3A_495, %sub3A_516 : vector<16xi32>
      tpu.vector_store_idx %arg6[%sub3A_517, %broadcast_in_dim3A_501, %and3A_498, %add3A_507], %broadcast_in_dim3A_7 masked %and3A_514 : memref<15x4x8x128xf32, #tpu.memory_space<vmem>>[vector<16xi32>, vector<16xi32>, vector<16xi32>, vector<16xi32>], vector<16xf32>, vector<16xi1>
      %ge3A_518 = arith.constant 240 : i32
      %ge3A_519 = vector.broadcast %ge3A_518 : i32 to vector<16xi32>
      %ge3A_520 = arith.cmpi sge, %get3A_492, %ge3A_519 : vector<16xi32>
      %lt3A_521 = arith.constant 360 : i32
      %lt3A_522 = vector.broadcast %lt3A_521 : i32 to vector<16xi32>
      %lt3A_523 = arith.cmpi slt, %get3A_492, %lt3A_522 : vector<16xi32>
      %and3A_524 = arith.andi %ge3A_520, %lt3A_523 : vector<16xi1>
      %sub3A_525 = arith.constant 30 : i32
      %sub3A_526 = vector.broadcast %sub3A_525 : i32 to vector<16xi32>
      %sub3A_527 = arith.subi %shift_right_logical3A_495, %sub3A_526 : vector<16xi32>
      tpu.vector_store_idx %arg6[%sub3A_527, %broadcast_in_dim3A_501, %and3A_498, %add3A_507], %broadcast_in_dim3A_5 masked %and3A_524 : memref<15x4x8x128xf32, #tpu.memory_space<vmem>>[vector<16xi32>, vector<16xi32>, vector<16xi32>, vector<16xi32>], vector<16xf32>, vector<16xi1>
      %mul3A_528 = arith.constant 8 : i32
      %mul3A_529 = arith.muli %scan3A_232, %mul3A_528 : i32
      %add3A_530 = arith.constant 7 : i32
      %add3A_531 = arith.addi %mul3A_529, %add3A_530 : i32
      %mul3A_532 = arith.constant 16 : i32
      %mul3A_533 = arith.muli %add3A_531, %mul3A_532 : i32
      %get3A_534 = arith.index_cast %mul3A_533 : i32 to index
      %get3A_535 = tpu.vector_load %arg5[%get3A_534] {strides = array<i32>} : memref<512xi32, #tpu.memory_space<vmem>>, vector<16xi32>,
      %shift_right_logical3A_536 = arith.constant 3 : i32
      %shift_right_logical3A_537 = vector.broadcast %shift_right_logical3A_536 : i32 to vector<16xi32>
      %shift_right_logical3A_538 = arith.shrui %get3A_535, %shift_right_logical3A_537 : vector<16xi32>
      %and3A_539 = arith.constant 7 : i32
      %and3A_540 = vector.broadcast %and3A_539 : i32 to vector<16xi32>
      %and3A_541 = arith.andi %get3A_535, %and3A_540 : vector<16xi32>
      %shift_right_logical3A_542 = arith.constant 3 : i32
      %shift_right_logical3A_543 = arith.shrui %add3A_531, %shift_right_logical3A_542 : i32
      %broadcast_in_dim3A_544 = vector.broadcast %shift_right_logical3A_543 : i32 to vector<16xi32>
      %and3A_545 = arith.constant 7 : i32
      %and3A_546 = arith.andi %add3A_531, %and3A_545 : i32
      %shift_left3A_547 = arith.constant 4 : i32
      %shift_left3A_548 = arith.shli %and3A_546, %shift_left3A_547 : i32
      %add3A_549 = vector.broadcast %shift_left3A_548 : i32 to vector<16xi32>
      %add3A_550 = arith.addi %add3A_549, %iota3A : vector<16xi32>
      %ge3A_551 = arith.constant 0 : i32
      %ge3A_552 = vector.broadcast %ge3A_551 : i32 to vector<16xi32>
      %ge3A_553 = arith.cmpi sge, %get3A_535, %ge3A_552 : vector<16xi32>
      %lt3A_554 = arith.constant 120 : i32
      %lt3A_555 = vector.broadcast %lt3A_554 : i32 to vector<16xi32>
      %lt3A_556 = arith.cmpi slt, %get3A_535, %lt3A_555 : vector<16xi32>
      %and3A_557 = arith.andi %ge3A_553, %lt3A_556 : vector<16xi1>
      %sub3A_558 = arith.constant 0 : i32
      %sub3A_559 = vector.broadcast %sub3A_558 : i32 to vector<16xi32>
      %sub3A_560 = arith.subi %shift_right_logical3A_538, %sub3A_559 : vector<16xi32>
      tpu.vector_store_idx %arg6[%sub3A_560, %broadcast_in_dim3A_544, %and3A_541, %add3A_550], %broadcast_in_dim3A_7 masked %and3A_557 : memref<15x4x8x128xf32, #tpu.memory_space<vmem>>[vector<16xi32>, vector<16xi32>, vector<16xi32>, vector<16xi32>], vector<16xf32>, vector<16xi1>
      %ge3A_561 = arith.constant 240 : i32
      %ge3A_562 = vector.broadcast %ge3A_561 : i32 to vector<16xi32>
      %ge3A_563 = arith.cmpi sge, %get3A_535, %ge3A_562 : vector<16xi32>
      %lt3A_564 = arith.constant 360 : i32
      %lt3A_565 = vector.broadcast %lt3A_564 : i32 to vector<16xi32>
      %lt3A_566 = arith.cmpi slt, %get3A_535, %lt3A_565 : vector<16xi32>
      %and3A_567 = arith.andi %ge3A_563, %lt3A_566 : vector<16xi1>
      %sub3A_568 = arith.constant 30 : i32
      %sub3A_569 = vector.broadcast %sub3A_568 : i32 to vector<16xi32>
      %sub3A_570 = arith.subi %shift_right_logical3A_538, %sub3A_569 : vector<16xi32>
      tpu.vector_store_idx %arg6[%sub3A_570, %broadcast_in_dim3A_544, %and3A_541, %add3A_550], %broadcast_in_dim3A_5 masked %and3A_567 : memref<15x4x8x128xf32, #tpu.memory_space<vmem>>[vector<16xi32>, vector<16xi32>, vector<16xi32>, vector<16xi32>], vector<16xf32>, vector<16xi1>
      %scan3A_571 = arith.constant 0 : i32
      scf.yield %scan3A_571 : i32
    }
    %scan3A_49 = arith.constant 4 : i32
    %dma_start3A_50 = arith.constant 30 : i32
    %dma_start3A_51 = arith.constant 0 : i32
    %dma_start3A_52 = arith.constant 0 : i32
    %dma_start3A_53 = tpu.memref_slice %arg4[%dma_start3A_50, %mul3A_4, %dma_start3A_51, %dma_start3A_52] : memref<125x128x8x128xf32, #tpu.memory_space<hbm>> -> memref<15x4x8x128xf32, #tpu.memory_space<hbm>>
    %dma_start3A_54 = arith.constant 30 : i32
    %dma_start3A_55 = arith.constant 0 : i32
    %dma_start3A_56 = arith.constant 0 : i32
    %dma_start3A_57 = tpu.memref_slice %arg4[%dma_start3A_54, %mul3A_4, %dma_start3A_55, %dma_start3A_56] : memref<125x128x8x128xf32, #tpu.memory_space<hbm>> -> memref<15x4x8x128xf32, #tpu.memory_space<hbm>>
    tpu.enqueue_dma source(%arg6 : memref<15x4x8x128xf32, #tpu.memory_space<vmem>>) target(%dma_start3A_57 : memref<15x4x8x128xf32, #tpu.memory_space<hbm>>) target_semaphore(%arg8 : memref<!tpu.dma_semaphore, #tpu.memory_space<semaphore_mem>>)
    %dma_wait3A_58 = arith.constant 15 : i32
    %dma_wait3A_59 = arith.constant 0 : i32
    %dma_wait3A_60 = arith.constant 0 : i32
    %dma_wait3A_61 = tpu.memref_slice %arg4[%dma_wait3A_58, %mul3A_4, %dma_wait3A_59, %dma_wait3A_60] : memref<125x128x8x128xf32, #tpu.memory_space<hbm>> -> memref<15x4x8x128xf32, #tpu.memory_space<hbm>>
    %dma_wait3A_62 = arith.constant 15 : i32
    %dma_wait3A_63 = arith.constant 0 : i32
    %dma_wait3A_64 = arith.constant 0 : i32
    %dma_wait3A_65 = tpu.memref_slice %arg4[%dma_wait3A_62, %mul3A_4, %dma_wait3A_63, %dma_wait3A_64] : memref<125x128x8x128xf32, #tpu.memory_space<hbm>> -> memref<15x4x8x128xf32, #tpu.memory_space<hbm>>
    tpu.wait_dma2 semaphore(%arg9 : memref<!tpu.dma_semaphore, #tpu.memory_space<semaphore_mem>>) src(%arg7 : memref<15x4x8x128xf32, #tpu.memory_space<vmem>>) dst(%dma_wait3A_65 : memref<15x4x8x128xf32, #tpu.memory_space<hbm>>)
    %scan3A_66 = arith.constant 0 : i32
    %scan3A_67 = arith.constant 0 : i32
    %scan3A_68 = arith.constant 4 : i32
    %scan3A_69 = arith.addi %scan3A_67, %scan3A_68 : i32
    %scan3A_70 = arith.constant 1 : i32
    %scan3A_71 = scf.for %scan3A_232 = %scan3A_67 to %scan3A_69 step %scan3A_70 iter_args(%scan3A_233 = %scan3A_66) -> (i32)  : i32 {
      %mul3A_234 = arith.constant 8 : i32
      %mul3A_235 = arith.muli %scan3A_232, %mul3A_234 : i32
      %add3A_236 = arith.constant 0 : i32
      %add3A_237 = arith.addi %mul3A_235, %add3A_236 : i32
      %mul3A_238 = arith.constant 16 : i32
      %mul3A_239 = arith.muli %add3A_237, %mul3A_238 : i32
      %get3A = arith.index_cast %mul3A_239 : i32 to index
      %get3A_240 = tpu.vector_load %arg5[%get3A] {strides = array<i32>} : memref<512xi32, #tpu.memory_space<vmem>>, vector<16xi32>,
      %shift_right_logical3A = arith.constant 3 : i32
      %shift_right_logical3A_241 = vector.broadcast %shift_right_logical3A : i32 to vector<16xi32>
      %shift_right_logical3A_242 = arith.shrui %get3A_240, %shift_right_logical3A_241 : vector<16xi32>
      %and3A = arith.constant 7 : i32
      %and3A_243 = vector.broadcast %and3A : i32 to vector<16xi32>
      %and3A_244 = arith.andi %get3A_240, %and3A_243 : vector<16xi32>
      %shift_right_logical3A_245 = arith.constant 3 : i32
      %shift_right_logical3A_246 = arith.shrui %add3A_237, %shift_right_logical3A_245 : i32
      %broadcast_in_dim3A_247 = vector.broadcast %shift_right_logical3A_246 : i32 to vector<16xi32>
      %and3A_248 = arith.constant 7 : i32
      %and3A_249 = arith.andi %add3A_237, %and3A_248 : i32
      %shift_left3A = arith.constant 4 : i32
      %shift_left3A_250 = arith.shli %and3A_249, %shift_left3A : i32
      %add3A_251 = vector.broadcast %shift_left3A_250 : i32 to vector<16xi32>
      %add3A_252 = arith.addi %add3A_251, %iota3A : vector<16xi32>
      %ge3A = arith.constant 120 : i32
      %ge3A_253 = vector.broadcast %ge3A : i32 to vector<16xi32>
      %ge3A_254 = arith.cmpi sge, %get3A_240, %ge3A_253 : vector<16xi32>
      %lt3A = arith.constant 240 : i32
      %lt3A_255 = vector.broadcast %lt3A : i32 to vector<16xi32>
      %lt3A_256 = arith.cmpi slt, %get3A_240, %lt3A_255 : vector<16xi32>
      %and3A_257 = arith.andi %ge3A_254, %lt3A_256 : vector<16xi1>
      %sub3A = arith.constant 15 : i32
      %sub3A_258 = vector.broadcast %sub3A : i32 to vector<16xi32>
      %sub3A_259 = arith.subi %shift_right_logical3A_242, %sub3A_258 : vector<16xi32>
      tpu.vector_store_idx %arg7[%sub3A_259, %broadcast_in_dim3A_247, %and3A_244, %add3A_252], %broadcast_in_dim3A_7 masked %and3A_257 : memref<15x4x8x128xf32, #tpu.memory_space<vmem>>[vector<16xi32>, vector<16xi32>, vector<16xi32>, vector<16xi32>], vector<16xf32>, vector<16xi1>
      %ge3A_260 = arith.constant 360 : i32
      %ge3A_261 = vector.broadcast %ge3A_260 : i32 to vector<16xi32>
      %ge3A_262 = arith.cmpi sge, %get3A_240, %ge3A_261 : vector<16xi32>
      %lt3A_263 = arith.constant 480 : i32
      %lt3A_264 = vector.broadcast %lt3A_263 : i32 to vector<16xi32>
      %lt3A_265 = arith.cmpi slt, %get3A_240, %lt3A_264 : vector<16xi32>
      %and3A_266 = arith.andi %ge3A_262, %lt3A_265 : vector<16xi1>
      %sub3A_267 = arith.constant 45 : i32
      %sub3A_268 = vector.broadcast %sub3A_267 : i32 to vector<16xi32>
      %sub3A_269 = arith.subi %shift_right_logical3A_242, %sub3A_268 : vector<16xi32>
      tpu.vector_store_idx %arg7[%sub3A_269, %broadcast_in_dim3A_247, %and3A_244, %add3A_252], %broadcast_in_dim3A_5 masked %and3A_266 : memref<15x4x8x128xf32, #tpu.memory_space<vmem>>[vector<16xi32>, vector<16xi32>, vector<16xi32>, vector<16xi32>], vector<16xf32>, vector<16xi1>
      %mul3A_270 = arith.constant 8 : i32
      %mul3A_271 = arith.muli %scan3A_232, %mul3A_270 : i32
      %add3A_272 = arith.constant 1 : i32
      %add3A_273 = arith.addi %mul3A_271, %add3A_272 : i32
      %mul3A_274 = arith.constant 16 : i32
      %mul3A_275 = arith.muli %add3A_273, %mul3A_274 : i32
      %get3A_276 = arith.index_cast %mul3A_275 : i32 to index
      %get3A_277 = tpu.vector_load %arg5[%get3A_276] {strides = array<i32>} : memref<512xi32, #tpu.memory_space<vmem>>, vector<16xi32>,
      %shift_right_logical3A_278 = arith.constant 3 : i32
      %shift_right_logical3A_279 = vector.broadcast %shift_right_logical3A_278 : i32 to vector<16xi32>
      %shift_right_logical3A_280 = arith.shrui %get3A_277, %shift_right_logical3A_279 : vector<16xi32>
      %and3A_281 = arith.constant 7 : i32
      %and3A_282 = vector.broadcast %and3A_281 : i32 to vector<16xi32>
      %and3A_283 = arith.andi %get3A_277, %and3A_282 : vector<16xi32>
      %shift_right_logical3A_284 = arith.constant 3 : i32
      %shift_right_logical3A_285 = arith.shrui %add3A_273, %shift_right_logical3A_284 : i32
      %broadcast_in_dim3A_286 = vector.broadcast %shift_right_logical3A_285 : i32 to vector<16xi32>
      %and3A_287 = arith.constant 7 : i32
      %and3A_288 = arith.andi %add3A_273, %and3A_287 : i32
      %shift_left3A_289 = arith.constant 4 : i32
      %shift_left3A_290 = arith.shli %and3A_288, %shift_left3A_289 : i32
      %add3A_291 = vector.broadcast %shift_left3A_290 : i32 to vector<16xi32>
      %add3A_292 = arith.addi %add3A_291, %iota3A : vector<16xi32>
      %ge3A_293 = arith.constant 120 : i32
      %ge3A_294 = vector.broadcast %ge3A_293 : i32 to vector<16xi32>
      %ge3A_295 = arith.cmpi sge, %get3A_277, %ge3A_294 : vector<16xi32>
      %lt3A_296 = arith.constant 240 : i32
      %lt3A_297 = vector.broadcast %lt3A_296 : i32 to vector<16xi32>
      %lt3A_298 = arith.cmpi slt, %get3A_277, %lt3A_297 : vector<16xi32>
      %and3A_299 = arith.andi %ge3A_295, %lt3A_298 : vector<16xi1>
      %sub3A_300 = arith.constant 15 : i32
      %sub3A_301 = vector.broadcast %sub3A_300 : i32 to vector<16xi32>
      %sub3A_302 = arith.subi %shift_right_logical3A_280, %sub3A_301 : vector<16xi32>
      tpu.vector_store_idx %arg7[%sub3A_302, %broadcast_in_dim3A_286, %and3A_283, %add3A_292], %broadcast_in_dim3A_7 masked %and3A_299 : memref<15x4x8x128xf32, #tpu.memory_space<vmem>>[vector<16xi32>, vector<16xi32>, vector<16xi32>, vector<16xi32>], vector<16xf32>, vector<16xi1>
      %ge3A_303 = arith.constant 360 : i32
      %ge3A_304 = vector.broadcast %ge3A_303 : i32 to vector<16xi32>
      %ge3A_305 = arith.cmpi sge, %get3A_277, %ge3A_304 : vector<16xi32>
      %lt3A_306 = arith.constant 480 : i32
      %lt3A_307 = vector.broadcast %lt3A_306 : i32 to vector<16xi32>
      %lt3A_308 = arith.cmpi slt, %get3A_277, %lt3A_307 : vector<16xi32>
      %and3A_309 = arith.andi %ge3A_305, %lt3A_308 : vector<16xi1>
      %sub3A_310 = arith.constant 45 : i32
      %sub3A_311 = vector.broadcast %sub3A_310 : i32 to vector<16xi32>
      %sub3A_312 = arith.subi %shift_right_logical3A_280, %sub3A_311 : vector<16xi32>
      tpu.vector_store_idx %arg7[%sub3A_312, %broadcast_in_dim3A_286, %and3A_283, %add3A_292], %broadcast_in_dim3A_5 masked %and3A_309 : memref<15x4x8x128xf32, #tpu.memory_space<vmem>>[vector<16xi32>, vector<16xi32>, vector<16xi32>, vector<16xi32>], vector<16xf32>, vector<16xi1>
      %mul3A_313 = arith.constant 8 : i32
      %mul3A_314 = arith.muli %scan3A_232, %mul3A_313 : i32
      %add3A_315 = arith.constant 2 : i32
      %add3A_316 = arith.addi %mul3A_314, %add3A_315 : i32
      %mul3A_317 = arith.constant 16 : i32
      %mul3A_318 = arith.muli %add3A_316, %mul3A_317 : i32
      %get3A_319 = arith.index_cast %mul3A_318 : i32 to index
      %get3A_320 = tpu.vector_load %arg5[%get3A_319] {strides = array<i32>} : memref<512xi32, #tpu.memory_space<vmem>>, vector<16xi32>,
      %shift_right_logical3A_321 = arith.constant 3 : i32
      %shift_right_logical3A_322 = vector.broadcast %shift_right_logical3A_321 : i32 to vector<16xi32>
      %shift_right_logical3A_323 = arith.shrui %get3A_320, %shift_right_logical3A_322 : vector<16xi32>
      %and3A_324 = arith.constant 7 : i32
      %and3A_325 = vector.broadcast %and3A_324 : i32 to vector<16xi32>
      %and3A_326 = arith.andi %get3A_320, %and3A_325 : vector<16xi32>
      %shift_right_logical3A_327 = arith.constant 3 : i32
      %shift_right_logical3A_328 = arith.shrui %add3A_316, %shift_right_logical3A_327 : i32
      %broadcast_in_dim3A_329 = vector.broadcast %shift_right_logical3A_328 : i32 to vector<16xi32>
      %and3A_330 = arith.constant 7 : i32
      %and3A_331 = arith.andi %add3A_316, %and3A_330 : i32
      %shift_left3A_332 = arith.constant 4 : i32
      %shift_left3A_333 = arith.shli %and3A_331, %shift_left3A_332 : i32
      %add3A_334 = vector.broadcast %shift_left3A_333 : i32 to vector<16xi32>
      %add3A_335 = arith.addi %add3A_334, %iota3A : vector<16xi32>
      %ge3A_336 = arith.constant 120 : i32
      %ge3A_337 = vector.broadcast %ge3A_336 : i32 to vector<16xi32>
      %ge3A_338 = arith.cmpi sge, %get3A_320, %ge3A_337 : vector<16xi32>
      %lt3A_339 = arith.constant 240 : i32
      %lt3A_340 = vector.broadcast %lt3A_339 : i32 to vector<16xi32>
      %lt3A_341 = arith.cmpi slt, %get3A_320, %lt3A_340 : vector<16xi32>
      %and3A_342 = arith.andi %ge3A_338, %lt3A_341 : vector<16xi1>
      %sub3A_343 = arith.constant 15 : i32
      %sub3A_344 = vector.broadcast %sub3A_343 : i32 to vector<16xi32>
      %sub3A_345 = arith.subi %shift_right_logical3A_323, %sub3A_344 : vector<16xi32>
      tpu.vector_store_idx %arg7[%sub3A_345, %broadcast_in_dim3A_329, %and3A_326, %add3A_335], %broadcast_in_dim3A_7 masked %and3A_342 : memref<15x4x8x128xf32, #tpu.memory_space<vmem>>[vector<16xi32>, vector<16xi32>, vector<16xi32>, vector<16xi32>], vector<16xf32>, vector<16xi1>
      %ge3A_346 = arith.constant 360 : i32
      %ge3A_347 = vector.broadcast %ge3A_346 : i32 to vector<16xi32>
      %ge3A_348 = arith.cmpi sge, %get3A_320, %ge3A_347 : vector<16xi32>
      %lt3A_349 = arith.constant 480 : i32
      %lt3A_350 = vector.broadcast %lt3A_349 : i32 to vector<16xi32>
      %lt3A_351 = arith.cmpi slt, %get3A_320, %lt3A_350 : vector<16xi32>
      %and3A_352 = arith.andi %ge3A_348, %lt3A_351 : vector<16xi1>
      %sub3A_353 = arith.constant 45 : i32
      %sub3A_354 = vector.broadcast %sub3A_353 : i32 to vector<16xi32>
      %sub3A_355 = arith.subi %shift_right_logical3A_323, %sub3A_354 : vector<16xi32>
      tpu.vector_store_idx %arg7[%sub3A_355, %broadcast_in_dim3A_329, %and3A_326, %add3A_335], %broadcast_in_dim3A_5 masked %and3A_352 : memref<15x4x8x128xf32, #tpu.memory_space<vmem>>[vector<16xi32>, vector<16xi32>, vector<16xi32>, vector<16xi32>], vector<16xf32>, vector<16xi1>
      %mul3A_356 = arith.constant 8 : i32
      %mul3A_357 = arith.muli %scan3A_232, %mul3A_356 : i32
      %add3A_358 = arith.constant 3 : i32
      %add3A_359 = arith.addi %mul3A_357, %add3A_358 : i32
      %mul3A_360 = arith.constant 16 : i32
      %mul3A_361 = arith.muli %add3A_359, %mul3A_360 : i32
      %get3A_362 = arith.index_cast %mul3A_361 : i32 to index
      %get3A_363 = tpu.vector_load %arg5[%get3A_362] {strides = array<i32>} : memref<512xi32, #tpu.memory_space<vmem>>, vector<16xi32>,
      %shift_right_logical3A_364 = arith.constant 3 : i32
      %shift_right_logical3A_365 = vector.broadcast %shift_right_logical3A_364 : i32 to vector<16xi32>
      %shift_right_logical3A_366 = arith.shrui %get3A_363, %shift_right_logical3A_365 : vector<16xi32>
      %and3A_367 = arith.constant 7 : i32
      %and3A_368 = vector.broadcast %and3A_367 : i32 to vector<16xi32>
      %and3A_369 = arith.andi %get3A_363, %and3A_368 : vector<16xi32>
      %shift_right_logical3A_370 = arith.constant 3 : i32
      %shift_right_logical3A_371 = arith.shrui %add3A_359, %shift_right_logical3A_370 : i32
      %broadcast_in_dim3A_372 = vector.broadcast %shift_right_logical3A_371 : i32 to vector<16xi32>
      %and3A_373 = arith.constant 7 : i32
      %and3A_374 = arith.andi %add3A_359, %and3A_373 : i32
      %shift_left3A_375 = arith.constant 4 : i32
      %shift_left3A_376 = arith.shli %and3A_374, %shift_left3A_375 : i32
      %add3A_377 = vector.broadcast %shift_left3A_376 : i32 to vector<16xi32>
      %add3A_378 = arith.addi %add3A_377, %iota3A : vector<16xi32>
      %ge3A_379 = arith.constant 120 : i32
      %ge3A_380 = vector.broadcast %ge3A_379 : i32 to vector<16xi32>
      %ge3A_381 = arith.cmpi sge, %get3A_363, %ge3A_380 : vector<16xi32>
      %lt3A_382 = arith.constant 240 : i32
      %lt3A_383 = vector.broadcast %lt3A_382 : i32 to vector<16xi32>
      %lt3A_384 = arith.cmpi slt, %get3A_363, %lt3A_383 : vector<16xi32>
      %and3A_385 = arith.andi %ge3A_381, %lt3A_384 : vector<16xi1>
      %sub3A_386 = arith.constant 15 : i32
      %sub3A_387 = vector.broadcast %sub3A_386 : i32 to vector<16xi32>
      %sub3A_388 = arith.subi %shift_right_logical3A_366, %sub3A_387 : vector<16xi32>
      tpu.vector_store_idx %arg7[%sub3A_388, %broadcast_in_dim3A_372, %and3A_369, %add3A_378], %broadcast_in_dim3A_7 masked %and3A_385 : memref<15x4x8x128xf32, #tpu.memory_space<vmem>>[vector<16xi32>, vector<16xi32>, vector<16xi32>, vector<16xi32>], vector<16xf32>, vector<16xi1>
      %ge3A_389 = arith.constant 360 : i32
      %ge3A_390 = vector.broadcast %ge3A_389 : i32 to vector<16xi32>
      %ge3A_391 = arith.cmpi sge, %get3A_363, %ge3A_390 : vector<16xi32>
      %lt3A_392 = arith.constant 480 : i32
      %lt3A_393 = vector.broadcast %lt3A_392 : i32 to vector<16xi32>
      %lt3A_394 = arith.cmpi slt, %get3A_363, %lt3A_393 : vector<16xi32>
      %and3A_395 = arith.andi %ge3A_391, %lt3A_394 : vector<16xi1>
      %sub3A_396 = arith.constant 45 : i32
      %sub3A_397 = vector.broadcast %sub3A_396 : i32 to vector<16xi32>
      %sub3A_398 = arith.subi %shift_right_logical3A_366, %sub3A_397 : vector<16xi32>
      tpu.vector_store_idx %arg7[%sub3A_398, %broadcast_in_dim3A_372, %and3A_369, %add3A_378], %broadcast_in_dim3A_5 masked %and3A_395 : memref<15x4x8x128xf32, #tpu.memory_space<vmem>>[vector<16xi32>, vector<16xi32>, vector<16xi32>, vector<16xi32>], vector<16xf32>, vector<16xi1>
      %mul3A_399 = arith.constant 8 : i32
      %mul3A_400 = arith.muli %scan3A_232, %mul3A_399 : i32
      %add3A_401 = arith.constant 4 : i32
      %add3A_402 = arith.addi %mul3A_400, %add3A_401 : i32
      %mul3A_403 = arith.constant 16 : i32
      %mul3A_404 = arith.muli %add3A_402, %mul3A_403 : i32
      %get3A_405 = arith.index_cast %mul3A_404 : i32 to index
      %get3A_406 = tpu.vector_load %arg5[%get3A_405] {strides = array<i32>} : memref<512xi32, #tpu.memory_space<vmem>>, vector<16xi32>,
      %shift_right_logical3A_407 = arith.constant 3 : i32
      %shift_right_logical3A_408 = vector.broadcast %shift_right_logical3A_407 : i32 to vector<16xi32>
      %shift_right_logical3A_409 = arith.shrui %get3A_406, %shift_right_logical3A_408 : vector<16xi32>
      %and3A_410 = arith.constant 7 : i32
      %and3A_411 = vector.broadcast %and3A_410 : i32 to vector<16xi32>
      %and3A_412 = arith.andi %get3A_406, %and3A_411 : vector<16xi32>
      %shift_right_logical3A_413 = arith.constant 3 : i32
      %shift_right_logical3A_414 = arith.shrui %add3A_402, %shift_right_logical3A_413 : i32
      %broadcast_in_dim3A_415 = vector.broadcast %shift_right_logical3A_414 : i32 to vector<16xi32>
      %and3A_416 = arith.constant 7 : i32
      %and3A_417 = arith.andi %add3A_402, %and3A_416 : i32
      %shift_left3A_418 = arith.constant 4 : i32
      %shift_left3A_419 = arith.shli %and3A_417, %shift_left3A_418 : i32
      %add3A_420 = vector.broadcast %shift_left3A_419 : i32 to vector<16xi32>
      %add3A_421 = arith.addi %add3A_420, %iota3A : vector<16xi32>
      %ge3A_422 = arith.constant 120 : i32
      %ge3A_423 = vector.broadcast %ge3A_422 : i32 to vector<16xi32>
      %ge3A_424 = arith.cmpi sge, %get3A_406, %ge3A_423 : vector<16xi32>
      %lt3A_425 = arith.constant 240 : i32
      %lt3A_426 = vector.broadcast %lt3A_425 : i32 to vector<16xi32>
      %lt3A_427 = arith.cmpi slt, %get3A_406, %lt3A_426 : vector<16xi32>
      %and3A_428 = arith.andi %ge3A_424, %lt3A_427 : vector<16xi1>
      %sub3A_429 = arith.constant 15 : i32
      %sub3A_430 = vector.broadcast %sub3A_429 : i32 to vector<16xi32>
      %sub3A_431 = arith.subi %shift_right_logical3A_409, %sub3A_430 : vector<16xi32>
      tpu.vector_store_idx %arg7[%sub3A_431, %broadcast_in_dim3A_415, %and3A_412, %add3A_421], %broadcast_in_dim3A_7 masked %and3A_428 : memref<15x4x8x128xf32, #tpu.memory_space<vmem>>[vector<16xi32>, vector<16xi32>, vector<16xi32>, vector<16xi32>], vector<16xf32>, vector<16xi1>
      %ge3A_432 = arith.constant 360 : i32
      %ge3A_433 = vector.broadcast %ge3A_432 : i32 to vector<16xi32>
      %ge3A_434 = arith.cmpi sge, %get3A_406, %ge3A_433 : vector<16xi32>
      %lt3A_435 = arith.constant 480 : i32
      %lt3A_436 = vector.broadcast %lt3A_435 : i32 to vector<16xi32>
      %lt3A_437 = arith.cmpi slt, %get3A_406, %lt3A_436 : vector<16xi32>
      %and3A_438 = arith.andi %ge3A_434, %lt3A_437 : vector<16xi1>
      %sub3A_439 = arith.constant 45 : i32
      %sub3A_440 = vector.broadcast %sub3A_439 : i32 to vector<16xi32>
      %sub3A_441 = arith.subi %shift_right_logical3A_409, %sub3A_440 : vector<16xi32>
      tpu.vector_store_idx %arg7[%sub3A_441, %broadcast_in_dim3A_415, %and3A_412, %add3A_421], %broadcast_in_dim3A_5 masked %and3A_438 : memref<15x4x8x128xf32, #tpu.memory_space<vmem>>[vector<16xi32>, vector<16xi32>, vector<16xi32>, vector<16xi32>], vector<16xf32>, vector<16xi1>
      %mul3A_442 = arith.constant 8 : i32
      %mul3A_443 = arith.muli %scan3A_232, %mul3A_442 : i32
      %add3A_444 = arith.constant 5 : i32
      %add3A_445 = arith.addi %mul3A_443, %add3A_444 : i32
      %mul3A_446 = arith.constant 16 : i32
      %mul3A_447 = arith.muli %add3A_445, %mul3A_446 : i32
      %get3A_448 = arith.index_cast %mul3A_447 : i32 to index
      %get3A_449 = tpu.vector_load %arg5[%get3A_448] {strides = array<i32>} : memref<512xi32, #tpu.memory_space<vmem>>, vector<16xi32>,
      %shift_right_logical3A_450 = arith.constant 3 : i32
      %shift_right_logical3A_451 = vector.broadcast %shift_right_logical3A_450 : i32 to vector<16xi32>
      %shift_right_logical3A_452 = arith.shrui %get3A_449, %shift_right_logical3A_451 : vector<16xi32>
      %and3A_453 = arith.constant 7 : i32
      %and3A_454 = vector.broadcast %and3A_453 : i32 to vector<16xi32>
      %and3A_455 = arith.andi %get3A_449, %and3A_454 : vector<16xi32>
      %shift_right_logical3A_456 = arith.constant 3 : i32
      %shift_right_logical3A_457 = arith.shrui %add3A_445, %shift_right_logical3A_456 : i32
      %broadcast_in_dim3A_458 = vector.broadcast %shift_right_logical3A_457 : i32 to vector<16xi32>
      %and3A_459 = arith.constant 7 : i32
      %and3A_460 = arith.andi %add3A_445, %and3A_459 : i32
      %shift_left3A_461 = arith.constant 4 : i32
      %shift_left3A_462 = arith.shli %and3A_460, %shift_left3A_461 : i32
      %add3A_463 = vector.broadcast %shift_left3A_462 : i32 to vector<16xi32>
      %add3A_464 = arith.addi %add3A_463, %iota3A : vector<16xi32>
      %ge3A_465 = arith.constant 120 : i32
      %ge3A_466 = vector.broadcast %ge3A_465 : i32 to vector<16xi32>
      %ge3A_467 = arith.cmpi sge, %get3A_449, %ge3A_466 : vector<16xi32>
      %lt3A_468 = arith.constant 240 : i32
      %lt3A_469 = vector.broadcast %lt3A_468 : i32 to vector<16xi32>
      %lt3A_470 = arith.cmpi slt, %get3A_449, %lt3A_469 : vector<16xi32>
      %and3A_471 = arith.andi %ge3A_467, %lt3A_470 : vector<16xi1>
      %sub3A_472 = arith.constant 15 : i32
      %sub3A_473 = vector.broadcast %sub3A_472 : i32 to vector<16xi32>
      %sub3A_474 = arith.subi %shift_right_logical3A_452, %sub3A_473 : vector<16xi32>
      tpu.vector_store_idx %arg7[%sub3A_474, %broadcast_in_dim3A_458, %and3A_455, %add3A_464], %broadcast_in_dim3A_7 masked %and3A_471 : memref<15x4x8x128xf32, #tpu.memory_space<vmem>>[vector<16xi32>, vector<16xi32>, vector<16xi32>, vector<16xi32>], vector<16xf32>, vector<16xi1>
      %ge3A_475 = arith.constant 360 : i32
      %ge3A_476 = vector.broadcast %ge3A_475 : i32 to vector<16xi32>
      %ge3A_477 = arith.cmpi sge, %get3A_449, %ge3A_476 : vector<16xi32>
      %lt3A_478 = arith.constant 480 : i32
      %lt3A_479 = vector.broadcast %lt3A_478 : i32 to vector<16xi32>
      %lt3A_480 = arith.cmpi slt, %get3A_449, %lt3A_479 : vector<16xi32>
      %and3A_481 = arith.andi %ge3A_477, %lt3A_480 : vector<16xi1>
      %sub3A_482 = arith.constant 45 : i32
      %sub3A_483 = vector.broadcast %sub3A_482 : i32 to vector<16xi32>
      %sub3A_484 = arith.subi %shift_right_logical3A_452, %sub3A_483 : vector<16xi32>
      tpu.vector_store_idx %arg7[%sub3A_484, %broadcast_in_dim3A_458, %and3A_455, %add3A_464], %broadcast_in_dim3A_5 masked %and3A_481 : memref<15x4x8x128xf32, #tpu.memory_space<vmem>>[vector<16xi32>, vector<16xi32>, vector<16xi32>, vector<16xi32>], vector<16xf32>, vector<16xi1>
      %mul3A_485 = arith.constant 8 : i32
      %mul3A_486 = arith.muli %scan3A_232, %mul3A_485 : i32
      %add3A_487 = arith.constant 6 : i32
      %add3A_488 = arith.addi %mul3A_486, %add3A_487 : i32
      %mul3A_489 = arith.constant 16 : i32
      %mul3A_490 = arith.muli %add3A_488, %mul3A_489 : i32
      %get3A_491 = arith.index_cast %mul3A_490 : i32 to index
      %get3A_492 = tpu.vector_load %arg5[%get3A_491] {strides = array<i32>} : memref<512xi32, #tpu.memory_space<vmem>>, vector<16xi32>,
      %shift_right_logical3A_493 = arith.constant 3 : i32
      %shift_right_logical3A_494 = vector.broadcast %shift_right_logical3A_493 : i32 to vector<16xi32>
      %shift_right_logical3A_495 = arith.shrui %get3A_492, %shift_right_logical3A_494 : vector<16xi32>
      %and3A_496 = arith.constant 7 : i32
      %and3A_497 = vector.broadcast %and3A_496 : i32 to vector<16xi32>
      %and3A_498 = arith.andi %get3A_492, %and3A_497 : vector<16xi32>
      %shift_right_logical3A_499 = arith.constant 3 : i32
      %shift_right_logical3A_500 = arith.shrui %add3A_488, %shift_right_logical3A_499 : i32
      %broadcast_in_dim3A_501 = vector.broadcast %shift_right_logical3A_500 : i32 to vector<16xi32>
      %and3A_502 = arith.constant 7 : i32
      %and3A_503 = arith.andi %add3A_488, %and3A_502 : i32
      %shift_left3A_504 = arith.constant 4 : i32
      %shift_left3A_505 = arith.shli %and3A_503, %shift_left3A_504 : i32
      %add3A_506 = vector.broadcast %shift_left3A_505 : i32 to vector<16xi32>
      %add3A_507 = arith.addi %add3A_506, %iota3A : vector<16xi32>
      %ge3A_508 = arith.constant 120 : i32
      %ge3A_509 = vector.broadcast %ge3A_508 : i32 to vector<16xi32>
      %ge3A_510 = arith.cmpi sge, %get3A_492, %ge3A_509 : vector<16xi32>
      %lt3A_511 = arith.constant 240 : i32
      %lt3A_512 = vector.broadcast %lt3A_511 : i32 to vector<16xi32>
      %lt3A_513 = arith.cmpi slt, %get3A_492, %lt3A_512 : vector<16xi32>
      %and3A_514 = arith.andi %ge3A_510, %lt3A_513 : vector<16xi1>
      %sub3A_515 = arith.constant 15 : i32
      %sub3A_516 = vector.broadcast %sub3A_515 : i32 to vector<16xi32>
      %sub3A_517 = arith.subi %shift_right_logical3A_495, %sub3A_516 : vector<16xi32>
      tpu.vector_store_idx %arg7[%sub3A_517, %broadcast_in_dim3A_501, %and3A_498, %add3A_507], %broadcast_in_dim3A_7 masked %and3A_514 : memref<15x4x8x128xf32, #tpu.memory_space<vmem>>[vector<16xi32>, vector<16xi32>, vector<16xi32>, vector<16xi32>], vector<16xf32>, vector<16xi1>
      %ge3A_518 = arith.constant 360 : i32
      %ge3A_519 = vector.broadcast %ge3A_518 : i32 to vector<16xi32>
      %ge3A_520 = arith.cmpi sge, %get3A_492, %ge3A_519 : vector<16xi32>
      %lt3A_521 = arith.constant 480 : i32
      %lt3A_522 = vector.broadcast %lt3A_521 : i32 to vector<16xi32>
      %lt3A_523 = arith.cmpi slt, %get3A_492, %lt3A_522 : vector<16xi32>
      %and3A_524 = arith.andi %ge3A_520, %lt3A_523 : vector<16xi1>
      %sub3A_525 = arith.constant 45 : i32
      %sub3A_526 = vector.broadcast %sub3A_525 : i32 to vector<16xi32>
      %sub3A_527 = arith.subi %shift_right_logical3A_495, %sub3A_526 : vector<16xi32>
      tpu.vector_store_idx %arg7[%sub3A_527, %broadcast_in_dim3A_501, %and3A_498, %add3A_507], %broadcast_in_dim3A_5 masked %and3A_524 : memref<15x4x8x128xf32, #tpu.memory_space<vmem>>[vector<16xi32>, vector<16xi32>, vector<16xi32>, vector<16xi32>], vector<16xf32>, vector<16xi1>
      %mul3A_528 = arith.constant 8 : i32
      %mul3A_529 = arith.muli %scan3A_232, %mul3A_528 : i32
      %add3A_530 = arith.constant 7 : i32
      %add3A_531 = arith.addi %mul3A_529, %add3A_530 : i32
      %mul3A_532 = arith.constant 16 : i32
      %mul3A_533 = arith.muli %add3A_531, %mul3A_532 : i32
      %get3A_534 = arith.index_cast %mul3A_533 : i32 to index
      %get3A_535 = tpu.vector_load %arg5[%get3A_534] {strides = array<i32>} : memref<512xi32, #tpu.memory_space<vmem>>, vector<16xi32>,
      %shift_right_logical3A_536 = arith.constant 3 : i32
      %shift_right_logical3A_537 = vector.broadcast %shift_right_logical3A_536 : i32 to vector<16xi32>
      %shift_right_logical3A_538 = arith.shrui %get3A_535, %shift_right_logical3A_537 : vector<16xi32>
      %and3A_539 = arith.constant 7 : i32
      %and3A_540 = vector.broadcast %and3A_539 : i32 to vector<16xi32>
      %and3A_541 = arith.andi %get3A_535, %and3A_540 : vector<16xi32>
      %shift_right_logical3A_542 = arith.constant 3 : i32
      %shift_right_logical3A_543 = arith.shrui %add3A_531, %shift_right_logical3A_542 : i32
      %broadcast_in_dim3A_544 = vector.broadcast %shift_right_logical3A_543 : i32 to vector<16xi32>
      %and3A_545 = arith.constant 7 : i32
      %and3A_546 = arith.andi %add3A_531, %and3A_545 : i32
      %shift_left3A_547 = arith.constant 4 : i32
      %shift_left3A_548 = arith.shli %and3A_546, %shift_left3A_547 : i32
      %add3A_549 = vector.broadcast %shift_left3A_548 : i32 to vector<16xi32>
      %add3A_550 = arith.addi %add3A_549, %iota3A : vector<16xi32>
      %ge3A_551 = arith.constant 120 : i32
      %ge3A_552 = vector.broadcast %ge3A_551 : i32 to vector<16xi32>
      %ge3A_553 = arith.cmpi sge, %get3A_535, %ge3A_552 : vector<16xi32>
      %lt3A_554 = arith.constant 240 : i32
      %lt3A_555 = vector.broadcast %lt3A_554 : i32 to vector<16xi32>
      %lt3A_556 = arith.cmpi slt, %get3A_535, %lt3A_555 : vector<16xi32>
      %and3A_557 = arith.andi %ge3A_553, %lt3A_556 : vector<16xi1>
      %sub3A_558 = arith.constant 15 : i32
      %sub3A_559 = vector.broadcast %sub3A_558 : i32 to vector<16xi32>
      %sub3A_560 = arith.subi %shift_right_logical3A_538, %sub3A_559 : vector<16xi32>
      tpu.vector_store_idx %arg7[%sub3A_560, %broadcast_in_dim3A_544, %and3A_541, %add3A_550], %broadcast_in_dim3A_7 masked %and3A_557 : memref<15x4x8x128xf32, #tpu.memory_space<vmem>>[vector<16xi32>, vector<16xi32>, vector<16xi32>, vector<16xi32>], vector<16xf32>, vector<16xi1>
      %ge3A_561 = arith.constant 360 : i32
      %ge3A_562 = vector.broadcast %ge3A_561 : i32 to vector<16xi32>
      %ge3A_563 = arith.cmpi sge, %get3A_535, %ge3A_562 : vector<16xi32>
      %lt3A_564 = arith.constant 480 : i32
      %lt3A_565 = vector.broadcast %lt3A_564 : i32 to vector<16xi32>
      %lt3A_566 = arith.cmpi slt, %get3A_535, %lt3A_565 : vector<16xi32>
      %and3A_567 = arith.andi %ge3A_563, %lt3A_566 : vector<16xi1>
      %sub3A_568 = arith.constant 45 : i32
      %sub3A_569 = vector.broadcast %sub3A_568 : i32 to vector<16xi32>
      %sub3A_570 = arith.subi %shift_right_logical3A_538, %sub3A_569 : vector<16xi32>
      tpu.vector_store_idx %arg7[%sub3A_570, %broadcast_in_dim3A_544, %and3A_541, %add3A_550], %broadcast_in_dim3A_5 masked %and3A_567 : memref<15x4x8x128xf32, #tpu.memory_space<vmem>>[vector<16xi32>, vector<16xi32>, vector<16xi32>, vector<16xi32>], vector<16xf32>, vector<16xi1>
      %scan3A_571 = arith.constant 0 : i32
      scf.yield %scan3A_571 : i32
    }
    %scan3A_72 = arith.constant 4 : i32
    %dma_start3A_73 = arith.constant 45 : i32
    %dma_start3A_74 = arith.constant 0 : i32
    %dma_start3A_75 = arith.constant 0 : i32
    %dma_start3A_76 = tpu.memref_slice %arg4[%dma_start3A_73, %mul3A_4, %dma_start3A_74, %dma_start3A_75] : memref<125x128x8x128xf32, #tpu.memory_space<hbm>> -> memref<15x4x8x128xf32, #tpu.memory_space<hbm>>
    %dma_start3A_77 = arith.constant 45 : i32
    %dma_start3A_78 = arith.constant 0 : i32
    %dma_start3A_79 = arith.constant 0 : i32
    %dma_start3A_80 = tpu.memref_slice %arg4[%dma_start3A_77, %mul3A_4, %dma_start3A_78, %dma_start3A_79] : memref<125x128x8x128xf32, #tpu.memory_space<hbm>> -> memref<15x4x8x128xf32, #tpu.memory_space<hbm>>
    tpu.enqueue_dma source(%arg7 : memref<15x4x8x128xf32, #tpu.memory_space<vmem>>) target(%dma_start3A_80 : memref<15x4x8x128xf32, #tpu.memory_space<hbm>>) target_semaphore(%arg9 : memref<!tpu.dma_semaphore, #tpu.memory_space<semaphore_mem>>)
    %dma_wait3A_81 = arith.constant 30 : i32
    %dma_wait3A_82 = arith.constant 0 : i32
    %dma_wait3A_83 = arith.constant 0 : i32
    %dma_wait3A_84 = tpu.memref_slice %arg4[%dma_wait3A_81, %mul3A_4, %dma_wait3A_82, %dma_wait3A_83] : memref<125x128x8x128xf32, #tpu.memory_space<hbm>> -> memref<15x4x8x128xf32, #tpu.memory_space<hbm>>
    %dma_wait3A_85 = arith.constant 30 : i32
    %dma_wait3A_86 = arith.constant 0 : i32
    %dma_wait3A_87 = arith.constant 0 : i32
    %dma_wait3A_88 = tpu.memref_slice %arg4[%dma_wait3A_85, %mul3A_4, %dma_wait3A_86, %dma_wait3A_87] : memref<125x128x8x128xf32, #tpu.memory_space<hbm>> -> memref<15x4x8x128xf32, #tpu.memory_space<hbm>>
    tpu.wait_dma2 semaphore(%arg8 : memref<!tpu.dma_semaphore, #tpu.memory_space<semaphore_mem>>) src(%arg6 : memref<15x4x8x128xf32, #tpu.memory_space<vmem>>) dst(%dma_wait3A_88 : memref<15x4x8x128xf32, #tpu.memory_space<hbm>>)
    %scan3A_89 = arith.constant 0 : i32
    %scan3A_90 = arith.constant 0 : i32
    %scan3A_91 = arith.constant 4 : i32
    %scan3A_92 = arith.addi %scan3A_90, %scan3A_91 : i32
    %scan3A_93 = arith.constant 1 : i32
    %scan3A_94 = scf.for %scan3A_232 = %scan3A_90 to %scan3A_92 step %scan3A_93 iter_args(%scan3A_233 = %scan3A_89) -> (i32)  : i32 {
      %mul3A_234 = arith.constant 8 : i32
      %mul3A_235 = arith.muli %scan3A_232, %mul3A_234 : i32
      %add3A_236 = arith.constant 0 : i32
      %add3A_237 = arith.addi %mul3A_235, %add3A_236 : i32
      %mul3A_238 = arith.constant 16 : i32
      %mul3A_239 = arith.muli %add3A_237, %mul3A_238 : i32
      %get3A = arith.index_cast %mul3A_239 : i32 to index
      %get3A_240 = tpu.vector_load %arg5[%get3A] {strides = array<i32>} : memref<512xi32, #tpu.memory_space<vmem>>, vector<16xi32>,
      %shift_right_logical3A = arith.constant 3 : i32
      %shift_right_logical3A_241 = vector.broadcast %shift_right_logical3A : i32 to vector<16xi32>
      %shift_right_logical3A_242 = arith.shrui %get3A_240, %shift_right_logical3A_241 : vector<16xi32>
      %and3A = arith.constant 7 : i32
      %and3A_243 = vector.broadcast %and3A : i32 to vector<16xi32>
      %and3A_244 = arith.andi %get3A_240, %and3A_243 : vector<16xi32>
      %shift_right_logical3A_245 = arith.constant 3 : i32
      %shift_right_logical3A_246 = arith.shrui %add3A_237, %shift_right_logical3A_245 : i32
      %broadcast_in_dim3A_247 = vector.broadcast %shift_right_logical3A_246 : i32 to vector<16xi32>
      %and3A_248 = arith.constant 7 : i32
      %and3A_249 = arith.andi %add3A_237, %and3A_248 : i32
      %shift_left3A = arith.constant 4 : i32
      %shift_left3A_250 = arith.shli %and3A_249, %shift_left3A : i32
      %add3A_251 = vector.broadcast %shift_left3A_250 : i32 to vector<16xi32>
      %add3A_252 = arith.addi %add3A_251, %iota3A : vector<16xi32>
      %ge3A = arith.constant 240 : i32
      %ge3A_253 = vector.broadcast %ge3A : i32 to vector<16xi32>
      %ge3A_254 = arith.cmpi sge, %get3A_240, %ge3A_253 : vector<16xi32>
      %lt3A = arith.constant 360 : i32
      %lt3A_255 = vector.broadcast %lt3A : i32 to vector<16xi32>
      %lt3A_256 = arith.cmpi slt, %get3A_240, %lt3A_255 : vector<16xi32>
      %and3A_257 = arith.andi %ge3A_254, %lt3A_256 : vector<16xi1>
      %sub3A = arith.constant 30 : i32
      %sub3A_258 = vector.broadcast %sub3A : i32 to vector<16xi32>
      %sub3A_259 = arith.subi %shift_right_logical3A_242, %sub3A_258 : vector<16xi32>
      tpu.vector_store_idx %arg6[%sub3A_259, %broadcast_in_dim3A_247, %and3A_244, %add3A_252], %broadcast_in_dim3A_7 masked %and3A_257 : memref<15x4x8x128xf32, #tpu.memory_space<vmem>>[vector<16xi32>, vector<16xi32>, vector<16xi32>, vector<16xi32>], vector<16xf32>, vector<16xi1>
      %ge3A_260 = arith.constant 480 : i32
      %ge3A_261 = vector.broadcast %ge3A_260 : i32 to vector<16xi32>
      %ge3A_262 = arith.cmpi sge, %get3A_240, %ge3A_261 : vector<16xi32>
      %lt3A_263 = arith.constant 600 : i32
      %lt3A_264 = vector.broadcast %lt3A_263 : i32 to vector<16xi32>
      %lt3A_265 = arith.cmpi slt, %get3A_240, %lt3A_264 : vector<16xi32>
      %and3A_266 = arith.andi %ge3A_262, %lt3A_265 : vector<16xi1>
      %sub3A_267 = arith.constant 60 : i32
      %sub3A_268 = vector.broadcast %sub3A_267 : i32 to vector<16xi32>
      %sub3A_269 = arith.subi %shift_right_logical3A_242, %sub3A_268 : vector<16xi32>
      tpu.vector_store_idx %arg6[%sub3A_269, %broadcast_in_dim3A_247, %and3A_244, %add3A_252], %broadcast_in_dim3A_5 masked %and3A_266 : memref<15x4x8x128xf32, #tpu.memory_space<vmem>>[vector<16xi32>, vector<16xi32>, vector<16xi32>, vector<16xi32>], vector<16xf32>, vector<16xi1>
      %mul3A_270 = arith.constant 8 : i32
      %mul3A_271 = arith.muli %scan3A_232, %mul3A_270 : i32
      %add3A_272 = arith.constant 1 : i32
      %add3A_273 = arith.addi %mul3A_271, %add3A_272 : i32
      %mul3A_274 = arith.constant 16 : i32
      %mul3A_275 = arith.muli %add3A_273, %mul3A_274 : i32
      %get3A_276 = arith.index_cast %mul3A_275 : i32 to index
      %get3A_277 = tpu.vector_load %arg5[%get3A_276] {strides = array<i32>} : memref<512xi32, #tpu.memory_space<vmem>>, vector<16xi32>,
      %shift_right_logical3A_278 = arith.constant 3 : i32
      %shift_right_logical3A_279 = vector.broadcast %shift_right_logical3A_278 : i32 to vector<16xi32>
      %shift_right_logical3A_280 = arith.shrui %get3A_277, %shift_right_logical3A_279 : vector<16xi32>
      %and3A_281 = arith.constant 7 : i32
      %and3A_282 = vector.broadcast %and3A_281 : i32 to vector<16xi32>
      %and3A_283 = arith.andi %get3A_277, %and3A_282 : vector<16xi32>
      %shift_right_logical3A_284 = arith.constant 3 : i32
      %shift_right_logical3A_285 = arith.shrui %add3A_273, %shift_right_logical3A_284 : i32
      %broadcast_in_dim3A_286 = vector.broadcast %shift_right_logical3A_285 : i32 to vector<16xi32>
      %and3A_287 = arith.constant 7 : i32
      %and3A_288 = arith.andi %add3A_273, %and3A_287 : i32
      %shift_left3A_289 = arith.constant 4 : i32
      %shift_left3A_290 = arith.shli %and3A_288, %shift_left3A_289 : i32
      %add3A_291 = vector.broadcast %shift_left3A_290 : i32 to vector<16xi32>
      %add3A_292 = arith.addi %add3A_291, %iota3A : vector<16xi32>
      %ge3A_293 = arith.constant 240 : i32
      %ge3A_294 = vector.broadcast %ge3A_293 : i32 to vector<16xi32>
      %ge3A_295 = arith.cmpi sge, %get3A_277, %ge3A_294 : vector<16xi32>
      %lt3A_296 = arith.constant 360 : i32
      %lt3A_297 = vector.broadcast %lt3A_296 : i32 to vector<16xi32>
      %lt3A_298 = arith.cmpi slt, %get3A_277, %lt3A_297 : vector<16xi32>
      %and3A_299 = arith.andi %ge3A_295, %lt3A_298 : vector<16xi1>
      %sub3A_300 = arith.constant 30 : i32
      %sub3A_301 = vector.broadcast %sub3A_300 : i32 to vector<16xi32>
      %sub3A_302 = arith.subi %shift_right_logical3A_280, %sub3A_301 : vector<16xi32>
      tpu.vector_store_idx %arg6[%sub3A_302, %broadcast_in_dim3A_286, %and3A_283, %add3A_292], %broadcast_in_dim3A_7 masked %and3A_299 : memref<15x4x8x128xf32, #tpu.memory_space<vmem>>[vector<16xi32>, vector<16xi32>, vector<16xi32>, vector<16xi32>], vector<16xf32>, vector<16xi1>
      %ge3A_303 = arith.constant 480 : i32
      %ge3A_304 = vector.broadcast %ge3A_303 : i32 to vector<16xi32>
      %ge3A_305 = arith.cmpi sge, %get3A_277, %ge3A_304 : vector<16xi32>
      %lt3A_306 = arith.constant 600 : i32
      %lt3A_307 = vector.broadcast %lt3A_306 : i32 to vector<16xi32>
      %lt3A_308 = arith.cmpi slt, %get3A_277, %lt3A_307 : vector<16xi32>
      %and3A_309 = arith.andi %ge3A_305, %lt3A_308 : vector<16xi1>
      %sub3A_310 = arith.constant 60 : i32
      %sub3A_311 = vector.broadcast %sub3A_310 : i32 to vector<16xi32>
      %sub3A_312 = arith.subi %shift_right_logical3A_280, %sub3A_311 : vector<16xi32>
      tpu.vector_store_idx %arg6[%sub3A_312, %broadcast_in_dim3A_286, %and3A_283, %add3A_292], %broadcast_in_dim3A_5 masked %and3A_309 : memref<15x4x8x128xf32, #tpu.memory_space<vmem>>[vector<16xi32>, vector<16xi32>, vector<16xi32>, vector<16xi32>], vector<16xf32>, vector<16xi1>
      %mul3A_313 = arith.constant 8 : i32
      %mul3A_314 = arith.muli %scan3A_232, %mul3A_313 : i32
      %add3A_315 = arith.constant 2 : i32
      %add3A_316 = arith.addi %mul3A_314, %add3A_315 : i32
      %mul3A_317 = arith.constant 16 : i32
      %mul3A_318 = arith.muli %add3A_316, %mul3A_317 : i32
      %get3A_319 = arith.index_cast %mul3A_318 : i32 to index
      %get3A_320 = tpu.vector_load %arg5[%get3A_319] {strides = array<i32>} : memref<512xi32, #tpu.memory_space<vmem>>, vector<16xi32>,
      %shift_right_logical3A_321 = arith.constant 3 : i32
      %shift_right_logical3A_322 = vector.broadcast %shift_right_logical3A_321 : i32 to vector<16xi32>
      %shift_right_logical3A_323 = arith.shrui %get3A_320, %shift_right_logical3A_322 : vector<16xi32>
      %and3A_324 = arith.constant 7 : i32
      %and3A_325 = vector.broadcast %and3A_324 : i32 to vector<16xi32>
      %and3A_326 = arith.andi %get3A_320, %and3A_325 : vector<16xi32>
      %shift_right_logical3A_327 = arith.constant 3 : i32
      %shift_right_logical3A_328 = arith.shrui %add3A_316, %shift_right_logical3A_327 : i32
      %broadcast_in_dim3A_329 = vector.broadcast %shift_right_logical3A_328 : i32 to vector<16xi32>
      %and3A_330 = arith.constant 7 : i32
      %and3A_331 = arith.andi %add3A_316, %and3A_330 : i32
      %shift_left3A_332 = arith.constant 4 : i32
      %shift_left3A_333 = arith.shli %and3A_331, %shift_left3A_332 : i32
      %add3A_334 = vector.broadcast %shift_left3A_333 : i32 to vector<16xi32>
      %add3A_335 = arith.addi %add3A_334, %iota3A : vector<16xi32>
      %ge3A_336 = arith.constant 240 : i32
      %ge3A_337 = vector.broadcast %ge3A_336 : i32 to vector<16xi32>
      %ge3A_338 = arith.cmpi sge, %get3A_320, %ge3A_337 : vector<16xi32>
      %lt3A_339 = arith.constant 360 : i32
      %lt3A_340 = vector.broadcast %lt3A_339 : i32 to vector<16xi32>
      %lt3A_341 = arith.cmpi slt, %get3A_320, %lt3A_340 : vector<16xi32>
      %and3A_342 = arith.andi %ge3A_338, %lt3A_341 : vector<16xi1>
      %sub3A_343 = arith.constant 30 : i32
      %sub3A_344 = vector.broadcast %sub3A_343 : i32 to vector<16xi32>
      %sub3A_345 = arith.subi %shift_right_logical3A_323, %sub3A_344 : vector<16xi32>
      tpu.vector_store_idx %arg6[%sub3A_345, %broadcast_in_dim3A_329, %and3A_326, %add3A_335], %broadcast_in_dim3A_7 masked %and3A_342 : memref<15x4x8x128xf32, #tpu.memory_space<vmem>>[vector<16xi32>, vector<16xi32>, vector<16xi32>, vector<16xi32>], vector<16xf32>, vector<16xi1>
      %ge3A_346 = arith.constant 480 : i32
      %ge3A_347 = vector.broadcast %ge3A_346 : i32 to vector<16xi32>
      %ge3A_348 = arith.cmpi sge, %get3A_320, %ge3A_347 : vector<16xi32>
      %lt3A_349 = arith.constant 600 : i32
      %lt3A_350 = vector.broadcast %lt3A_349 : i32 to vector<16xi32>
      %lt3A_351 = arith.cmpi slt, %get3A_320, %lt3A_350 : vector<16xi32>
      %and3A_352 = arith.andi %ge3A_348, %lt3A_351 : vector<16xi1>
      %sub3A_353 = arith.constant 60 : i32
      %sub3A_354 = vector.broadcast %sub3A_353 : i32 to vector<16xi32>
      %sub3A_355 = arith.subi %shift_right_logical3A_323, %sub3A_354 : vector<16xi32>
      tpu.vector_store_idx %arg6[%sub3A_355, %broadcast_in_dim3A_329, %and3A_326, %add3A_335], %broadcast_in_dim3A_5 masked %and3A_352 : memref<15x4x8x128xf32, #tpu.memory_space<vmem>>[vector<16xi32>, vector<16xi32>, vector<16xi32>, vector<16xi32>], vector<16xf32>, vector<16xi1>
      %mul3A_356 = arith.constant 8 : i32
      %mul3A_357 = arith.muli %scan3A_232, %mul3A_356 : i32
      %add3A_358 = arith.constant 3 : i32
      %add3A_359 = arith.addi %mul3A_357, %add3A_358 : i32
      %mul3A_360 = arith.constant 16 : i32
      %mul3A_361 = arith.muli %add3A_359, %mul3A_360 : i32
      %get3A_362 = arith.index_cast %mul3A_361 : i32 to index
      %get3A_363 = tpu.vector_load %arg5[%get3A_362] {strides = array<i32>} : memref<512xi32, #tpu.memory_space<vmem>>, vector<16xi32>,
      %shift_right_logical3A_364 = arith.constant 3 : i32
      %shift_right_logical3A_365 = vector.broadcast %shift_right_logical3A_364 : i32 to vector<16xi32>
      %shift_right_logical3A_366 = arith.shrui %get3A_363, %shift_right_logical3A_365 : vector<16xi32>
      %and3A_367 = arith.constant 7 : i32
      %and3A_368 = vector.broadcast %and3A_367 : i32 to vector<16xi32>
      %and3A_369 = arith.andi %get3A_363, %and3A_368 : vector<16xi32>
      %shift_right_logical3A_370 = arith.constant 3 : i32
      %shift_right_logical3A_371 = arith.shrui %add3A_359, %shift_right_logical3A_370 : i32
      %broadcast_in_dim3A_372 = vector.broadcast %shift_right_logical3A_371 : i32 to vector<16xi32>
      %and3A_373 = arith.constant 7 : i32
      %and3A_374 = arith.andi %add3A_359, %and3A_373 : i32
      %shift_left3A_375 = arith.constant 4 : i32
      %shift_left3A_376 = arith.shli %and3A_374, %shift_left3A_375 : i32
      %add3A_377 = vector.broadcast %shift_left3A_376 : i32 to vector<16xi32>
      %add3A_378 = arith.addi %add3A_377, %iota3A : vector<16xi32>
      %ge3A_379 = arith.constant 240 : i32
      %ge3A_380 = vector.broadcast %ge3A_379 : i32 to vector<16xi32>
      %ge3A_381 = arith.cmpi sge, %get3A_363, %ge3A_380 : vector<16xi32>
      %lt3A_382 = arith.constant 360 : i32
      %lt3A_383 = vector.broadcast %lt3A_382 : i32 to vector<16xi32>
      %lt3A_384 = arith.cmpi slt, %get3A_363, %lt3A_383 : vector<16xi32>
      %and3A_385 = arith.andi %ge3A_381, %lt3A_384 : vector<16xi1>
      %sub3A_386 = arith.constant 30 : i32
      %sub3A_387 = vector.broadcast %sub3A_386 : i32 to vector<16xi32>
      %sub3A_388 = arith.subi %shift_right_logical3A_366, %sub3A_387 : vector<16xi32>
      tpu.vector_store_idx %arg6[%sub3A_388, %broadcast_in_dim3A_372, %and3A_369, %add3A_378], %broadcast_in_dim3A_7 masked %and3A_385 : memref<15x4x8x128xf32, #tpu.memory_space<vmem>>[vector<16xi32>, vector<16xi32>, vector<16xi32>, vector<16xi32>], vector<16xf32>, vector<16xi1>
      %ge3A_389 = arith.constant 480 : i32
      %ge3A_390 = vector.broadcast %ge3A_389 : i32 to vector<16xi32>
      %ge3A_391 = arith.cmpi sge, %get3A_363, %ge3A_390 : vector<16xi32>
      %lt3A_392 = arith.constant 600 : i32
      %lt3A_393 = vector.broadcast %lt3A_392 : i32 to vector<16xi32>
      %lt3A_394 = arith.cmpi slt, %get3A_363, %lt3A_393 : vector<16xi32>
      %and3A_395 = arith.andi %ge3A_391, %lt3A_394 : vector<16xi1>
      %sub3A_396 = arith.constant 60 : i32
      %sub3A_397 = vector.broadcast %sub3A_396 : i32 to vector<16xi32>
      %sub3A_398 = arith.subi %shift_right_logical3A_366, %sub3A_397 : vector<16xi32>
      tpu.vector_store_idx %arg6[%sub3A_398, %broadcast_in_dim3A_372, %and3A_369, %add3A_378], %broadcast_in_dim3A_5 masked %and3A_395 : memref<15x4x8x128xf32, #tpu.memory_space<vmem>>[vector<16xi32>, vector<16xi32>, vector<16xi32>, vector<16xi32>], vector<16xf32>, vector<16xi1>
      %mul3A_399 = arith.constant 8 : i32
      %mul3A_400 = arith.muli %scan3A_232, %mul3A_399 : i32
      %add3A_401 = arith.constant 4 : i32
      %add3A_402 = arith.addi %mul3A_400, %add3A_401 : i32
      %mul3A_403 = arith.constant 16 : i32
      %mul3A_404 = arith.muli %add3A_402, %mul3A_403 : i32
      %get3A_405 = arith.index_cast %mul3A_404 : i32 to index
      %get3A_406 = tpu.vector_load %arg5[%get3A_405] {strides = array<i32>} : memref<512xi32, #tpu.memory_space<vmem>>, vector<16xi32>,
      %shift_right_logical3A_407 = arith.constant 3 : i32
      %shift_right_logical3A_408 = vector.broadcast %shift_right_logical3A_407 : i32 to vector<16xi32>
      %shift_right_logical3A_409 = arith.shrui %get3A_406, %shift_right_logical3A_408 : vector<16xi32>
      %and3A_410 = arith.constant 7 : i32
      %and3A_411 = vector.broadcast %and3A_410 : i32 to vector<16xi32>
      %and3A_412 = arith.andi %get3A_406, %and3A_411 : vector<16xi32>
      %shift_right_logical3A_413 = arith.constant 3 : i32
      %shift_right_logical3A_414 = arith.shrui %add3A_402, %shift_right_logical3A_413 : i32
      %broadcast_in_dim3A_415 = vector.broadcast %shift_right_logical3A_414 : i32 to vector<16xi32>
      %and3A_416 = arith.constant 7 : i32
      %and3A_417 = arith.andi %add3A_402, %and3A_416 : i32
      %shift_left3A_418 = arith.constant 4 : i32
      %shift_left3A_419 = arith.shli %and3A_417, %shift_left3A_418 : i32
      %add3A_420 = vector.broadcast %shift_left3A_419 : i32 to vector<16xi32>
      %add3A_421 = arith.addi %add3A_420, %iota3A : vector<16xi32>
      %ge3A_422 = arith.constant 240 : i32
      %ge3A_423 = vector.broadcast %ge3A_422 : i32 to vector<16xi32>
      %ge3A_424 = arith.cmpi sge, %get3A_406, %ge3A_423 : vector<16xi32>
      %lt3A_425 = arith.constant 360 : i32
      %lt3A_426 = vector.broadcast %lt3A_425 : i32 to vector<16xi32>
      %lt3A_427 = arith.cmpi slt, %get3A_406, %lt3A_426 : vector<16xi32>
      %and3A_428 = arith.andi %ge3A_424, %lt3A_427 : vector<16xi1>
      %sub3A_429 = arith.constant 30 : i32
      %sub3A_430 = vector.broadcast %sub3A_429 : i32 to vector<16xi32>
      %sub3A_431 = arith.subi %shift_right_logical3A_409, %sub3A_430 : vector<16xi32>
      tpu.vector_store_idx %arg6[%sub3A_431, %broadcast_in_dim3A_415, %and3A_412, %add3A_421], %broadcast_in_dim3A_7 masked %and3A_428 : memref<15x4x8x128xf32, #tpu.memory_space<vmem>>[vector<16xi32>, vector<16xi32>, vector<16xi32>, vector<16xi32>], vector<16xf32>, vector<16xi1>
      %ge3A_432 = arith.constant 480 : i32
      %ge3A_433 = vector.broadcast %ge3A_432 : i32 to vector<16xi32>
      %ge3A_434 = arith.cmpi sge, %get3A_406, %ge3A_433 : vector<16xi32>
      %lt3A_435 = arith.constant 600 : i32
      %lt3A_436 = vector.broadcast %lt3A_435 : i32 to vector<16xi32>
      %lt3A_437 = arith.cmpi slt, %get3A_406, %lt3A_436 : vector<16xi32>
      %and3A_438 = arith.andi %ge3A_434, %lt3A_437 : vector<16xi1>
      %sub3A_439 = arith.constant 60 : i32
      %sub3A_440 = vector.broadcast %sub3A_439 : i32 to vector<16xi32>
      %sub3A_441 = arith.subi %shift_right_logical3A_409, %sub3A_440 : vector<16xi32>
      tpu.vector_store_idx %arg6[%sub3A_441, %broadcast_in_dim3A_415, %and3A_412, %add3A_421], %broadcast_in_dim3A_5 masked %and3A_438 : memref<15x4x8x128xf32, #tpu.memory_space<vmem>>[vector<16xi32>, vector<16xi32>, vector<16xi32>, vector<16xi32>], vector<16xf32>, vector<16xi1>
      %mul3A_442 = arith.constant 8 : i32
      %mul3A_443 = arith.muli %scan3A_232, %mul3A_442 : i32
      %add3A_444 = arith.constant 5 : i32
      %add3A_445 = arith.addi %mul3A_443, %add3A_444 : i32
      %mul3A_446 = arith.constant 16 : i32
      %mul3A_447 = arith.muli %add3A_445, %mul3A_446 : i32
      %get3A_448 = arith.index_cast %mul3A_447 : i32 to index
      %get3A_449 = tpu.vector_load %arg5[%get3A_448] {strides = array<i32>} : memref<512xi32, #tpu.memory_space<vmem>>, vector<16xi32>,
      %shift_right_logical3A_450 = arith.constant 3 : i32
      %shift_right_logical3A_451 = vector.broadcast %shift_right_logical3A_450 : i32 to vector<16xi32>
      %shift_right_logical3A_452 = arith.shrui %get3A_449, %shift_right_logical3A_451 : vector<16xi32>
      %and3A_453 = arith.constant 7 : i32
      %and3A_454 = vector.broadcast %and3A_453 : i32 to vector<16xi32>
      %and3A_455 = arith.andi %get3A_449, %and3A_454 : vector<16xi32>
      %shift_right_logical3A_456 = arith.constant 3 : i32
      %shift_right_logical3A_457 = arith.shrui %add3A_445, %shift_right_logical3A_456 : i32
      %broadcast_in_dim3A_458 = vector.broadcast %shift_right_logical3A_457 : i32 to vector<16xi32>
      %and3A_459 = arith.constant 7 : i32
      %and3A_460 = arith.andi %add3A_445, %and3A_459 : i32
      %shift_left3A_461 = arith.constant 4 : i32
      %shift_left3A_462 = arith.shli %and3A_460, %shift_left3A_461 : i32
      %add3A_463 = vector.broadcast %shift_left3A_462 : i32 to vector<16xi32>
      %add3A_464 = arith.addi %add3A_463, %iota3A : vector<16xi32>
      %ge3A_465 = arith.constant 240 : i32
      %ge3A_466 = vector.broadcast %ge3A_465 : i32 to vector<16xi32>
      %ge3A_467 = arith.cmpi sge, %get3A_449, %ge3A_466 : vector<16xi32>
      %lt3A_468 = arith.constant 360 : i32
      %lt3A_469 = vector.broadcast %lt3A_468 : i32 to vector<16xi32>
      %lt3A_470 = arith.cmpi slt, %get3A_449, %lt3A_469 : vector<16xi32>
      %and3A_471 = arith.andi %ge3A_467, %lt3A_470 : vector<16xi1>
      %sub3A_472 = arith.constant 30 : i32
      %sub3A_473 = vector.broadcast %sub3A_472 : i32 to vector<16xi32>
      %sub3A_474 = arith.subi %shift_right_logical3A_452, %sub3A_473 : vector<16xi32>
      tpu.vector_store_idx %arg6[%sub3A_474, %broadcast_in_dim3A_458, %and3A_455, %add3A_464], %broadcast_in_dim3A_7 masked %and3A_471 : memref<15x4x8x128xf32, #tpu.memory_space<vmem>>[vector<16xi32>, vector<16xi32>, vector<16xi32>, vector<16xi32>], vector<16xf32>, vector<16xi1>
      %ge3A_475 = arith.constant 480 : i32
      %ge3A_476 = vector.broadcast %ge3A_475 : i32 to vector<16xi32>
      %ge3A_477 = arith.cmpi sge, %get3A_449, %ge3A_476 : vector<16xi32>
      %lt3A_478 = arith.constant 600 : i32
      %lt3A_479 = vector.broadcast %lt3A_478 : i32 to vector<16xi32>
      %lt3A_480 = arith.cmpi slt, %get3A_449, %lt3A_479 : vector<16xi32>
      %and3A_481 = arith.andi %ge3A_477, %lt3A_480 : vector<16xi1>
      %sub3A_482 = arith.constant 60 : i32
      %sub3A_483 = vector.broadcast %sub3A_482 : i32 to vector<16xi32>
      %sub3A_484 = arith.subi %shift_right_logical3A_452, %sub3A_483 : vector<16xi32>
      tpu.vector_store_idx %arg6[%sub3A_484, %broadcast_in_dim3A_458, %and3A_455, %add3A_464], %broadcast_in_dim3A_5 masked %and3A_481 : memref<15x4x8x128xf32, #tpu.memory_space<vmem>>[vector<16xi32>, vector<16xi32>, vector<16xi32>, vector<16xi32>], vector<16xf32>, vector<16xi1>
      %mul3A_485 = arith.constant 8 : i32
      %mul3A_486 = arith.muli %scan3A_232, %mul3A_485 : i32
      %add3A_487 = arith.constant 6 : i32
      %add3A_488 = arith.addi %mul3A_486, %add3A_487 : i32
      %mul3A_489 = arith.constant 16 : i32
      %mul3A_490 = arith.muli %add3A_488, %mul3A_489 : i32
      %get3A_491 = arith.index_cast %mul3A_490 : i32 to index
      %get3A_492 = tpu.vector_load %arg5[%get3A_491] {strides = array<i32>} : memref<512xi32, #tpu.memory_space<vmem>>, vector<16xi32>,
      %shift_right_logical3A_493 = arith.constant 3 : i32
      %shift_right_logical3A_494 = vector.broadcast %shift_right_logical3A_493 : i32 to vector<16xi32>
      %shift_right_logical3A_495 = arith.shrui %get3A_492, %shift_right_logical3A_494 : vector<16xi32>
      %and3A_496 = arith.constant 7 : i32
      %and3A_497 = vector.broadcast %and3A_496 : i32 to vector<16xi32>
      %and3A_498 = arith.andi %get3A_492, %and3A_497 : vector<16xi32>
      %shift_right_logical3A_499 = arith.constant 3 : i32
      %shift_right_logical3A_500 = arith.shrui %add3A_488, %shift_right_logical3A_499 : i32
      %broadcast_in_dim3A_501 = vector.broadcast %shift_right_logical3A_500 : i32 to vector<16xi32>
      %and3A_502 = arith.constant 7 : i32
      %and3A_503 = arith.andi %add3A_488, %and3A_502 : i32
      %shift_left3A_504 = arith.constant 4 : i32
      %shift_left3A_505 = arith.shli %and3A_503, %shift_left3A_504 : i32
      %add3A_506 = vector.broadcast %shift_left3A_505 : i32 to vector<16xi32>
      %add3A_507 = arith.addi %add3A_506, %iota3A : vector<16xi32>
      %ge3A_508 = arith.constant 240 : i32
      %ge3A_509 = vector.broadcast %ge3A_508 : i32 to vector<16xi32>
      %ge3A_510 = arith.cmpi sge, %get3A_492, %ge3A_509 : vector<16xi32>
      %lt3A_511 = arith.constant 360 : i32
      %lt3A_512 = vector.broadcast %lt3A_511 : i32 to vector<16xi32>
      %lt3A_513 = arith.cmpi slt, %get3A_492, %lt3A_512 : vector<16xi32>
      %and3A_514 = arith.andi %ge3A_510, %lt3A_513 : vector<16xi1>
      %sub3A_515 = arith.constant 30 : i32
      %sub3A_516 = vector.broadcast %sub3A_515 : i32 to vector<16xi32>
      %sub3A_517 = arith.subi %shift_right_logical3A_495, %sub3A_516 : vector<16xi32>
      tpu.vector_store_idx %arg6[%sub3A_517, %broadcast_in_dim3A_501, %and3A_498, %add3A_507], %broadcast_in_dim3A_7 masked %and3A_514 : memref<15x4x8x128xf32, #tpu.memory_space<vmem>>[vector<16xi32>, vector<16xi32>, vector<16xi32>, vector<16xi32>], vector<16xf32>, vector<16xi1>
      %ge3A_518 = arith.constant 480 : i32
      %ge3A_519 = vector.broadcast %ge3A_518 : i32 to vector<16xi32>
      %ge3A_520 = arith.cmpi sge, %get3A_492, %ge3A_519 : vector<16xi32>
      %lt3A_521 = arith.constant 600 : i32
      %lt3A_522 = vector.broadcast %lt3A_521 : i32 to vector<16xi32>
      %lt3A_523 = arith.cmpi slt, %get3A_492, %lt3A_522 : vector<16xi32>
      %and3A_524 = arith.andi %ge3A_520, %lt3A_523 : vector<16xi1>
      %sub3A_525 = arith.constant 60 : i32
      %sub3A_526 = vector.broadcast %sub3A_525 : i32 to vector<16xi32>
      %sub3A_527 = arith.subi %shift_right_logical3A_495, %sub3A_526 : vector<16xi32>
      tpu.vector_store_idx %arg6[%sub3A_527, %broadcast_in_dim3A_501, %and3A_498, %add3A_507], %broadcast_in_dim3A_5 masked %and3A_524 : memref<15x4x8x128xf32, #tpu.memory_space<vmem>>[vector<16xi32>, vector<16xi32>, vector<16xi32>, vector<16xi32>], vector<16xf32>, vector<16xi1>
      %mul3A_528 = arith.constant 8 : i32
      %mul3A_529 = arith.muli %scan3A_232, %mul3A_528 : i32
      %add3A_530 = arith.constant 7 : i32
      %add3A_531 = arith.addi %mul3A_529, %add3A_530 : i32
      %mul3A_532 = arith.constant 16 : i32
      %mul3A_533 = arith.muli %add3A_531, %mul3A_532 : i32
      %get3A_534 = arith.index_cast %mul3A_533 : i32 to index
      %get3A_535 = tpu.vector_load %arg5[%get3A_534] {strides = array<i32>} : memref<512xi32, #tpu.memory_space<vmem>>, vector<16xi32>,
      %shift_right_logical3A_536 = arith.constant 3 : i32
      %shift_right_logical3A_537 = vector.broadcast %shift_right_logical3A_536 : i32 to vector<16xi32>
      %shift_right_logical3A_538 = arith.shrui %get3A_535, %shift_right_logical3A_537 : vector<16xi32>
      %and3A_539 = arith.constant 7 : i32
      %and3A_540 = vector.broadcast %and3A_539 : i32 to vector<16xi32>
      %and3A_541 = arith.andi %get3A_535, %and3A_540 : vector<16xi32>
      %shift_right_logical3A_542 = arith.constant 3 : i32
      %shift_right_logical3A_543 = arith.shrui %add3A_531, %shift_right_logical3A_542 : i32
      %broadcast_in_dim3A_544 = vector.broadcast %shift_right_logical3A_543 : i32 to vector<16xi32>
      %and3A_545 = arith.constant 7 : i32
      %and3A_546 = arith.andi %add3A_531, %and3A_545 : i32
      %shift_left3A_547 = arith.constant 4 : i32
      %shift_left3A_548 = arith.shli %and3A_546, %shift_left3A_547 : i32
      %add3A_549 = vector.broadcast %shift_left3A_548 : i32 to vector<16xi32>
      %add3A_550 = arith.addi %add3A_549, %iota3A : vector<16xi32>
      %ge3A_551 = arith.constant 240 : i32
      %ge3A_552 = vector.broadcast %ge3A_551 : i32 to vector<16xi32>
      %ge3A_553 = arith.cmpi sge, %get3A_535, %ge3A_552 : vector<16xi32>
      %lt3A_554 = arith.constant 360 : i32
      %lt3A_555 = vector.broadcast %lt3A_554 : i32 to vector<16xi32>
      %lt3A_556 = arith.cmpi slt, %get3A_535, %lt3A_555 : vector<16xi32>
      %and3A_557 = arith.andi %ge3A_553, %lt3A_556 : vector<16xi1>
      %sub3A_558 = arith.constant 30 : i32
      %sub3A_559 = vector.broadcast %sub3A_558 : i32 to vector<16xi32>
      %sub3A_560 = arith.subi %shift_right_logical3A_538, %sub3A_559 : vector<16xi32>
      tpu.vector_store_idx %arg6[%sub3A_560, %broadcast_in_dim3A_544, %and3A_541, %add3A_550], %broadcast_in_dim3A_7 masked %and3A_557 : memref<15x4x8x128xf32, #tpu.memory_space<vmem>>[vector<16xi32>, vector<16xi32>, vector<16xi32>, vector<16xi32>], vector<16xf32>, vector<16xi1>
      %ge3A_561 = arith.constant 480 : i32
      %ge3A_562 = vector.broadcast %ge3A_561 : i32 to vector<16xi32>
      %ge3A_563 = arith.cmpi sge, %get3A_535, %ge3A_562 : vector<16xi32>
      %lt3A_564 = arith.constant 600 : i32
      %lt3A_565 = vector.broadcast %lt3A_564 : i32 to vector<16xi32>
      %lt3A_566 = arith.cmpi slt, %get3A_535, %lt3A_565 : vector<16xi32>
      %and3A_567 = arith.andi %ge3A_563, %lt3A_566 : vector<16xi1>
      %sub3A_568 = arith.constant 60 : i32
      %sub3A_569 = vector.broadcast %sub3A_568 : i32 to vector<16xi32>
      %sub3A_570 = arith.subi %shift_right_logical3A_538, %sub3A_569 : vector<16xi32>
      tpu.vector_store_idx %arg6[%sub3A_570, %broadcast_in_dim3A_544, %and3A_541, %add3A_550], %broadcast_in_dim3A_5 masked %and3A_567 : memref<15x4x8x128xf32, #tpu.memory_space<vmem>>[vector<16xi32>, vector<16xi32>, vector<16xi32>, vector<16xi32>], vector<16xf32>, vector<16xi1>
      %scan3A_571 = arith.constant 0 : i32
      scf.yield %scan3A_571 : i32
    }
    %scan3A_95 = arith.constant 4 : i32
    %dma_start3A_96 = arith.constant 60 : i32
    %dma_start3A_97 = arith.constant 0 : i32
    %dma_start3A_98 = arith.constant 0 : i32
    %dma_start3A_99 = tpu.memref_slice %arg4[%dma_start3A_96, %mul3A_4, %dma_start3A_97, %dma_start3A_98] : memref<125x128x8x128xf32, #tpu.memory_space<hbm>> -> memref<15x4x8x128xf32, #tpu.memory_space<hbm>>
    %dma_start3A_100 = arith.constant 60 : i32
    %dma_start3A_101 = arith.constant 0 : i32
    %dma_start3A_102 = arith.constant 0 : i32
    %dma_start3A_103 = tpu.memref_slice %arg4[%dma_start3A_100, %mul3A_4, %dma_start3A_101, %dma_start3A_102] : memref<125x128x8x128xf32, #tpu.memory_space<hbm>> -> memref<15x4x8x128xf32, #tpu.memory_space<hbm>>
    tpu.enqueue_dma source(%arg6 : memref<15x4x8x128xf32, #tpu.memory_space<vmem>>) target(%dma_start3A_103 : memref<15x4x8x128xf32, #tpu.memory_space<hbm>>) target_semaphore(%arg8 : memref<!tpu.dma_semaphore, #tpu.memory_space<semaphore_mem>>)
    %dma_wait3A_104 = arith.constant 45 : i32
    %dma_wait3A_105 = arith.constant 0 : i32
    %dma_wait3A_106 = arith.constant 0 : i32
    %dma_wait3A_107 = tpu.memref_slice %arg4[%dma_wait3A_104, %mul3A_4, %dma_wait3A_105, %dma_wait3A_106] : memref<125x128x8x128xf32, #tpu.memory_space<hbm>> -> memref<15x4x8x128xf32, #tpu.memory_space<hbm>>
    %dma_wait3A_108 = arith.constant 45 : i32
    %dma_wait3A_109 = arith.constant 0 : i32
    %dma_wait3A_110 = arith.constant 0 : i32
    %dma_wait3A_111 = tpu.memref_slice %arg4[%dma_wait3A_108, %mul3A_4, %dma_wait3A_109, %dma_wait3A_110] : memref<125x128x8x128xf32, #tpu.memory_space<hbm>> -> memref<15x4x8x128xf32, #tpu.memory_space<hbm>>
    tpu.wait_dma2 semaphore(%arg9 : memref<!tpu.dma_semaphore, #tpu.memory_space<semaphore_mem>>) src(%arg7 : memref<15x4x8x128xf32, #tpu.memory_space<vmem>>) dst(%dma_wait3A_111 : memref<15x4x8x128xf32, #tpu.memory_space<hbm>>)
    %scan3A_112 = arith.constant 0 : i32
    %scan3A_113 = arith.constant 0 : i32
    %scan3A_114 = arith.constant 4 : i32
    %scan3A_115 = arith.addi %scan3A_113, %scan3A_114 : i32
    %scan3A_116 = arith.constant 1 : i32
    %scan3A_117 = scf.for %scan3A_232 = %scan3A_113 to %scan3A_115 step %scan3A_116 iter_args(%scan3A_233 = %scan3A_112) -> (i32)  : i32 {
      %mul3A_234 = arith.constant 8 : i32
      %mul3A_235 = arith.muli %scan3A_232, %mul3A_234 : i32
      %add3A_236 = arith.constant 0 : i32
      %add3A_237 = arith.addi %mul3A_235, %add3A_236 : i32
      %mul3A_238 = arith.constant 16 : i32
      %mul3A_239 = arith.muli %add3A_237, %mul3A_238 : i32
      %get3A = arith.index_cast %mul3A_239 : i32 to index
      %get3A_240 = tpu.vector_load %arg5[%get3A] {strides = array<i32>} : memref<512xi32, #tpu.memory_space<vmem>>, vector<16xi32>,
      %shift_right_logical3A = arith.constant 3 : i32
      %shift_right_logical3A_241 = vector.broadcast %shift_right_logical3A : i32 to vector<16xi32>
      %shift_right_logical3A_242 = arith.shrui %get3A_240, %shift_right_logical3A_241 : vector<16xi32>
      %and3A = arith.constant 7 : i32
      %and3A_243 = vector.broadcast %and3A : i32 to vector<16xi32>
      %and3A_244 = arith.andi %get3A_240, %and3A_243 : vector<16xi32>
      %shift_right_logical3A_245 = arith.constant 3 : i32
      %shift_right_logical3A_246 = arith.shrui %add3A_237, %shift_right_logical3A_245 : i32
      %broadcast_in_dim3A_247 = vector.broadcast %shift_right_logical3A_246 : i32 to vector<16xi32>
      %and3A_248 = arith.constant 7 : i32
      %and3A_249 = arith.andi %add3A_237, %and3A_248 : i32
      %shift_left3A = arith.constant 4 : i32
      %shift_left3A_250 = arith.shli %and3A_249, %shift_left3A : i32
      %add3A_251 = vector.broadcast %shift_left3A_250 : i32 to vector<16xi32>
      %add3A_252 = arith.addi %add3A_251, %iota3A : vector<16xi32>
      %ge3A = arith.constant 360 : i32
      %ge3A_253 = vector.broadcast %ge3A : i32 to vector<16xi32>
      %ge3A_254 = arith.cmpi sge, %get3A_240, %ge3A_253 : vector<16xi32>
      %lt3A = arith.constant 480 : i32
      %lt3A_255 = vector.broadcast %lt3A : i32 to vector<16xi32>
      %lt3A_256 = arith.cmpi slt, %get3A_240, %lt3A_255 : vector<16xi32>
      %and3A_257 = arith.andi %ge3A_254, %lt3A_256 : vector<16xi1>
      %sub3A = arith.constant 45 : i32
      %sub3A_258 = vector.broadcast %sub3A : i32 to vector<16xi32>
      %sub3A_259 = arith.subi %shift_right_logical3A_242, %sub3A_258 : vector<16xi32>
      tpu.vector_store_idx %arg7[%sub3A_259, %broadcast_in_dim3A_247, %and3A_244, %add3A_252], %broadcast_in_dim3A_7 masked %and3A_257 : memref<15x4x8x128xf32, #tpu.memory_space<vmem>>[vector<16xi32>, vector<16xi32>, vector<16xi32>, vector<16xi32>], vector<16xf32>, vector<16xi1>
      %ge3A_260 = arith.constant 600 : i32
      %ge3A_261 = vector.broadcast %ge3A_260 : i32 to vector<16xi32>
      %ge3A_262 = arith.cmpi sge, %get3A_240, %ge3A_261 : vector<16xi32>
      %lt3A_263 = arith.constant 720 : i32
      %lt3A_264 = vector.broadcast %lt3A_263 : i32 to vector<16xi32>
      %lt3A_265 = arith.cmpi slt, %get3A_240, %lt3A_264 : vector<16xi32>
      %and3A_266 = arith.andi %ge3A_262, %lt3A_265 : vector<16xi1>
      %sub3A_267 = arith.constant 75 : i32
      %sub3A_268 = vector.broadcast %sub3A_267 : i32 to vector<16xi32>
      %sub3A_269 = arith.subi %shift_right_logical3A_242, %sub3A_268 : vector<16xi32>
      tpu.vector_store_idx %arg7[%sub3A_269, %broadcast_in_dim3A_247, %and3A_244, %add3A_252], %broadcast_in_dim3A_5 masked %and3A_266 : memref<15x4x8x128xf32, #tpu.memory_space<vmem>>[vector<16xi32>, vector<16xi32>, vector<16xi32>, vector<16xi32>], vector<16xf32>, vector<16xi1>
      %mul3A_270 = arith.constant 8 : i32
      %mul3A_271 = arith.muli %scan3A_232, %mul3A_270 : i32
      %add3A_272 = arith.constant 1 : i32
      %add3A_273 = arith.addi %mul3A_271, %add3A_272 : i32
      %mul3A_274 = arith.constant 16 : i32
      %mul3A_275 = arith.muli %add3A_273, %mul3A_274 : i32
      %get3A_276 = arith.index_cast %mul3A_275 : i32 to index
      %get3A_277 = tpu.vector_load %arg5[%get3A_276] {strides = array<i32>} : memref<512xi32, #tpu.memory_space<vmem>>, vector<16xi32>,
      %shift_right_logical3A_278 = arith.constant 3 : i32
      %shift_right_logical3A_279 = vector.broadcast %shift_right_logical3A_278 : i32 to vector<16xi32>
      %shift_right_logical3A_280 = arith.shrui %get3A_277, %shift_right_logical3A_279 : vector<16xi32>
      %and3A_281 = arith.constant 7 : i32
      %and3A_282 = vector.broadcast %and3A_281 : i32 to vector<16xi32>
      %and3A_283 = arith.andi %get3A_277, %and3A_282 : vector<16xi32>
      %shift_right_logical3A_284 = arith.constant 3 : i32
      %shift_right_logical3A_285 = arith.shrui %add3A_273, %shift_right_logical3A_284 : i32
      %broadcast_in_dim3A_286 = vector.broadcast %shift_right_logical3A_285 : i32 to vector<16xi32>
      %and3A_287 = arith.constant 7 : i32
      %and3A_288 = arith.andi %add3A_273, %and3A_287 : i32
      %shift_left3A_289 = arith.constant 4 : i32
      %shift_left3A_290 = arith.shli %and3A_288, %shift_left3A_289 : i32
      %add3A_291 = vector.broadcast %shift_left3A_290 : i32 to vector<16xi32>
      %add3A_292 = arith.addi %add3A_291, %iota3A : vector<16xi32>
      %ge3A_293 = arith.constant 360 : i32
      %ge3A_294 = vector.broadcast %ge3A_293 : i32 to vector<16xi32>
      %ge3A_295 = arith.cmpi sge, %get3A_277, %ge3A_294 : vector<16xi32>
      %lt3A_296 = arith.constant 480 : i32
      %lt3A_297 = vector.broadcast %lt3A_296 : i32 to vector<16xi32>
      %lt3A_298 = arith.cmpi slt, %get3A_277, %lt3A_297 : vector<16xi32>
      %and3A_299 = arith.andi %ge3A_295, %lt3A_298 : vector<16xi1>
      %sub3A_300 = arith.constant 45 : i32
      %sub3A_301 = vector.broadcast %sub3A_300 : i32 to vector<16xi32>
      %sub3A_302 = arith.subi %shift_right_logical3A_280, %sub3A_301 : vector<16xi32>
      tpu.vector_store_idx %arg7[%sub3A_302, %broadcast_in_dim3A_286, %and3A_283, %add3A_292], %broadcast_in_dim3A_7 masked %and3A_299 : memref<15x4x8x128xf32, #tpu.memory_space<vmem>>[vector<16xi32>, vector<16xi32>, vector<16xi32>, vector<16xi32>], vector<16xf32>, vector<16xi1>
      %ge3A_303 = arith.constant 600 : i32
      %ge3A_304 = vector.broadcast %ge3A_303 : i32 to vector<16xi32>
      %ge3A_305 = arith.cmpi sge, %get3A_277, %ge3A_304 : vector<16xi32>
      %lt3A_306 = arith.constant 720 : i32
      %lt3A_307 = vector.broadcast %lt3A_306 : i32 to vector<16xi32>
      %lt3A_308 = arith.cmpi slt, %get3A_277, %lt3A_307 : vector<16xi32>
      %and3A_309 = arith.andi %ge3A_305, %lt3A_308 : vector<16xi1>
      %sub3A_310 = arith.constant 75 : i32
      %sub3A_311 = vector.broadcast %sub3A_310 : i32 to vector<16xi32>
      %sub3A_312 = arith.subi %shift_right_logical3A_280, %sub3A_311 : vector<16xi32>
      tpu.vector_store_idx %arg7[%sub3A_312, %broadcast_in_dim3A_286, %and3A_283, %add3A_292], %broadcast_in_dim3A_5 masked %and3A_309 : memref<15x4x8x128xf32, #tpu.memory_space<vmem>>[vector<16xi32>, vector<16xi32>, vector<16xi32>, vector<16xi32>], vector<16xf32>, vector<16xi1>
      %mul3A_313 = arith.constant 8 : i32
      %mul3A_314 = arith.muli %scan3A_232, %mul3A_313 : i32
      %add3A_315 = arith.constant 2 : i32
      %add3A_316 = arith.addi %mul3A_314, %add3A_315 : i32
      %mul3A_317 = arith.constant 16 : i32
      %mul3A_318 = arith.muli %add3A_316, %mul3A_317 : i32
      %get3A_319 = arith.index_cast %mul3A_318 : i32 to index
      %get3A_320 = tpu.vector_load %arg5[%get3A_319] {strides = array<i32>} : memref<512xi32, #tpu.memory_space<vmem>>, vector<16xi32>,
      %shift_right_logical3A_321 = arith.constant 3 : i32
      %shift_right_logical3A_322 = vector.broadcast %shift_right_logical3A_321 : i32 to vector<16xi32>
      %shift_right_logical3A_323 = arith.shrui %get3A_320, %shift_right_logical3A_322 : vector<16xi32>
      %and3A_324 = arith.constant 7 : i32
      %and3A_325 = vector.broadcast %and3A_324 : i32 to vector<16xi32>
      %and3A_326 = arith.andi %get3A_320, %and3A_325 : vector<16xi32>
      %shift_right_logical3A_327 = arith.constant 3 : i32
      %shift_right_logical3A_328 = arith.shrui %add3A_316, %shift_right_logical3A_327 : i32
      %broadcast_in_dim3A_329 = vector.broadcast %shift_right_logical3A_328 : i32 to vector<16xi32>
      %and3A_330 = arith.constant 7 : i32
      %and3A_331 = arith.andi %add3A_316, %and3A_330 : i32
      %shift_left3A_332 = arith.constant 4 : i32
      %shift_left3A_333 = arith.shli %and3A_331, %shift_left3A_332 : i32
      %add3A_334 = vector.broadcast %shift_left3A_333 : i32 to vector<16xi32>
      %add3A_335 = arith.addi %add3A_334, %iota3A : vector<16xi32>
      %ge3A_336 = arith.constant 360 : i32
      %ge3A_337 = vector.broadcast %ge3A_336 : i32 to vector<16xi32>
      %ge3A_338 = arith.cmpi sge, %get3A_320, %ge3A_337 : vector<16xi32>
      %lt3A_339 = arith.constant 480 : i32
      %lt3A_340 = vector.broadcast %lt3A_339 : i32 to vector<16xi32>
      %lt3A_341 = arith.cmpi slt, %get3A_320, %lt3A_340 : vector<16xi32>
      %and3A_342 = arith.andi %ge3A_338, %lt3A_341 : vector<16xi1>
      %sub3A_343 = arith.constant 45 : i32
      %sub3A_344 = vector.broadcast %sub3A_343 : i32 to vector<16xi32>
      %sub3A_345 = arith.subi %shift_right_logical3A_323, %sub3A_344 : vector<16xi32>
      tpu.vector_store_idx %arg7[%sub3A_345, %broadcast_in_dim3A_329, %and3A_326, %add3A_335], %broadcast_in_dim3A_7 masked %and3A_342 : memref<15x4x8x128xf32, #tpu.memory_space<vmem>>[vector<16xi32>, vector<16xi32>, vector<16xi32>, vector<16xi32>], vector<16xf32>, vector<16xi1>
      %ge3A_346 = arith.constant 600 : i32
      %ge3A_347 = vector.broadcast %ge3A_346 : i32 to vector<16xi32>
      %ge3A_348 = arith.cmpi sge, %get3A_320, %ge3A_347 : vector<16xi32>
      %lt3A_349 = arith.constant 720 : i32
      %lt3A_350 = vector.broadcast %lt3A_349 : i32 to vector<16xi32>
      %lt3A_351 = arith.cmpi slt, %get3A_320, %lt3A_350 : vector<16xi32>
      %and3A_352 = arith.andi %ge3A_348, %lt3A_351 : vector<16xi1>
      %sub3A_353 = arith.constant 75 : i32
      %sub3A_354 = vector.broadcast %sub3A_353 : i32 to vector<16xi32>
      %sub3A_355 = arith.subi %shift_right_logical3A_323, %sub3A_354 : vector<16xi32>
      tpu.vector_store_idx %arg7[%sub3A_355, %broadcast_in_dim3A_329, %and3A_326, %add3A_335], %broadcast_in_dim3A_5 masked %and3A_352 : memref<15x4x8x128xf32, #tpu.memory_space<vmem>>[vector<16xi32>, vector<16xi32>, vector<16xi32>, vector<16xi32>], vector<16xf32>, vector<16xi1>
      %mul3A_356 = arith.constant 8 : i32
      %mul3A_357 = arith.muli %scan3A_232, %mul3A_356 : i32
      %add3A_358 = arith.constant 3 : i32
      %add3A_359 = arith.addi %mul3A_357, %add3A_358 : i32
      %mul3A_360 = arith.constant 16 : i32
      %mul3A_361 = arith.muli %add3A_359, %mul3A_360 : i32
      %get3A_362 = arith.index_cast %mul3A_361 : i32 to index
      %get3A_363 = tpu.vector_load %arg5[%get3A_362] {strides = array<i32>} : memref<512xi32, #tpu.memory_space<vmem>>, vector<16xi32>,
      %shift_right_logical3A_364 = arith.constant 3 : i32
      %shift_right_logical3A_365 = vector.broadcast %shift_right_logical3A_364 : i32 to vector<16xi32>
      %shift_right_logical3A_366 = arith.shrui %get3A_363, %shift_right_logical3A_365 : vector<16xi32>
      %and3A_367 = arith.constant 7 : i32
      %and3A_368 = vector.broadcast %and3A_367 : i32 to vector<16xi32>
      %and3A_369 = arith.andi %get3A_363, %and3A_368 : vector<16xi32>
      %shift_right_logical3A_370 = arith.constant 3 : i32
      %shift_right_logical3A_371 = arith.shrui %add3A_359, %shift_right_logical3A_370 : i32
      %broadcast_in_dim3A_372 = vector.broadcast %shift_right_logical3A_371 : i32 to vector<16xi32>
      %and3A_373 = arith.constant 7 : i32
      %and3A_374 = arith.andi %add3A_359, %and3A_373 : i32
      %shift_left3A_375 = arith.constant 4 : i32
      %shift_left3A_376 = arith.shli %and3A_374, %shift_left3A_375 : i32
      %add3A_377 = vector.broadcast %shift_left3A_376 : i32 to vector<16xi32>
      %add3A_378 = arith.addi %add3A_377, %iota3A : vector<16xi32>
      %ge3A_379 = arith.constant 360 : i32
      %ge3A_380 = vector.broadcast %ge3A_379 : i32 to vector<16xi32>
      %ge3A_381 = arith.cmpi sge, %get3A_363, %ge3A_380 : vector<16xi32>
      %lt3A_382 = arith.constant 480 : i32
      %lt3A_383 = vector.broadcast %lt3A_382 : i32 to vector<16xi32>
      %lt3A_384 = arith.cmpi slt, %get3A_363, %lt3A_383 : vector<16xi32>
      %and3A_385 = arith.andi %ge3A_381, %lt3A_384 : vector<16xi1>
      %sub3A_386 = arith.constant 45 : i32
      %sub3A_387 = vector.broadcast %sub3A_386 : i32 to vector<16xi32>
      %sub3A_388 = arith.subi %shift_right_logical3A_366, %sub3A_387 : vector<16xi32>
      tpu.vector_store_idx %arg7[%sub3A_388, %broadcast_in_dim3A_372, %and3A_369, %add3A_378], %broadcast_in_dim3A_7 masked %and3A_385 : memref<15x4x8x128xf32, #tpu.memory_space<vmem>>[vector<16xi32>, vector<16xi32>, vector<16xi32>, vector<16xi32>], vector<16xf32>, vector<16xi1>
      %ge3A_389 = arith.constant 600 : i32
      %ge3A_390 = vector.broadcast %ge3A_389 : i32 to vector<16xi32>
      %ge3A_391 = arith.cmpi sge, %get3A_363, %ge3A_390 : vector<16xi32>
      %lt3A_392 = arith.constant 720 : i32
      %lt3A_393 = vector.broadcast %lt3A_392 : i32 to vector<16xi32>
      %lt3A_394 = arith.cmpi slt, %get3A_363, %lt3A_393 : vector<16xi32>
      %and3A_395 = arith.andi %ge3A_391, %lt3A_394 : vector<16xi1>
      %sub3A_396 = arith.constant 75 : i32
      %sub3A_397 = vector.broadcast %sub3A_396 : i32 to vector<16xi32>
      %sub3A_398 = arith.subi %shift_right_logical3A_366, %sub3A_397 : vector<16xi32>
      tpu.vector_store_idx %arg7[%sub3A_398, %broadcast_in_dim3A_372, %and3A_369, %add3A_378], %broadcast_in_dim3A_5 masked %and3A_395 : memref<15x4x8x128xf32, #tpu.memory_space<vmem>>[vector<16xi32>, vector<16xi32>, vector<16xi32>, vector<16xi32>], vector<16xf32>, vector<16xi1>
      %mul3A_399 = arith.constant 8 : i32
      %mul3A_400 = arith.muli %scan3A_232, %mul3A_399 : i32
      %add3A_401 = arith.constant 4 : i32
      %add3A_402 = arith.addi %mul3A_400, %add3A_401 : i32
      %mul3A_403 = arith.constant 16 : i32
      %mul3A_404 = arith.muli %add3A_402, %mul3A_403 : i32
      %get3A_405 = arith.index_cast %mul3A_404 : i32 to index
      %get3A_406 = tpu.vector_load %arg5[%get3A_405] {strides = array<i32>} : memref<512xi32, #tpu.memory_space<vmem>>, vector<16xi32>,
      %shift_right_logical3A_407 = arith.constant 3 : i32
      %shift_right_logical3A_408 = vector.broadcast %shift_right_logical3A_407 : i32 to vector<16xi32>
      %shift_right_logical3A_409 = arith.shrui %get3A_406, %shift_right_logical3A_408 : vector<16xi32>
      %and3A_410 = arith.constant 7 : i32
      %and3A_411 = vector.broadcast %and3A_410 : i32 to vector<16xi32>
      %and3A_412 = arith.andi %get3A_406, %and3A_411 : vector<16xi32>
      %shift_right_logical3A_413 = arith.constant 3 : i32
      %shift_right_logical3A_414 = arith.shrui %add3A_402, %shift_right_logical3A_413 : i32
      %broadcast_in_dim3A_415 = vector.broadcast %shift_right_logical3A_414 : i32 to vector<16xi32>
      %and3A_416 = arith.constant 7 : i32
      %and3A_417 = arith.andi %add3A_402, %and3A_416 : i32
      %shift_left3A_418 = arith.constant 4 : i32
      %shift_left3A_419 = arith.shli %and3A_417, %shift_left3A_418 : i32
      %add3A_420 = vector.broadcast %shift_left3A_419 : i32 to vector<16xi32>
      %add3A_421 = arith.addi %add3A_420, %iota3A : vector<16xi32>
      %ge3A_422 = arith.constant 360 : i32
      %ge3A_423 = vector.broadcast %ge3A_422 : i32 to vector<16xi32>
      %ge3A_424 = arith.cmpi sge, %get3A_406, %ge3A_423 : vector<16xi32>
      %lt3A_425 = arith.constant 480 : i32
      %lt3A_426 = vector.broadcast %lt3A_425 : i32 to vector<16xi32>
      %lt3A_427 = arith.cmpi slt, %get3A_406, %lt3A_426 : vector<16xi32>
      %and3A_428 = arith.andi %ge3A_424, %lt3A_427 : vector<16xi1>
      %sub3A_429 = arith.constant 45 : i32
      %sub3A_430 = vector.broadcast %sub3A_429 : i32 to vector<16xi32>
      %sub3A_431 = arith.subi %shift_right_logical3A_409, %sub3A_430 : vector<16xi32>
      tpu.vector_store_idx %arg7[%sub3A_431, %broadcast_in_dim3A_415, %and3A_412, %add3A_421], %broadcast_in_dim3A_7 masked %and3A_428 : memref<15x4x8x128xf32, #tpu.memory_space<vmem>>[vector<16xi32>, vector<16xi32>, vector<16xi32>, vector<16xi32>], vector<16xf32>, vector<16xi1>
      %ge3A_432 = arith.constant 600 : i32
      %ge3A_433 = vector.broadcast %ge3A_432 : i32 to vector<16xi32>
      %ge3A_434 = arith.cmpi sge, %get3A_406, %ge3A_433 : vector<16xi32>
      %lt3A_435 = arith.constant 720 : i32
      %lt3A_436 = vector.broadcast %lt3A_435 : i32 to vector<16xi32>
      %lt3A_437 = arith.cmpi slt, %get3A_406, %lt3A_436 : vector<16xi32>
      %and3A_438 = arith.andi %ge3A_434, %lt3A_437 : vector<16xi1>
      %sub3A_439 = arith.constant 75 : i32
      %sub3A_440 = vector.broadcast %sub3A_439 : i32 to vector<16xi32>
      %sub3A_441 = arith.subi %shift_right_logical3A_409, %sub3A_440 : vector<16xi32>
      tpu.vector_store_idx %arg7[%sub3A_441, %broadcast_in_dim3A_415, %and3A_412, %add3A_421], %broadcast_in_dim3A_5 masked %and3A_438 : memref<15x4x8x128xf32, #tpu.memory_space<vmem>>[vector<16xi32>, vector<16xi32>, vector<16xi32>, vector<16xi32>], vector<16xf32>, vector<16xi1>
      %mul3A_442 = arith.constant 8 : i32
      %mul3A_443 = arith.muli %scan3A_232, %mul3A_442 : i32
      %add3A_444 = arith.constant 5 : i32
      %add3A_445 = arith.addi %mul3A_443, %add3A_444 : i32
      %mul3A_446 = arith.constant 16 : i32
      %mul3A_447 = arith.muli %add3A_445, %mul3A_446 : i32
      %get3A_448 = arith.index_cast %mul3A_447 : i32 to index
      %get3A_449 = tpu.vector_load %arg5[%get3A_448] {strides = array<i32>} : memref<512xi32, #tpu.memory_space<vmem>>, vector<16xi32>,
      %shift_right_logical3A_450 = arith.constant 3 : i32
      %shift_right_logical3A_451 = vector.broadcast %shift_right_logical3A_450 : i32 to vector<16xi32>
      %shift_right_logical3A_452 = arith.shrui %get3A_449, %shift_right_logical3A_451 : vector<16xi32>
      %and3A_453 = arith.constant 7 : i32
      %and3A_454 = vector.broadcast %and3A_453 : i32 to vector<16xi32>
      %and3A_455 = arith.andi %get3A_449, %and3A_454 : vector<16xi32>
      %shift_right_logical3A_456 = arith.constant 3 : i32
      %shift_right_logical3A_457 = arith.shrui %add3A_445, %shift_right_logical3A_456 : i32
      %broadcast_in_dim3A_458 = vector.broadcast %shift_right_logical3A_457 : i32 to vector<16xi32>
      %and3A_459 = arith.constant 7 : i32
      %and3A_460 = arith.andi %add3A_445, %and3A_459 : i32
      %shift_left3A_461 = arith.constant 4 : i32
      %shift_left3A_462 = arith.shli %and3A_460, %shift_left3A_461 : i32
      %add3A_463 = vector.broadcast %shift_left3A_462 : i32 to vector<16xi32>
      %add3A_464 = arith.addi %add3A_463, %iota3A : vector<16xi32>
      %ge3A_465 = arith.constant 360 : i32
      %ge3A_466 = vector.broadcast %ge3A_465 : i32 to vector<16xi32>
      %ge3A_467 = arith.cmpi sge, %get3A_449, %ge3A_466 : vector<16xi32>
      %lt3A_468 = arith.constant 480 : i32
      %lt3A_469 = vector.broadcast %lt3A_468 : i32 to vector<16xi32>
      %lt3A_470 = arith.cmpi slt, %get3A_449, %lt3A_469 : vector<16xi32>
      %and3A_471 = arith.andi %ge3A_467, %lt3A_470 : vector<16xi1>
      %sub3A_472 = arith.constant 45 : i32
      %sub3A_473 = vector.broadcast %sub3A_472 : i32 to vector<16xi32>
      %sub3A_474 = arith.subi %shift_right_logical3A_452, %sub3A_473 : vector<16xi32>
      tpu.vector_store_idx %arg7[%sub3A_474, %broadcast_in_dim3A_458, %and3A_455, %add3A_464], %broadcast_in_dim3A_7 masked %and3A_471 : memref<15x4x8x128xf32, #tpu.memory_space<vmem>>[vector<16xi32>, vector<16xi32>, vector<16xi32>, vector<16xi32>], vector<16xf32>, vector<16xi1>
      %ge3A_475 = arith.constant 600 : i32
      %ge3A_476 = vector.broadcast %ge3A_475 : i32 to vector<16xi32>
      %ge3A_477 = arith.cmpi sge, %get3A_449, %ge3A_476 : vector<16xi32>
      %lt3A_478 = arith.constant 720 : i32
      %lt3A_479 = vector.broadcast %lt3A_478 : i32 to vector<16xi32>
      %lt3A_480 = arith.cmpi slt, %get3A_449, %lt3A_479 : vector<16xi32>
      %and3A_481 = arith.andi %ge3A_477, %lt3A_480 : vector<16xi1>
      %sub3A_482 = arith.constant 75 : i32
      %sub3A_483 = vector.broadcast %sub3A_482 : i32 to vector<16xi32>
      %sub3A_484 = arith.subi %shift_right_logical3A_452, %sub3A_483 : vector<16xi32>
      tpu.vector_store_idx %arg7[%sub3A_484, %broadcast_in_dim3A_458, %and3A_455, %add3A_464], %broadcast_in_dim3A_5 masked %and3A_481 : memref<15x4x8x128xf32, #tpu.memory_space<vmem>>[vector<16xi32>, vector<16xi32>, vector<16xi32>, vector<16xi32>], vector<16xf32>, vector<16xi1>
      %mul3A_485 = arith.constant 8 : i32
      %mul3A_486 = arith.muli %scan3A_232, %mul3A_485 : i32
      %add3A_487 = arith.constant 6 : i32
      %add3A_488 = arith.addi %mul3A_486, %add3A_487 : i32
      %mul3A_489 = arith.constant 16 : i32
      %mul3A_490 = arith.muli %add3A_488, %mul3A_489 : i32
      %get3A_491 = arith.index_cast %mul3A_490 : i32 to index
      %get3A_492 = tpu.vector_load %arg5[%get3A_491] {strides = array<i32>} : memref<512xi32, #tpu.memory_space<vmem>>, vector<16xi32>,
      %shift_right_logical3A_493 = arith.constant 3 : i32
      %shift_right_logical3A_494 = vector.broadcast %shift_right_logical3A_493 : i32 to vector<16xi32>
      %shift_right_logical3A_495 = arith.shrui %get3A_492, %shift_right_logical3A_494 : vector<16xi32>
      %and3A_496 = arith.constant 7 : i32
      %and3A_497 = vector.broadcast %and3A_496 : i32 to vector<16xi32>
      %and3A_498 = arith.andi %get3A_492, %and3A_497 : vector<16xi32>
      %shift_right_logical3A_499 = arith.constant 3 : i32
      %shift_right_logical3A_500 = arith.shrui %add3A_488, %shift_right_logical3A_499 : i32
      %broadcast_in_dim3A_501 = vector.broadcast %shift_right_logical3A_500 : i32 to vector<16xi32>
      %and3A_502 = arith.constant 7 : i32
      %and3A_503 = arith.andi %add3A_488, %and3A_502 : i32
      %shift_left3A_504 = arith.constant 4 : i32
      %shift_left3A_505 = arith.shli %and3A_503, %shift_left3A_504 : i32
      %add3A_506 = vector.broadcast %shift_left3A_505 : i32 to vector<16xi32>
      %add3A_507 = arith.addi %add3A_506, %iota3A : vector<16xi32>
      %ge3A_508 = arith.constant 360 : i32
      %ge3A_509 = vector.broadcast %ge3A_508 : i32 to vector<16xi32>
      %ge3A_510 = arith.cmpi sge, %get3A_492, %ge3A_509 : vector<16xi32>
      %lt3A_511 = arith.constant 480 : i32
      %lt3A_512 = vector.broadcast %lt3A_511 : i32 to vector<16xi32>
      %lt3A_513 = arith.cmpi slt, %get3A_492, %lt3A_512 : vector<16xi32>
      %and3A_514 = arith.andi %ge3A_510, %lt3A_513 : vector<16xi1>
      %sub3A_515 = arith.constant 45 : i32
      %sub3A_516 = vector.broadcast %sub3A_515 : i32 to vector<16xi32>
      %sub3A_517 = arith.subi %shift_right_logical3A_495, %sub3A_516 : vector<16xi32>
      tpu.vector_store_idx %arg7[%sub3A_517, %broadcast_in_dim3A_501, %and3A_498, %add3A_507], %broadcast_in_dim3A_7 masked %and3A_514 : memref<15x4x8x128xf32, #tpu.memory_space<vmem>>[vector<16xi32>, vector<16xi32>, vector<16xi32>, vector<16xi32>], vector<16xf32>, vector<16xi1>
      %ge3A_518 = arith.constant 600 : i32
      %ge3A_519 = vector.broadcast %ge3A_518 : i32 to vector<16xi32>
      %ge3A_520 = arith.cmpi sge, %get3A_492, %ge3A_519 : vector<16xi32>
      %lt3A_521 = arith.constant 720 : i32
      %lt3A_522 = vector.broadcast %lt3A_521 : i32 to vector<16xi32>
      %lt3A_523 = arith.cmpi slt, %get3A_492, %lt3A_522 : vector<16xi32>
      %and3A_524 = arith.andi %ge3A_520, %lt3A_523 : vector<16xi1>
      %sub3A_525 = arith.constant 75 : i32
      %sub3A_526 = vector.broadcast %sub3A_525 : i32 to vector<16xi32>
      %sub3A_527 = arith.subi %shift_right_logical3A_495, %sub3A_526 : vector<16xi32>
      tpu.vector_store_idx %arg7[%sub3A_527, %broadcast_in_dim3A_501, %and3A_498, %add3A_507], %broadcast_in_dim3A_5 masked %and3A_524 : memref<15x4x8x128xf32, #tpu.memory_space<vmem>>[vector<16xi32>, vector<16xi32>, vector<16xi32>, vector<16xi32>], vector<16xf32>, vector<16xi1>
      %mul3A_528 = arith.constant 8 : i32
      %mul3A_529 = arith.muli %scan3A_232, %mul3A_528 : i32
      %add3A_530 = arith.constant 7 : i32
      %add3A_531 = arith.addi %mul3A_529, %add3A_530 : i32
      %mul3A_532 = arith.constant 16 : i32
      %mul3A_533 = arith.muli %add3A_531, %mul3A_532 : i32
      %get3A_534 = arith.index_cast %mul3A_533 : i32 to index
      %get3A_535 = tpu.vector_load %arg5[%get3A_534] {strides = array<i32>} : memref<512xi32, #tpu.memory_space<vmem>>, vector<16xi32>,
      %shift_right_logical3A_536 = arith.constant 3 : i32
      %shift_right_logical3A_537 = vector.broadcast %shift_right_logical3A_536 : i32 to vector<16xi32>
      %shift_right_logical3A_538 = arith.shrui %get3A_535, %shift_right_logical3A_537 : vector<16xi32>
      %and3A_539 = arith.constant 7 : i32
      %and3A_540 = vector.broadcast %and3A_539 : i32 to vector<16xi32>
      %and3A_541 = arith.andi %get3A_535, %and3A_540 : vector<16xi32>
      %shift_right_logical3A_542 = arith.constant 3 : i32
      %shift_right_logical3A_543 = arith.shrui %add3A_531, %shift_right_logical3A_542 : i32
      %broadcast_in_dim3A_544 = vector.broadcast %shift_right_logical3A_543 : i32 to vector<16xi32>
      %and3A_545 = arith.constant 7 : i32
      %and3A_546 = arith.andi %add3A_531, %and3A_545 : i32
      %shift_left3A_547 = arith.constant 4 : i32
      %shift_left3A_548 = arith.shli %and3A_546, %shift_left3A_547 : i32
      %add3A_549 = vector.broadcast %shift_left3A_548 : i32 to vector<16xi32>
      %add3A_550 = arith.addi %add3A_549, %iota3A : vector<16xi32>
      %ge3A_551 = arith.constant 360 : i32
      %ge3A_552 = vector.broadcast %ge3A_551 : i32 to vector<16xi32>
      %ge3A_553 = arith.cmpi sge, %get3A_535, %ge3A_552 : vector<16xi32>
      %lt3A_554 = arith.constant 480 : i32
      %lt3A_555 = vector.broadcast %lt3A_554 : i32 to vector<16xi32>
      %lt3A_556 = arith.cmpi slt, %get3A_535, %lt3A_555 : vector<16xi32>
      %and3A_557 = arith.andi %ge3A_553, %lt3A_556 : vector<16xi1>
      %sub3A_558 = arith.constant 45 : i32
      %sub3A_559 = vector.broadcast %sub3A_558 : i32 to vector<16xi32>
      %sub3A_560 = arith.subi %shift_right_logical3A_538, %sub3A_559 : vector<16xi32>
      tpu.vector_store_idx %arg7[%sub3A_560, %broadcast_in_dim3A_544, %and3A_541, %add3A_550], %broadcast_in_dim3A_7 masked %and3A_557 : memref<15x4x8x128xf32, #tpu.memory_space<vmem>>[vector<16xi32>, vector<16xi32>, vector<16xi32>, vector<16xi32>], vector<16xf32>, vector<16xi1>
      %ge3A_561 = arith.constant 600 : i32
      %ge3A_562 = vector.broadcast %ge3A_561 : i32 to vector<16xi32>
      %ge3A_563 = arith.cmpi sge, %get3A_535, %ge3A_562 : vector<16xi32>
      %lt3A_564 = arith.constant 720 : i32
      %lt3A_565 = vector.broadcast %lt3A_564 : i32 to vector<16xi32>
      %lt3A_566 = arith.cmpi slt, %get3A_535, %lt3A_565 : vector<16xi32>
      %and3A_567 = arith.andi %ge3A_563, %lt3A_566 : vector<16xi1>
      %sub3A_568 = arith.constant 75 : i32
      %sub3A_569 = vector.broadcast %sub3A_568 : i32 to vector<16xi32>
      %sub3A_570 = arith.subi %shift_right_logical3A_538, %sub3A_569 : vector<16xi32>
      tpu.vector_store_idx %arg7[%sub3A_570, %broadcast_in_dim3A_544, %and3A_541, %add3A_550], %broadcast_in_dim3A_5 masked %and3A_567 : memref<15x4x8x128xf32, #tpu.memory_space<vmem>>[vector<16xi32>, vector<16xi32>, vector<16xi32>, vector<16xi32>], vector<16xf32>, vector<16xi1>
      %scan3A_571 = arith.constant 0 : i32
      scf.yield %scan3A_571 : i32
    }
    %scan3A_118 = arith.constant 4 : i32
    %dma_start3A_119 = arith.constant 75 : i32
    %dma_start3A_120 = arith.constant 0 : i32
    %dma_start3A_121 = arith.constant 0 : i32
    %dma_start3A_122 = tpu.memref_slice %arg4[%dma_start3A_119, %mul3A_4, %dma_start3A_120, %dma_start3A_121] : memref<125x128x8x128xf32, #tpu.memory_space<hbm>> -> memref<15x4x8x128xf32, #tpu.memory_space<hbm>>
    %dma_start3A_123 = arith.constant 75 : i32
    %dma_start3A_124 = arith.constant 0 : i32
    %dma_start3A_125 = arith.constant 0 : i32
    %dma_start3A_126 = tpu.memref_slice %arg4[%dma_start3A_123, %mul3A_4, %dma_start3A_124, %dma_start3A_125] : memref<125x128x8x128xf32, #tpu.memory_space<hbm>> -> memref<15x4x8x128xf32, #tpu.memory_space<hbm>>
    tpu.enqueue_dma source(%arg7 : memref<15x4x8x128xf32, #tpu.memory_space<vmem>>) target(%dma_start3A_126 : memref<15x4x8x128xf32, #tpu.memory_space<hbm>>) target_semaphore(%arg9 : memref<!tpu.dma_semaphore, #tpu.memory_space<semaphore_mem>>)
    %dma_wait3A_127 = arith.constant 60 : i32
    %dma_wait3A_128 = arith.constant 0 : i32
    %dma_wait3A_129 = arith.constant 0 : i32
    %dma_wait3A_130 = tpu.memref_slice %arg4[%dma_wait3A_127, %mul3A_4, %dma_wait3A_128, %dma_wait3A_129] : memref<125x128x8x128xf32, #tpu.memory_space<hbm>> -> memref<15x4x8x128xf32, #tpu.memory_space<hbm>>
    %dma_wait3A_131 = arith.constant 60 : i32
    %dma_wait3A_132 = arith.constant 0 : i32
    %dma_wait3A_133 = arith.constant 0 : i32
    %dma_wait3A_134 = tpu.memref_slice %arg4[%dma_wait3A_131, %mul3A_4, %dma_wait3A_132, %dma_wait3A_133] : memref<125x128x8x128xf32, #tpu.memory_space<hbm>> -> memref<15x4x8x128xf32, #tpu.memory_space<hbm>>
    tpu.wait_dma2 semaphore(%arg8 : memref<!tpu.dma_semaphore, #tpu.memory_space<semaphore_mem>>) src(%arg6 : memref<15x4x8x128xf32, #tpu.memory_space<vmem>>) dst(%dma_wait3A_134 : memref<15x4x8x128xf32, #tpu.memory_space<hbm>>)
    %scan3A_135 = arith.constant 0 : i32
    %scan3A_136 = arith.constant 0 : i32
    %scan3A_137 = arith.constant 4 : i32
    %scan3A_138 = arith.addi %scan3A_136, %scan3A_137 : i32
    %scan3A_139 = arith.constant 1 : i32
    %scan3A_140 = scf.for %scan3A_232 = %scan3A_136 to %scan3A_138 step %scan3A_139 iter_args(%scan3A_233 = %scan3A_135) -> (i32)  : i32 {
      %mul3A_234 = arith.constant 8 : i32
      %mul3A_235 = arith.muli %scan3A_232, %mul3A_234 : i32
      %add3A_236 = arith.constant 0 : i32
      %add3A_237 = arith.addi %mul3A_235, %add3A_236 : i32
      %mul3A_238 = arith.constant 16 : i32
      %mul3A_239 = arith.muli %add3A_237, %mul3A_238 : i32
      %get3A = arith.index_cast %mul3A_239 : i32 to index
      %get3A_240 = tpu.vector_load %arg5[%get3A] {strides = array<i32>} : memref<512xi32, #tpu.memory_space<vmem>>, vector<16xi32>,
      %shift_right_logical3A = arith.constant 3 : i32
      %shift_right_logical3A_241 = vector.broadcast %shift_right_logical3A : i32 to vector<16xi32>
      %shift_right_logical3A_242 = arith.shrui %get3A_240, %shift_right_logical3A_241 : vector<16xi32>
      %and3A = arith.constant 7 : i32
      %and3A_243 = vector.broadcast %and3A : i32 to vector<16xi32>
      %and3A_244 = arith.andi %get3A_240, %and3A_243 : vector<16xi32>
      %shift_right_logical3A_245 = arith.constant 3 : i32
      %shift_right_logical3A_246 = arith.shrui %add3A_237, %shift_right_logical3A_245 : i32
      %broadcast_in_dim3A_247 = vector.broadcast %shift_right_logical3A_246 : i32 to vector<16xi32>
      %and3A_248 = arith.constant 7 : i32
      %and3A_249 = arith.andi %add3A_237, %and3A_248 : i32
      %shift_left3A = arith.constant 4 : i32
      %shift_left3A_250 = arith.shli %and3A_249, %shift_left3A : i32
      %add3A_251 = vector.broadcast %shift_left3A_250 : i32 to vector<16xi32>
      %add3A_252 = arith.addi %add3A_251, %iota3A : vector<16xi32>
      %ge3A = arith.constant 480 : i32
      %ge3A_253 = vector.broadcast %ge3A : i32 to vector<16xi32>
      %ge3A_254 = arith.cmpi sge, %get3A_240, %ge3A_253 : vector<16xi32>
      %lt3A = arith.constant 600 : i32
      %lt3A_255 = vector.broadcast %lt3A : i32 to vector<16xi32>
      %lt3A_256 = arith.cmpi slt, %get3A_240, %lt3A_255 : vector<16xi32>
      %and3A_257 = arith.andi %ge3A_254, %lt3A_256 : vector<16xi1>
      %sub3A = arith.constant 60 : i32
      %sub3A_258 = vector.broadcast %sub3A : i32 to vector<16xi32>
      %sub3A_259 = arith.subi %shift_right_logical3A_242, %sub3A_258 : vector<16xi32>
      tpu.vector_store_idx %arg6[%sub3A_259, %broadcast_in_dim3A_247, %and3A_244, %add3A_252], %broadcast_in_dim3A_7 masked %and3A_257 : memref<15x4x8x128xf32, #tpu.memory_space<vmem>>[vector<16xi32>, vector<16xi32>, vector<16xi32>, vector<16xi32>], vector<16xf32>, vector<16xi1>
      %ge3A_260 = arith.constant 720 : i32
      %ge3A_261 = vector.broadcast %ge3A_260 : i32 to vector<16xi32>
      %ge3A_262 = arith.cmpi sge, %get3A_240, %ge3A_261 : vector<16xi32>
      %lt3A_263 = arith.constant 840 : i32
      %lt3A_264 = vector.broadcast %lt3A_263 : i32 to vector<16xi32>
      %lt3A_265 = arith.cmpi slt, %get3A_240, %lt3A_264 : vector<16xi32>
      %and3A_266 = arith.andi %ge3A_262, %lt3A_265 : vector<16xi1>
      %sub3A_267 = arith.constant 90 : i32
      %sub3A_268 = vector.broadcast %sub3A_267 : i32 to vector<16xi32>
      %sub3A_269 = arith.subi %shift_right_logical3A_242, %sub3A_268 : vector<16xi32>
      tpu.vector_store_idx %arg6[%sub3A_269, %broadcast_in_dim3A_247, %and3A_244, %add3A_252], %broadcast_in_dim3A_5 masked %and3A_266 : memref<15x4x8x128xf32, #tpu.memory_space<vmem>>[vector<16xi32>, vector<16xi32>, vector<16xi32>, vector<16xi32>], vector<16xf32>, vector<16xi1>
      %mul3A_270 = arith.constant 8 : i32
      %mul3A_271 = arith.muli %scan3A_232, %mul3A_270 : i32
      %add3A_272 = arith.constant 1 : i32
      %add3A_273 = arith.addi %mul3A_271, %add3A_272 : i32
      %mul3A_274 = arith.constant 16 : i32
      %mul3A_275 = arith.muli %add3A_273, %mul3A_274 : i32
      %get3A_276 = arith.index_cast %mul3A_275 : i32 to index
      %get3A_277 = tpu.vector_load %arg5[%get3A_276] {strides = array<i32>} : memref<512xi32, #tpu.memory_space<vmem>>, vector<16xi32>,
      %shift_right_logical3A_278 = arith.constant 3 : i32
      %shift_right_logical3A_279 = vector.broadcast %shift_right_logical3A_278 : i32 to vector<16xi32>
      %shift_right_logical3A_280 = arith.shrui %get3A_277, %shift_right_logical3A_279 : vector<16xi32>
      %and3A_281 = arith.constant 7 : i32
      %and3A_282 = vector.broadcast %and3A_281 : i32 to vector<16xi32>
      %and3A_283 = arith.andi %get3A_277, %and3A_282 : vector<16xi32>
      %shift_right_logical3A_284 = arith.constant 3 : i32
      %shift_right_logical3A_285 = arith.shrui %add3A_273, %shift_right_logical3A_284 : i32
      %broadcast_in_dim3A_286 = vector.broadcast %shift_right_logical3A_285 : i32 to vector<16xi32>
      %and3A_287 = arith.constant 7 : i32
      %and3A_288 = arith.andi %add3A_273, %and3A_287 : i32
      %shift_left3A_289 = arith.constant 4 : i32
      %shift_left3A_290 = arith.shli %and3A_288, %shift_left3A_289 : i32
      %add3A_291 = vector.broadcast %shift_left3A_290 : i32 to vector<16xi32>
      %add3A_292 = arith.addi %add3A_291, %iota3A : vector<16xi32>
      %ge3A_293 = arith.constant 480 : i32
      %ge3A_294 = vector.broadcast %ge3A_293 : i32 to vector<16xi32>
      %ge3A_295 = arith.cmpi sge, %get3A_277, %ge3A_294 : vector<16xi32>
      %lt3A_296 = arith.constant 600 : i32
      %lt3A_297 = vector.broadcast %lt3A_296 : i32 to vector<16xi32>
      %lt3A_298 = arith.cmpi slt, %get3A_277, %lt3A_297 : vector<16xi32>
      %and3A_299 = arith.andi %ge3A_295, %lt3A_298 : vector<16xi1>
      %sub3A_300 = arith.constant 60 : i32
      %sub3A_301 = vector.broadcast %sub3A_300 : i32 to vector<16xi32>
      %sub3A_302 = arith.subi %shift_right_logical3A_280, %sub3A_301 : vector<16xi32>
      tpu.vector_store_idx %arg6[%sub3A_302, %broadcast_in_dim3A_286, %and3A_283, %add3A_292], %broadcast_in_dim3A_7 masked %and3A_299 : memref<15x4x8x128xf32, #tpu.memory_space<vmem>>[vector<16xi32>, vector<16xi32>, vector<16xi32>, vector<16xi32>], vector<16xf32>, vector<16xi1>
      %ge3A_303 = arith.constant 720 : i32
      %ge3A_304 = vector.broadcast %ge3A_303 : i32 to vector<16xi32>
      %ge3A_305 = arith.cmpi sge, %get3A_277, %ge3A_304 : vector<16xi32>
      %lt3A_306 = arith.constant 840 : i32
      %lt3A_307 = vector.broadcast %lt3A_306 : i32 to vector<16xi32>
      %lt3A_308 = arith.cmpi slt, %get3A_277, %lt3A_307 : vector<16xi32>
      %and3A_309 = arith.andi %ge3A_305, %lt3A_308 : vector<16xi1>
      %sub3A_310 = arith.constant 90 : i32
      %sub3A_311 = vector.broadcast %sub3A_310 : i32 to vector<16xi32>
      %sub3A_312 = arith.subi %shift_right_logical3A_280, %sub3A_311 : vector<16xi32>
      tpu.vector_store_idx %arg6[%sub3A_312, %broadcast_in_dim3A_286, %and3A_283, %add3A_292], %broadcast_in_dim3A_5 masked %and3A_309 : memref<15x4x8x128xf32, #tpu.memory_space<vmem>>[vector<16xi32>, vector<16xi32>, vector<16xi32>, vector<16xi32>], vector<16xf32>, vector<16xi1>
      %mul3A_313 = arith.constant 8 : i32
      %mul3A_314 = arith.muli %scan3A_232, %mul3A_313 : i32
      %add3A_315 = arith.constant 2 : i32
      %add3A_316 = arith.addi %mul3A_314, %add3A_315 : i32
      %mul3A_317 = arith.constant 16 : i32
      %mul3A_318 = arith.muli %add3A_316, %mul3A_317 : i32
      %get3A_319 = arith.index_cast %mul3A_318 : i32 to index
      %get3A_320 = tpu.vector_load %arg5[%get3A_319] {strides = array<i32>} : memref<512xi32, #tpu.memory_space<vmem>>, vector<16xi32>,
      %shift_right_logical3A_321 = arith.constant 3 : i32
      %shift_right_logical3A_322 = vector.broadcast %shift_right_logical3A_321 : i32 to vector<16xi32>
      %shift_right_logical3A_323 = arith.shrui %get3A_320, %shift_right_logical3A_322 : vector<16xi32>
      %and3A_324 = arith.constant 7 : i32
      %and3A_325 = vector.broadcast %and3A_324 : i32 to vector<16xi32>
      %and3A_326 = arith.andi %get3A_320, %and3A_325 : vector<16xi32>
      %shift_right_logical3A_327 = arith.constant 3 : i32
      %shift_right_logical3A_328 = arith.shrui %add3A_316, %shift_right_logical3A_327 : i32
      %broadcast_in_dim3A_329 = vector.broadcast %shift_right_logical3A_328 : i32 to vector<16xi32>
      %and3A_330 = arith.constant 7 : i32
      %and3A_331 = arith.andi %add3A_316, %and3A_330 : i32
      %shift_left3A_332 = arith.constant 4 : i32
      %shift_left3A_333 = arith.shli %and3A_331, %shift_left3A_332 : i32
      %add3A_334 = vector.broadcast %shift_left3A_333 : i32 to vector<16xi32>
      %add3A_335 = arith.addi %add3A_334, %iota3A : vector<16xi32>
      %ge3A_336 = arith.constant 480 : i32
      %ge3A_337 = vector.broadcast %ge3A_336 : i32 to vector<16xi32>
      %ge3A_338 = arith.cmpi sge, %get3A_320, %ge3A_337 : vector<16xi32>
      %lt3A_339 = arith.constant 600 : i32
      %lt3A_340 = vector.broadcast %lt3A_339 : i32 to vector<16xi32>
      %lt3A_341 = arith.cmpi slt, %get3A_320, %lt3A_340 : vector<16xi32>
      %and3A_342 = arith.andi %ge3A_338, %lt3A_341 : vector<16xi1>
      %sub3A_343 = arith.constant 60 : i32
      %sub3A_344 = vector.broadcast %sub3A_343 : i32 to vector<16xi32>
      %sub3A_345 = arith.subi %shift_right_logical3A_323, %sub3A_344 : vector<16xi32>
      tpu.vector_store_idx %arg6[%sub3A_345, %broadcast_in_dim3A_329, %and3A_326, %add3A_335], %broadcast_in_dim3A_7 masked %and3A_342 : memref<15x4x8x128xf32, #tpu.memory_space<vmem>>[vector<16xi32>, vector<16xi32>, vector<16xi32>, vector<16xi32>], vector<16xf32>, vector<16xi1>
      %ge3A_346 = arith.constant 720 : i32
      %ge3A_347 = vector.broadcast %ge3A_346 : i32 to vector<16xi32>
      %ge3A_348 = arith.cmpi sge, %get3A_320, %ge3A_347 : vector<16xi32>
      %lt3A_349 = arith.constant 840 : i32
      %lt3A_350 = vector.broadcast %lt3A_349 : i32 to vector<16xi32>
      %lt3A_351 = arith.cmpi slt, %get3A_320, %lt3A_350 : vector<16xi32>
      %and3A_352 = arith.andi %ge3A_348, %lt3A_351 : vector<16xi1>
      %sub3A_353 = arith.constant 90 : i32
      %sub3A_354 = vector.broadcast %sub3A_353 : i32 to vector<16xi32>
      %sub3A_355 = arith.subi %shift_right_logical3A_323, %sub3A_354 : vector<16xi32>
      tpu.vector_store_idx %arg6[%sub3A_355, %broadcast_in_dim3A_329, %and3A_326, %add3A_335], %broadcast_in_dim3A_5 masked %and3A_352 : memref<15x4x8x128xf32, #tpu.memory_space<vmem>>[vector<16xi32>, vector<16xi32>, vector<16xi32>, vector<16xi32>], vector<16xf32>, vector<16xi1>
      %mul3A_356 = arith.constant 8 : i32
      %mul3A_357 = arith.muli %scan3A_232, %mul3A_356 : i32
      %add3A_358 = arith.constant 3 : i32
      %add3A_359 = arith.addi %mul3A_357, %add3A_358 : i32
      %mul3A_360 = arith.constant 16 : i32
      %mul3A_361 = arith.muli %add3A_359, %mul3A_360 : i32
      %get3A_362 = arith.index_cast %mul3A_361 : i32 to index
      %get3A_363 = tpu.vector_load %arg5[%get3A_362] {strides = array<i32>} : memref<512xi32, #tpu.memory_space<vmem>>, vector<16xi32>,
      %shift_right_logical3A_364 = arith.constant 3 : i32
      %shift_right_logical3A_365 = vector.broadcast %shift_right_logical3A_364 : i32 to vector<16xi32>
      %shift_right_logical3A_366 = arith.shrui %get3A_363, %shift_right_logical3A_365 : vector<16xi32>
      %and3A_367 = arith.constant 7 : i32
      %and3A_368 = vector.broadcast %and3A_367 : i32 to vector<16xi32>
      %and3A_369 = arith.andi %get3A_363, %and3A_368 : vector<16xi32>
      %shift_right_logical3A_370 = arith.constant 3 : i32
      %shift_right_logical3A_371 = arith.shrui %add3A_359, %shift_right_logical3A_370 : i32
      %broadcast_in_dim3A_372 = vector.broadcast %shift_right_logical3A_371 : i32 to vector<16xi32>
      %and3A_373 = arith.constant 7 : i32
      %and3A_374 = arith.andi %add3A_359, %and3A_373 : i32
      %shift_left3A_375 = arith.constant 4 : i32
      %shift_left3A_376 = arith.shli %and3A_374, %shift_left3A_375 : i32
      %add3A_377 = vector.broadcast %shift_left3A_376 : i32 to vector<16xi32>
      %add3A_378 = arith.addi %add3A_377, %iota3A : vector<16xi32>
      %ge3A_379 = arith.constant 480 : i32
      %ge3A_380 = vector.broadcast %ge3A_379 : i32 to vector<16xi32>
      %ge3A_381 = arith.cmpi sge, %get3A_363, %ge3A_380 : vector<16xi32>
      %lt3A_382 = arith.constant 600 : i32
      %lt3A_383 = vector.broadcast %lt3A_382 : i32 to vector<16xi32>
      %lt3A_384 = arith.cmpi slt, %get3A_363, %lt3A_383 : vector<16xi32>
      %and3A_385 = arith.andi %ge3A_381, %lt3A_384 : vector<16xi1>
      %sub3A_386 = arith.constant 60 : i32
      %sub3A_387 = vector.broadcast %sub3A_386 : i32 to vector<16xi32>
      %sub3A_388 = arith.subi %shift_right_logical3A_366, %sub3A_387 : vector<16xi32>
      tpu.vector_store_idx %arg6[%sub3A_388, %broadcast_in_dim3A_372, %and3A_369, %add3A_378], %broadcast_in_dim3A_7 masked %and3A_385 : memref<15x4x8x128xf32, #tpu.memory_space<vmem>>[vector<16xi32>, vector<16xi32>, vector<16xi32>, vector<16xi32>], vector<16xf32>, vector<16xi1>
      %ge3A_389 = arith.constant 720 : i32
      %ge3A_390 = vector.broadcast %ge3A_389 : i32 to vector<16xi32>
      %ge3A_391 = arith.cmpi sge, %get3A_363, %ge3A_390 : vector<16xi32>
      %lt3A_392 = arith.constant 840 : i32
      %lt3A_393 = vector.broadcast %lt3A_392 : i32 to vector<16xi32>
      %lt3A_394 = arith.cmpi slt, %get3A_363, %lt3A_393 : vector<16xi32>
      %and3A_395 = arith.andi %ge3A_391, %lt3A_394 : vector<16xi1>
      %sub3A_396 = arith.constant 90 : i32
      %sub3A_397 = vector.broadcast %sub3A_396 : i32 to vector<16xi32>
      %sub3A_398 = arith.subi %shift_right_logical3A_366, %sub3A_397 : vector<16xi32>
      tpu.vector_store_idx %arg6[%sub3A_398, %broadcast_in_dim3A_372, %and3A_369, %add3A_378], %broadcast_in_dim3A_5 masked %and3A_395 : memref<15x4x8x128xf32, #tpu.memory_space<vmem>>[vector<16xi32>, vector<16xi32>, vector<16xi32>, vector<16xi32>], vector<16xf32>, vector<16xi1>
      %mul3A_399 = arith.constant 8 : i32
      %mul3A_400 = arith.muli %scan3A_232, %mul3A_399 : i32
      %add3A_401 = arith.constant 4 : i32
      %add3A_402 = arith.addi %mul3A_400, %add3A_401 : i32
      %mul3A_403 = arith.constant 16 : i32
      %mul3A_404 = arith.muli %add3A_402, %mul3A_403 : i32
      %get3A_405 = arith.index_cast %mul3A_404 : i32 to index
      %get3A_406 = tpu.vector_load %arg5[%get3A_405] {strides = array<i32>} : memref<512xi32, #tpu.memory_space<vmem>>, vector<16xi32>,
      %shift_right_logical3A_407 = arith.constant 3 : i32
      %shift_right_logical3A_408 = vector.broadcast %shift_right_logical3A_407 : i32 to vector<16xi32>
      %shift_right_logical3A_409 = arith.shrui %get3A_406, %shift_right_logical3A_408 : vector<16xi32>
      %and3A_410 = arith.constant 7 : i32
      %and3A_411 = vector.broadcast %and3A_410 : i32 to vector<16xi32>
      %and3A_412 = arith.andi %get3A_406, %and3A_411 : vector<16xi32>
      %shift_right_logical3A_413 = arith.constant 3 : i32
      %shift_right_logical3A_414 = arith.shrui %add3A_402, %shift_right_logical3A_413 : i32
      %broadcast_in_dim3A_415 = vector.broadcast %shift_right_logical3A_414 : i32 to vector<16xi32>
      %and3A_416 = arith.constant 7 : i32
      %and3A_417 = arith.andi %add3A_402, %and3A_416 : i32
      %shift_left3A_418 = arith.constant 4 : i32
      %shift_left3A_419 = arith.shli %and3A_417, %shift_left3A_418 : i32
      %add3A_420 = vector.broadcast %shift_left3A_419 : i32 to vector<16xi32>
      %add3A_421 = arith.addi %add3A_420, %iota3A : vector<16xi32>
      %ge3A_422 = arith.constant 480 : i32
      %ge3A_423 = vector.broadcast %ge3A_422 : i32 to vector<16xi32>
      %ge3A_424 = arith.cmpi sge, %get3A_406, %ge3A_423 : vector<16xi32>
      %lt3A_425 = arith.constant 600 : i32
      %lt3A_426 = vector.broadcast %lt3A_425 : i32 to vector<16xi32>
      %lt3A_427 = arith.cmpi slt, %get3A_406, %lt3A_426 : vector<16xi32>
      %and3A_428 = arith.andi %ge3A_424, %lt3A_427 : vector<16xi1>
      %sub3A_429 = arith.constant 60 : i32
      %sub3A_430 = vector.broadcast %sub3A_429 : i32 to vector<16xi32>
      %sub3A_431 = arith.subi %shift_right_logical3A_409, %sub3A_430 : vector<16xi32>
      tpu.vector_store_idx %arg6[%sub3A_431, %broadcast_in_dim3A_415, %and3A_412, %add3A_421], %broadcast_in_dim3A_7 masked %and3A_428 : memref<15x4x8x128xf32, #tpu.memory_space<vmem>>[vector<16xi32>, vector<16xi32>, vector<16xi32>, vector<16xi32>], vector<16xf32>, vector<16xi1>
      %ge3A_432 = arith.constant 720 : i32
      %ge3A_433 = vector.broadcast %ge3A_432 : i32 to vector<16xi32>
      %ge3A_434 = arith.cmpi sge, %get3A_406, %ge3A_433 : vector<16xi32>
      %lt3A_435 = arith.constant 840 : i32
      %lt3A_436 = vector.broadcast %lt3A_435 : i32 to vector<16xi32>
      %lt3A_437 = arith.cmpi slt, %get3A_406, %lt3A_436 : vector<16xi32>
      %and3A_438 = arith.andi %ge3A_434, %lt3A_437 : vector<16xi1>
      %sub3A_439 = arith.constant 90 : i32
      %sub3A_440 = vector.broadcast %sub3A_439 : i32 to vector<16xi32>
      %sub3A_441 = arith.subi %shift_right_logical3A_409, %sub3A_440 : vector<16xi32>
      tpu.vector_store_idx %arg6[%sub3A_441, %broadcast_in_dim3A_415, %and3A_412, %add3A_421], %broadcast_in_dim3A_5 masked %and3A_438 : memref<15x4x8x128xf32, #tpu.memory_space<vmem>>[vector<16xi32>, vector<16xi32>, vector<16xi32>, vector<16xi32>], vector<16xf32>, vector<16xi1>
      %mul3A_442 = arith.constant 8 : i32
      %mul3A_443 = arith.muli %scan3A_232, %mul3A_442 : i32
      %add3A_444 = arith.constant 5 : i32
      %add3A_445 = arith.addi %mul3A_443, %add3A_444 : i32
      %mul3A_446 = arith.constant 16 : i32
      %mul3A_447 = arith.muli %add3A_445, %mul3A_446 : i32
      %get3A_448 = arith.index_cast %mul3A_447 : i32 to index
      %get3A_449 = tpu.vector_load %arg5[%get3A_448] {strides = array<i32>} : memref<512xi32, #tpu.memory_space<vmem>>, vector<16xi32>,
      %shift_right_logical3A_450 = arith.constant 3 : i32
      %shift_right_logical3A_451 = vector.broadcast %shift_right_logical3A_450 : i32 to vector<16xi32>
      %shift_right_logical3A_452 = arith.shrui %get3A_449, %shift_right_logical3A_451 : vector<16xi32>
      %and3A_453 = arith.constant 7 : i32
      %and3A_454 = vector.broadcast %and3A_453 : i32 to vector<16xi32>
      %and3A_455 = arith.andi %get3A_449, %and3A_454 : vector<16xi32>
      %shift_right_logical3A_456 = arith.constant 3 : i32
      %shift_right_logical3A_457 = arith.shrui %add3A_445, %shift_right_logical3A_456 : i32
      %broadcast_in_dim3A_458 = vector.broadcast %shift_right_logical3A_457 : i32 to vector<16xi32>
      %and3A_459 = arith.constant 7 : i32
      %and3A_460 = arith.andi %add3A_445, %and3A_459 : i32
      %shift_left3A_461 = arith.constant 4 : i32
      %shift_left3A_462 = arith.shli %and3A_460, %shift_left3A_461 : i32
      %add3A_463 = vector.broadcast %shift_left3A_462 : i32 to vector<16xi32>
      %add3A_464 = arith.addi %add3A_463, %iota3A : vector<16xi32>
      %ge3A_465 = arith.constant 480 : i32
      %ge3A_466 = vector.broadcast %ge3A_465 : i32 to vector<16xi32>
      %ge3A_467 = arith.cmpi sge, %get3A_449, %ge3A_466 : vector<16xi32>
      %lt3A_468 = arith.constant 600 : i32
      %lt3A_469 = vector.broadcast %lt3A_468 : i32 to vector<16xi32>
      %lt3A_470 = arith.cmpi slt, %get3A_449, %lt3A_469 : vector<16xi32>
      %and3A_471 = arith.andi %ge3A_467, %lt3A_470 : vector<16xi1>
      %sub3A_472 = arith.constant 60 : i32
      %sub3A_473 = vector.broadcast %sub3A_472 : i32 to vector<16xi32>
      %sub3A_474 = arith.subi %shift_right_logical3A_452, %sub3A_473 : vector<16xi32>
      tpu.vector_store_idx %arg6[%sub3A_474, %broadcast_in_dim3A_458, %and3A_455, %add3A_464], %broadcast_in_dim3A_7 masked %and3A_471 : memref<15x4x8x128xf32, #tpu.memory_space<vmem>>[vector<16xi32>, vector<16xi32>, vector<16xi32>, vector<16xi32>], vector<16xf32>, vector<16xi1>
      %ge3A_475 = arith.constant 720 : i32
      %ge3A_476 = vector.broadcast %ge3A_475 : i32 to vector<16xi32>
      %ge3A_477 = arith.cmpi sge, %get3A_449, %ge3A_476 : vector<16xi32>
      %lt3A_478 = arith.constant 840 : i32
      %lt3A_479 = vector.broadcast %lt3A_478 : i32 to vector<16xi32>
      %lt3A_480 = arith.cmpi slt, %get3A_449, %lt3A_479 : vector<16xi32>
      %and3A_481 = arith.andi %ge3A_477, %lt3A_480 : vector<16xi1>
      %sub3A_482 = arith.constant 90 : i32
      %sub3A_483 = vector.broadcast %sub3A_482 : i32 to vector<16xi32>
      %sub3A_484 = arith.subi %shift_right_logical3A_452, %sub3A_483 : vector<16xi32>
      tpu.vector_store_idx %arg6[%sub3A_484, %broadcast_in_dim3A_458, %and3A_455, %add3A_464], %broadcast_in_dim3A_5 masked %and3A_481 : memref<15x4x8x128xf32, #tpu.memory_space<vmem>>[vector<16xi32>, vector<16xi32>, vector<16xi32>, vector<16xi32>], vector<16xf32>, vector<16xi1>
      %mul3A_485 = arith.constant 8 : i32
      %mul3A_486 = arith.muli %scan3A_232, %mul3A_485 : i32
      %add3A_487 = arith.constant 6 : i32
      %add3A_488 = arith.addi %mul3A_486, %add3A_487 : i32
      %mul3A_489 = arith.constant 16 : i32
      %mul3A_490 = arith.muli %add3A_488, %mul3A_489 : i32
      %get3A_491 = arith.index_cast %mul3A_490 : i32 to index
      %get3A_492 = tpu.vector_load %arg5[%get3A_491] {strides = array<i32>} : memref<512xi32, #tpu.memory_space<vmem>>, vector<16xi32>,
      %shift_right_logical3A_493 = arith.constant 3 : i32
      %shift_right_logical3A_494 = vector.broadcast %shift_right_logical3A_493 : i32 to vector<16xi32>
      %shift_right_logical3A_495 = arith.shrui %get3A_492, %shift_right_logical3A_494 : vector<16xi32>
      %and3A_496 = arith.constant 7 : i32
      %and3A_497 = vector.broadcast %and3A_496 : i32 to vector<16xi32>
      %and3A_498 = arith.andi %get3A_492, %and3A_497 : vector<16xi32>
      %shift_right_logical3A_499 = arith.constant 3 : i32
      %shift_right_logical3A_500 = arith.shrui %add3A_488, %shift_right_logical3A_499 : i32
      %broadcast_in_dim3A_501 = vector.broadcast %shift_right_logical3A_500 : i32 to vector<16xi32>
      %and3A_502 = arith.constant 7 : i32
      %and3A_503 = arith.andi %add3A_488, %and3A_502 : i32
      %shift_left3A_504 = arith.constant 4 : i32
      %shift_left3A_505 = arith.shli %and3A_503, %shift_left3A_504 : i32
      %add3A_506 = vector.broadcast %shift_left3A_505 : i32 to vector<16xi32>
      %add3A_507 = arith.addi %add3A_506, %iota3A : vector<16xi32>
      %ge3A_508 = arith.constant 480 : i32
      %ge3A_509 = vector.broadcast %ge3A_508 : i32 to vector<16xi32>
      %ge3A_510 = arith.cmpi sge, %get3A_492, %ge3A_509 : vector<16xi32>
      %lt3A_511 = arith.constant 600 : i32
      %lt3A_512 = vector.broadcast %lt3A_511 : i32 to vector<16xi32>
      %lt3A_513 = arith.cmpi slt, %get3A_492, %lt3A_512 : vector<16xi32>
      %and3A_514 = arith.andi %ge3A_510, %lt3A_513 : vector<16xi1>
      %sub3A_515 = arith.constant 60 : i32
      %sub3A_516 = vector.broadcast %sub3A_515 : i32 to vector<16xi32>
      %sub3A_517 = arith.subi %shift_right_logical3A_495, %sub3A_516 : vector<16xi32>
      tpu.vector_store_idx %arg6[%sub3A_517, %broadcast_in_dim3A_501, %and3A_498, %add3A_507], %broadcast_in_dim3A_7 masked %and3A_514 : memref<15x4x8x128xf32, #tpu.memory_space<vmem>>[vector<16xi32>, vector<16xi32>, vector<16xi32>, vector<16xi32>], vector<16xf32>, vector<16xi1>
      %ge3A_518 = arith.constant 720 : i32
      %ge3A_519 = vector.broadcast %ge3A_518 : i32 to vector<16xi32>
      %ge3A_520 = arith.cmpi sge, %get3A_492, %ge3A_519 : vector<16xi32>
      %lt3A_521 = arith.constant 840 : i32
      %lt3A_522 = vector.broadcast %lt3A_521 : i32 to vector<16xi32>
      %lt3A_523 = arith.cmpi slt, %get3A_492, %lt3A_522 : vector<16xi32>
      %and3A_524 = arith.andi %ge3A_520, %lt3A_523 : vector<16xi1>
      %sub3A_525 = arith.constant 90 : i32
      %sub3A_526 = vector.broadcast %sub3A_525 : i32 to vector<16xi32>
      %sub3A_527 = arith.subi %shift_right_logical3A_495, %sub3A_526 : vector<16xi32>
      tpu.vector_store_idx %arg6[%sub3A_527, %broadcast_in_dim3A_501, %and3A_498, %add3A_507], %broadcast_in_dim3A_5 masked %and3A_524 : memref<15x4x8x128xf32, #tpu.memory_space<vmem>>[vector<16xi32>, vector<16xi32>, vector<16xi32>, vector<16xi32>], vector<16xf32>, vector<16xi1>
      %mul3A_528 = arith.constant 8 : i32
      %mul3A_529 = arith.muli %scan3A_232, %mul3A_528 : i32
      %add3A_530 = arith.constant 7 : i32
      %add3A_531 = arith.addi %mul3A_529, %add3A_530 : i32
      %mul3A_532 = arith.constant 16 : i32
      %mul3A_533 = arith.muli %add3A_531, %mul3A_532 : i32
      %get3A_534 = arith.index_cast %mul3A_533 : i32 to index
      %get3A_535 = tpu.vector_load %arg5[%get3A_534] {strides = array<i32>} : memref<512xi32, #tpu.memory_space<vmem>>, vector<16xi32>,
      %shift_right_logical3A_536 = arith.constant 3 : i32
      %shift_right_logical3A_537 = vector.broadcast %shift_right_logical3A_536 : i32 to vector<16xi32>
      %shift_right_logical3A_538 = arith.shrui %get3A_535, %shift_right_logical3A_537 : vector<16xi32>
      %and3A_539 = arith.constant 7 : i32
      %and3A_540 = vector.broadcast %and3A_539 : i32 to vector<16xi32>
      %and3A_541 = arith.andi %get3A_535, %and3A_540 : vector<16xi32>
      %shift_right_logical3A_542 = arith.constant 3 : i32
      %shift_right_logical3A_543 = arith.shrui %add3A_531, %shift_right_logical3A_542 : i32
      %broadcast_in_dim3A_544 = vector.broadcast %shift_right_logical3A_543 : i32 to vector<16xi32>
      %and3A_545 = arith.constant 7 : i32
      %and3A_546 = arith.andi %add3A_531, %and3A_545 : i32
      %shift_left3A_547 = arith.constant 4 : i32
      %shift_left3A_548 = arith.shli %and3A_546, %shift_left3A_547 : i32
      %add3A_549 = vector.broadcast %shift_left3A_548 : i32 to vector<16xi32>
      %add3A_550 = arith.addi %add3A_549, %iota3A : vector<16xi32>
      %ge3A_551 = arith.constant 480 : i32
      %ge3A_552 = vector.broadcast %ge3A_551 : i32 to vector<16xi32>
      %ge3A_553 = arith.cmpi sge, %get3A_535, %ge3A_552 : vector<16xi32>
      %lt3A_554 = arith.constant 600 : i32
      %lt3A_555 = vector.broadcast %lt3A_554 : i32 to vector<16xi32>
      %lt3A_556 = arith.cmpi slt, %get3A_535, %lt3A_555 : vector<16xi32>
      %and3A_557 = arith.andi %ge3A_553, %lt3A_556 : vector<16xi1>
      %sub3A_558 = arith.constant 60 : i32
      %sub3A_559 = vector.broadcast %sub3A_558 : i32 to vector<16xi32>
      %sub3A_560 = arith.subi %shift_right_logical3A_538, %sub3A_559 : vector<16xi32>
      tpu.vector_store_idx %arg6[%sub3A_560, %broadcast_in_dim3A_544, %and3A_541, %add3A_550], %broadcast_in_dim3A_7 masked %and3A_557 : memref<15x4x8x128xf32, #tpu.memory_space<vmem>>[vector<16xi32>, vector<16xi32>, vector<16xi32>, vector<16xi32>], vector<16xf32>, vector<16xi1>
      %ge3A_561 = arith.constant 720 : i32
      %ge3A_562 = vector.broadcast %ge3A_561 : i32 to vector<16xi32>
      %ge3A_563 = arith.cmpi sge, %get3A_535, %ge3A_562 : vector<16xi32>
      %lt3A_564 = arith.constant 840 : i32
      %lt3A_565 = vector.broadcast %lt3A_564 : i32 to vector<16xi32>
      %lt3A_566 = arith.cmpi slt, %get3A_535, %lt3A_565 : vector<16xi32>
      %and3A_567 = arith.andi %ge3A_563, %lt3A_566 : vector<16xi1>
      %sub3A_568 = arith.constant 90 : i32
      %sub3A_569 = vector.broadcast %sub3A_568 : i32 to vector<16xi32>
      %sub3A_570 = arith.subi %shift_right_logical3A_538, %sub3A_569 : vector<16xi32>
      tpu.vector_store_idx %arg6[%sub3A_570, %broadcast_in_dim3A_544, %and3A_541, %add3A_550], %broadcast_in_dim3A_5 masked %and3A_567 : memref<15x4x8x128xf32, #tpu.memory_space<vmem>>[vector<16xi32>, vector<16xi32>, vector<16xi32>, vector<16xi32>], vector<16xf32>, vector<16xi1>
      %scan3A_571 = arith.constant 0 : i32
      scf.yield %scan3A_571 : i32
    }
    %scan3A_141 = arith.constant 4 : i32
    %dma_start3A_142 = arith.constant 90 : i32
    %dma_start3A_143 = arith.constant 0 : i32
    %dma_start3A_144 = arith.constant 0 : i32
    %dma_start3A_145 = tpu.memref_slice %arg4[%dma_start3A_142, %mul3A_4, %dma_start3A_143, %dma_start3A_144] : memref<125x128x8x128xf32, #tpu.memory_space<hbm>> -> memref<15x4x8x128xf32, #tpu.memory_space<hbm>>
    %dma_start3A_146 = arith.constant 90 : i32
    %dma_start3A_147 = arith.constant 0 : i32
    %dma_start3A_148 = arith.constant 0 : i32
    %dma_start3A_149 = tpu.memref_slice %arg4[%dma_start3A_146, %mul3A_4, %dma_start3A_147, %dma_start3A_148] : memref<125x128x8x128xf32, #tpu.memory_space<hbm>> -> memref<15x4x8x128xf32, #tpu.memory_space<hbm>>
    tpu.enqueue_dma source(%arg6 : memref<15x4x8x128xf32, #tpu.memory_space<vmem>>) target(%dma_start3A_149 : memref<15x4x8x128xf32, #tpu.memory_space<hbm>>) target_semaphore(%arg8 : memref<!tpu.dma_semaphore, #tpu.memory_space<semaphore_mem>>)
    %dma_wait3A_150 = arith.constant 75 : i32
    %dma_wait3A_151 = arith.constant 0 : i32
    %dma_wait3A_152 = arith.constant 0 : i32
    %dma_wait3A_153 = tpu.memref_slice %arg4[%dma_wait3A_150, %mul3A_4, %dma_wait3A_151, %dma_wait3A_152] : memref<125x128x8x128xf32, #tpu.memory_space<hbm>> -> memref<15x4x8x128xf32, #tpu.memory_space<hbm>>
    %dma_wait3A_154 = arith.constant 75 : i32
    %dma_wait3A_155 = arith.constant 0 : i32
    %dma_wait3A_156 = arith.constant 0 : i32
    %dma_wait3A_157 = tpu.memref_slice %arg4[%dma_wait3A_154, %mul3A_4, %dma_wait3A_155, %dma_wait3A_156] : memref<125x128x8x128xf32, #tpu.memory_space<hbm>> -> memref<15x4x8x128xf32, #tpu.memory_space<hbm>>
    tpu.wait_dma2 semaphore(%arg9 : memref<!tpu.dma_semaphore, #tpu.memory_space<semaphore_mem>>) src(%arg7 : memref<15x4x8x128xf32, #tpu.memory_space<vmem>>) dst(%dma_wait3A_157 : memref<15x4x8x128xf32, #tpu.memory_space<hbm>>)
    %scan3A_158 = arith.constant 0 : i32
    %scan3A_159 = arith.constant 0 : i32
    %scan3A_160 = arith.constant 4 : i32
    %scan3A_161 = arith.addi %scan3A_159, %scan3A_160 : i32
    %scan3A_162 = arith.constant 1 : i32
    %scan3A_163 = scf.for %scan3A_232 = %scan3A_159 to %scan3A_161 step %scan3A_162 iter_args(%scan3A_233 = %scan3A_158) -> (i32)  : i32 {
      %mul3A_234 = arith.constant 8 : i32
      %mul3A_235 = arith.muli %scan3A_232, %mul3A_234 : i32
      %add3A_236 = arith.constant 0 : i32
      %add3A_237 = arith.addi %mul3A_235, %add3A_236 : i32
      %mul3A_238 = arith.constant 16 : i32
      %mul3A_239 = arith.muli %add3A_237, %mul3A_238 : i32
      %get3A = arith.index_cast %mul3A_239 : i32 to index
      %get3A_240 = tpu.vector_load %arg5[%get3A] {strides = array<i32>} : memref<512xi32, #tpu.memory_space<vmem>>, vector<16xi32>,
      %shift_right_logical3A = arith.constant 3 : i32
      %shift_right_logical3A_241 = vector.broadcast %shift_right_logical3A : i32 to vector<16xi32>
      %shift_right_logical3A_242 = arith.shrui %get3A_240, %shift_right_logical3A_241 : vector<16xi32>
      %and3A = arith.constant 7 : i32
      %and3A_243 = vector.broadcast %and3A : i32 to vector<16xi32>
      %and3A_244 = arith.andi %get3A_240, %and3A_243 : vector<16xi32>
      %shift_right_logical3A_245 = arith.constant 3 : i32
      %shift_right_logical3A_246 = arith.shrui %add3A_237, %shift_right_logical3A_245 : i32
      %broadcast_in_dim3A_247 = vector.broadcast %shift_right_logical3A_246 : i32 to vector<16xi32>
      %and3A_248 = arith.constant 7 : i32
      %and3A_249 = arith.andi %add3A_237, %and3A_248 : i32
      %shift_left3A = arith.constant 4 : i32
      %shift_left3A_250 = arith.shli %and3A_249, %shift_left3A : i32
      %add3A_251 = vector.broadcast %shift_left3A_250 : i32 to vector<16xi32>
      %add3A_252 = arith.addi %add3A_251, %iota3A : vector<16xi32>
      %ge3A = arith.constant 600 : i32
      %ge3A_253 = vector.broadcast %ge3A : i32 to vector<16xi32>
      %ge3A_254 = arith.cmpi sge, %get3A_240, %ge3A_253 : vector<16xi32>
      %lt3A = arith.constant 720 : i32
      %lt3A_255 = vector.broadcast %lt3A : i32 to vector<16xi32>
      %lt3A_256 = arith.cmpi slt, %get3A_240, %lt3A_255 : vector<16xi32>
      %and3A_257 = arith.andi %ge3A_254, %lt3A_256 : vector<16xi1>
      %sub3A = arith.constant 75 : i32
      %sub3A_258 = vector.broadcast %sub3A : i32 to vector<16xi32>
      %sub3A_259 = arith.subi %shift_right_logical3A_242, %sub3A_258 : vector<16xi32>
      tpu.vector_store_idx %arg7[%sub3A_259, %broadcast_in_dim3A_247, %and3A_244, %add3A_252], %broadcast_in_dim3A_7 masked %and3A_257 : memref<15x4x8x128xf32, #tpu.memory_space<vmem>>[vector<16xi32>, vector<16xi32>, vector<16xi32>, vector<16xi32>], vector<16xf32>, vector<16xi1>
      %ge3A_260 = arith.constant 840 : i32
      %ge3A_261 = vector.broadcast %ge3A_260 : i32 to vector<16xi32>
      %ge3A_262 = arith.cmpi sge, %get3A_240, %ge3A_261 : vector<16xi32>
      %lt3A_263 = arith.constant 960 : i32
      %lt3A_264 = vector.broadcast %lt3A_263 : i32 to vector<16xi32>
      %lt3A_265 = arith.cmpi slt, %get3A_240, %lt3A_264 : vector<16xi32>
      %and3A_266 = arith.andi %ge3A_262, %lt3A_265 : vector<16xi1>
      %sub3A_267 = arith.constant 105 : i32
      %sub3A_268 = vector.broadcast %sub3A_267 : i32 to vector<16xi32>
      %sub3A_269 = arith.subi %shift_right_logical3A_242, %sub3A_268 : vector<16xi32>
      tpu.vector_store_idx %arg7[%sub3A_269, %broadcast_in_dim3A_247, %and3A_244, %add3A_252], %broadcast_in_dim3A_5 masked %and3A_266 : memref<15x4x8x128xf32, #tpu.memory_space<vmem>>[vector<16xi32>, vector<16xi32>, vector<16xi32>, vector<16xi32>], vector<16xf32>, vector<16xi1>
      %mul3A_270 = arith.constant 8 : i32
      %mul3A_271 = arith.muli %scan3A_232, %mul3A_270 : i32
      %add3A_272 = arith.constant 1 : i32
      %add3A_273 = arith.addi %mul3A_271, %add3A_272 : i32
      %mul3A_274 = arith.constant 16 : i32
      %mul3A_275 = arith.muli %add3A_273, %mul3A_274 : i32
      %get3A_276 = arith.index_cast %mul3A_275 : i32 to index
      %get3A_277 = tpu.vector_load %arg5[%get3A_276] {strides = array<i32>} : memref<512xi32, #tpu.memory_space<vmem>>, vector<16xi32>,
      %shift_right_logical3A_278 = arith.constant 3 : i32
      %shift_right_logical3A_279 = vector.broadcast %shift_right_logical3A_278 : i32 to vector<16xi32>
      %shift_right_logical3A_280 = arith.shrui %get3A_277, %shift_right_logical3A_279 : vector<16xi32>
      %and3A_281 = arith.constant 7 : i32
      %and3A_282 = vector.broadcast %and3A_281 : i32 to vector<16xi32>
      %and3A_283 = arith.andi %get3A_277, %and3A_282 : vector<16xi32>
      %shift_right_logical3A_284 = arith.constant 3 : i32
      %shift_right_logical3A_285 = arith.shrui %add3A_273, %shift_right_logical3A_284 : i32
      %broadcast_in_dim3A_286 = vector.broadcast %shift_right_logical3A_285 : i32 to vector<16xi32>
      %and3A_287 = arith.constant 7 : i32
      %and3A_288 = arith.andi %add3A_273, %and3A_287 : i32
      %shift_left3A_289 = arith.constant 4 : i32
      %shift_left3A_290 = arith.shli %and3A_288, %shift_left3A_289 : i32
      %add3A_291 = vector.broadcast %shift_left3A_290 : i32 to vector<16xi32>
      %add3A_292 = arith.addi %add3A_291, %iota3A : vector<16xi32>
      %ge3A_293 = arith.constant 600 : i32
      %ge3A_294 = vector.broadcast %ge3A_293 : i32 to vector<16xi32>
      %ge3A_295 = arith.cmpi sge, %get3A_277, %ge3A_294 : vector<16xi32>
      %lt3A_296 = arith.constant 720 : i32
      %lt3A_297 = vector.broadcast %lt3A_296 : i32 to vector<16xi32>
      %lt3A_298 = arith.cmpi slt, %get3A_277, %lt3A_297 : vector<16xi32>
      %and3A_299 = arith.andi %ge3A_295, %lt3A_298 : vector<16xi1>
      %sub3A_300 = arith.constant 75 : i32
      %sub3A_301 = vector.broadcast %sub3A_300 : i32 to vector<16xi32>
      %sub3A_302 = arith.subi %shift_right_logical3A_280, %sub3A_301 : vector<16xi32>
      tpu.vector_store_idx %arg7[%sub3A_302, %broadcast_in_dim3A_286, %and3A_283, %add3A_292], %broadcast_in_dim3A_7 masked %and3A_299 : memref<15x4x8x128xf32, #tpu.memory_space<vmem>>[vector<16xi32>, vector<16xi32>, vector<16xi32>, vector<16xi32>], vector<16xf32>, vector<16xi1>
      %ge3A_303 = arith.constant 840 : i32
      %ge3A_304 = vector.broadcast %ge3A_303 : i32 to vector<16xi32>
      %ge3A_305 = arith.cmpi sge, %get3A_277, %ge3A_304 : vector<16xi32>
      %lt3A_306 = arith.constant 960 : i32
      %lt3A_307 = vector.broadcast %lt3A_306 : i32 to vector<16xi32>
      %lt3A_308 = arith.cmpi slt, %get3A_277, %lt3A_307 : vector<16xi32>
      %and3A_309 = arith.andi %ge3A_305, %lt3A_308 : vector<16xi1>
      %sub3A_310 = arith.constant 105 : i32
      %sub3A_311 = vector.broadcast %sub3A_310 : i32 to vector<16xi32>
      %sub3A_312 = arith.subi %shift_right_logical3A_280, %sub3A_311 : vector<16xi32>
      tpu.vector_store_idx %arg7[%sub3A_312, %broadcast_in_dim3A_286, %and3A_283, %add3A_292], %broadcast_in_dim3A_5 masked %and3A_309 : memref<15x4x8x128xf32, #tpu.memory_space<vmem>>[vector<16xi32>, vector<16xi32>, vector<16xi32>, vector<16xi32>], vector<16xf32>, vector<16xi1>
      %mul3A_313 = arith.constant 8 : i32
      %mul3A_314 = arith.muli %scan3A_232, %mul3A_313 : i32
      %add3A_315 = arith.constant 2 : i32
      %add3A_316 = arith.addi %mul3A_314, %add3A_315 : i32
      %mul3A_317 = arith.constant 16 : i32
      %mul3A_318 = arith.muli %add3A_316, %mul3A_317 : i32
      %get3A_319 = arith.index_cast %mul3A_318 : i32 to index
      %get3A_320 = tpu.vector_load %arg5[%get3A_319] {strides = array<i32>} : memref<512xi32, #tpu.memory_space<vmem>>, vector<16xi32>,
      %shift_right_logical3A_321 = arith.constant 3 : i32
      %shift_right_logical3A_322 = vector.broadcast %shift_right_logical3A_321 : i32 to vector<16xi32>
      %shift_right_logical3A_323 = arith.shrui %get3A_320, %shift_right_logical3A_322 : vector<16xi32>
      %and3A_324 = arith.constant 7 : i32
      %and3A_325 = vector.broadcast %and3A_324 : i32 to vector<16xi32>
      %and3A_326 = arith.andi %get3A_320, %and3A_325 : vector<16xi32>
      %shift_right_logical3A_327 = arith.constant 3 : i32
      %shift_right_logical3A_328 = arith.shrui %add3A_316, %shift_right_logical3A_327 : i32
      %broadcast_in_dim3A_329 = vector.broadcast %shift_right_logical3A_328 : i32 to vector<16xi32>
      %and3A_330 = arith.constant 7 : i32
      %and3A_331 = arith.andi %add3A_316, %and3A_330 : i32
      %shift_left3A_332 = arith.constant 4 : i32
      %shift_left3A_333 = arith.shli %and3A_331, %shift_left3A_332 : i32
      %add3A_334 = vector.broadcast %shift_left3A_333 : i32 to vector<16xi32>
      %add3A_335 = arith.addi %add3A_334, %iota3A : vector<16xi32>
      %ge3A_336 = arith.constant 600 : i32
      %ge3A_337 = vector.broadcast %ge3A_336 : i32 to vector<16xi32>
      %ge3A_338 = arith.cmpi sge, %get3A_320, %ge3A_337 : vector<16xi32>
      %lt3A_339 = arith.constant 720 : i32
      %lt3A_340 = vector.broadcast %lt3A_339 : i32 to vector<16xi32>
      %lt3A_341 = arith.cmpi slt, %get3A_320, %lt3A_340 : vector<16xi32>
      %and3A_342 = arith.andi %ge3A_338, %lt3A_341 : vector<16xi1>
      %sub3A_343 = arith.constant 75 : i32
      %sub3A_344 = vector.broadcast %sub3A_343 : i32 to vector<16xi32>
      %sub3A_345 = arith.subi %shift_right_logical3A_323, %sub3A_344 : vector<16xi32>
      tpu.vector_store_idx %arg7[%sub3A_345, %broadcast_in_dim3A_329, %and3A_326, %add3A_335], %broadcast_in_dim3A_7 masked %and3A_342 : memref<15x4x8x128xf32, #tpu.memory_space<vmem>>[vector<16xi32>, vector<16xi32>, vector<16xi32>, vector<16xi32>], vector<16xf32>, vector<16xi1>
      %ge3A_346 = arith.constant 840 : i32
      %ge3A_347 = vector.broadcast %ge3A_346 : i32 to vector<16xi32>
      %ge3A_348 = arith.cmpi sge, %get3A_320, %ge3A_347 : vector<16xi32>
      %lt3A_349 = arith.constant 960 : i32
      %lt3A_350 = vector.broadcast %lt3A_349 : i32 to vector<16xi32>
      %lt3A_351 = arith.cmpi slt, %get3A_320, %lt3A_350 : vector<16xi32>
      %and3A_352 = arith.andi %ge3A_348, %lt3A_351 : vector<16xi1>
      %sub3A_353 = arith.constant 105 : i32
      %sub3A_354 = vector.broadcast %sub3A_353 : i32 to vector<16xi32>
      %sub3A_355 = arith.subi %shift_right_logical3A_323, %sub3A_354 : vector<16xi32>
      tpu.vector_store_idx %arg7[%sub3A_355, %broadcast_in_dim3A_329, %and3A_326, %add3A_335], %broadcast_in_dim3A_5 masked %and3A_352 : memref<15x4x8x128xf32, #tpu.memory_space<vmem>>[vector<16xi32>, vector<16xi32>, vector<16xi32>, vector<16xi32>], vector<16xf32>, vector<16xi1>
      %mul3A_356 = arith.constant 8 : i32
      %mul3A_357 = arith.muli %scan3A_232, %mul3A_356 : i32
      %add3A_358 = arith.constant 3 : i32
      %add3A_359 = arith.addi %mul3A_357, %add3A_358 : i32
      %mul3A_360 = arith.constant 16 : i32
      %mul3A_361 = arith.muli %add3A_359, %mul3A_360 : i32
      %get3A_362 = arith.index_cast %mul3A_361 : i32 to index
      %get3A_363 = tpu.vector_load %arg5[%get3A_362] {strides = array<i32>} : memref<512xi32, #tpu.memory_space<vmem>>, vector<16xi32>,
      %shift_right_logical3A_364 = arith.constant 3 : i32
      %shift_right_logical3A_365 = vector.broadcast %shift_right_logical3A_364 : i32 to vector<16xi32>
      %shift_right_logical3A_366 = arith.shrui %get3A_363, %shift_right_logical3A_365 : vector<16xi32>
      %and3A_367 = arith.constant 7 : i32
      %and3A_368 = vector.broadcast %and3A_367 : i32 to vector<16xi32>
      %and3A_369 = arith.andi %get3A_363, %and3A_368 : vector<16xi32>
      %shift_right_logical3A_370 = arith.constant 3 : i32
      %shift_right_logical3A_371 = arith.shrui %add3A_359, %shift_right_logical3A_370 : i32
      %broadcast_in_dim3A_372 = vector.broadcast %shift_right_logical3A_371 : i32 to vector<16xi32>
      %and3A_373 = arith.constant 7 : i32
      %and3A_374 = arith.andi %add3A_359, %and3A_373 : i32
      %shift_left3A_375 = arith.constant 4 : i32
      %shift_left3A_376 = arith.shli %and3A_374, %shift_left3A_375 : i32
      %add3A_377 = vector.broadcast %shift_left3A_376 : i32 to vector<16xi32>
      %add3A_378 = arith.addi %add3A_377, %iota3A : vector<16xi32>
      %ge3A_379 = arith.constant 600 : i32
      %ge3A_380 = vector.broadcast %ge3A_379 : i32 to vector<16xi32>
      %ge3A_381 = arith.cmpi sge, %get3A_363, %ge3A_380 : vector<16xi32>
      %lt3A_382 = arith.constant 720 : i32
      %lt3A_383 = vector.broadcast %lt3A_382 : i32 to vector<16xi32>
      %lt3A_384 = arith.cmpi slt, %get3A_363, %lt3A_383 : vector<16xi32>
      %and3A_385 = arith.andi %ge3A_381, %lt3A_384 : vector<16xi1>
      %sub3A_386 = arith.constant 75 : i32
      %sub3A_387 = vector.broadcast %sub3A_386 : i32 to vector<16xi32>
      %sub3A_388 = arith.subi %shift_right_logical3A_366, %sub3A_387 : vector<16xi32>
      tpu.vector_store_idx %arg7[%sub3A_388, %broadcast_in_dim3A_372, %and3A_369, %add3A_378], %broadcast_in_dim3A_7 masked %and3A_385 : memref<15x4x8x128xf32, #tpu.memory_space<vmem>>[vector<16xi32>, vector<16xi32>, vector<16xi32>, vector<16xi32>], vector<16xf32>, vector<16xi1>
      %ge3A_389 = arith.constant 840 : i32
      %ge3A_390 = vector.broadcast %ge3A_389 : i32 to vector<16xi32>
      %ge3A_391 = arith.cmpi sge, %get3A_363, %ge3A_390 : vector<16xi32>
      %lt3A_392 = arith.constant 960 : i32
      %lt3A_393 = vector.broadcast %lt3A_392 : i32 to vector<16xi32>
      %lt3A_394 = arith.cmpi slt, %get3A_363, %lt3A_393 : vector<16xi32>
      %and3A_395 = arith.andi %ge3A_391, %lt3A_394 : vector<16xi1>
      %sub3A_396 = arith.constant 105 : i32
      %sub3A_397 = vector.broadcast %sub3A_396 : i32 to vector<16xi32>
      %sub3A_398 = arith.subi %shift_right_logical3A_366, %sub3A_397 : vector<16xi32>
      tpu.vector_store_idx %arg7[%sub3A_398, %broadcast_in_dim3A_372, %and3A_369, %add3A_378], %broadcast_in_dim3A_5 masked %and3A_395 : memref<15x4x8x128xf32, #tpu.memory_space<vmem>>[vector<16xi32>, vector<16xi32>, vector<16xi32>, vector<16xi32>], vector<16xf32>, vector<16xi1>
      %mul3A_399 = arith.constant 8 : i32
      %mul3A_400 = arith.muli %scan3A_232, %mul3A_399 : i32
      %add3A_401 = arith.constant 4 : i32
      %add3A_402 = arith.addi %mul3A_400, %add3A_401 : i32
      %mul3A_403 = arith.constant 16 : i32
      %mul3A_404 = arith.muli %add3A_402, %mul3A_403 : i32
      %get3A_405 = arith.index_cast %mul3A_404 : i32 to index
      %get3A_406 = tpu.vector_load %arg5[%get3A_405] {strides = array<i32>} : memref<512xi32, #tpu.memory_space<vmem>>, vector<16xi32>,
      %shift_right_logical3A_407 = arith.constant 3 : i32
      %shift_right_logical3A_408 = vector.broadcast %shift_right_logical3A_407 : i32 to vector<16xi32>
      %shift_right_logical3A_409 = arith.shrui %get3A_406, %shift_right_logical3A_408 : vector<16xi32>
      %and3A_410 = arith.constant 7 : i32
      %and3A_411 = vector.broadcast %and3A_410 : i32 to vector<16xi32>
      %and3A_412 = arith.andi %get3A_406, %and3A_411 : vector<16xi32>
      %shift_right_logical3A_413 = arith.constant 3 : i32
      %shift_right_logical3A_414 = arith.shrui %add3A_402, %shift_right_logical3A_413 : i32
      %broadcast_in_dim3A_415 = vector.broadcast %shift_right_logical3A_414 : i32 to vector<16xi32>
      %and3A_416 = arith.constant 7 : i32
      %and3A_417 = arith.andi %add3A_402, %and3A_416 : i32
      %shift_left3A_418 = arith.constant 4 : i32
      %shift_left3A_419 = arith.shli %and3A_417, %shift_left3A_418 : i32
      %add3A_420 = vector.broadcast %shift_left3A_419 : i32 to vector<16xi32>
      %add3A_421 = arith.addi %add3A_420, %iota3A : vector<16xi32>
      %ge3A_422 = arith.constant 600 : i32
      %ge3A_423 = vector.broadcast %ge3A_422 : i32 to vector<16xi32>
      %ge3A_424 = arith.cmpi sge, %get3A_406, %ge3A_423 : vector<16xi32>
      %lt3A_425 = arith.constant 720 : i32
      %lt3A_426 = vector.broadcast %lt3A_425 : i32 to vector<16xi32>
      %lt3A_427 = arith.cmpi slt, %get3A_406, %lt3A_426 : vector<16xi32>
      %and3A_428 = arith.andi %ge3A_424, %lt3A_427 : vector<16xi1>
      %sub3A_429 = arith.constant 75 : i32
      %sub3A_430 = vector.broadcast %sub3A_429 : i32 to vector<16xi32>
      %sub3A_431 = arith.subi %shift_right_logical3A_409, %sub3A_430 : vector<16xi32>
      tpu.vector_store_idx %arg7[%sub3A_431, %broadcast_in_dim3A_415, %and3A_412, %add3A_421], %broadcast_in_dim3A_7 masked %and3A_428 : memref<15x4x8x128xf32, #tpu.memory_space<vmem>>[vector<16xi32>, vector<16xi32>, vector<16xi32>, vector<16xi32>], vector<16xf32>, vector<16xi1>
      %ge3A_432 = arith.constant 840 : i32
      %ge3A_433 = vector.broadcast %ge3A_432 : i32 to vector<16xi32>
      %ge3A_434 = arith.cmpi sge, %get3A_406, %ge3A_433 : vector<16xi32>
      %lt3A_435 = arith.constant 960 : i32
      %lt3A_436 = vector.broadcast %lt3A_435 : i32 to vector<16xi32>
      %lt3A_437 = arith.cmpi slt, %get3A_406, %lt3A_436 : vector<16xi32>
      %and3A_438 = arith.andi %ge3A_434, %lt3A_437 : vector<16xi1>
      %sub3A_439 = arith.constant 105 : i32
      %sub3A_440 = vector.broadcast %sub3A_439 : i32 to vector<16xi32>
      %sub3A_441 = arith.subi %shift_right_logical3A_409, %sub3A_440 : vector<16xi32>
      tpu.vector_store_idx %arg7[%sub3A_441, %broadcast_in_dim3A_415, %and3A_412, %add3A_421], %broadcast_in_dim3A_5 masked %and3A_438 : memref<15x4x8x128xf32, #tpu.memory_space<vmem>>[vector<16xi32>, vector<16xi32>, vector<16xi32>, vector<16xi32>], vector<16xf32>, vector<16xi1>
      %mul3A_442 = arith.constant 8 : i32
      %mul3A_443 = arith.muli %scan3A_232, %mul3A_442 : i32
      %add3A_444 = arith.constant 5 : i32
      %add3A_445 = arith.addi %mul3A_443, %add3A_444 : i32
      %mul3A_446 = arith.constant 16 : i32
      %mul3A_447 = arith.muli %add3A_445, %mul3A_446 : i32
      %get3A_448 = arith.index_cast %mul3A_447 : i32 to index
      %get3A_449 = tpu.vector_load %arg5[%get3A_448] {strides = array<i32>} : memref<512xi32, #tpu.memory_space<vmem>>, vector<16xi32>,
      %shift_right_logical3A_450 = arith.constant 3 : i32
      %shift_right_logical3A_451 = vector.broadcast %shift_right_logical3A_450 : i32 to vector<16xi32>
      %shift_right_logical3A_452 = arith.shrui %get3A_449, %shift_right_logical3A_451 : vector<16xi32>
      %and3A_453 = arith.constant 7 : i32
      %and3A_454 = vector.broadcast %and3A_453 : i32 to vector<16xi32>
      %and3A_455 = arith.andi %get3A_449, %and3A_454 : vector<16xi32>
      %shift_right_logical3A_456 = arith.constant 3 : i32
      %shift_right_logical3A_457 = arith.shrui %add3A_445, %shift_right_logical3A_456 : i32
      %broadcast_in_dim3A_458 = vector.broadcast %shift_right_logical3A_457 : i32 to vector<16xi32>
      %and3A_459 = arith.constant 7 : i32
      %and3A_460 = arith.andi %add3A_445, %and3A_459 : i32
      %shift_left3A_461 = arith.constant 4 : i32
      %shift_left3A_462 = arith.shli %and3A_460, %shift_left3A_461 : i32
      %add3A_463 = vector.broadcast %shift_left3A_462 : i32 to vector<16xi32>
      %add3A_464 = arith.addi %add3A_463, %iota3A : vector<16xi32>
      %ge3A_465 = arith.constant 600 : i32
      %ge3A_466 = vector.broadcast %ge3A_465 : i32 to vector<16xi32>
      %ge3A_467 = arith.cmpi sge, %get3A_449, %ge3A_466 : vector<16xi32>
      %lt3A_468 = arith.constant 720 : i32
      %lt3A_469 = vector.broadcast %lt3A_468 : i32 to vector<16xi32>
      %lt3A_470 = arith.cmpi slt, %get3A_449, %lt3A_469 : vector<16xi32>
      %and3A_471 = arith.andi %ge3A_467, %lt3A_470 : vector<16xi1>
      %sub3A_472 = arith.constant 75 : i32
      %sub3A_473 = vector.broadcast %sub3A_472 : i32 to vector<16xi32>
      %sub3A_474 = arith.subi %shift_right_logical3A_452, %sub3A_473 : vector<16xi32>
      tpu.vector_store_idx %arg7[%sub3A_474, %broadcast_in_dim3A_458, %and3A_455, %add3A_464], %broadcast_in_dim3A_7 masked %and3A_471 : memref<15x4x8x128xf32, #tpu.memory_space<vmem>>[vector<16xi32>, vector<16xi32>, vector<16xi32>, vector<16xi32>], vector<16xf32>, vector<16xi1>
      %ge3A_475 = arith.constant 840 : i32
      %ge3A_476 = vector.broadcast %ge3A_475 : i32 to vector<16xi32>
      %ge3A_477 = arith.cmpi sge, %get3A_449, %ge3A_476 : vector<16xi32>
      %lt3A_478 = arith.constant 960 : i32
      %lt3A_479 = vector.broadcast %lt3A_478 : i32 to vector<16xi32>
      %lt3A_480 = arith.cmpi slt, %get3A_449, %lt3A_479 : vector<16xi32>
      %and3A_481 = arith.andi %ge3A_477, %lt3A_480 : vector<16xi1>
      %sub3A_482 = arith.constant 105 : i32
      %sub3A_483 = vector.broadcast %sub3A_482 : i32 to vector<16xi32>
      %sub3A_484 = arith.subi %shift_right_logical3A_452, %sub3A_483 : vector<16xi32>
      tpu.vector_store_idx %arg7[%sub3A_484, %broadcast_in_dim3A_458, %and3A_455, %add3A_464], %broadcast_in_dim3A_5 masked %and3A_481 : memref<15x4x8x128xf32, #tpu.memory_space<vmem>>[vector<16xi32>, vector<16xi32>, vector<16xi32>, vector<16xi32>], vector<16xf32>, vector<16xi1>
      %mul3A_485 = arith.constant 8 : i32
      %mul3A_486 = arith.muli %scan3A_232, %mul3A_485 : i32
      %add3A_487 = arith.constant 6 : i32
      %add3A_488 = arith.addi %mul3A_486, %add3A_487 : i32
      %mul3A_489 = arith.constant 16 : i32
      %mul3A_490 = arith.muli %add3A_488, %mul3A_489 : i32
      %get3A_491 = arith.index_cast %mul3A_490 : i32 to index
      %get3A_492 = tpu.vector_load %arg5[%get3A_491] {strides = array<i32>} : memref<512xi32, #tpu.memory_space<vmem>>, vector<16xi32>,
      %shift_right_logical3A_493 = arith.constant 3 : i32
      %shift_right_logical3A_494 = vector.broadcast %shift_right_logical3A_493 : i32 to vector<16xi32>
      %shift_right_logical3A_495 = arith.shrui %get3A_492, %shift_right_logical3A_494 : vector<16xi32>
      %and3A_496 = arith.constant 7 : i32
      %and3A_497 = vector.broadcast %and3A_496 : i32 to vector<16xi32>
      %and3A_498 = arith.andi %get3A_492, %and3A_497 : vector<16xi32>
      %shift_right_logical3A_499 = arith.constant 3 : i32
      %shift_right_logical3A_500 = arith.shrui %add3A_488, %shift_right_logical3A_499 : i32
      %broadcast_in_dim3A_501 = vector.broadcast %shift_right_logical3A_500 : i32 to vector<16xi32>
      %and3A_502 = arith.constant 7 : i32
      %and3A_503 = arith.andi %add3A_488, %and3A_502 : i32
      %shift_left3A_504 = arith.constant 4 : i32
      %shift_left3A_505 = arith.shli %and3A_503, %shift_left3A_504 : i32
      %add3A_506 = vector.broadcast %shift_left3A_505 : i32 to vector<16xi32>
      %add3A_507 = arith.addi %add3A_506, %iota3A : vector<16xi32>
      %ge3A_508 = arith.constant 600 : i32
      %ge3A_509 = vector.broadcast %ge3A_508 : i32 to vector<16xi32>
      %ge3A_510 = arith.cmpi sge, %get3A_492, %ge3A_509 : vector<16xi32>
      %lt3A_511 = arith.constant 720 : i32
      %lt3A_512 = vector.broadcast %lt3A_511 : i32 to vector<16xi32>
      %lt3A_513 = arith.cmpi slt, %get3A_492, %lt3A_512 : vector<16xi32>
      %and3A_514 = arith.andi %ge3A_510, %lt3A_513 : vector<16xi1>
      %sub3A_515 = arith.constant 75 : i32
      %sub3A_516 = vector.broadcast %sub3A_515 : i32 to vector<16xi32>
      %sub3A_517 = arith.subi %shift_right_logical3A_495, %sub3A_516 : vector<16xi32>
      tpu.vector_store_idx %arg7[%sub3A_517, %broadcast_in_dim3A_501, %and3A_498, %add3A_507], %broadcast_in_dim3A_7 masked %and3A_514 : memref<15x4x8x128xf32, #tpu.memory_space<vmem>>[vector<16xi32>, vector<16xi32>, vector<16xi32>, vector<16xi32>], vector<16xf32>, vector<16xi1>
      %ge3A_518 = arith.constant 840 : i32
      %ge3A_519 = vector.broadcast %ge3A_518 : i32 to vector<16xi32>
      %ge3A_520 = arith.cmpi sge, %get3A_492, %ge3A_519 : vector<16xi32>
      %lt3A_521 = arith.constant 960 : i32
      %lt3A_522 = vector.broadcast %lt3A_521 : i32 to vector<16xi32>
      %lt3A_523 = arith.cmpi slt, %get3A_492, %lt3A_522 : vector<16xi32>
      %and3A_524 = arith.andi %ge3A_520, %lt3A_523 : vector<16xi1>
      %sub3A_525 = arith.constant 105 : i32
      %sub3A_526 = vector.broadcast %sub3A_525 : i32 to vector<16xi32>
      %sub3A_527 = arith.subi %shift_right_logical3A_495, %sub3A_526 : vector<16xi32>
      tpu.vector_store_idx %arg7[%sub3A_527, %broadcast_in_dim3A_501, %and3A_498, %add3A_507], %broadcast_in_dim3A_5 masked %and3A_524 : memref<15x4x8x128xf32, #tpu.memory_space<vmem>>[vector<16xi32>, vector<16xi32>, vector<16xi32>, vector<16xi32>], vector<16xf32>, vector<16xi1>
      %mul3A_528 = arith.constant 8 : i32
      %mul3A_529 = arith.muli %scan3A_232, %mul3A_528 : i32
      %add3A_530 = arith.constant 7 : i32
      %add3A_531 = arith.addi %mul3A_529, %add3A_530 : i32
      %mul3A_532 = arith.constant 16 : i32
      %mul3A_533 = arith.muli %add3A_531, %mul3A_532 : i32
      %get3A_534 = arith.index_cast %mul3A_533 : i32 to index
      %get3A_535 = tpu.vector_load %arg5[%get3A_534] {strides = array<i32>} : memref<512xi32, #tpu.memory_space<vmem>>, vector<16xi32>,
      %shift_right_logical3A_536 = arith.constant 3 : i32
      %shift_right_logical3A_537 = vector.broadcast %shift_right_logical3A_536 : i32 to vector<16xi32>
      %shift_right_logical3A_538 = arith.shrui %get3A_535, %shift_right_logical3A_537 : vector<16xi32>
      %and3A_539 = arith.constant 7 : i32
      %and3A_540 = vector.broadcast %and3A_539 : i32 to vector<16xi32>
      %and3A_541 = arith.andi %get3A_535, %and3A_540 : vector<16xi32>
      %shift_right_logical3A_542 = arith.constant 3 : i32
      %shift_right_logical3A_543 = arith.shrui %add3A_531, %shift_right_logical3A_542 : i32
      %broadcast_in_dim3A_544 = vector.broadcast %shift_right_logical3A_543 : i32 to vector<16xi32>
      %and3A_545 = arith.constant 7 : i32
      %and3A_546 = arith.andi %add3A_531, %and3A_545 : i32
      %shift_left3A_547 = arith.constant 4 : i32
      %shift_left3A_548 = arith.shli %and3A_546, %shift_left3A_547 : i32
      %add3A_549 = vector.broadcast %shift_left3A_548 : i32 to vector<16xi32>
      %add3A_550 = arith.addi %add3A_549, %iota3A : vector<16xi32>
      %ge3A_551 = arith.constant 600 : i32
      %ge3A_552 = vector.broadcast %ge3A_551 : i32 to vector<16xi32>
      %ge3A_553 = arith.cmpi sge, %get3A_535, %ge3A_552 : vector<16xi32>
      %lt3A_554 = arith.constant 720 : i32
      %lt3A_555 = vector.broadcast %lt3A_554 : i32 to vector<16xi32>
      %lt3A_556 = arith.cmpi slt, %get3A_535, %lt3A_555 : vector<16xi32>
      %and3A_557 = arith.andi %ge3A_553, %lt3A_556 : vector<16xi1>
      %sub3A_558 = arith.constant 75 : i32
      %sub3A_559 = vector.broadcast %sub3A_558 : i32 to vector<16xi32>
      %sub3A_560 = arith.subi %shift_right_logical3A_538, %sub3A_559 : vector<16xi32>
      tpu.vector_store_idx %arg7[%sub3A_560, %broadcast_in_dim3A_544, %and3A_541, %add3A_550], %broadcast_in_dim3A_7 masked %and3A_557 : memref<15x4x8x128xf32, #tpu.memory_space<vmem>>[vector<16xi32>, vector<16xi32>, vector<16xi32>, vector<16xi32>], vector<16xf32>, vector<16xi1>
      %ge3A_561 = arith.constant 840 : i32
      %ge3A_562 = vector.broadcast %ge3A_561 : i32 to vector<16xi32>
      %ge3A_563 = arith.cmpi sge, %get3A_535, %ge3A_562 : vector<16xi32>
      %lt3A_564 = arith.constant 960 : i32
      %lt3A_565 = vector.broadcast %lt3A_564 : i32 to vector<16xi32>
      %lt3A_566 = arith.cmpi slt, %get3A_535, %lt3A_565 : vector<16xi32>
      %and3A_567 = arith.andi %ge3A_563, %lt3A_566 : vector<16xi1>
      %sub3A_568 = arith.constant 105 : i32
      %sub3A_569 = vector.broadcast %sub3A_568 : i32 to vector<16xi32>
      %sub3A_570 = arith.subi %shift_right_logical3A_538, %sub3A_569 : vector<16xi32>
      tpu.vector_store_idx %arg7[%sub3A_570, %broadcast_in_dim3A_544, %and3A_541, %add3A_550], %broadcast_in_dim3A_5 masked %and3A_567 : memref<15x4x8x128xf32, #tpu.memory_space<vmem>>[vector<16xi32>, vector<16xi32>, vector<16xi32>, vector<16xi32>], vector<16xf32>, vector<16xi1>
      %scan3A_571 = arith.constant 0 : i32
      scf.yield %scan3A_571 : i32
    }
    %scan3A_164 = arith.constant 4 : i32
    %dma_start3A_165 = arith.constant 105 : i32
    %dma_start3A_166 = arith.constant 0 : i32
    %dma_start3A_167 = arith.constant 0 : i32
    %dma_start3A_168 = tpu.memref_slice %arg4[%dma_start3A_165, %mul3A_4, %dma_start3A_166, %dma_start3A_167] : memref<125x128x8x128xf32, #tpu.memory_space<hbm>> -> memref<15x4x8x128xf32, #tpu.memory_space<hbm>>
    %dma_start3A_169 = arith.constant 105 : i32
    %dma_start3A_170 = arith.constant 0 : i32
    %dma_start3A_171 = arith.constant 0 : i32
    %dma_start3A_172 = tpu.memref_slice %arg4[%dma_start3A_169, %mul3A_4, %dma_start3A_170, %dma_start3A_171] : memref<125x128x8x128xf32, #tpu.memory_space<hbm>> -> memref<15x4x8x128xf32, #tpu.memory_space<hbm>>
    tpu.enqueue_dma source(%arg7 : memref<15x4x8x128xf32, #tpu.memory_space<vmem>>) target(%dma_start3A_172 : memref<15x4x8x128xf32, #tpu.memory_space<hbm>>) target_semaphore(%arg9 : memref<!tpu.dma_semaphore, #tpu.memory_space<semaphore_mem>>)
    %dma_wait3A_173 = arith.constant 90 : i32
    %dma_wait3A_174 = arith.constant 0 : i32
    %dma_wait3A_175 = arith.constant 0 : i32
    %dma_wait3A_176 = tpu.memref_slice %arg4[%dma_wait3A_173, %mul3A_4, %dma_wait3A_174, %dma_wait3A_175] : memref<125x128x8x128xf32, #tpu.memory_space<hbm>> -> memref<15x4x8x128xf32, #tpu.memory_space<hbm>>
    %dma_wait3A_177 = arith.constant 90 : i32
    %dma_wait3A_178 = arith.constant 0 : i32
    %dma_wait3A_179 = arith.constant 0 : i32
    %dma_wait3A_180 = tpu.memref_slice %arg4[%dma_wait3A_177, %mul3A_4, %dma_wait3A_178, %dma_wait3A_179] : memref<125x128x8x128xf32, #tpu.memory_space<hbm>> -> memref<15x4x8x128xf32, #tpu.memory_space<hbm>>
    tpu.wait_dma2 semaphore(%arg8 : memref<!tpu.dma_semaphore, #tpu.memory_space<semaphore_mem>>) src(%arg6 : memref<15x4x8x128xf32, #tpu.memory_space<vmem>>) dst(%dma_wait3A_180 : memref<15x4x8x128xf32, #tpu.memory_space<hbm>>)
    %scan3A_181 = arith.constant 0 : i32
    %scan3A_182 = arith.constant 0 : i32
    %scan3A_183 = arith.constant 4 : i32
    %scan3A_184 = arith.addi %scan3A_182, %scan3A_183 : i32
    %scan3A_185 = arith.constant 1 : i32
    %scan3A_186 = scf.for %scan3A_232 = %scan3A_182 to %scan3A_184 step %scan3A_185 iter_args(%scan3A_233 = %scan3A_181) -> (i32)  : i32 {
      %mul3A_234 = arith.constant 8 : i32
      %mul3A_235 = arith.muli %scan3A_232, %mul3A_234 : i32
      %add3A_236 = arith.constant 0 : i32
      %add3A_237 = arith.addi %mul3A_235, %add3A_236 : i32
      %mul3A_238 = arith.constant 16 : i32
      %mul3A_239 = arith.muli %add3A_237, %mul3A_238 : i32
      %get3A = arith.index_cast %mul3A_239 : i32 to index
      %get3A_240 = tpu.vector_load %arg5[%get3A] {strides = array<i32>} : memref<512xi32, #tpu.memory_space<vmem>>, vector<16xi32>,
      %shift_right_logical3A = arith.constant 3 : i32
      %shift_right_logical3A_241 = vector.broadcast %shift_right_logical3A : i32 to vector<16xi32>
      %shift_right_logical3A_242 = arith.shrui %get3A_240, %shift_right_logical3A_241 : vector<16xi32>
      %and3A = arith.constant 7 : i32
      %and3A_243 = vector.broadcast %and3A : i32 to vector<16xi32>
      %and3A_244 = arith.andi %get3A_240, %and3A_243 : vector<16xi32>
      %shift_right_logical3A_245 = arith.constant 3 : i32
      %shift_right_logical3A_246 = arith.shrui %add3A_237, %shift_right_logical3A_245 : i32
      %broadcast_in_dim3A_247 = vector.broadcast %shift_right_logical3A_246 : i32 to vector<16xi32>
      %and3A_248 = arith.constant 7 : i32
      %and3A_249 = arith.andi %add3A_237, %and3A_248 : i32
      %shift_left3A = arith.constant 4 : i32
      %shift_left3A_250 = arith.shli %and3A_249, %shift_left3A : i32
      %add3A_251 = vector.broadcast %shift_left3A_250 : i32 to vector<16xi32>
      %add3A_252 = arith.addi %add3A_251, %iota3A : vector<16xi32>
      %ge3A = arith.constant 720 : i32
      %ge3A_253 = vector.broadcast %ge3A : i32 to vector<16xi32>
      %ge3A_254 = arith.cmpi sge, %get3A_240, %ge3A_253 : vector<16xi32>
      %lt3A = arith.constant 840 : i32
      %lt3A_255 = vector.broadcast %lt3A : i32 to vector<16xi32>
      %lt3A_256 = arith.cmpi slt, %get3A_240, %lt3A_255 : vector<16xi32>
      %and3A_257 = arith.andi %ge3A_254, %lt3A_256 : vector<16xi1>
      %sub3A = arith.constant 90 : i32
      %sub3A_258 = vector.broadcast %sub3A : i32 to vector<16xi32>
      %sub3A_259 = arith.subi %shift_right_logical3A_242, %sub3A_258 : vector<16xi32>
      tpu.vector_store_idx %arg6[%sub3A_259, %broadcast_in_dim3A_247, %and3A_244, %add3A_252], %broadcast_in_dim3A_7 masked %and3A_257 : memref<15x4x8x128xf32, #tpu.memory_space<vmem>>[vector<16xi32>, vector<16xi32>, vector<16xi32>, vector<16xi32>], vector<16xf32>, vector<16xi1>
      %ge3A_260 = arith.constant 960 : i32
      %ge3A_261 = vector.broadcast %ge3A_260 : i32 to vector<16xi32>
      %ge3A_262 = arith.cmpi sge, %get3A_240, %ge3A_261 : vector<16xi32>
      %lt3A_263 = arith.constant 1000 : i32
      %lt3A_264 = vector.broadcast %lt3A_263 : i32 to vector<16xi32>
      %lt3A_265 = arith.cmpi slt, %get3A_240, %lt3A_264 : vector<16xi32>
      %and3A_266 = arith.andi %ge3A_262, %lt3A_265 : vector<16xi1>
      %sub3A_267 = arith.constant 120 : i32
      %sub3A_268 = vector.broadcast %sub3A_267 : i32 to vector<16xi32>
      %sub3A_269 = arith.subi %shift_right_logical3A_242, %sub3A_268 : vector<16xi32>
      tpu.vector_store_idx %arg6[%sub3A_269, %broadcast_in_dim3A_247, %and3A_244, %add3A_252], %broadcast_in_dim3A_5 masked %and3A_266 : memref<15x4x8x128xf32, #tpu.memory_space<vmem>>[vector<16xi32>, vector<16xi32>, vector<16xi32>, vector<16xi32>], vector<16xf32>, vector<16xi1>
      %mul3A_270 = arith.constant 8 : i32
      %mul3A_271 = arith.muli %scan3A_232, %mul3A_270 : i32
      %add3A_272 = arith.constant 1 : i32
      %add3A_273 = arith.addi %mul3A_271, %add3A_272 : i32
      %mul3A_274 = arith.constant 16 : i32
      %mul3A_275 = arith.muli %add3A_273, %mul3A_274 : i32
      %get3A_276 = arith.index_cast %mul3A_275 : i32 to index
      %get3A_277 = tpu.vector_load %arg5[%get3A_276] {strides = array<i32>} : memref<512xi32, #tpu.memory_space<vmem>>, vector<16xi32>,
      %shift_right_logical3A_278 = arith.constant 3 : i32
      %shift_right_logical3A_279 = vector.broadcast %shift_right_logical3A_278 : i32 to vector<16xi32>
      %shift_right_logical3A_280 = arith.shrui %get3A_277, %shift_right_logical3A_279 : vector<16xi32>
      %and3A_281 = arith.constant 7 : i32
      %and3A_282 = vector.broadcast %and3A_281 : i32 to vector<16xi32>
      %and3A_283 = arith.andi %get3A_277, %and3A_282 : vector<16xi32>
      %shift_right_logical3A_284 = arith.constant 3 : i32
      %shift_right_logical3A_285 = arith.shrui %add3A_273, %shift_right_logical3A_284 : i32
      %broadcast_in_dim3A_286 = vector.broadcast %shift_right_logical3A_285 : i32 to vector<16xi32>
      %and3A_287 = arith.constant 7 : i32
      %and3A_288 = arith.andi %add3A_273, %and3A_287 : i32
      %shift_left3A_289 = arith.constant 4 : i32
      %shift_left3A_290 = arith.shli %and3A_288, %shift_left3A_289 : i32
      %add3A_291 = vector.broadcast %shift_left3A_290 : i32 to vector<16xi32>
      %add3A_292 = arith.addi %add3A_291, %iota3A : vector<16xi32>
      %ge3A_293 = arith.constant 720 : i32
      %ge3A_294 = vector.broadcast %ge3A_293 : i32 to vector<16xi32>
      %ge3A_295 = arith.cmpi sge, %get3A_277, %ge3A_294 : vector<16xi32>
      %lt3A_296 = arith.constant 840 : i32
      %lt3A_297 = vector.broadcast %lt3A_296 : i32 to vector<16xi32>
      %lt3A_298 = arith.cmpi slt, %get3A_277, %lt3A_297 : vector<16xi32>
      %and3A_299 = arith.andi %ge3A_295, %lt3A_298 : vector<16xi1>
      %sub3A_300 = arith.constant 90 : i32
      %sub3A_301 = vector.broadcast %sub3A_300 : i32 to vector<16xi32>
      %sub3A_302 = arith.subi %shift_right_logical3A_280, %sub3A_301 : vector<16xi32>
      tpu.vector_store_idx %arg6[%sub3A_302, %broadcast_in_dim3A_286, %and3A_283, %add3A_292], %broadcast_in_dim3A_7 masked %and3A_299 : memref<15x4x8x128xf32, #tpu.memory_space<vmem>>[vector<16xi32>, vector<16xi32>, vector<16xi32>, vector<16xi32>], vector<16xf32>, vector<16xi1>
      %ge3A_303 = arith.constant 960 : i32
      %ge3A_304 = vector.broadcast %ge3A_303 : i32 to vector<16xi32>
      %ge3A_305 = arith.cmpi sge, %get3A_277, %ge3A_304 : vector<16xi32>
      %lt3A_306 = arith.constant 1000 : i32
      %lt3A_307 = vector.broadcast %lt3A_306 : i32 to vector<16xi32>
      %lt3A_308 = arith.cmpi slt, %get3A_277, %lt3A_307 : vector<16xi32>
      %and3A_309 = arith.andi %ge3A_305, %lt3A_308 : vector<16xi1>
      %sub3A_310 = arith.constant 120 : i32
      %sub3A_311 = vector.broadcast %sub3A_310 : i32 to vector<16xi32>
      %sub3A_312 = arith.subi %shift_right_logical3A_280, %sub3A_311 : vector<16xi32>
      tpu.vector_store_idx %arg6[%sub3A_312, %broadcast_in_dim3A_286, %and3A_283, %add3A_292], %broadcast_in_dim3A_5 masked %and3A_309 : memref<15x4x8x128xf32, #tpu.memory_space<vmem>>[vector<16xi32>, vector<16xi32>, vector<16xi32>, vector<16xi32>], vector<16xf32>, vector<16xi1>
      %mul3A_313 = arith.constant 8 : i32
      %mul3A_314 = arith.muli %scan3A_232, %mul3A_313 : i32
      %add3A_315 = arith.constant 2 : i32
      %add3A_316 = arith.addi %mul3A_314, %add3A_315 : i32
      %mul3A_317 = arith.constant 16 : i32
      %mul3A_318 = arith.muli %add3A_316, %mul3A_317 : i32
      %get3A_319 = arith.index_cast %mul3A_318 : i32 to index
      %get3A_320 = tpu.vector_load %arg5[%get3A_319] {strides = array<i32>} : memref<512xi32, #tpu.memory_space<vmem>>, vector<16xi32>,
      %shift_right_logical3A_321 = arith.constant 3 : i32
      %shift_right_logical3A_322 = vector.broadcast %shift_right_logical3A_321 : i32 to vector<16xi32>
      %shift_right_logical3A_323 = arith.shrui %get3A_320, %shift_right_logical3A_322 : vector<16xi32>
      %and3A_324 = arith.constant 7 : i32
      %and3A_325 = vector.broadcast %and3A_324 : i32 to vector<16xi32>
      %and3A_326 = arith.andi %get3A_320, %and3A_325 : vector<16xi32>
      %shift_right_logical3A_327 = arith.constant 3 : i32
      %shift_right_logical3A_328 = arith.shrui %add3A_316, %shift_right_logical3A_327 : i32
      %broadcast_in_dim3A_329 = vector.broadcast %shift_right_logical3A_328 : i32 to vector<16xi32>
      %and3A_330 = arith.constant 7 : i32
      %and3A_331 = arith.andi %add3A_316, %and3A_330 : i32
      %shift_left3A_332 = arith.constant 4 : i32
      %shift_left3A_333 = arith.shli %and3A_331, %shift_left3A_332 : i32
      %add3A_334 = vector.broadcast %shift_left3A_333 : i32 to vector<16xi32>
      %add3A_335 = arith.addi %add3A_334, %iota3A : vector<16xi32>
      %ge3A_336 = arith.constant 720 : i32
      %ge3A_337 = vector.broadcast %ge3A_336 : i32 to vector<16xi32>
      %ge3A_338 = arith.cmpi sge, %get3A_320, %ge3A_337 : vector<16xi32>
      %lt3A_339 = arith.constant 840 : i32
      %lt3A_340 = vector.broadcast %lt3A_339 : i32 to vector<16xi32>
      %lt3A_341 = arith.cmpi slt, %get3A_320, %lt3A_340 : vector<16xi32>
      %and3A_342 = arith.andi %ge3A_338, %lt3A_341 : vector<16xi1>
      %sub3A_343 = arith.constant 90 : i32
      %sub3A_344 = vector.broadcast %sub3A_343 : i32 to vector<16xi32>
      %sub3A_345 = arith.subi %shift_right_logical3A_323, %sub3A_344 : vector<16xi32>
      tpu.vector_store_idx %arg6[%sub3A_345, %broadcast_in_dim3A_329, %and3A_326, %add3A_335], %broadcast_in_dim3A_7 masked %and3A_342 : memref<15x4x8x128xf32, #tpu.memory_space<vmem>>[vector<16xi32>, vector<16xi32>, vector<16xi32>, vector<16xi32>], vector<16xf32>, vector<16xi1>
      %ge3A_346 = arith.constant 960 : i32
      %ge3A_347 = vector.broadcast %ge3A_346 : i32 to vector<16xi32>
      %ge3A_348 = arith.cmpi sge, %get3A_320, %ge3A_347 : vector<16xi32>
      %lt3A_349 = arith.constant 1000 : i32
      %lt3A_350 = vector.broadcast %lt3A_349 : i32 to vector<16xi32>
      %lt3A_351 = arith.cmpi slt, %get3A_320, %lt3A_350 : vector<16xi32>
      %and3A_352 = arith.andi %ge3A_348, %lt3A_351 : vector<16xi1>
      %sub3A_353 = arith.constant 120 : i32
      %sub3A_354 = vector.broadcast %sub3A_353 : i32 to vector<16xi32>
      %sub3A_355 = arith.subi %shift_right_logical3A_323, %sub3A_354 : vector<16xi32>
      tpu.vector_store_idx %arg6[%sub3A_355, %broadcast_in_dim3A_329, %and3A_326, %add3A_335], %broadcast_in_dim3A_5 masked %and3A_352 : memref<15x4x8x128xf32, #tpu.memory_space<vmem>>[vector<16xi32>, vector<16xi32>, vector<16xi32>, vector<16xi32>], vector<16xf32>, vector<16xi1>
      %mul3A_356 = arith.constant 8 : i32
      %mul3A_357 = arith.muli %scan3A_232, %mul3A_356 : i32
      %add3A_358 = arith.constant 3 : i32
      %add3A_359 = arith.addi %mul3A_357, %add3A_358 : i32
      %mul3A_360 = arith.constant 16 : i32
      %mul3A_361 = arith.muli %add3A_359, %mul3A_360 : i32
      %get3A_362 = arith.index_cast %mul3A_361 : i32 to index
      %get3A_363 = tpu.vector_load %arg5[%get3A_362] {strides = array<i32>} : memref<512xi32, #tpu.memory_space<vmem>>, vector<16xi32>,
      %shift_right_logical3A_364 = arith.constant 3 : i32
      %shift_right_logical3A_365 = vector.broadcast %shift_right_logical3A_364 : i32 to vector<16xi32>
      %shift_right_logical3A_366 = arith.shrui %get3A_363, %shift_right_logical3A_365 : vector<16xi32>
      %and3A_367 = arith.constant 7 : i32
      %and3A_368 = vector.broadcast %and3A_367 : i32 to vector<16xi32>
      %and3A_369 = arith.andi %get3A_363, %and3A_368 : vector<16xi32>
      %shift_right_logical3A_370 = arith.constant 3 : i32
      %shift_right_logical3A_371 = arith.shrui %add3A_359, %shift_right_logical3A_370 : i32
      %broadcast_in_dim3A_372 = vector.broadcast %shift_right_logical3A_371 : i32 to vector<16xi32>
      %and3A_373 = arith.constant 7 : i32
      %and3A_374 = arith.andi %add3A_359, %and3A_373 : i32
      %shift_left3A_375 = arith.constant 4 : i32
      %shift_left3A_376 = arith.shli %and3A_374, %shift_left3A_375 : i32
      %add3A_377 = vector.broadcast %shift_left3A_376 : i32 to vector<16xi32>
      %add3A_378 = arith.addi %add3A_377, %iota3A : vector<16xi32>
      %ge3A_379 = arith.constant 720 : i32
      %ge3A_380 = vector.broadcast %ge3A_379 : i32 to vector<16xi32>
      %ge3A_381 = arith.cmpi sge, %get3A_363, %ge3A_380 : vector<16xi32>
      %lt3A_382 = arith.constant 840 : i32
      %lt3A_383 = vector.broadcast %lt3A_382 : i32 to vector<16xi32>
      %lt3A_384 = arith.cmpi slt, %get3A_363, %lt3A_383 : vector<16xi32>
      %and3A_385 = arith.andi %ge3A_381, %lt3A_384 : vector<16xi1>
      %sub3A_386 = arith.constant 90 : i32
      %sub3A_387 = vector.broadcast %sub3A_386 : i32 to vector<16xi32>
      %sub3A_388 = arith.subi %shift_right_logical3A_366, %sub3A_387 : vector<16xi32>
      tpu.vector_store_idx %arg6[%sub3A_388, %broadcast_in_dim3A_372, %and3A_369, %add3A_378], %broadcast_in_dim3A_7 masked %and3A_385 : memref<15x4x8x128xf32, #tpu.memory_space<vmem>>[vector<16xi32>, vector<16xi32>, vector<16xi32>, vector<16xi32>], vector<16xf32>, vector<16xi1>
      %ge3A_389 = arith.constant 960 : i32
      %ge3A_390 = vector.broadcast %ge3A_389 : i32 to vector<16xi32>
      %ge3A_391 = arith.cmpi sge, %get3A_363, %ge3A_390 : vector<16xi32>
      %lt3A_392 = arith.constant 1000 : i32
      %lt3A_393 = vector.broadcast %lt3A_392 : i32 to vector<16xi32>
      %lt3A_394 = arith.cmpi slt, %get3A_363, %lt3A_393 : vector<16xi32>
      %and3A_395 = arith.andi %ge3A_391, %lt3A_394 : vector<16xi1>
      %sub3A_396 = arith.constant 120 : i32
      %sub3A_397 = vector.broadcast %sub3A_396 : i32 to vector<16xi32>
      %sub3A_398 = arith.subi %shift_right_logical3A_366, %sub3A_397 : vector<16xi32>
      tpu.vector_store_idx %arg6[%sub3A_398, %broadcast_in_dim3A_372, %and3A_369, %add3A_378], %broadcast_in_dim3A_5 masked %and3A_395 : memref<15x4x8x128xf32, #tpu.memory_space<vmem>>[vector<16xi32>, vector<16xi32>, vector<16xi32>, vector<16xi32>], vector<16xf32>, vector<16xi1>
      %mul3A_399 = arith.constant 8 : i32
      %mul3A_400 = arith.muli %scan3A_232, %mul3A_399 : i32
      %add3A_401 = arith.constant 4 : i32
      %add3A_402 = arith.addi %mul3A_400, %add3A_401 : i32
      %mul3A_403 = arith.constant 16 : i32
      %mul3A_404 = arith.muli %add3A_402, %mul3A_403 : i32
      %get3A_405 = arith.index_cast %mul3A_404 : i32 to index
      %get3A_406 = tpu.vector_load %arg5[%get3A_405] {strides = array<i32>} : memref<512xi32, #tpu.memory_space<vmem>>, vector<16xi32>,
      %shift_right_logical3A_407 = arith.constant 3 : i32
      %shift_right_logical3A_408 = vector.broadcast %shift_right_logical3A_407 : i32 to vector<16xi32>
      %shift_right_logical3A_409 = arith.shrui %get3A_406, %shift_right_logical3A_408 : vector<16xi32>
      %and3A_410 = arith.constant 7 : i32
      %and3A_411 = vector.broadcast %and3A_410 : i32 to vector<16xi32>
      %and3A_412 = arith.andi %get3A_406, %and3A_411 : vector<16xi32>
      %shift_right_logical3A_413 = arith.constant 3 : i32
      %shift_right_logical3A_414 = arith.shrui %add3A_402, %shift_right_logical3A_413 : i32
      %broadcast_in_dim3A_415 = vector.broadcast %shift_right_logical3A_414 : i32 to vector<16xi32>
      %and3A_416 = arith.constant 7 : i32
      %and3A_417 = arith.andi %add3A_402, %and3A_416 : i32
      %shift_left3A_418 = arith.constant 4 : i32
      %shift_left3A_419 = arith.shli %and3A_417, %shift_left3A_418 : i32
      %add3A_420 = vector.broadcast %shift_left3A_419 : i32 to vector<16xi32>
      %add3A_421 = arith.addi %add3A_420, %iota3A : vector<16xi32>
      %ge3A_422 = arith.constant 720 : i32
      %ge3A_423 = vector.broadcast %ge3A_422 : i32 to vector<16xi32>
      %ge3A_424 = arith.cmpi sge, %get3A_406, %ge3A_423 : vector<16xi32>
      %lt3A_425 = arith.constant 840 : i32
      %lt3A_426 = vector.broadcast %lt3A_425 : i32 to vector<16xi32>
      %lt3A_427 = arith.cmpi slt, %get3A_406, %lt3A_426 : vector<16xi32>
      %and3A_428 = arith.andi %ge3A_424, %lt3A_427 : vector<16xi1>
      %sub3A_429 = arith.constant 90 : i32
      %sub3A_430 = vector.broadcast %sub3A_429 : i32 to vector<16xi32>
      %sub3A_431 = arith.subi %shift_right_logical3A_409, %sub3A_430 : vector<16xi32>
      tpu.vector_store_idx %arg6[%sub3A_431, %broadcast_in_dim3A_415, %and3A_412, %add3A_421], %broadcast_in_dim3A_7 masked %and3A_428 : memref<15x4x8x128xf32, #tpu.memory_space<vmem>>[vector<16xi32>, vector<16xi32>, vector<16xi32>, vector<16xi32>], vector<16xf32>, vector<16xi1>
      %ge3A_432 = arith.constant 960 : i32
      %ge3A_433 = vector.broadcast %ge3A_432 : i32 to vector<16xi32>
      %ge3A_434 = arith.cmpi sge, %get3A_406, %ge3A_433 : vector<16xi32>
      %lt3A_435 = arith.constant 1000 : i32
      %lt3A_436 = vector.broadcast %lt3A_435 : i32 to vector<16xi32>
      %lt3A_437 = arith.cmpi slt, %get3A_406, %lt3A_436 : vector<16xi32>
      %and3A_438 = arith.andi %ge3A_434, %lt3A_437 : vector<16xi1>
      %sub3A_439 = arith.constant 120 : i32
      %sub3A_440 = vector.broadcast %sub3A_439 : i32 to vector<16xi32>
      %sub3A_441 = arith.subi %shift_right_logical3A_409, %sub3A_440 : vector<16xi32>
      tpu.vector_store_idx %arg6[%sub3A_441, %broadcast_in_dim3A_415, %and3A_412, %add3A_421], %broadcast_in_dim3A_5 masked %and3A_438 : memref<15x4x8x128xf32, #tpu.memory_space<vmem>>[vector<16xi32>, vector<16xi32>, vector<16xi32>, vector<16xi32>], vector<16xf32>, vector<16xi1>
      %mul3A_442 = arith.constant 8 : i32
      %mul3A_443 = arith.muli %scan3A_232, %mul3A_442 : i32
      %add3A_444 = arith.constant 5 : i32
      %add3A_445 = arith.addi %mul3A_443, %add3A_444 : i32
      %mul3A_446 = arith.constant 16 : i32
      %mul3A_447 = arith.muli %add3A_445, %mul3A_446 : i32
      %get3A_448 = arith.index_cast %mul3A_447 : i32 to index
      %get3A_449 = tpu.vector_load %arg5[%get3A_448] {strides = array<i32>} : memref<512xi32, #tpu.memory_space<vmem>>, vector<16xi32>,
      %shift_right_logical3A_450 = arith.constant 3 : i32
      %shift_right_logical3A_451 = vector.broadcast %shift_right_logical3A_450 : i32 to vector<16xi32>
      %shift_right_logical3A_452 = arith.shrui %get3A_449, %shift_right_logical3A_451 : vector<16xi32>
      %and3A_453 = arith.constant 7 : i32
      %and3A_454 = vector.broadcast %and3A_453 : i32 to vector<16xi32>
      %and3A_455 = arith.andi %get3A_449, %and3A_454 : vector<16xi32>
      %shift_right_logical3A_456 = arith.constant 3 : i32
      %shift_right_logical3A_457 = arith.shrui %add3A_445, %shift_right_logical3A_456 : i32
      %broadcast_in_dim3A_458 = vector.broadcast %shift_right_logical3A_457 : i32 to vector<16xi32>
      %and3A_459 = arith.constant 7 : i32
      %and3A_460 = arith.andi %add3A_445, %and3A_459 : i32
      %shift_left3A_461 = arith.constant 4 : i32
      %shift_left3A_462 = arith.shli %and3A_460, %shift_left3A_461 : i32
      %add3A_463 = vector.broadcast %shift_left3A_462 : i32 to vector<16xi32>
      %add3A_464 = arith.addi %add3A_463, %iota3A : vector<16xi32>
      %ge3A_465 = arith.constant 720 : i32
      %ge3A_466 = vector.broadcast %ge3A_465 : i32 to vector<16xi32>
      %ge3A_467 = arith.cmpi sge, %get3A_449, %ge3A_466 : vector<16xi32>
      %lt3A_468 = arith.constant 840 : i32
      %lt3A_469 = vector.broadcast %lt3A_468 : i32 to vector<16xi32>
      %lt3A_470 = arith.cmpi slt, %get3A_449, %lt3A_469 : vector<16xi32>
      %and3A_471 = arith.andi %ge3A_467, %lt3A_470 : vector<16xi1>
      %sub3A_472 = arith.constant 90 : i32
      %sub3A_473 = vector.broadcast %sub3A_472 : i32 to vector<16xi32>
      %sub3A_474 = arith.subi %shift_right_logical3A_452, %sub3A_473 : vector<16xi32>
      tpu.vector_store_idx %arg6[%sub3A_474, %broadcast_in_dim3A_458, %and3A_455, %add3A_464], %broadcast_in_dim3A_7 masked %and3A_471 : memref<15x4x8x128xf32, #tpu.memory_space<vmem>>[vector<16xi32>, vector<16xi32>, vector<16xi32>, vector<16xi32>], vector<16xf32>, vector<16xi1>
      %ge3A_475 = arith.constant 960 : i32
      %ge3A_476 = vector.broadcast %ge3A_475 : i32 to vector<16xi32>
      %ge3A_477 = arith.cmpi sge, %get3A_449, %ge3A_476 : vector<16xi32>
      %lt3A_478 = arith.constant 1000 : i32
      %lt3A_479 = vector.broadcast %lt3A_478 : i32 to vector<16xi32>
      %lt3A_480 = arith.cmpi slt, %get3A_449, %lt3A_479 : vector<16xi32>
      %and3A_481 = arith.andi %ge3A_477, %lt3A_480 : vector<16xi1>
      %sub3A_482 = arith.constant 120 : i32
      %sub3A_483 = vector.broadcast %sub3A_482 : i32 to vector<16xi32>
      %sub3A_484 = arith.subi %shift_right_logical3A_452, %sub3A_483 : vector<16xi32>
      tpu.vector_store_idx %arg6[%sub3A_484, %broadcast_in_dim3A_458, %and3A_455, %add3A_464], %broadcast_in_dim3A_5 masked %and3A_481 : memref<15x4x8x128xf32, #tpu.memory_space<vmem>>[vector<16xi32>, vector<16xi32>, vector<16xi32>, vector<16xi32>], vector<16xf32>, vector<16xi1>
      %mul3A_485 = arith.constant 8 : i32
      %mul3A_486 = arith.muli %scan3A_232, %mul3A_485 : i32
      %add3A_487 = arith.constant 6 : i32
      %add3A_488 = arith.addi %mul3A_486, %add3A_487 : i32
      %mul3A_489 = arith.constant 16 : i32
      %mul3A_490 = arith.muli %add3A_488, %mul3A_489 : i32
      %get3A_491 = arith.index_cast %mul3A_490 : i32 to index
      %get3A_492 = tpu.vector_load %arg5[%get3A_491] {strides = array<i32>} : memref<512xi32, #tpu.memory_space<vmem>>, vector<16xi32>,
      %shift_right_logical3A_493 = arith.constant 3 : i32
      %shift_right_logical3A_494 = vector.broadcast %shift_right_logical3A_493 : i32 to vector<16xi32>
      %shift_right_logical3A_495 = arith.shrui %get3A_492, %shift_right_logical3A_494 : vector<16xi32>
      %and3A_496 = arith.constant 7 : i32
      %and3A_497 = vector.broadcast %and3A_496 : i32 to vector<16xi32>
      %and3A_498 = arith.andi %get3A_492, %and3A_497 : vector<16xi32>
      %shift_right_logical3A_499 = arith.constant 3 : i32
      %shift_right_logical3A_500 = arith.shrui %add3A_488, %shift_right_logical3A_499 : i32
      %broadcast_in_dim3A_501 = vector.broadcast %shift_right_logical3A_500 : i32 to vector<16xi32>
      %and3A_502 = arith.constant 7 : i32
      %and3A_503 = arith.andi %add3A_488, %and3A_502 : i32
      %shift_left3A_504 = arith.constant 4 : i32
      %shift_left3A_505 = arith.shli %and3A_503, %shift_left3A_504 : i32
      %add3A_506 = vector.broadcast %shift_left3A_505 : i32 to vector<16xi32>
      %add3A_507 = arith.addi %add3A_506, %iota3A : vector<16xi32>
      %ge3A_508 = arith.constant 720 : i32
      %ge3A_509 = vector.broadcast %ge3A_508 : i32 to vector<16xi32>
      %ge3A_510 = arith.cmpi sge, %get3A_492, %ge3A_509 : vector<16xi32>
      %lt3A_511 = arith.constant 840 : i32
      %lt3A_512 = vector.broadcast %lt3A_511 : i32 to vector<16xi32>
      %lt3A_513 = arith.cmpi slt, %get3A_492, %lt3A_512 : vector<16xi32>
      %and3A_514 = arith.andi %ge3A_510, %lt3A_513 : vector<16xi1>
      %sub3A_515 = arith.constant 90 : i32
      %sub3A_516 = vector.broadcast %sub3A_515 : i32 to vector<16xi32>
      %sub3A_517 = arith.subi %shift_right_logical3A_495, %sub3A_516 : vector<16xi32>
      tpu.vector_store_idx %arg6[%sub3A_517, %broadcast_in_dim3A_501, %and3A_498, %add3A_507], %broadcast_in_dim3A_7 masked %and3A_514 : memref<15x4x8x128xf32, #tpu.memory_space<vmem>>[vector<16xi32>, vector<16xi32>, vector<16xi32>, vector<16xi32>], vector<16xf32>, vector<16xi1>
      %ge3A_518 = arith.constant 960 : i32
      %ge3A_519 = vector.broadcast %ge3A_518 : i32 to vector<16xi32>
      %ge3A_520 = arith.cmpi sge, %get3A_492, %ge3A_519 : vector<16xi32>
      %lt3A_521 = arith.constant 1000 : i32
      %lt3A_522 = vector.broadcast %lt3A_521 : i32 to vector<16xi32>
      %lt3A_523 = arith.cmpi slt, %get3A_492, %lt3A_522 : vector<16xi32>
      %and3A_524 = arith.andi %ge3A_520, %lt3A_523 : vector<16xi1>
      %sub3A_525 = arith.constant 120 : i32
      %sub3A_526 = vector.broadcast %sub3A_525 : i32 to vector<16xi32>
      %sub3A_527 = arith.subi %shift_right_logical3A_495, %sub3A_526 : vector<16xi32>
      tpu.vector_store_idx %arg6[%sub3A_527, %broadcast_in_dim3A_501, %and3A_498, %add3A_507], %broadcast_in_dim3A_5 masked %and3A_524 : memref<15x4x8x128xf32, #tpu.memory_space<vmem>>[vector<16xi32>, vector<16xi32>, vector<16xi32>, vector<16xi32>], vector<16xf32>, vector<16xi1>
      %mul3A_528 = arith.constant 8 : i32
      %mul3A_529 = arith.muli %scan3A_232, %mul3A_528 : i32
      %add3A_530 = arith.constant 7 : i32
      %add3A_531 = arith.addi %mul3A_529, %add3A_530 : i32
      %mul3A_532 = arith.constant 16 : i32
      %mul3A_533 = arith.muli %add3A_531, %mul3A_532 : i32
      %get3A_534 = arith.index_cast %mul3A_533 : i32 to index
      %get3A_535 = tpu.vector_load %arg5[%get3A_534] {strides = array<i32>} : memref<512xi32, #tpu.memory_space<vmem>>, vector<16xi32>,
      %shift_right_logical3A_536 = arith.constant 3 : i32
      %shift_right_logical3A_537 = vector.broadcast %shift_right_logical3A_536 : i32 to vector<16xi32>
      %shift_right_logical3A_538 = arith.shrui %get3A_535, %shift_right_logical3A_537 : vector<16xi32>
      %and3A_539 = arith.constant 7 : i32
      %and3A_540 = vector.broadcast %and3A_539 : i32 to vector<16xi32>
      %and3A_541 = arith.andi %get3A_535, %and3A_540 : vector<16xi32>
      %shift_right_logical3A_542 = arith.constant 3 : i32
      %shift_right_logical3A_543 = arith.shrui %add3A_531, %shift_right_logical3A_542 : i32
      %broadcast_in_dim3A_544 = vector.broadcast %shift_right_logical3A_543 : i32 to vector<16xi32>
      %and3A_545 = arith.constant 7 : i32
      %and3A_546 = arith.andi %add3A_531, %and3A_545 : i32
      %shift_left3A_547 = arith.constant 4 : i32
      %shift_left3A_548 = arith.shli %and3A_546, %shift_left3A_547 : i32
      %add3A_549 = vector.broadcast %shift_left3A_548 : i32 to vector<16xi32>
      %add3A_550 = arith.addi %add3A_549, %iota3A : vector<16xi32>
      %ge3A_551 = arith.constant 720 : i32
      %ge3A_552 = vector.broadcast %ge3A_551 : i32 to vector<16xi32>
      %ge3A_553 = arith.cmpi sge, %get3A_535, %ge3A_552 : vector<16xi32>
      %lt3A_554 = arith.constant 840 : i32
      %lt3A_555 = vector.broadcast %lt3A_554 : i32 to vector<16xi32>
      %lt3A_556 = arith.cmpi slt, %get3A_535, %lt3A_555 : vector<16xi32>
      %and3A_557 = arith.andi %ge3A_553, %lt3A_556 : vector<16xi1>
      %sub3A_558 = arith.constant 90 : i32
      %sub3A_559 = vector.broadcast %sub3A_558 : i32 to vector<16xi32>
      %sub3A_560 = arith.subi %shift_right_logical3A_538, %sub3A_559 : vector<16xi32>
      tpu.vector_store_idx %arg6[%sub3A_560, %broadcast_in_dim3A_544, %and3A_541, %add3A_550], %broadcast_in_dim3A_7 masked %and3A_557 : memref<15x4x8x128xf32, #tpu.memory_space<vmem>>[vector<16xi32>, vector<16xi32>, vector<16xi32>, vector<16xi32>], vector<16xf32>, vector<16xi1>
      %ge3A_561 = arith.constant 960 : i32
      %ge3A_562 = vector.broadcast %ge3A_561 : i32 to vector<16xi32>
      %ge3A_563 = arith.cmpi sge, %get3A_535, %ge3A_562 : vector<16xi32>
      %lt3A_564 = arith.constant 1000 : i32
      %lt3A_565 = vector.broadcast %lt3A_564 : i32 to vector<16xi32>
      %lt3A_566 = arith.cmpi slt, %get3A_535, %lt3A_565 : vector<16xi32>
      %and3A_567 = arith.andi %ge3A_563, %lt3A_566 : vector<16xi1>
      %sub3A_568 = arith.constant 120 : i32
      %sub3A_569 = vector.broadcast %sub3A_568 : i32 to vector<16xi32>
      %sub3A_570 = arith.subi %shift_right_logical3A_538, %sub3A_569 : vector<16xi32>
      tpu.vector_store_idx %arg6[%sub3A_570, %broadcast_in_dim3A_544, %and3A_541, %add3A_550], %broadcast_in_dim3A_5 masked %and3A_567 : memref<15x4x8x128xf32, #tpu.memory_space<vmem>>[vector<16xi32>, vector<16xi32>, vector<16xi32>, vector<16xi32>], vector<16xf32>, vector<16xi1>
      %scan3A_571 = arith.constant 0 : i32
      scf.yield %scan3A_571 : i32
    }
    %scan3A_187 = arith.constant 4 : i32
    %dma_start3A_188 = arith.constant 0 : i32
    %dma_start3A_189 = arith.constant 0 : i32
    %dma_start3A_190 = arith.constant 0 : i32
    %dma_start3A_191 = arith.constant 0 : i32
    %dma_start3A_192 = tpu.memref_slice %arg6[%dma_start3A_188, %dma_start3A_189, %dma_start3A_190, %dma_start3A_191] : memref<15x4x8x128xf32, #tpu.memory_space<vmem>> -> memref<5x4x8x128xf32, #tpu.memory_space<vmem>>
    %dma_start3A_193 = arith.constant 120 : i32
    %dma_start3A_194 = arith.constant 0 : i32
    %dma_start3A_195 = arith.constant 0 : i32
    %dma_start3A_196 = tpu.memref_slice %arg4[%dma_start3A_193, %mul3A_4, %dma_start3A_194, %dma_start3A_195] : memref<125x128x8x128xf32, #tpu.memory_space<hbm>> -> memref<5x4x8x128xf32, #tpu.memory_space<hbm>>
    %dma_start3A_197 = arith.constant 120 : i32
    %dma_start3A_198 = arith.constant 0 : i32
    %dma_start3A_199 = arith.constant 0 : i32
    %dma_start3A_200 = tpu.memref_slice %arg4[%dma_start3A_197, %mul3A_4, %dma_start3A_198, %dma_start3A_199] : memref<125x128x8x128xf32, #tpu.memory_space<hbm>> -> memref<5x4x8x128xf32, #tpu.memory_space<hbm>>
    %dma_start3A_201 = arith.constant 0 : i32
    %dma_start3A_202 = arith.constant 0 : i32
    %dma_start3A_203 = arith.constant 0 : i32
    %dma_start3A_204 = arith.constant 0 : i32
    %dma_start3A_205 = tpu.memref_slice %arg6[%dma_start3A_201, %dma_start3A_202, %dma_start3A_203, %dma_start3A_204] : memref<15x4x8x128xf32, #tpu.memory_space<vmem>> -> memref<5x4x8x128xf32, #tpu.memory_space<vmem>>
    tpu.enqueue_dma source(%dma_start3A_205 : memref<5x4x8x128xf32, #tpu.memory_space<vmem>>) target(%dma_start3A_200 : memref<5x4x8x128xf32, #tpu.memory_space<hbm>>) target_semaphore(%arg8 : memref<!tpu.dma_semaphore, #tpu.memory_space<semaphore_mem>>)
    %dma_wait3A_206 = arith.constant 105 : i32
    %dma_wait3A_207 = arith.constant 0 : i32
    %dma_wait3A_208 = arith.constant 0 : i32
    %dma_wait3A_209 = tpu.memref_slice %arg4[%dma_wait3A_206, %mul3A_4, %dma_wait3A_207, %dma_wait3A_208] : memref<125x128x8x128xf32, #tpu.memory_space<hbm>> -> memref<15x4x8x128xf32, #tpu.memory_space<hbm>>
    %dma_wait3A_210 = arith.constant 105 : i32
    %dma_wait3A_211 = arith.constant 0 : i32
    %dma_wait3A_212 = arith.constant 0 : i32
    %dma_wait3A_213 = tpu.memref_slice %arg4[%dma_wait3A_210, %mul3A_4, %dma_wait3A_211, %dma_wait3A_212] : memref<125x128x8x128xf32, #tpu.memory_space<hbm>> -> memref<15x4x8x128xf32, #tpu.memory_space<hbm>>
    tpu.wait_dma2 semaphore(%arg9 : memref<!tpu.dma_semaphore, #tpu.memory_space<semaphore_mem>>) src(%arg7 : memref<15x4x8x128xf32, #tpu.memory_space<vmem>>) dst(%dma_wait3A_213 : memref<15x4x8x128xf32, #tpu.memory_space<hbm>>)
    %dma_wait3A_214 = arith.constant 0 : i32
    %dma_wait3A_215 = arith.constant 0 : i32
    %dma_wait3A_216 = arith.constant 0 : i32
    %dma_wait3A_217 = arith.constant 0 : i32
    %dma_wait3A_218 = tpu.memref_slice %arg6[%dma_wait3A_214, %dma_wait3A_215, %dma_wait3A_216, %dma_wait3A_217] : memref<15x4x8x128xf32, #tpu.memory_space<vmem>> -> memref<5x4x8x128xf32, #tpu.memory_space<vmem>>
    %dma_wait3A_219 = arith.constant 120 : i32
    %dma_wait3A_220 = arith.constant 0 : i32
    %dma_wait3A_221 = arith.constant 0 : i32
    %dma_wait3A_222 = tpu.memref_slice %arg4[%dma_wait3A_219, %mul3A_4, %dma_wait3A_220, %dma_wait3A_221] : memref<125x128x8x128xf32, #tpu.memory_space<hbm>> -> memref<5x4x8x128xf32, #tpu.memory_space<hbm>>
    %dma_wait3A_223 = arith.constant 120 : i32
    %dma_wait3A_224 = arith.constant 0 : i32
    %dma_wait3A_225 = arith.constant 0 : i32
    %dma_wait3A_226 = tpu.memref_slice %arg4[%dma_wait3A_223, %mul3A_4, %dma_wait3A_224, %dma_wait3A_225] : memref<125x128x8x128xf32, #tpu.memory_space<hbm>> -> memref<5x4x8x128xf32, #tpu.memory_space<hbm>>
    %dma_wait3A_227 = arith.constant 0 : i32
    %dma_wait3A_228 = arith.constant 0 : i32
    %dma_wait3A_229 = arith.constant 0 : i32
    %dma_wait3A_230 = arith.constant 0 : i32
    %dma_wait3A_231 = tpu.memref_slice %arg6[%dma_wait3A_227, %dma_wait3A_228, %dma_wait3A_229, %dma_wait3A_230] : memref<15x4x8x128xf32, #tpu.memory_space<vmem>> -> memref<5x4x8x128xf32, #tpu.memory_space<vmem>>
    tpu.wait_dma2 semaphore(%arg8 : memref<!tpu.dma_semaphore, #tpu.memory_space<semaphore_mem>>) src(%dma_wait3A_231 : memref<5x4x8x128xf32, #tpu.memory_space<vmem>>) dst(%dma_wait3A_226 : memref<5x4x8x128xf32, #tpu.memory_space<hbm>>)
    return
  }
}

</mosaic_0001>

<sc_bundles>
// kernel: _onehot_sc.3.cloned.1.call-start
scs
__scs_entry_jumppad:
0x0: {  	(pc) =	sbr.rel $0x88, $3  }
0x1: {  	(tag) =	ssettag $0x0;
	lr =	simm.s32 $0x1  }
0x2: {  	[smem:$0x3F9F] =	sst lr;
	_ =	strace $0xD0000000  }
0x3: {  	_ = 	snop  }
0x4: {  	_ = 	snop  }
0x5: {  	_ = 	snop  }
0x6: {  	_ = 	snop  }
0x7: {  	_ = 	snop  }
__scs_overlays_trampoline_lowered:
0x8: {  	[smem:$0x3FAE] =	sst s0  }
0x9: {  	[smem:$0x3FAF] =	sst s1  }
0xa: {  	[smem:$0x3FB0] =	sst s2  }
0xb: {  	[smem:$0x3FB1] =	sst s3  }
0xc: {  	[smem:$0x3FB2] =	sst s4  }
0xd: {  	[smem:$0x3FB3] =	sst s5  }
0xe: {  	[smem:$0x3FB4] =	sst s6  }
0xf: {  	[smem:$0x3FB5] =	sst s7  }
0x10: {  	[smem:$0x3FB6] =	sst s8  }
0x11: {  	[smem:$0x3FB7] =	sst s9;
	s0 =	simm.s32 @!p0 $0x0  }
0x12: {  	s1 =	sld [smem:$0x3F9D];
	s0 =	simm.s32 @p0 $0x1  }
0x13: {  	[smem:$0x3FB8] =	sst s0;
	s0 =	simm.s32 @!p1 $0x0  }
0x14: {  	s2 =	sld [smem:$0x3F9C];
	s0 =	simm.s32 @p1 $0x1  }
0x15: {  	[smem:$0x3FB9] =	sst s0;
	s0 =	simm.s32 @!p2 $0x0  }
0x16: {  	s3 =	sld [smem:$0x3FDB];
	s0 =	simm.s32 @p2 $0x1  }
0x17: {  	s4 =	simm.s32 $0x1BF5;
	[smem:$0x3FBB] =	sst s0  }
0x18: {  	s0 =	sld [smem:$0x3F9E];
	_ =	swait.ge [sflag:s4], $0x0  }
0x19: {  	s7 =	sld [smem:$0x3F9F]  }
0x1a: {  	s8 =	sadd.s32 $0xFFFFE003, lr  }
0x1b: {  	s9 =	sadd.s32 $0xFFFFFEF7, lr;
	s5 =	simm.s32 $0xFFFFFFFF;
	p2 =	slt.u32 s8, $0xFFFFF086  }
0x1c: {  	p1 =	slt.u32 s9, $0xF7A;
	s5 =	simm.s32 @!p2 $0x0  }
0x1d: {  	s5 =	simm.s32 @p1 $0x1;
	p0 =	seq.s32 s7, s2  }
0x1e: {  	s7 =	smul.u32 @!p0 $0xF7A, s2;
	p2 =	seq.s32 @!p0 s5, $0x0  }
0x1f: {  	s9 =	smul.u32 $0xF7A, s1;
	s8 =	simm.s32 @!p0 $0x1BF5;
	p2 =	por !p2, p0  }
0x20: {  	[sflag:s8] =	ssyncset.s32 @!p0 $0xFFFFF086;
	s6 =	sadd.s32 @!p0 s3, s7;
	s7 =	simm.s32 @!p0 $0x108  }
0x21: {  	s3 =	sadd.s32 s3, s9;
	s6 =	sadd.s32 @!p0 $0x88, s6;
	s7 =	simm.s32 @p2 $0x1082  }
0x22: {  	[simem:s7], [sflag:s8] =	dma.local @!p0 [hbm:s6], $0xF7A  }
0x23: {  	s9 =	sor.u32 $0xD0000000, s2;
	s6 =	simm.s32 $0x108;
	_ =	swait.ge @!p0 [sflag:s8], $0x0  }
0x24: {  	s3 =	sadd.s32 $0x88, s3;
	s6 =	simm.s32 @!p1 $0x1082;
	[sflag:s4] =	ssyncset.s32 $0xFFFFF086  }
0x25: {  	[simem:s6], [sflag:s4] =	dma.local [hbm:s3], $0xF7A  }
0x26: {  	[smem:$0x3F9F] =	sst s1;
	(tag) =	ssettag s2;
	_ =	strace s9  }
0x27: {  	s1 =	sld [smem:$0x3FAF]  }
0x28: {  	s2 =	sld [smem:$0x3FB0]  }
0x29: {  	s4 =	sld [smem:$0x3FB2]  }
0x2a: {  	p0 =	seq.s32 s5, $0x0;
	s5 =	sld [smem:$0x3FB3]  }
0x2b: {  	s6 =	sld [smem:$0x3FB4]  }
0x2c: {  	s7 =	sld [smem:$0x3FB5]  }
0x2d: {  	s3 =	simm.s32 $0x108;
	s8 =	sld [smem:$0x3FB6]  }
0x2e: {  	s3 =	simm.s32 @!p0 $0x1082;
	s9 =	sld [smem:$0x3FB7]  }
0x2f: {  	lr =	sadd.s32 s0, s3;
	s0 =	sld [smem:$0x3FAE]  }
0x30: {  	s3 =	sld [smem:$0x3FB1]  }
0x31: {  	[smem:$0x3FBA] =	sst s10  }
0x32: {  	s10 =	sld [smem:$0x3FB8];
	_ =	sdelay $0x3  }
0x33: {  	p0 =	seq.s32 s10, $0x1;
	s10 =	sld [smem:$0x3FBA];
	_ =	sdelay $0x3  }
0x34: {  	[smem:$0x3FBA] =	sst s10  }
0x35: {  	s10 =	sld [smem:$0x3FB9];
	_ =	sdelay $0x3  }
0x36: {  	p1 =	seq.s32 s10, $0x1;
	s10 =	sld [smem:$0x3FBA];
	_ =	sdelay $0x3  }
0x37: {  	[smem:$0x3FBA] =	sst s10  }
0x38: {  	s10 =	sld [smem:$0x3FBB]  }
0x39: {  	_ = 	snop;
	(pc) =	sbr.ind lr, $3  }
0x3a: {  	_ = 	snop  }
0x3b: {  	_ = 	snop  }
0x3c: {  	p2 =	seq.s32 s10, $0x1;
	s10 =	sld [smem:$0x3FBA]  }
0x3d: {  	_ =	shalt  }
0x3e: {  	_ =	shalt  }
0x3f: {  	_ =	shalt  }
0x40: {  	_ =	shalt  }
0x41: {  	_ =	shalt  }
0x42: {  	_ =	shalt  }
0x43: {  	_ =	shalt  }
0x44: {  	_ =	shalt  }
0x45: {  	_ =	shalt  }
0x46: {  	_ =	shalt  }
0x47: {  	_ =	shalt  }
0x48: {  	_ =	shalt  }
0x49: {  	_ =	shalt  }
0x4a: {  	_ =	shalt  }
0x4b: {  	_ =	shalt  }
0x4c: {  	_ =	shalt  }
0x4d: {  	_ =	shalt  }
0x4e: {  	_ =	shalt  }
0x4f: {  	_ =	shalt  }
0x50: {  	_ =	shalt  }
0x51: {  	_ =	shalt  }
0x52: {  	_ =	shalt  }
0x53: {  	_ =	shalt  }
0x54: {  	_ =	shalt  }
0x55: {  	_ =	shalt  }
0x56: {  	_ =	shalt  }
0x57: {  	_ =	shalt  }
0x58: {  	_ =	shalt  }
0x59: {  	_ =	shalt  }
0x5a: {  	_ =	shalt  }
0x5b: {  	_ =	shalt  }
0x5c: {  	_ =	shalt  }
0x5d: {  	_ =	shalt  }
0x5e: {  	_ =	shalt  }
0x5f: {  	_ =	shalt  }
0x60: {  	_ =	shalt  }
0x61: {  	_ =	shalt  }
0x62: {  	_ =	shalt  }
0x63: {  	_ =	shalt  }
0x64: {  	_ =	shalt  }
0x65: {  	_ =	shalt  }
0x66: {  	_ =	shalt  }
0x67: {  	_ =	shalt  }
0x68: {  	_ =	shalt  }
0x69: {  	_ =	shalt  }
0x6a: {  	_ =	shalt  }
0x6b: {  	_ =	shalt  }
0x6c: {  	_ =	shalt  }
0x6d: {  	_ =	shalt  }
0x6e: {  	_ =	shalt  }
0x6f: {  	_ =	shalt  }
0x70: {  	_ =	shalt  }
0x71: {  	_ =	shalt  }
0x72: {  	_ =	shalt  }
0x73: {  	_ =	shalt  }
0x74: {  	_ =	shalt  }
0x75: {  	_ =	shalt  }
0x76: {  	_ =	shalt  }
0x77: {  	_ =	shalt  }
0x78: {  	_ =	shalt  }
0x79: {  	_ =	shalt  }
0x7a: {  	_ =	shalt  }
0x7b: {  	_ =	shalt  }
0x7c: {  	_ =	shalt  }
0x7d: {  	_ =	shalt  }
0x7e: {  	_ =	shalt  }
0x7f: {  	_ =	shalt  }
0x80: {  	_ =	shalt  }
0x81: {  	_ =	shalt  }
0x82: {  	_ =	shalt  }
0x83: {  	_ =	shalt  }
0x84: {  	_ =	shalt  }
0x85: {  	_ =	shalt  }
0x86: {  	_ =	shalt  }
0x87: {  	_ =	shalt  }
.Lfunc_end0:
.L_simem_size_0:
called_computation_lowered:
.L_overlay_start_0:
0x88: {  	s2 =	sld [smem:$0x3FD9]  }
0x89: {  	s3 =	sld [smem:$0x3FFE];
	_ =	sdelay $0x1  }
0x8a: {  	s1 =	srdreg.scid  }
0x8b: {  	s0 =	sand.u32 $0x1, s1  }
0x8c: {  	s18 =	sshll.u32 s0, $0xA;
	s2 =	sadd.s32 s3, s2  }
0x8d: {  	s2 =	sadd.s32 s2, s18  }
0x8e: {  	[smem:$0x3FC6] =	sst s2  }
0x8f: {  	_ = 	snop  }
0x90: {  	s2 =	sld [smem:$0x3FC9]  }
0x91: {  	s19 =	sld [smem:$0x3FC8]  }
0x92: {  	s4 =	sld [smem:$0x3FD0];
	(tm) =	ssettm $0x1  }
0x93: {  	s5 =	sld [smem:$0x3FFB];
	_ =	sdelay $0x3  }
0x94: {  	_ =	strace s5  }
0x95: {  	s5 =	sld [smem:$0x3FFC];
	_ =	sdelay $0x3  }
0x96: {  	_ =	strace s5  }
0x97: {  	s5 =	sld [smem:$0x3FFD];
	_ =	sdelay $0x3  }
0x98: {  	_ =	strace s5  }
0x99: {  	_ =	strace $0x8FFFFFFF  }
0x9a: {  	s20 =	sld [smem:$0x3FDB];
	_ =	sdelay $0x1  }
0x9b: {  	s6 =	simm.s32 $_scs_section_size  }
0x9c: {  	s7 =	simm.s32 $_size__tile_overlayer_lowered;
	s8 =	simm.s32 $_tile_overlayer_lowered  }
0x9d: {  	s23 =	simm.s32 $0x1BFF;
	s22 =	sshll.u32 s8, $0x1;
	s5 =	sadd.s32 s6, s20  }
0x9e: {  	s9 =	simm.s32 $0x0;
	s21 =	sshll.u32 s7, $0x1;
	s7 =	sadd.s32 s22, s5  }
0x9f: {  	[timem:s9], [sflag:s23] =	dma.local [hbm:s7], s21  }
0xa0: {  	_ =	swait.ge [sflag:s23], s21  }
0xa1: {  	s6 =	ssub.s32 $0x0, s21;
	[sflag:s23] =	ssyncset.done $0x0  }
0xa2: {  	[sflag:s23] =	ssyncadd.s32 s6;
	_ =	sdelay $0x1  }
0xa3: {  	s24 =	simm.s32 $0x1B8B  }
0xa4: {  	_ =	swait.ge [sflag:s24], $0x1  }
0xa5: {  	[sflag:s24] =	ssyncset.done $0x0  }
0xa6: {  	s25 =	simm.s32 $0x1B8E;
	[sflag:s24] =	ssyncadd.s32 $0xFFFFFFFF  }
0xa7: {  	s26 =	simm.s32 $execute0_lowered;
	[smem:$0x3FD2] =	sst s25  }
0xa8: {  	s6 =	sshll.u32 s26, $0x1;
	_ =	strace $0x80000046;
	[dreg:$0x1] =	wrdreg $0xFFFFFFFF  }
0xa9: {  	s28 =	simm.s32 $_size_execute0_lowered;
	s5 =	sadd.s32 s5, s6;
	[dreg:$0x0] =	wrdreg $0x0  }
0xaa: {  	s6 =	sshll.u32 s28, $0x1;
	[dreg:$0x2] =	wrdreg s5  }
0xab: {  	[dreg:$0x3] =	wrdreg s6  }
0xac: {  	[dreg:$0x4] =	wrdreg $0xC0  }
0xad: {  	_ =	task [dreg:s9], $0x5FFFF  }
0xae: {  	[dreg:$0x1] =	wrdreg $0xFFFFFFFF  }
0xaf: {  	[dreg:$0x0] =	wrdreg $0x60  }
0xb0: {  	[dreg:$0x2] =	wrdreg s2  }
0xb1: {  	[dreg:$0x3] =	wrdreg s19  }
0xb2: {  	[dreg:$0x4] =	wrdreg s4  }
0xb3: {  	[dreg:$0x5] =	wrdreg $0x9  }
0xb4: {  	_ =	task.clear_ibuf [dreg:s9], $0x6FFFF;
	_ =	strace $0x90000046  }
0xb5: {  	s29 =	simm.s32 $0x9;
	_ =	strace $0x80000048  }
0xb6: {  	_ =	swait.ge [sflag:s29], $0x1  }
0xb7: {  	[sflag:s29] =	ssyncadd.s32 $0xFFFFFFFF  }
0xb8: {  	_ =	strace $0x90000048  }
0xb9: {  	_ =	sfence  }
0xba: {  	s30 =	sld [smem:$0x0];
	_ =	sdelay $0x2  }
0xbb: {  	s31 =	sshll.u32 s1, $0xD;
	s1 =	sshrl.u32 s1, $0x2  }
0xbc: {  	s3 =	sand.u32 $0x4000, s31;
	s1 =	sadd.s32 s1, s30  }
0xbd: {  	s0 =	sor.u32 s3, s0;
	s1 =	sshll.u32 s1, $0x11  }
0xbe: {  	s0 =	sor.u32 s1, s0  }
0xbf: {  	s0 =	sadd.s32 $0x8F2B, s0  }
0xc0: {  	[sflag:s0] =	ssyncadd.remote.s32 $0x1  }
0xc1: {  	_ =	sfence.sel $0xFFFF  }
0xc2: {  	[dreg:$0x0] =	wrdreg $0xFFFFFFFF;
	(pc) =	sbr.abs _section_cstart, $3  }
0xc3: {  	[dreg:$0x1] =	wrdreg $0xFFFFFFFF  }
0xc4: {  	_ =	task.clear_ibuf [dreg:s9], $0x2FFFF;
	_ =	strace $0x9FFFFFFF  }
0xc5: {  	(tm) =	ssettm $0x7FFFFFFF  }
tec
execute0_lowered:
.L_overlay_start_1:
0x0: {  	(tag) =	ssettag $0x1  }
0x1: {  	s5 =	rddreg [dreg:$0x0]  }
0x2: {  	s1 =	rddreg [dreg:$0x1]  }
0x3: {  	s4 =	rddreg [dreg:$0x2]  }
0x4: {  	s2 =	srdreg.scid;
	s0 =	rddreg [dreg:$0x3];
	s3 =	simm.s32 $0x0  }
0x5: {  	v0 =	vlaneseq.u32;
	v1 =	vimm.f32 $1.000000000e+00;
	v9 =	vimm.f32 $0.0e+00;
	s15 =	simm.s32 $0x3;
	s16 =	simm.s32 $0x200;
	s17 =	simm.s32 $0xF200  }
0x6: {  	s18 =	simm.s32 $0x1;
	s19 =	simm.s32 $0x1000;
	s20 =	simm.s32 $0x20000;
	v2 =	vor.u32 $0x10, v0;
	v3 =	vor.u32 $0x20, v0;
	v4 =	vor.u32 $0x30, v0  }
0x7: {  	s21 =	simm.s32 $0x2;
	s22 =	simm.s32 $0x0;
	s6 =	sand.u32 $0x1, s2;
	v5 =	vor.u32 $0x40, v0;
	v6 =	vor.u32 $0x50, v0;
	v7 =	vor.u32 $0x60, v0  }
0x8: {  	s2 =	stileid.u32;
	[smem:$0x7FF] =	sst s3;
	v8 =	vor.u32 $0x70, v0;
	v10 =	vor.u32 $0xFFFE2000, v0;
	v11 =	vor.u32 $0xFFFE2010, v0;
	s7 =	sshll.u32 s6, $0x4  }
0x9: {  	v12 =	vor.u32 $0xFFFE2020, v0;
	v13 =	vor.u32 $0xFFFE2030, v0;
	v14 =	vor.u32 $0xFFFE2040, v0;
	s6 =	ssub.s32 $0x2, s6;
	_ =	strace $0x80000047;
	s7 =	sor.u32 s2, s7  }
0xa: {  	v15 =	vor.u32 $0xFFFE2050, v0;
	v16 =	vor.u32 $0xFFFE2060, v0;
	v17 =	vor.u32 $0xFFFE2070, v0;
	s8 =	sshrl.u32 s6, $0x1;
	s9 =	sshll.u32 s7, $0x9;
	s31 =	sshll.u32 s7, $0x6  }
0xb: {  	v18 =	vor.u32 $0xFFFD3000, v0;
	v19 =	vor.u32 $0xFFFD3010, v0;
	v20 =	vor.u32 $0xFFFD3020, v0;
	s14 =	ssub.s32 s6, s8;
	s4 =	sadd.s32 s4, s9;
	s5 =	sadd.s32 s5, s31  }
0xc: {  	v21 =	vor.u32 $0xFFFD3030, v0;
	v22 =	vor.u32 $0xFFFD3040, v0;
	v23 =	vor.u32 $0xFFFD3050, v0;
	s14 =	smax.u32 s14, $0x1;
	s6 =	sadd.s32 $0x3C000, s4;
	s7 =	sadd.s32 $0x78000, s4  }
0xd: {  	v24 =	vor.u32 $0xFFFD3060, v0;
	v25 =	vor.u32 $0xFFFD3070, v0;
	v26 =	vor.u32 $0xFFFC4000, v0;
	s8 =	sadd.s32 $0xB4000, s4;
	s9 =	sadd.s32 $0xF0000, s4;
	s10 =	sadd.s32 $0x12C000, s4  }
0xe: {  	v27 =	vor.u32 $0xFFFC4010, v0;
	v28 =	vor.u32 $0xFFFC4020, v0;
	v29 =	vor.u32 $0xFFFC4030, v0;
	s11 =	sadd.s32 $0x168000, s4;
	s12 =	sadd.s32 $0x1A4000, s4;
	s13 =	sadd.s32 $0x1E0000, s4  }
.LBB2_1:
0xf: {  	[tilespmem:s3], [sflag:$0x3] =	stream.linear.gather [hbm4b:s5+s3], $0x200, $0x38;
	[tilespmem:$0x1E200] =	vst v63  }
0x10: {  	_ =	swait.ge [sflag:s15], $0x200  }
0x11: {  	[sflag:s15] =	ssyncset.done $0x0  }
0x12: {  	[sflag:s15] =	ssyncadd.s32 $0xFFFFFE00  }
0x13: {  	[tilespmem:s16], [sflag:$0x1] =	stream.linear.gather [hbm4b:s1+s3], $0xF000, $0x38;
	[tilespmem:$0x1E200] =	vst v63  }
0x14: {  	_ = 	snop  }
0x15: {  	[tilespmem:s17], [sflag:$0x2] =	stream.linear.gather [hbm4b:s1+s3], $0xF000, $0x38;
	[tilespmem:$0x1E200] =	vst v63  }
0x16: {  	_ =	swait.ge [sflag:s18], $0xF000  }
0x17: {  	[sflag:s18] =	ssyncset.done $0x0  }
0x18: {  	s23 =	simm.s32 $0x40;
	s24 =	simm.s32 $0x0;
	[sflag:s18] =	ssyncadd.s32 $0xFFFF1000  }
.LBB2_2:
0x19: {  	v30 =	vld [tilespmem:s23+$0xFFFFFFC0];
	_ =	sdelay $0x4  }
0x1a: {  	v31 =	vshll.u32 v30, $0x7  }
0x1b: {  	s25 =	sshll.u32 s24, $0xA;
	v32 =	vshll.u32 v30, $0x9;
	v31 =	vand.u32 $0x380, v31  }
0x1c: {  	v32 =	vand.u32 $0xFFFFF000, v32;
	v31 =	vor.u32 s25, v31  }
0x1d: {  	vm0 =	vlt.u32 v30, $0x78;
	v30 =	vor.u32 v32, v31  }
0x1e: {  	v30 =	vor.u32 v0, v30;
	_ =	sdelay $0x4  }
0x1f: {  	[tilespmem:v30+s16+$0x0] =	vst.idx.msk vm0, v1  }
0x20: {  	v30 =	vld [tilespmem:s23+$0xFFFFFFD0];
	_ =	sdelay $0x4  }
0x21: {  	v31 =	vshll.u32 v30, $0x7  }
0x22: {  	v57 =	vshll.u32 v30, $0x9;
	v31 =	vand.u32 $0x380, v31  }
0x23: {  	v32 =	vand.u32 $0xFFFFF000, v57;
	v31 =	vor.u32 s25, v31  }
0x24: {  	vm9 =	vlt.u32 v30, $0x78;
	v30 =	vor.u32 v32, v31  }
0x25: {  	v30 =	vor.u32 v2, v30;
	_ =	sdelay $0x4  }
0x26: {  	[tilespmem:v30+s16+$0x0] =	vst.idx.msk vm9, v1  }
0x27: {  	v30 =	vld [tilespmem:s23+$0xFFFFFFE0];
	_ =	sdelay $0x4  }
0x28: {  	v31 =	vshll.u32 v30, $0x7  }
0x29: {  	v58 =	vshll.u32 v30, $0x9;
	v31 =	vand.u32 $0x380, v31  }
0x2a: {  	v32 =	vand.u32 $0xFFFFF000, v58;
	v31 =	vor.u32 s25, v31  }
0x2b: {  	vm10 =	vlt.u32 v30, $0x78;
	v30 =	vor.u32 v32, v31  }
0x2c: {  	v30 =	vor.u32 v3, v30;
	_ =	sdelay $0x4  }
0x2d: {  	[tilespmem:v30+s16+$0x0] =	vst.idx.msk vm10, v1  }
0x2e: {  	v30 =	vld [tilespmem:s23+$0xFFFFFFF0];
	_ =	sdelay $0x4  }
0x2f: {  	v31 =	vshll.u32 v30, $0x7  }
0x30: {  	v59 =	vshll.u32 v30, $0x9;
	v31 =	vand.u32 $0x380, v31  }
0x31: {  	v32 =	vand.u32 $0xFFFFF000, v59;
	v31 =	vor.u32 s25, v31  }
0x32: {  	vm11 =	vlt.u32 v30, $0x78;
	v30 =	vor.u32 v32, v31  }
0x33: {  	v30 =	vor.u32 v4, v30;
	_ =	sdelay $0x4  }
0x34: {  	[tilespmem:v30+s16+$0x0] =	vst.idx.msk vm11, v1  }
0x35: {  	v30 =	vld [tilespmem:s23+$0x0];
	_ =	sdelay $0x4  }
0x36: {  	v31 =	vshll.u32 v30, $0x7  }
0x37: {  	v60 =	vshll.u32 v30, $0x9;
	v31 =	vand.u32 $0x380, v31  }
0x38: {  	v32 =	vand.u32 $0xFFFFF000, v60;
	v31 =	vor.u32 s25, v31  }
0x39: {  	vm12 =	vlt.u32 v30, $0x78;
	v30 =	vor.u32 v32, v31  }
0x3a: {  	v30 =	vor.u32 v5, v30;
	_ =	sdelay $0x4  }
0x3b: {  	[tilespmem:v30+s16+$0x0] =	vst.idx.msk vm12, v1  }
0x3c: {  	v30 =	vld [tilespmem:s23+$0x10];
	_ =	sdelay $0x4  }
0x3d: {  	v31 =	vshll.u32 v30, $0x7  }
0x3e: {  	v61 =	vshll.u32 v30, $0x9;
	v31 =	vand.u32 $0x380, v31  }
0x3f: {  	v32 =	vand.u32 $0xFFFFF000, v61;
	v31 =	vor.u32 s25, v31  }
0x40: {  	vm13 =	vlt.u32 v30, $0x78;
	v30 =	vor.u32 v32, v31  }
0x41: {  	v30 =	vor.u32 v6, v30;
	_ =	sdelay $0x4  }
0x42: {  	[tilespmem:v30+s16+$0x0] =	vst.idx.msk vm13, v1  }
0x43: {  	v30 =	vld [tilespmem:s23+$0x20];
	_ =	sdelay $0x4  }
0x44: {  	v31 =	vshll.u32 v30, $0x7  }
0x45: {  	v62 =	vshll.u32 v30, $0x9;
	v31 =	vand.u32 $0x380, v31  }
0x46: {  	v32 =	vand.u32 $0xFFFFF000, v62;
	v31 =	vor.u32 s25, v31  }
0x47: {  	vm14 =	vlt.u32 v30, $0x78;
	v30 =	vor.u32 v32, v31  }
0x48: {  	v30 =	vor.u32 v7, v30;
	_ =	sdelay $0x4  }
0x49: {  	[tilespmem:v30+s16+$0x0] =	vst.idx.msk vm14, v1  }
0x4a: {  	v30 =	vld [tilespmem:s23+$0x30];
	_ =	sdelay $0x4  }
0x4b: {  	v31 =	vshll.u32 v30, $0x7  }
0x4c: {  	v63 =	vshll.u32 v30, $0x9;
	v31 =	vand.u32 $0x380, v31  }
0x4d: {  	v32 =	vand.u32 $0xFFFFF000, v63;
	v31 =	vor.u32 s25, v31  }
0x4e: {  	vm15 =	vlt.u32 v30, $0x78;
	v30 =	vor.u32 v32, v31  }
0x4f: {  	p0 =	sne.s32 s24, $0x3;
	v30 =	vor.u32 v8, v30  }
.Ltmp0:
0x50: {  	_ = 	snop;
	(pc) =	sbr.rel @p0 .LBB2_2-.Ltmp0, $2  }
0x51: {  	_ =	sdelay $0x2  }
0x52: {  	s24 =	sadd.s32 $0x1, s24;
	s23 =	sadd.s32 $0x80, s23;
	[tilespmem:v30+s16+$0x0] =	vst.idx.msk vm15, v1  }
0x53: {  	[hbm4b:s4+s19] =	stream.strided.scatter [tilespmem:s16], [sflag:$0x1], $0xF000, s20, s19, $0x38;
	[tilespmem:$0x1E200] =	vst v63  }
0x54: {  	_ =	swait.ge [sflag:s21], $0xF000  }
0x55: {  	[sflag:s21] =	ssyncset.done $0x0  }
0x56: {  	s23 =	simm.s32 $0x0;
	s24 =	simm.s32 $0x40;
	[sflag:s21] =	ssyncadd.s32 $0xFFFF1000  }
.LBB2_4:
0x57: {  	v30 =	vld [tilespmem:s24+$0xFFFFFFC0];
	_ =	sdelay $0x1  }
0x58: {  	s25 =	sshll.u32 s23, $0xA  }
0x59: {  	v31 =	vmov s25  }
0x5a: {  	v31 =	vadd.s32 $0xFFFF1000, v31  }
0x5b: {  	v31 =	vbroadcast v31, $0x0;
	v32 =	vshll.u32 v30, $0x9  }
0x5c: {  	v33 =	vshll.u32 v30, $0x7;
	v32 =	vand.u32 $0xFFFFF000, v32  }
0x5d: {  	v30 =	vadd.s32 $0xFFFFFF88, v30;
	v33 =	vand.u32 $0x380, v33;
	v32 =	vadd.s32 v31, v32  }
0x5e: {  	vm0 =	vlt.u32 v30, $0x78;
	v30 =	vor.u32 v33, v32  }
0x5f: {  	v30 =	vor.u32 v0, v30;
	_ =	sdelay $0x4  }
0x60: {  	[tilespmem:v30+s17+$0x0] =	vst.idx.msk vm0, v1  }
0x61: {  	v30 =	vld [tilespmem:s24+$0xFFFFFFD0];
	_ =	sdelay $0x4  }
0x62: {  	v49 =	vshll.u32 v30, $0x9  }
0x63: {  	v50 =	vshll.u32 v30, $0x7;
	v32 =	vand.u32 $0xFFFFF000, v49  }
0x64: {  	v30 =	vadd.s32 $0xFFFFFF88, v30;
	v33 =	vand.u32 $0x380, v50;
	v32 =	vadd.s32 v31, v32  }
0x65: {  	vm9 =	vlt.u32 v30, $0x78;
	v30 =	vor.u32 v33, v32  }
0x66: {  	v30 =	vor.u32 v2, v30;
	_ =	sdelay $0x4  }
0x67: {  	[tilespmem:v30+s17+$0x0] =	vst.idx.msk vm9, v1  }
0x68: {  	v30 =	vld [tilespmem:s24+$0xFFFFFFE0];
	_ =	sdelay $0x4  }
0x69: {  	v51 =	vshll.u32 v30, $0x9  }
0x6a: {  	v52 =	vshll.u32 v30, $0x7;
	v32 =	vand.u32 $0xFFFFF000, v51  }
0x6b: {  	v30 =	vadd.s32 $0xFFFFFF88, v30;
	v33 =	vand.u32 $0x380, v52;
	v32 =	vadd.s32 v31, v32  }
0x6c: {  	vm10 =	vlt.u32 v30, $0x78;
	v30 =	vor.u32 v33, v32  }
0x6d: {  	v30 =	vor.u32 v3, v30;
	_ =	sdelay $0x4  }
0x6e: {  	[tilespmem:v30+s17+$0x0] =	vst.idx.msk vm10, v1  }
0x6f: {  	v30 =	vld [tilespmem:s24+$0xFFFFFFF0];
	_ =	sdelay $0x4  }
0x70: {  	v53 =	vshll.u32 v30, $0x9  }
0x71: {  	v54 =	vshll.u32 v30, $0x7;
	v32 =	vand.u32 $0xFFFFF000, v53  }
0x72: {  	v30 =	vadd.s32 $0xFFFFFF88, v30;
	v33 =	vand.u32 $0x380, v54;
	v32 =	vadd.s32 v31, v32  }
0x73: {  	vm11 =	vlt.u32 v30, $0x78;
	v30 =	vor.u32 v33, v32  }
0x74: {  	v30 =	vor.u32 v4, v30;
	_ =	sdelay $0x4  }
0x75: {  	[tilespmem:v30+s17+$0x0] =	vst.idx.msk vm11, v1  }
0x76: {  	v30 =	vld [tilespmem:s24+$0x0];
	_ =	sdelay $0x4  }
0x77: {  	v55 =	vshll.u32 v30, $0x9  }
0x78: {  	v56 =	vshll.u32 v30, $0x7;
	v32 =	vand.u32 $0xFFFFF000, v55  }
0x79: {  	v30 =	vadd.s32 $0xFFFFFF88, v30;
	v33 =	vand.u32 $0x380, v56;
	v32 =	vadd.s32 v31, v32  }
0x7a: {  	vm12 =	vlt.u32 v30, $0x78;
	v30 =	vor.u32 v33, v32  }
0x7b: {  	v30 =	vor.u32 v5, v30;
	_ =	sdelay $0x4  }
0x7c: {  	[tilespmem:v30+s17+$0x0] =	vst.idx.msk vm12, v1  }
0x7d: {  	v30 =	vld [tilespmem:s24+$0x10];
	_ =	sdelay $0x4  }
0x7e: {  	v57 =	vshll.u32 v30, $0x9  }
0x7f: {  	v58 =	vshll.u32 v30, $0x7;
	v32 =	vand.u32 $0xFFFFF000, v57  }
0x80: {  	v30 =	vadd.s32 $0xFFFFFF88, v30;
	v33 =	vand.u32 $0x380, v58;
	v32 =	vadd.s32 v31, v32  }
0x81: {  	vm13 =	vlt.u32 v30, $0x78;
	v30 =	vor.u32 v33, v32  }
0x82: {  	v30 =	vor.u32 v6, v30;
	_ =	sdelay $0x4  }
0x83: {  	[tilespmem:v30+s17+$0x0] =	vst.idx.msk vm13, v1  }
0x84: {  	v30 =	vld [tilespmem:s24+$0x20];
	_ =	sdelay $0x4  }
0x85: {  	v59 =	vshll.u32 v30, $0x9  }
0x86: {  	v60 =	vshll.u32 v30, $0x7;
	v32 =	vand.u32 $0xFFFFF000, v59  }
0x87: {  	v30 =	vadd.s32 $0xFFFFFF88, v30;
	v33 =	vand.u32 $0x380, v60;
	v32 =	vadd.s32 v31, v32  }
0x88: {  	vm14 =	vlt.u32 v30, $0x78;
	v30 =	vor.u32 v33, v32  }
0x89: {  	v30 =	vor.u32 v7, v30;
	_ =	sdelay $0x4  }
0x8a: {  	[tilespmem:v30+s17+$0x0] =	vst.idx.msk vm14, v1  }
0x8b: {  	v30 =	vld [tilespmem:s24+$0x30];
	_ =	sdelay $0x4  }
0x8c: {  	v61 =	vshll.u32 v30, $0x9  }
0x8d: {  	v62 =	vshll.u32 v30, $0x7;
	v32 =	vand.u32 $0xFFFFF000, v61  }
0x8e: {  	v30 =	vadd.s32 $0xFFFFFF88, v30;
	v63 =	vand.u32 $0x380, v62;
	v31 =	vadd.s32 v31, v32  }
0x8f: {  	vm15 =	vlt.u32 v30, $0x78;
	v30 =	vor.u32 v63, v31  }
0x90: {  	p0 =	sne.s32 s23, $0x3;
	v30 =	vor.u32 v8, v30  }
.Ltmp1:
0x91: {  	_ = 	snop;
	(pc) =	sbr.rel @p0 .LBB2_4-.Ltmp1, $2  }
0x92: {  	_ =	sdelay $0x2  }
0x93: {  	s23 =	sadd.s32 $0x1, s23;
	s24 =	sadd.s32 $0x80, s24;
	[tilespmem:v30+s17+$0x0] =	vst.idx.msk vm15, v1  }
0x94: {  	[hbm4b:s6+s19] =	stream.strided.scatter [tilespmem:s17], [sflag:$0x2], $0xF000, s20, s19, $0x38;
	[tilespmem:$0x1E200] =	vst v63  }
0x95: {  	_ =	swait.ge [sflag:s18], $0xF000  }
0x96: {  	[sflag:s18] =	ssyncset.done $0x0  }
0x97: {  	s23 =	simm.s32 $0x0;
	s24 =	simm.s32 $0x40;
	[sflag:s18] =	ssyncadd.s32 $0xFFFF1000  }
.LBB2_6:
0x98: {  	v30 =	vld [tilespmem:s24+$0xFFFFFFC0];
	_ =	sdelay $0x4  }
0x99: {  	v31 =	vshll.u32 v30, $0x9  }
0x9a: {  	s25 =	sshll.u32 s23, $0xA;
	v32 =	vshll.u32 v30, $0x7;
	v31 =	vand.u32 $0xFFFFF000, v31  }
0x9b: {  	vm0 =	vlt.u32 v30, $0x78;
	v32 =	vand.u32 $0x380, v32;
	v33 =	vor.u32 s25, v31  }
0x9c: {  	v30 =	vadd.s32 $0xFFFFFF10, v30;
	v31 =	vadd.s32 s25, v31;
	v33 =	vor.u32 v32, v33  }
0x9d: {  	vm1 =	vlt.u32 v30, $0x78;
	v30 =	vor.u32 v32, v31;
	v33 =	vor.u32 v0, v33  }
0x9e: {  	v30 =	vadd.s32 v10, v30;
	_ =	sdelay $0x3  }
0x9f: {  	[tilespmem:v33+s16+$0x0] =	vst.idx.msk vm0, v9  }
0xa0: {  	[tilespmem:v30+s16+$0x0] =	vst.idx.msk vm1, v1  }
0xa1: {  	v30 =	vld [tilespmem:s24+$0xFFFFFFD0];
	_ =	sdelay $0x4  }
0xa2: {  	v31 =	vshll.u32 v30, $0x9  }
0xa3: {  	v50 =	vshll.u32 v30, $0x7;
	v31 =	vand.u32 $0xFFFFF000, v31  }
0xa4: {  	vm14 =	vlt.u32 v30, $0x78;
	v32 =	vand.u32 $0x380, v50;
	v51 =	vor.u32 s25, v31  }
0xa5: {  	v30 =	vadd.s32 $0xFFFFFF10, v30;
	v31 =	vadd.s32 s25, v31;
	v33 =	vor.u32 v32, v51  }
0xa6: {  	vm15 =	vlt.u32 v30, $0x78;
	v30 =	vor.u32 v32, v31;
	v33 =	vor.u32 v2, v33  }
0xa7: {  	v30 =	vadd.s32 v11, v30;
	_ =	sdelay $0x3  }
0xa8: {  	[tilespmem:v33+s16+$0x0] =	vst.idx.msk vm14, v9  }
0xa9: {  	[tilespmem:v30+s16+$0x0] =	vst.idx.msk vm15, v1  }
0xaa: {  	v30 =	vld [tilespmem:s24+$0xFFFFFFE0];
	_ =	sdelay $0x4  }
0xab: {  	v31 =	vshll.u32 v30, $0x9  }
0xac: {  	v52 =	vshll.u32 v30, $0x7;
	v31 =	vand.u32 $0xFFFFF000, v31  }
0xad: {  	vm4 =	vlt.u32 v30, $0x78;
	v32 =	vand.u32 $0x380, v52;
	v53 =	vor.u32 s25, v31  }
0xae: {  	v30 =	vadd.s32 $0xFFFFFF10, v30;
	v31 =	vadd.s32 s25, v31;
	v33 =	vor.u32 v32, v53  }
0xaf: {  	vm5 =	vlt.u32 v30, $0x78;
	v30 =	vor.u32 v32, v31;
	v33 =	vor.u32 v3, v33  }
0xb0: {  	v30 =	vadd.s32 v12, v30;
	_ =	sdelay $0x3  }
0xb1: {  	[tilespmem:v33+s16+$0x0] =	vst.idx.msk vm4, v9  }
0xb2: {  	[tilespmem:v30+s16+$0x0] =	vst.idx.msk vm5, v1  }
0xb3: {  	v30 =	vld [tilespmem:s24+$0xFFFFFFF0];
	_ =	sdelay $0x4  }
0xb4: {  	v31 =	vshll.u32 v30, $0x9  }
0xb5: {  	v54 =	vshll.u32 v30, $0x7;
	v31 =	vand.u32 $0xFFFFF000, v31  }
0xb6: {  	vm6 =	vlt.u32 v30, $0x78;
	v32 =	vand.u32 $0x380, v54;
	v55 =	vor.u32 s25, v31  }
0xb7: {  	v30 =	vadd.s32 $0xFFFFFF10, v30;
	v31 =	vadd.s32 s25, v31;
	v33 =	vor.u32 v32, v55  }
0xb8: {  	vm7 =	vlt.u32 v30, $0x78;
	v30 =	vor.u32 v32, v31;
	v33 =	vor.u32 v4, v33  }
0xb9: {  	v30 =	vadd.s32 v13, v30;
	_ =	sdelay $0x3  }
0xba: {  	[tilespmem:v33+s16+$0x0] =	vst.idx.msk vm6, v9  }
0xbb: {  	[tilespmem:v30+s16+$0x0] =	vst.idx.msk vm7, v1  }
0xbc: {  	v30 =	vld [tilespmem:s24+$0x0];
	_ =	sdelay $0x4  }
0xbd: {  	v31 =	vshll.u32 v30, $0x9  }
0xbe: {  	v56 =	vshll.u32 v30, $0x7;
	v31 =	vand.u32 $0xFFFFF000, v31  }
0xbf: {  	vm8 =	vlt.u32 v30, $0x78;
	v32 =	vand.u32 $0x380, v56;
	v57 =	vor.u32 s25, v31  }
0xc0: {  	v30 =	vadd.s32 $0xFFFFFF10, v30;
	v31 =	vadd.s32 s25, v31;
	v33 =	vor.u32 v32, v57  }
0xc1: {  	vm9 =	vlt.u32 v30, $0x78;
	v30 =	vor.u32 v32, v31;
	v33 =	vor.u32 v5, v33  }
0xc2: {  	v30 =	vadd.s32 v14, v30;
	_ =	sdelay $0x3  }
0xc3: {  	[tilespmem:v33+s16+$0x0] =	vst.idx.msk vm8, v9  }
0xc4: {  	[tilespmem:v30+s16+$0x0] =	vst.idx.msk vm9, v1  }
0xc5: {  	v30 =	vld [tilespmem:s24+$0x10];
	_ =	sdelay $0x4  }
0xc6: {  	v31 =	vshll.u32 v30, $0x9  }
0xc7: {  	v58 =	vshll.u32 v30, $0x7;
	v31 =	vand.u32 $0xFFFFF000, v31  }
0xc8: {  	vm10 =	vlt.u32 v30, $0x78;
	v32 =	vand.u32 $0x380, v58;
	v59 =	vor.u32 s25, v31  }
0xc9: {  	v30 =	vadd.s32 $0xFFFFFF10, v30;
	v31 =	vadd.s32 s25, v31;
	v33 =	vor.u32 v32, v59  }
0xca: {  	vm11 =	vlt.u32 v30, $0x78;
	v30 =	vor.u32 v32, v31;
	v33 =	vor.u32 v6, v33  }
0xcb: {  	v30 =	vadd.s32 v15, v30;
	_ =	sdelay $0x3  }
0xcc: {  	[tilespmem:v33+s16+$0x0] =	vst.idx.msk vm10, v9  }
0xcd: {  	[tilespmem:v30+s16+$0x0] =	vst.idx.msk vm11, v1  }
0xce: {  	v30 =	vld [tilespmem:s24+$0x20];
	_ =	sdelay $0x4  }
0xcf: {  	v31 =	vshll.u32 v30, $0x9  }
0xd0: {  	v60 =	vshll.u32 v30, $0x7;
	v31 =	vand.u32 $0xFFFFF000, v31  }
0xd1: {  	vm12 =	vlt.u32 v30, $0x78;
	v32 =	vand.u32 $0x380, v60;
	v61 =	vor.u32 s25, v31  }
0xd2: {  	v30 =	vadd.s32 $0xFFFFFF10, v30;
	v31 =	vadd.s32 s25, v31;
	v33 =	vor.u32 v32, v61  }
0xd3: {  	vm13 =	vlt.u32 v30, $0x78;
	v30 =	vor.u32 v32, v31;
	v33 =	vor.u32 v7, v33  }
0xd4: {  	v30 =	vadd.s32 v16, v30;
	_ =	sdelay $0x3  }
0xd5: {  	[tilespmem:v33+s16+$0x0] =	vst.idx.msk vm12, v9  }
0xd6: {  	[tilespmem:v30+s16+$0x0] =	vst.idx.msk vm13, v1  }
0xd7: {  	v30 =	vld [tilespmem:s24+$0x30];
	_ =	sdelay $0x4  }
0xd8: {  	v31 =	vshll.u32 v30, $0x9  }
0xd9: {  	v62 =	vshll.u32 v30, $0x7;
	v31 =	vand.u32 $0xFFFFF000, v31  }
0xda: {  	vm14 =	vlt.u32 v30, $0x78;
	v32 =	vand.u32 $0x380, v62;
	v63 =	vor.u32 s25, v31  }
0xdb: {  	v30 =	vadd.s32 $0xFFFFFF10, v30;
	v31 =	vadd.s32 s25, v31;
	v33 =	vor.u32 v32, v63  }
0xdc: {  	vm15 =	vlt.u32 v30, $0x78;
	v30 =	vor.u32 v32, v31;
	v33 =	vor.u32 v8, v33  }
0xdd: {  	p0 =	sne.s32 s23, $0x3;
	v30 =	vadd.s32 v17, v30  }
.Ltmp2:
0xde: {  	_ = 	snop;
	(pc) =	sbr.rel @p0 .LBB2_6-.Ltmp2, $3  }
0xdf: {  	_ =	sdelay $0x1  }
0xe0: {  	[tilespmem:v33+s16+$0x0] =	vst.idx.msk vm14, v9  }
0xe1: {  	s23 =	sadd.s32 $0x1, s23;
	s24 =	sadd.s32 $0x80, s24;
	[tilespmem:v30+s16+$0x0] =	vst.idx.msk vm15, v1  }
0xe2: {  	[hbm4b:s7+s19] =	stream.strided.scatter [tilespmem:s16], [sflag:$0x1], $0xF000, s20, s19, $0x38;
	[tilespmem:$0x1E200] =	vst v63  }
0xe3: {  	_ =	swait.ge [sflag:s21], $0xF000  }
0xe4: {  	[sflag:s21] =	ssyncset.done $0x0  }
0xe5: {  	s23 =	simm.s32 $0x0;
	s24 =	simm.s32 $0x40;
	[sflag:s21] =	ssyncadd.s32 $0xFFFF1000  }
.LBB2_8:
0xe6: {  	v30 =	vld [tilespmem:s24+$0xFFFFFFC0];
	_ =	sdelay $0x4  }
0xe7: {  	v31 =	vshll.u32 v30, $0x9  }
0xe8: {  	s25 =	sshll.u32 s23, $0xA;
	v32 =	vshll.u32 v30, $0x7;
	v31 =	vand.u32 $0xFFFFF000, v31  }
0xe9: {  	v32 =	vand.u32 $0x380, v32;
	v31 =	vadd.s32 s25, v31  }
0xea: {  	v41 =	vadd.s32 $0xFFFFFF88, v30;
	v31 =	vor.u32 v32, v31  }
0xeb: {  	v30 =	vadd.s32 $0xFFFFFE98, v30;
	vm0 =	vlt.u32 v41, $0x78;
	v42 =	vor.u32 v0, v31  }
0xec: {  	vm1 =	vlt.u32 v30, $0x78;
	v32 =	vadd.s32 $0xFFFF1000, v42  }
0xed: {  	v30 =	vadd.s32 v18, v31;
	_ =	sdelay $0x3  }
0xee: {  	[tilespmem:v32+s17+$0x0] =	vst.idx.msk vm0, v9  }
0xef: {  	[tilespmem:v30+s17+$0x0] =	vst.idx.msk vm1, v1  }
0xf0: {  	v30 =	vld [tilespmem:s24+$0xFFFFFFD0];
	_ =	sdelay $0x4  }
0xf1: {  	v31 =	vshll.u32 v30, $0x9  }
0xf2: {  	v43 =	vshll.u32 v30, $0x7;
	v31 =	vand.u32 $0xFFFFF000, v31  }
0xf3: {  	v32 =	vand.u32 $0x380, v43;
	v31 =	vadd.s32 s25, v31  }
0xf4: {  	v44 =	vadd.s32 $0xFFFFFF88, v30;
	v31 =	vor.u32 v32, v31  }
0xf5: {  	v30 =	vadd.s32 $0xFFFFFE98, v30;
	vm14 =	vlt.u32 v44, $0x78;
	v45 =	vor.u32 v2, v31  }
0xf6: {  	vm15 =	vlt.u32 v30, $0x78;
	v32 =	vadd.s32 $0xFFFF1000, v45  }
0xf7: {  	v30 =	vadd.s32 v19, v31;
	_ =	sdelay $0x3  }
0xf8: {  	[tilespmem:v32+s17+$0x0] =	vst.idx.msk vm14, v9  }
0xf9: {  	[tilespmem:v30+s17+$0x0] =	vst.idx.msk vm15, v1  }
0xfa: {  	v30 =	vld [tilespmem:s24+$0xFFFFFFE0];
	_ =	sdelay $0x4  }
0xfb: {  	v31 =	vshll.u32 v30, $0x9  }
0xfc: {  	v46 =	vshll.u32 v30, $0x7;
	v31 =	vand.u32 $0xFFFFF000, v31  }
0xfd: {  	v32 =	vand.u32 $0x380, v46;
	v31 =	vadd.s32 s25, v31  }
0xfe: {  	v47 =	vadd.s32 $0xFFFFFF88, v30;
	v31 =	vor.u32 v32, v31  }
0xff: {  	v30 =	vadd.s32 $0xFFFFFE98, v30;
	vm4 =	vlt.u32 v47, $0x78;
	v48 =	vor.u32 v3, v31  }
0x100: {  	vm5 =	vlt.u32 v30, $0x78;
	v32 =	vadd.s32 $0xFFFF1000, v48  }
0x101: {  	v30 =	vadd.s32 v20, v31;
	_ =	sdelay $0x3  }
0x102: {  	[tilespmem:v32+s17+$0x0] =	vst.idx.msk vm4, v9  }
0x103: {  	[tilespmem:v30+s17+$0x0] =	vst.idx.msk vm5, v1  }
0x104: {  	v30 =	vld [tilespmem:s24+$0xFFFFFFF0];
	_ =	sdelay $0x4  }
0x105: {  	v31 =	vshll.u32 v30, $0x9  }
0x106: {  	v49 =	vshll.u32 v30, $0x7;
	v31 =	vand.u32 $0xFFFFF000, v31  }
0x107: {  	v32 =	vand.u32 $0x380, v49;
	v31 =	vadd.s32 s25, v31  }
0x108: {  	v50 =	vadd.s32 $0xFFFFFF88, v30;
	v31 =	vor.u32 v32, v31  }
0x109: {  	v30 =	vadd.s32 $0xFFFFFE98, v30;
	vm6 =	vlt.u32 v50, $0x78;
	v51 =	vor.u32 v4, v31  }
0x10a: {  	vm7 =	vlt.u32 v30, $0x78;
	v32 =	vadd.s32 $0xFFFF1000, v51  }
0x10b: {  	v30 =	vadd.s32 v21, v31;
	_ =	sdelay $0x3  }
0x10c: {  	[tilespmem:v32+s17+$0x0] =	vst.idx.msk vm6, v9  }
0x10d: {  	[tilespmem:v30+s17+$0x0] =	vst.idx.msk vm7, v1  }
0x10e: {  	v30 =	vld [tilespmem:s24+$0x0];
	_ =	sdelay $0x4  }
0x10f: {  	v31 =	vshll.u32 v30, $0x9  }
0x110: {  	v52 =	vshll.u32 v30, $0x7;
	v31 =	vand.u32 $0xFFFFF000, v31  }
0x111: {  	v32 =	vand.u32 $0x380, v52;
	v31 =	vadd.s32 s25, v31  }
0x112: {  	v53 =	vadd.s32 $0xFFFFFF88, v30;
	v31 =	vor.u32 v32, v31  }
0x113: {  	v30 =	vadd.s32 $0xFFFFFE98, v30;
	vm8 =	vlt.u32 v53, $0x78;
	v54 =	vor.u32 v5, v31  }
0x114: {  	vm9 =	vlt.u32 v30, $0x78;
	v32 =	vadd.s32 $0xFFFF1000, v54  }
0x115: {  	v30 =	vadd.s32 v22, v31;
	_ =	sdelay $0x3  }
0x116: {  	[tilespmem:v32+s17+$0x0] =	vst.idx.msk vm8, v9  }
0x117: {  	[tilespmem:v30+s17+$0x0] =	vst.idx.msk vm9, v1  }
0x118: {  	v30 =	vld [tilespmem:s24+$0x10];
	_ =	sdelay $0x4  }
0x119: {  	v31 =	vshll.u32 v30, $0x9  }
0x11a: {  	v55 =	vshll.u32 v30, $0x7;
	v31 =	vand.u32 $0xFFFFF000, v31  }
0x11b: {  	v32 =	vand.u32 $0x380, v55;
	v31 =	vadd.s32 s25, v31  }
0x11c: {  	v56 =	vadd.s32 $0xFFFFFF88, v30;
	v31 =	vor.u32 v32, v31  }
0x11d: {  	v30 =	vadd.s32 $0xFFFFFE98, v30;
	vm10 =	vlt.u32 v56, $0x78;
	v57 =	vor.u32 v6, v31  }
0x11e: {  	vm11 =	vlt.u32 v30, $0x78;
	v32 =	vadd.s32 $0xFFFF1000, v57  }
0x11f: {  	v30 =	vadd.s32 v23, v31;
	_ =	sdelay $0x3  }
0x120: {  	[tilespmem:v32+s17+$0x0] =	vst.idx.msk vm10, v9  }
0x121: {  	[tilespmem:v30+s17+$0x0] =	vst.idx.msk vm11, v1  }
0x122: {  	v30 =	vld [tilespmem:s24+$0x20];
	_ =	sdelay $0x4  }
0x123: {  	v31 =	vshll.u32 v30, $0x9  }
0x124: {  	v58 =	vshll.u32 v30, $0x7;
	v31 =	vand.u32 $0xFFFFF000, v31  }
0x125: {  	v32 =	vand.u32 $0x380, v58;
	v31 =	vadd.s32 s25, v31  }
0x126: {  	v59 =	vadd.s32 $0xFFFFFF88, v30;
	v31 =	vor.u32 v32, v31  }
0x127: {  	v30 =	vadd.s32 $0xFFFFFE98, v30;
	vm12 =	vlt.u32 v59, $0x78;
	v60 =	vor.u32 v7, v31  }
0x128: {  	vm13 =	vlt.u32 v30, $0x78;
	v32 =	vadd.s32 $0xFFFF1000, v60  }
0x129: {  	v30 =	vadd.s32 v24, v31;
	_ =	sdelay $0x3  }
0x12a: {  	[tilespmem:v32+s17+$0x0] =	vst.idx.msk vm12, v9  }
0x12b: {  	[tilespmem:v30+s17+$0x0] =	vst.idx.msk vm13, v1  }
0x12c: {  	v30 =	vld [tilespmem:s24+$0x30];
	_ =	sdelay $0x4  }
0x12d: {  	v31 =	vshll.u32 v30, $0x9  }
0x12e: {  	v61 =	vshll.u32 v30, $0x7;
	v31 =	vand.u32 $0xFFFFF000, v31  }
0x12f: {  	v32 =	vand.u32 $0x380, v61;
	v31 =	vadd.s32 s25, v31  }
0x130: {  	v62 =	vadd.s32 $0xFFFFFF88, v30;
	v31 =	vor.u32 v32, v31  }
0x131: {  	v30 =	vadd.s32 $0xFFFFFE98, v30;
	vm14 =	vlt.u32 v62, $0x78;
	v63 =	vor.u32 v8, v31  }
0x132: {  	vm15 =	vlt.u32 v30, $0x78;
	v32 =	vadd.s32 $0xFFFF1000, v63  }
0x133: {  	p0 =	sne.s32 s23, $0x3;
	v30 =	vadd.s32 v25, v31  }
.Ltmp3:
0x134: {  	_ = 	snop;
	(pc) =	sbr.rel @p0 .LBB2_8-.Ltmp3, $3  }
0x135: {  	_ =	sdelay $0x1  }
0x136: {  	[tilespmem:v32+s17+$0x0] =	vst.idx.msk vm14, v9  }
0x137: {  	s23 =	sadd.s32 $0x1, s23;
	s24 =	sadd.s32 $0x80, s24;
	[tilespmem:v30+s17+$0x0] =	vst.idx.msk vm15, v1  }
0x138: {  	[hbm4b:s8+s19] =	stream.strided.scatter [tilespmem:s17], [sflag:$0x2], $0xF000, s20, s19, $0x38;
	[tilespmem:$0x1E200] =	vst v63  }
0x139: {  	_ =	swait.ge [sflag:s18], $0xF000  }
0x13a: {  	[sflag:s18] =	ssyncset.done $0x0  }
0x13b: {  	s23 =	simm.s32 $0x0;
	s24 =	simm.s32 $0x40;
	[sflag:s18] =	ssyncadd.s32 $0xFFFF1000  }
.LBB2_10:
0x13c: {  	v30 =	vld [tilespmem:s24+$0xFFFFFFC0];
	_ =	sdelay $0x4  }
0x13d: {  	v31 =	vshll.u32 v30, $0x9  }
0x13e: {  	s25 =	sshll.u32 s23, $0xA;
	v32 =	vshll.u32 v30, $0x7;
	v31 =	vand.u32 $0xFFFFF000, v31  }
0x13f: {  	v32 =	vand.u32 $0x380, v32;
	v31 =	vadd.s32 s25, v31  }
0x140: {  	v41 =	vadd.s32 $0xFFFFFF10, v30;
	v31 =	vor.u32 v32, v31  }
0x141: {  	v30 =	vadd.s32 $0xFFFFFE20, v30;
	vm0 =	vlt.u32 v41, $0x78;
	v42 =	vor.u32 v0, v31  }
0x142: {  	vm1 =	vlt.u32 v30, $0x78;
	v32 =	vadd.s32 $0xFFFE2000, v42  }
0x143: {  	v30 =	vadd.s32 v26, v31;
	_ =	sdelay $0x3  }
0x144: {  	[tilespmem:v32+s16+$0x0] =	vst.idx.msk vm0, v9  }
0x145: {  	[tilespmem:v30+s16+$0x0] =	vst.idx.msk vm1, v1  }
0x146: {  	v30 =	vld [tilespmem:s24+$0xFFFFFFD0];
	_ =	sdelay $0x4  }
0x147: {  	v31 =	vshll.u32 v30, $0x9  }
0x148: {  	v43 =	vshll.u32 v30, $0x7;
	v31 =	vand.u32 $0xFFFFF000, v31  }
0x149: {  	v32 =	vand.u32 $0x380, v43;
	v31 =	vadd.s32 s25, v31  }
0x14a: {  	v44 =	vadd.s32 $0xFFFFFF10, v30;
	v31 =	vor.u32 v32, v31  }
0x14b: {  	v30 =	vadd.s32 $0xFFFFFE20, v30;
	vm14 =	vlt.u32 v44, $0x78;
	v45 =	vor.u32 v2, v31  }
0x14c: {  	vm15 =	vlt.u32 v30, $0x78;
	v32 =	vadd.s32 $0xFFFE2000, v45  }
0x14d: {  	v30 =	vadd.s32 v27, v31;
	_ =	sdelay $0x3  }
0x14e: {  	[tilespmem:v32+s16+$0x0] =	vst.idx.msk vm14, v9  }
0x14f: {  	[tilespmem:v30+s16+$0x0] =	vst.idx.msk vm15, v1  }
0x150: {  	v30 =	vld [tilespmem:s24+$0xFFFFFFE0];
	_ =	sdelay $0x4  }
0x151: {  	v31 =	vshll.u32 v30, $0x9  }
0x152: {  	v46 =	vshll.u32 v30, $0x7;
	v31 =	vand.u32 $0xFFFFF000, v31  }
0x153: {  	v32 =	vand.u32 $0x380, v46;
	v31 =	vadd.s32 s25, v31  }
0x154: {  	v47 =	vadd.s32 $0xFFFFFF10, v30;
	v31 =	vor.u32 v32, v31  }
0x155: {  	v30 =	vadd.s32 $0xFFFFFE20, v30;
	vm4 =	vlt.u32 v47, $0x78;
	v48 =	vor.u32 v3, v31  }
0x156: {  	vm5 =	vlt.u32 v30, $0x78;
	v32 =	vadd.s32 $0xFFFE2000, v48  }
0x157: {  	v30 =	vadd.s32 v28, v31;
	_ =	sdelay $0x3  }
0x158: {  	[tilespmem:v32+s16+$0x0] =	vst.idx.msk vm4, v9  }
0x159: {  	[tilespmem:v30+s16+$0x0] =	vst.idx.msk vm5, v1  }
0x15a: {  	v30 =	vld [tilespmem:s24+$0xFFFFFFF0];
	_ =	sdelay $0x4  }
0x15b: {  	v31 =	vshll.u32 v30, $0x9  }
0x15c: {  	v49 =	vshll.u32 v30, $0x7;
	v31 =	vand.u32 $0xFFFFF000, v31  }
0x15d: {  	v32 =	vand.u32 $0x380, v49;
	v31 =	vadd.s32 s25, v31  }
0x15e: {  	v50 =	vadd.s32 $0xFFFFFF10, v30;
	v31 =	vor.u32 v32, v31  }
0x15f: {  	v30 =	vadd.s32 $0xFFFFFE20, v30;
	vm6 =	vlt.u32 v50, $0x78;
	v51 =	vor.u32 v4, v31  }
0x160: {  	vm7 =	vlt.u32 v30, $0x78;
	v32 =	vadd.s32 $0xFFFE2000, v51  }
0x161: {  	v30 =	vadd.s32 v29, v31;
	_ =	sdelay $0x3  }
0x162: {  	[tilespmem:v32+s16+$0x0] =	vst.idx.msk vm6, v9  }
0x163: {  	[tilespmem:v30+s16+$0x0] =	vst.idx.msk vm7, v1  }
0x164: {  	v30 =	vld [tilespmem:s24+$0x0];
	_ =	sdelay $0x4  }
0x165: {  	v31 =	vshll.u32 v30, $0x9  }
0x166: {  	v52 =	vshll.u32 v30, $0x7;
	v31 =	vand.u32 $0xFFFFF000, v31  }
0x167: {  	v32 =	vand.u32 $0x380, v52;
	v31 =	vadd.s32 s25, v31  }
0x168: {  	v53 =	vadd.s32 $0xFFFFFF10, v30;
	v31 =	vor.u32 v32, v31  }
0x169: {  	v30 =	vadd.s32 $0xFFFFFE20, v30;
	vm8 =	vlt.u32 v53, $0x78;
	v54 =	vor.u32 v5, v31  }
0x16a: {  	vm9 =	vlt.u32 v30, $0x78;
	v30 =	vor.u32 $0xFFFC4040, v0;
	v32 =	vadd.s32 $0xFFFE2000, v54  }
0x16b: {  	v30 =	vadd.s32 v30, v31;
	_ =	sdelay $0x3  }
0x16c: {  	[tilespmem:v32+s16+$0x0] =	vst.idx.msk vm8, v9  }
0x16d: {  	[tilespmem:v30+s16+$0x0] =	vst.idx.msk vm9, v1  }
0x16e: {  	v30 =	vld [tilespmem:s24+$0x10];
	_ =	sdelay $0x4  }
0x16f: {  	v31 =	vshll.u32 v30, $0x9  }
0x170: {  	v55 =	vshll.u32 v30, $0x7;
	v31 =	vand.u32 $0xFFFFF000, v31  }
0x171: {  	v32 =	vand.u32 $0x380, v55;
	v31 =	vadd.s32 s25, v31  }
0x172: {  	v56 =	vadd.s32 $0xFFFFFF10, v30;
	v31 =	vor.u32 v32, v31  }
0x173: {  	v30 =	vadd.s32 $0xFFFFFE20, v30;
	vm10 =	vlt.u32 v56, $0x78;
	v57 =	vor.u32 v6, v31  }
0x174: {  	vm11 =	vlt.u32 v30, $0x78;
	v30 =	vor.u32 $0xFFFC4050, v0;
	v32 =	vadd.s32 $0xFFFE2000, v57  }
0x175: {  	v30 =	vadd.s32 v30, v31;
	_ =	sdelay $0x3  }
0x176: {  	[tilespmem:v32+s16+$0x0] =	vst.idx.msk vm10, v9  }
0x177: {  	[tilespmem:v30+s16+$0x0] =	vst.idx.msk vm11, v1  }
0x178: {  	v30 =	vld [tilespmem:s24+$0x20];
	_ =	sdelay $0x4  }
0x179: {  	v31 =	vshll.u32 v30, $0x9  }
0x17a: {  	v58 =	vshll.u32 v30, $0x7;
	v31 =	vand.u32 $0xFFFFF000, v31  }
0x17b: {  	v32 =	vand.u32 $0x380, v58;
	v31 =	vadd.s32 s25, v31  }
0x17c: {  	v59 =	vadd.s32 $0xFFFFFF10, v30;
	v31 =	vor.u32 v32, v31  }
0x17d: {  	v30 =	vadd.s32 $0xFFFFFE20, v30;
	vm12 =	vlt.u32 v59, $0x78;
	v60 =	vor.u32 v7, v31  }
0x17e: {  	vm13 =	vlt.u32 v30, $0x78;
	v30 =	vor.u32 $0xFFFC4060, v0;
	v32 =	vadd.s32 $0xFFFE2000, v60  }
0x17f: {  	v30 =	vadd.s32 v30, v31;
	_ =	sdelay $0x3  }
0x180: {  	[tilespmem:v32+s16+$0x0] =	vst.idx.msk vm12, v9  }
0x181: {  	[tilespmem:v30+s16+$0x0] =	vst.idx.msk vm13, v1  }
0x182: {  	v30 =	vld [tilespmem:s24+$0x30];
	_ =	sdelay $0x4  }
0x183: {  	v31 =	vshll.u32 v30, $0x9  }
0x184: {  	v61 =	vshll.u32 v30, $0x7;
	v31 =	vand.u32 $0xFFFFF000, v31  }
0x185: {  	v32 =	vand.u32 $0x380, v61;
	v31 =	vadd.s32 s25, v31  }
0x186: {  	v62 =	vadd.s32 $0xFFFFFF10, v30;
	v31 =	vor.u32 v32, v31  }
0x187: {  	v30 =	vadd.s32 $0xFFFFFE20, v30;
	vm14 =	vlt.u32 v62, $0x78;
	v63 =	vor.u32 v8, v31  }
0x188: {  	vm15 =	vlt.u32 v30, $0x78;
	v30 =	vor.u32 $0xFFFC4070, v0;
	v32 =	vadd.s32 $0xFFFE2000, v63  }
0x189: {  	p0 =	sne.s32 s23, $0x3;
	v30 =	vadd.s32 v30, v31  }
.Ltmp4:
0x18a: {  	_ = 	snop;
	(pc) =	sbr.rel @p0 .LBB2_10-.Ltmp4, $3  }
0x18b: {  	_ =	sdelay $0x1  }
0x18c: {  	[tilespmem:v32+s16+$0x0] =	vst.idx.msk vm14, v9  }
0x18d: {  	s23 =	sadd.s32 $0x1, s23;
	s24 =	sadd.s32 $0x80, s24;
	[tilespmem:v30+s16+$0x0] =	vst.idx.msk vm15, v1  }
0x18e: {  	[hbm4b:s9+s19] =	stream.strided.scatter [tilespmem:s16], [sflag:$0x1], $0xF000, s20, s19, $0x38;
	[tilespmem:$0x1E200] =	vst v63  }
0x18f: {  	_ =	swait.ge [sflag:s21], $0xF000  }
0x190: {  	[sflag:s21] =	ssyncset.done $0x0  }
0x191: {  	s23 =	simm.s32 $0x0;
	s24 =	simm.s32 $0x40;
	[sflag:s21] =	ssyncadd.s32 $0xFFFF1000  }
.LBB2_12:
0x192: {  	v30 =	vld [tilespmem:s24+$0xFFFFFFC0];
	_ =	sdelay $0x4  }
0x193: {  	v31 =	vshll.u32 v30, $0x9  }
0x194: {  	s25 =	sshll.u32 s23, $0xA;
	v32 =	vshll.u32 v30, $0x7;
	v31 =	vand.u32 $0xFFFFF000, v31  }
0x195: {  	v32 =	vand.u32 $0x380, v32;
	v31 =	vadd.s32 s25, v31  }
0x196: {  	v41 =	vadd.s32 $0xFFFFFE98, v30;
	v31 =	vor.u32 v32, v31  }
0x197: {  	v30 =	vadd.s32 $0xFFFFFDA8, v30;
	vm0 =	vlt.u32 v41, $0x78;
	v42 =	vor.u32 v0, v31  }
0x198: {  	vm1 =	vlt.u32 v30, $0x78;
	v30 =	vor.u32 $0xFFFB5000, v0;
	v32 =	vadd.s32 $0xFFFD3000, v42  }
0x199: {  	v30 =	vadd.s32 v30, v31;
	_ =	sdelay $0x3  }
0x19a: {  	[tilespmem:v32+s17+$0x0] =	vst.idx.msk vm0, v9  }
0x19b: {  	[tilespmem:v30+s17+$0x0] =	vst.idx.msk vm1, v1  }
0x19c: {  	v30 =	vld [tilespmem:s24+$0xFFFFFFD0];
	_ =	sdelay $0x4  }
0x19d: {  	v31 =	vshll.u32 v30, $0x9  }
0x19e: {  	v43 =	vshll.u32 v30, $0x7;
	v31 =	vand.u32 $0xFFFFF000, v31  }
0x19f: {  	v32 =	vand.u32 $0x380, v43;
	v31 =	vadd.s32 s25, v31  }
0x1a0: {  	v44 =	vadd.s32 $0xFFFFFE98, v30;
	v31 =	vor.u32 v32, v31  }
0x1a1: {  	v30 =	vadd.s32 $0xFFFFFDA8, v30;
	vm14 =	vlt.u32 v44, $0x78;
	v45 =	vor.u32 v2, v31  }
0x1a2: {  	vm15 =	vlt.u32 v30, $0x78;
	v30 =	vor.u32 $0xFFFB5010, v0;
	v32 =	vadd.s32 $0xFFFD3000, v45  }
0x1a3: {  	v30 =	vadd.s32 v30, v31;
	_ =	sdelay $0x3  }
0x1a4: {  	[tilespmem:v32+s17+$0x0] =	vst.idx.msk vm14, v9  }
0x1a5: {  	[tilespmem:v30+s17+$0x0] =	vst.idx.msk vm15, v1  }
0x1a6: {  	v30 =	vld [tilespmem:s24+$0xFFFFFFE0];
	_ =	sdelay $0x4  }
0x1a7: {  	v31 =	vshll.u32 v30, $0x9  }
0x1a8: {  	v46 =	vshll.u32 v30, $0x7;
	v31 =	vand.u32 $0xFFFFF000, v31  }
0x1a9: {  	v32 =	vand.u32 $0x380, v46;
	v31 =	vadd.s32 s25, v31  }
0x1aa: {  	v47 =	vadd.s32 $0xFFFFFE98, v30;
	v31 =	vor.u32 v32, v31  }
0x1ab: {  	v30 =	vadd.s32 $0xFFFFFDA8, v30;
	vm4 =	vlt.u32 v47, $0x78;
	v48 =	vor.u32 v3, v31  }
0x1ac: {  	vm5 =	vlt.u32 v30, $0x78;
	v30 =	vor.u32 $0xFFFB5020, v0;
	v32 =	vadd.s32 $0xFFFD3000, v48  }
0x1ad: {  	v30 =	vadd.s32 v30, v31;
	_ =	sdelay $0x3  }
0x1ae: {  	[tilespmem:v32+s17+$0x0] =	vst.idx.msk vm4, v9  }
0x1af: {  	[tilespmem:v30+s17+$0x0] =	vst.idx.msk vm5, v1  }
0x1b0: {  	v30 =	vld [tilespmem:s24+$0xFFFFFFF0];
	_ =	sdelay $0x4  }
0x1b1: {  	v31 =	vshll.u32 v30, $0x9  }
0x1b2: {  	v49 =	vshll.u32 v30, $0x7;
	v31 =	vand.u32 $0xFFFFF000, v31  }
0x1b3: {  	v32 =	vand.u32 $0x380, v49;
	v31 =	vadd.s32 s25, v31  }
0x1b4: {  	v50 =	vadd.s32 $0xFFFFFE98, v30;
	v31 =	vor.u32 v32, v31  }
0x1b5: {  	v30 =	vadd.s32 $0xFFFFFDA8, v30;
	vm6 =	vlt.u32 v50, $0x78;
	v51 =	vor.u32 v4, v31  }
0x1b6: {  	vm7 =	vlt.u32 v30, $0x78;
	v30 =	vor.u32 $0xFFFB5030, v0;
	v32 =	vadd.s32 $0xFFFD3000, v51  }
0x1b7: {  	v30 =	vadd.s32 v30, v31;
	_ =	sdelay $0x3  }
0x1b8: {  	[tilespmem:v32+s17+$0x0] =	vst.idx.msk vm6, v9  }
0x1b9: {  	[tilespmem:v30+s17+$0x0] =	vst.idx.msk vm7, v1  }
0x1ba: {  	v30 =	vld [tilespmem:s24+$0x0];
	_ =	sdelay $0x4  }
0x1bb: {  	v31 =	vshll.u32 v30, $0x9  }
0x1bc: {  	v52 =	vshll.u32 v30, $0x7;
	v31 =	vand.u32 $0xFFFFF000, v31  }
0x1bd: {  	v32 =	vand.u32 $0x380, v52;
	v31 =	vadd.s32 s25, v31  }
0x1be: {  	v53 =	vadd.s32 $0xFFFFFE98, v30;
	v31 =	vor.u32 v32, v31  }
0x1bf: {  	v30 =	vadd.s32 $0xFFFFFDA8, v30;
	vm8 =	vlt.u32 v53, $0x78;
	v54 =	vor.u32 v5, v31  }
0x1c0: {  	vm9 =	vlt.u32 v30, $0x78;
	v30 =	vor.u32 $0xFFFB5040, v0;
	v32 =	vadd.s32 $0xFFFD3000, v54  }
0x1c1: {  	v30 =	vadd.s32 v30, v31;
	_ =	sdelay $0x3  }
0x1c2: {  	[tilespmem:v32+s17+$0x0] =	vst.idx.msk vm8, v9  }
0x1c3: {  	[tilespmem:v30+s17+$0x0] =	vst.idx.msk vm9, v1  }
0x1c4: {  	v30 =	vld [tilespmem:s24+$0x10];
	_ =	sdelay $0x4  }
0x1c5: {  	v31 =	vshll.u32 v30, $0x9  }
0x1c6: {  	v55 =	vshll.u32 v30, $0x7;
	v31 =	vand.u32 $0xFFFFF000, v31  }
0x1c7: {  	v32 =	vand.u32 $0x380, v55;
	v31 =	vadd.s32 s25, v31  }
0x1c8: {  	v56 =	vadd.s32 $0xFFFFFE98, v30;
	v31 =	vor.u32 v32, v31  }
0x1c9: {  	v30 =	vadd.s32 $0xFFFFFDA8, v30;
	vm10 =	vlt.u32 v56, $0x78;
	v57 =	vor.u32 v6, v31  }
0x1ca: {  	vm11 =	vlt.u32 v30, $0x78;
	v30 =	vor.u32 $0xFFFB5050, v0;
	v32 =	vadd.s32 $0xFFFD3000, v57  }
0x1cb: {  	v30 =	vadd.s32 v30, v31;
	_ =	sdelay $0x3  }
0x1cc: {  	[tilespmem:v32+s17+$0x0] =	vst.idx.msk vm10, v9  }
0x1cd: {  	[tilespmem:v30+s17+$0x0] =	vst.idx.msk vm11, v1  }
0x1ce: {  	v30 =	vld [tilespmem:s24+$0x20];
	_ =	sdelay $0x4  }
0x1cf: {  	v31 =	vshll.u32 v30, $0x9  }
0x1d0: {  	v58 =	vshll.u32 v30, $0x7;
	v31 =	vand.u32 $0xFFFFF000, v31  }
0x1d1: {  	v32 =	vand.u32 $0x380, v58;
	v31 =	vadd.s32 s25, v31  }
0x1d2: {  	v59 =	vadd.s32 $0xFFFFFE98, v30;
	v31 =	vor.u32 v32, v31  }
0x1d3: {  	v30 =	vadd.s32 $0xFFFFFDA8, v30;
	vm12 =	vlt.u32 v59, $0x78;
	v60 =	vor.u32 v7, v31  }
0x1d4: {  	vm13 =	vlt.u32 v30, $0x78;
	v30 =	vor.u32 $0xFFFB5060, v0;
	v32 =	vadd.s32 $0xFFFD3000, v60  }
0x1d5: {  	v30 =	vadd.s32 v30, v31;
	_ =	sdelay $0x3  }
0x1d6: {  	[tilespmem:v32+s17+$0x0] =	vst.idx.msk vm12, v9  }
0x1d7: {  	[tilespmem:v30+s17+$0x0] =	vst.idx.msk vm13, v1  }
0x1d8: {  	v30 =	vld [tilespmem:s24+$0x30];
	_ =	sdelay $0x4  }
0x1d9: {  	v31 =	vshll.u32 v30, $0x9  }
0x1da: {  	v61 =	vshll.u32 v30, $0x7;
	v31 =	vand.u32 $0xFFFFF000, v31  }
0x1db: {  	v32 =	vand.u32 $0x380, v61;
	v31 =	vadd.s32 s25, v31  }
0x1dc: {  	v62 =	vadd.s32 $0xFFFFFE98, v30;
	v31 =	vor.u32 v32, v31  }
0x1dd: {  	v30 =	vadd.s32 $0xFFFFFDA8, v30;
	vm14 =	vlt.u32 v62, $0x78;
	v63 =	vor.u32 v8, v31  }
0x1de: {  	vm15 =	vlt.u32 v30, $0x78;
	v30 =	vor.u32 $0xFFFB5070, v0;
	v32 =	vadd.s32 $0xFFFD3000, v63  }
0x1df: {  	p0 =	sne.s32 s23, $0x3;
	v30 =	vadd.s32 v30, v31  }
.Ltmp5:
0x1e0: {  	_ = 	snop;
	(pc) =	sbr.rel @p0 .LBB2_12-.Ltmp5, $3  }
0x1e1: {  	_ =	sdelay $0x1  }
0x1e2: {  	[tilespmem:v32+s17+$0x0] =	vst.idx.msk vm14, v9  }
0x1e3: {  	s23 =	sadd.s32 $0x1, s23;
	s24 =	sadd.s32 $0x80, s24;
	[tilespmem:v30+s17+$0x0] =	vst.idx.msk vm15, v1  }
0x1e4: {  	[hbm4b:s10+s19] =	stream.strided.scatter [tilespmem:s17], [sflag:$0x2], $0xF000, s20, s19, $0x38;
	[tilespmem:$0x1E200] =	vst v63  }
0x1e5: {  	_ =	swait.ge [sflag:s18], $0xF000  }
0x1e6: {  	[sflag:s18] =	ssyncset.done $0x0  }
0x1e7: {  	s23 =	simm.s32 $0x0;
	s24 =	simm.s32 $0x40;
	[sflag:s18] =	ssyncadd.s32 $0xFFFF1000  }
.LBB2_14:
0x1e8: {  	v30 =	vld [tilespmem:s24+$0xFFFFFFC0];
	_ =	sdelay $0x4  }
0x1e9: {  	v31 =	vshll.u32 v30, $0x9  }
0x1ea: {  	s25 =	sshll.u32 s23, $0xA;
	v32 =	vshll.u32 v30, $0x7;
	v31 =	vand.u32 $0xFFFFF000, v31  }
0x1eb: {  	v32 =	vand.u32 $0x380, v32;
	v31 =	vadd.s32 s25, v31  }
0x1ec: {  	v41 =	vadd.s32 $0xFFFFFE20, v30;
	v31 =	vor.u32 v32, v31  }
0x1ed: {  	v30 =	vadd.s32 $0xFFFFFD30, v30;
	vm0 =	vlt.u32 v41, $0x78;
	v42 =	vor.u32 v0, v31  }
0x1ee: {  	vm1 =	vlt.u32 v30, $0x78;
	v30 =	vor.u32 $0xFFFA6000, v0;
	v32 =	vadd.s32 $0xFFFC4000, v42  }
0x1ef: {  	v30 =	vadd.s32 v30, v31;
	_ =	sdelay $0x3  }
0x1f0: {  	[tilespmem:v32+s16+$0x0] =	vst.idx.msk vm0, v9  }
0x1f1: {  	[tilespmem:v30+s16+$0x0] =	vst.idx.msk vm1, v1  }
0x1f2: {  	v30 =	vld [tilespmem:s24+$0xFFFFFFD0];
	_ =	sdelay $0x4  }
0x1f3: {  	v31 =	vshll.u32 v30, $0x9  }
0x1f4: {  	v43 =	vshll.u32 v30, $0x7;
	v31 =	vand.u32 $0xFFFFF000, v31  }
0x1f5: {  	v32 =	vand.u32 $0x380, v43;
	v31 =	vadd.s32 s25, v31  }
0x1f6: {  	v44 =	vadd.s32 $0xFFFFFE20, v30;
	v31 =	vor.u32 v32, v31  }
0x1f7: {  	v30 =	vadd.s32 $0xFFFFFD30, v30;
	vm14 =	vlt.u32 v44, $0x78;
	v45 =	vor.u32 v2, v31  }
0x1f8: {  	vm15 =	vlt.u32 v30, $0x78;
	v30 =	vor.u32 $0xFFFA6010, v0;
	v32 =	vadd.s32 $0xFFFC4000, v45  }
0x1f9: {  	v30 =	vadd.s32 v30, v31;
	_ =	sdelay $0x3  }
0x1fa: {  	[tilespmem:v32+s16+$0x0] =	vst.idx.msk vm14, v9  }
0x1fb: {  	[tilespmem:v30+s16+$0x0] =	vst.idx.msk vm15, v1  }
0x1fc: {  	v30 =	vld [tilespmem:s24+$0xFFFFFFE0];
	_ =	sdelay $0x4  }
0x1fd: {  	v31 =	vshll.u32 v30, $0x9  }
0x1fe: {  	v46 =	vshll.u32 v30, $0x7;
	v31 =	vand.u32 $0xFFFFF000, v31  }
0x1ff: {  	v32 =	vand.u32 $0x380, v46;
	v31 =	vadd.s32 s25, v31  }
0x200: {  	v47 =	vadd.s32 $0xFFFFFE20, v30;
	v31 =	vor.u32 v32, v31  }
0x201: {  	v30 =	vadd.s32 $0xFFFFFD30, v30;
	vm4 =	vlt.u32 v47, $0x78;
	v48 =	vor.u32 v3, v31  }
0x202: {  	vm5 =	vlt.u32 v30, $0x78;
	v30 =	vor.u32 $0xFFFA6020, v0;
	v32 =	vadd.s32 $0xFFFC4000, v48  }
0x203: {  	v30 =	vadd.s32 v30, v31;
	_ =	sdelay $0x3  }
0x204: {  	[tilespmem:v32+s16+$0x0] =	vst.idx.msk vm4, v9  }
0x205: {  	[tilespmem:v30+s16+$0x0] =	vst.idx.msk vm5, v1  }
0x206: {  	v30 =	vld [tilespmem:s24+$0xFFFFFFF0];
	_ =	sdelay $0x4  }
0x207: {  	v31 =	vshll.u32 v30, $0x9  }
0x208: {  	v49 =	vshll.u32 v30, $0x7;
	v31 =	vand.u32 $0xFFFFF000, v31  }
0x209: {  	v32 =	vand.u32 $0x380, v49;
	v31 =	vadd.s32 s25, v31  }
0x20a: {  	v50 =	vadd.s32 $0xFFFFFE20, v30;
	v31 =	vor.u32 v32, v31  }
0x20b: {  	v30 =	vadd.s32 $0xFFFFFD30, v30;
	vm6 =	vlt.u32 v50, $0x78;
	v51 =	vor.u32 v4, v31  }
0x20c: {  	vm7 =	vlt.u32 v30, $0x78;
	v30 =	vor.u32 $0xFFFA6030, v0;
	v32 =	vadd.s32 $0xFFFC4000, v51  }
0x20d: {  	v30 =	vadd.s32 v30, v31;
	_ =	sdelay $0x3  }
0x20e: {  	[tilespmem:v32+s16+$0x0] =	vst.idx.msk vm6, v9  }
0x20f: {  	[tilespmem:v30+s16+$0x0] =	vst.idx.msk vm7, v1  }
0x210: {  	v30 =	vld [tilespmem:s24+$0x0];
	_ =	sdelay $0x4  }
0x211: {  	v31 =	vshll.u32 v30, $0x9  }
0x212: {  	v52 =	vshll.u32 v30, $0x7;
	v31 =	vand.u32 $0xFFFFF000, v31  }
0x213: {  	v32 =	vand.u32 $0x380, v52;
	v31 =	vadd.s32 s25, v31  }
0x214: {  	v53 =	vadd.s32 $0xFFFFFE20, v30;
	v31 =	vor.u32 v32, v31  }
0x215: {  	v30 =	vadd.s32 $0xFFFFFD30, v30;
	vm8 =	vlt.u32 v53, $0x78;
	v54 =	vor.u32 v5, v31  }
0x216: {  	vm9 =	vlt.u32 v30, $0x78;
	v30 =	vor.u32 $0xFFFA6040, v0;
	v32 =	vadd.s32 $0xFFFC4000, v54  }
0x217: {  	v30 =	vadd.s32 v30, v31;
	_ =	sdelay $0x3  }
0x218: {  	[tilespmem:v32+s16+$0x0] =	vst.idx.msk vm8, v9  }
0x219: {  	[tilespmem:v30+s16+$0x0] =	vst.idx.msk vm9, v1  }
0x21a: {  	v30 =	vld [tilespmem:s24+$0x10];
	_ =	sdelay $0x4  }
0x21b: {  	v31 =	vshll.u32 v30, $0x9  }
0x21c: {  	v55 =	vshll.u32 v30, $0x7;
	v31 =	vand.u32 $0xFFFFF000, v31  }
0x21d: {  	v32 =	vand.u32 $0x380, v55;
	v31 =	vadd.s32 s25, v31  }
0x21e: {  	v56 =	vadd.s32 $0xFFFFFE20, v30;
	v31 =	vor.u32 v32, v31  }
0x21f: {  	v30 =	vadd.s32 $0xFFFFFD30, v30;
	vm10 =	vlt.u32 v56, $0x78;
	v57 =	vor.u32 v6, v31  }
0x220: {  	vm11 =	vlt.u32 v30, $0x78;
	v30 =	vor.u32 $0xFFFA6050, v0;
	v32 =	vadd.s32 $0xFFFC4000, v57  }
0x221: {  	v30 =	vadd.s32 v30, v31;
	_ =	sdelay $0x3  }
0x222: {  	[tilespmem:v32+s16+$0x0] =	vst.idx.msk vm10, v9  }
0x223: {  	[tilespmem:v30+s16+$0x0] =	vst.idx.msk vm11, v1  }
0x224: {  	v30 =	vld [tilespmem:s24+$0x20];
	_ =	sdelay $0x4  }
0x225: {  	v31 =	vshll.u32 v30, $0x9  }
0x226: {  	v58 =	vshll.u32 v30, $0x7;
	v31 =	vand.u32 $0xFFFFF000, v31  }
0x227: {  	v32 =	vand.u32 $0x380, v58;
	v31 =	vadd.s32 s25, v31  }
0x228: {  	v59 =	vadd.s32 $0xFFFFFE20, v30;
	v31 =	vor.u32 v32, v31  }
0x229: {  	v30 =	vadd.s32 $0xFFFFFD30, v30;
	vm12 =	vlt.u32 v59, $0x78;
	v60 =	vor.u32 v7, v31  }
0x22a: {  	vm13 =	vlt.u32 v30, $0x78;
	v30 =	vor.u32 $0xFFFA6060, v0;
	v32 =	vadd.s32 $0xFFFC4000, v60  }
0x22b: {  	v30 =	vadd.s32 v30, v31;
	_ =	sdelay $0x3  }
0x22c: {  	[tilespmem:v32+s16+$0x0] =	vst.idx.msk vm12, v9  }
0x22d: {  	[tilespmem:v30+s16+$0x0] =	vst.idx.msk vm13, v1  }
0x22e: {  	v30 =	vld [tilespmem:s24+$0x30];
	_ =	sdelay $0x4  }
0x22f: {  	v31 =	vshll.u32 v30, $0x9  }
0x230: {  	v61 =	vshll.u32 v30, $0x7;
	v31 =	vand.u32 $0xFFFFF000, v31  }
0x231: {  	v32 =	vand.u32 $0x380, v61;
	v31 =	vadd.s32 s25, v31  }
0x232: {  	v62 =	vadd.s32 $0xFFFFFE20, v30;
	v31 =	vor.u32 v32, v31  }
0x233: {  	v30 =	vadd.s32 $0xFFFFFD30, v30;
	vm14 =	vlt.u32 v62, $0x78;
	v63 =	vor.u32 v8, v31  }
0x234: {  	vm15 =	vlt.u32 v30, $0x78;
	v30 =	vor.u32 $0xFFFA6070, v0;
	v32 =	vadd.s32 $0xFFFC4000, v63  }
0x235: {  	p0 =	sne.s32 s23, $0x3;
	v30 =	vadd.s32 v30, v31  }
.Ltmp6:
0x236: {  	_ = 	snop;
	(pc) =	sbr.rel @p0 .LBB2_14-.Ltmp6, $3  }
0x237: {  	_ =	sdelay $0x1  }
0x238: {  	[tilespmem:v32+s16+$0x0] =	vst.idx.msk vm14, v9  }
0x239: {  	s23 =	sadd.s32 $0x1, s23;
	s24 =	sadd.s32 $0x80, s24;
	[tilespmem:v30+s16+$0x0] =	vst.idx.msk vm15, v1  }
0x23a: {  	[hbm4b:s11+s19] =	stream.strided.scatter [tilespmem:s16], [sflag:$0x1], $0xF000, s20, s19, $0x38;
	[tilespmem:$0x1E200] =	vst v63  }
0x23b: {  	_ =	swait.ge [sflag:s21], $0xF000  }
0x23c: {  	[sflag:s21] =	ssyncset.done $0x0  }
0x23d: {  	s23 =	simm.s32 $0x0;
	s24 =	simm.s32 $0x40;
	[sflag:s21] =	ssyncadd.s32 $0xFFFF1000  }
.LBB2_16:
0x23e: {  	v30 =	vld [tilespmem:s24+$0xFFFFFFC0];
	_ =	sdelay $0x4  }
0x23f: {  	v31 =	vshll.u32 v30, $0x9  }
0x240: {  	s25 =	sshll.u32 s23, $0xA;
	v32 =	vshll.u32 v30, $0x7;
	v31 =	vand.u32 $0xFFFFF000, v31  }
0x241: {  	v32 =	vand.u32 $0x380, v32;
	v31 =	vadd.s32 s25, v31  }
0x242: {  	v41 =	vadd.s32 $0xFFFFFDA8, v30;
	v31 =	vor.u32 v32, v31  }
0x243: {  	v30 =	vadd.s32 $0xFFFFFCB8, v30;
	vm0 =	vlt.u32 v41, $0x78;
	v42 =	vor.u32 v0, v31  }
0x244: {  	vm1 =	vlt.u32 v30, $0x78;
	v30 =	vor.u32 $0xFFF97000, v0;
	v32 =	vadd.s32 $0xFFFB5000, v42  }
0x245: {  	v30 =	vadd.s32 v30, v31;
	_ =	sdelay $0x3  }
0x246: {  	[tilespmem:v32+s17+$0x0] =	vst.idx.msk vm0, v9  }
0x247: {  	[tilespmem:v30+s17+$0x0] =	vst.idx.msk vm1, v1  }
0x248: {  	v30 =	vld [tilespmem:s24+$0xFFFFFFD0];
	_ =	sdelay $0x4  }
0x249: {  	v31 =	vshll.u32 v30, $0x9  }
0x24a: {  	v43 =	vshll.u32 v30, $0x7;
	v31 =	vand.u32 $0xFFFFF000, v31  }
0x24b: {  	v32 =	vand.u32 $0x380, v43;
	v31 =	vadd.s32 s25, v31  }
0x24c: {  	v44 =	vadd.s32 $0xFFFFFDA8, v30;
	v31 =	vor.u32 v32, v31  }
0x24d: {  	v30 =	vadd.s32 $0xFFFFFCB8, v30;
	vm14 =	vlt.u32 v44, $0x78;
	v45 =	vor.u32 v2, v31  }
0x24e: {  	vm15 =	vlt.u32 v30, $0x78;
	v30 =	vor.u32 $0xFFF97010, v0;
	v32 =	vadd.s32 $0xFFFB5000, v45  }
0x24f: {  	v30 =	vadd.s32 v30, v31;
	_ =	sdelay $0x3  }
0x250: {  	[tilespmem:v32+s17+$0x0] =	vst.idx.msk vm14, v9  }
0x251: {  	[tilespmem:v30+s17+$0x0] =	vst.idx.msk vm15, v1  }
0x252: {  	v30 =	vld [tilespmem:s24+$0xFFFFFFE0];
	_ =	sdelay $0x4  }
0x253: {  	v31 =	vshll.u32 v30, $0x9  }
0x254: {  	v46 =	vshll.u32 v30, $0x7;
	v31 =	vand.u32 $0xFFFFF000, v31  }
0x255: {  	v32 =	vand.u32 $0x380, v46;
	v31 =	vadd.s32 s25, v31  }
0x256: {  	v47 =	vadd.s32 $0xFFFFFDA8, v30;
	v31 =	vor.u32 v32, v31  }
0x257: {  	v30 =	vadd.s32 $0xFFFFFCB8, v30;
	vm4 =	vlt.u32 v47, $0x78;
	v48 =	vor.u32 v3, v31  }
0x258: {  	vm5 =	vlt.u32 v30, $0x78;
	v30 =	vor.u32 $0xFFF97020, v0;
	v32 =	vadd.s32 $0xFFFB5000, v48  }
0x259: {  	v30 =	vadd.s32 v30, v31;
	_ =	sdelay $0x3  }
0x25a: {  	[tilespmem:v32+s17+$0x0] =	vst.idx.msk vm4, v9  }
0x25b: {  	[tilespmem:v30+s17+$0x0] =	vst.idx.msk vm5, v1  }
0x25c: {  	v30 =	vld [tilespmem:s24+$0xFFFFFFF0];
	_ =	sdelay $0x4  }
0x25d: {  	v31 =	vshll.u32 v30, $0x9  }
0x25e: {  	v49 =	vshll.u32 v30, $0x7;
	v31 =	vand.u32 $0xFFFFF000, v31  }
0x25f: {  	v32 =	vand.u32 $0x380, v49;
	v31 =	vadd.s32 s25, v31  }
0x260: {  	v50 =	vadd.s32 $0xFFFFFDA8, v30;
	v31 =	vor.u32 v32, v31  }
0x261: {  	v30 =	vadd.s32 $0xFFFFFCB8, v30;
	vm6 =	vlt.u32 v50, $0x78;
	v51 =	vor.u32 v4, v31  }
0x262: {  	vm7 =	vlt.u32 v30, $0x78;
	v30 =	vor.u32 $0xFFF97030, v0;
	v32 =	vadd.s32 $0xFFFB5000, v51  }
0x263: {  	v30 =	vadd.s32 v30, v31;
	_ =	sdelay $0x3  }
0x264: {  	[tilespmem:v32+s17+$0x0] =	vst.idx.msk vm6, v9  }
0x265: {  	[tilespmem:v30+s17+$0x0] =	vst.idx.msk vm7, v1  }
0x266: {  	v30 =	vld [tilespmem:s24+$0x0];
	_ =	sdelay $0x4  }
0x267: {  	v31 =	vshll.u32 v30, $0x9  }
0x268: {  	v52 =	vshll.u32 v30, $0x7;
	v31 =	vand.u32 $0xFFFFF000, v31  }
0x269: {  	v32 =	vand.u32 $0x380, v52;
	v31 =	vadd.s32 s25, v31  }
0x26a: {  	v53 =	vadd.s32 $0xFFFFFDA8, v30;
	v31 =	vor.u32 v32, v31  }
0x26b: {  	v30 =	vadd.s32 $0xFFFFFCB8, v30;
	vm8 =	vlt.u32 v53, $0x78;
	v54 =	vor.u32 v5, v31  }
0x26c: {  	vm9 =	vlt.u32 v30, $0x78;
	v30 =	vor.u32 $0xFFF97040, v0;
	v32 =	vadd.s32 $0xFFFB5000, v54  }
0x26d: {  	v30 =	vadd.s32 v30, v31;
	_ =	sdelay $0x3  }
0x26e: {  	[tilespmem:v32+s17+$0x0] =	vst.idx.msk vm8, v9  }
0x26f: {  	[tilespmem:v30+s17+$0x0] =	vst.idx.msk vm9, v1  }
0x270: {  	v30 =	vld [tilespmem:s24+$0x10];
	_ =	sdelay $0x4  }
0x271: {  	v31 =	vshll.u32 v30, $0x9  }
0x272: {  	v55 =	vshll.u32 v30, $0x7;
	v31 =	vand.u32 $0xFFFFF000, v31  }
0x273: {  	v32 =	vand.u32 $0x380, v55;
	v31 =	vadd.s32 s25, v31  }
0x274: {  	v56 =	vadd.s32 $0xFFFFFDA8, v30;
	v31 =	vor.u32 v32, v31  }
0x275: {  	v30 =	vadd.s32 $0xFFFFFCB8, v30;
	vm10 =	vlt.u32 v56, $0x78;
	v57 =	vor.u32 v6, v31  }
0x276: {  	vm11 =	vlt.u32 v30, $0x78;
	v30 =	vor.u32 $0xFFF97050, v0;
	v32 =	vadd.s32 $0xFFFB5000, v57  }
0x277: {  	v30 =	vadd.s32 v30, v31;
	_ =	sdelay $0x3  }
0x278: {  	[tilespmem:v32+s17+$0x0] =	vst.idx.msk vm10, v9  }
0x279: {  	[tilespmem:v30+s17+$0x0] =	vst.idx.msk vm11, v1  }
0x27a: {  	v30 =	vld [tilespmem:s24+$0x20];
	_ =	sdelay $0x4  }
0x27b: {  	v31 =	vshll.u32 v30, $0x9  }
0x27c: {  	v58 =	vshll.u32 v30, $0x7;
	v31 =	vand.u32 $0xFFFFF000, v31  }
0x27d: {  	v32 =	vand.u32 $0x380, v58;
	v31 =	vadd.s32 s25, v31  }
0x27e: {  	v59 =	vadd.s32 $0xFFFFFDA8, v30;
	v31 =	vor.u32 v32, v31  }
0x27f: {  	v30 =	vadd.s32 $0xFFFFFCB8, v30;
	vm12 =	vlt.u32 v59, $0x78;
	v60 =	vor.u32 v7, v31  }
0x280: {  	vm13 =	vlt.u32 v30, $0x78;
	v30 =	vor.u32 $0xFFF97060, v0;
	v32 =	vadd.s32 $0xFFFB5000, v60  }
0x281: {  	v30 =	vadd.s32 v30, v31;
	_ =	sdelay $0x3  }
0x282: {  	[tilespmem:v32+s17+$0x0] =	vst.idx.msk vm12, v9  }
0x283: {  	[tilespmem:v30+s17+$0x0] =	vst.idx.msk vm13, v1  }
0x284: {  	v30 =	vld [tilespmem:s24+$0x30];
	_ =	sdelay $0x4  }
0x285: {  	v31 =	vshll.u32 v30, $0x9  }
0x286: {  	v61 =	vshll.u32 v30, $0x7;
	v31 =	vand.u32 $0xFFFFF000, v31  }
0x287: {  	v32 =	vand.u32 $0x380, v61;
	v31 =	vadd.s32 s25, v31  }
0x288: {  	v62 =	vadd.s32 $0xFFFFFDA8, v30;
	v31 =	vor.u32 v32, v31  }
0x289: {  	v30 =	vadd.s32 $0xFFFFFCB8, v30;
	vm14 =	vlt.u32 v62, $0x78;
	v63 =	vor.u32 v8, v31  }
0x28a: {  	vm15 =	vlt.u32 v30, $0x78;
	v30 =	vor.u32 $0xFFF97070, v0;
	v32 =	vadd.s32 $0xFFFB5000, v63  }
0x28b: {  	p0 =	sne.s32 s23, $0x3;
	v30 =	vadd.s32 v30, v31  }
.Ltmp7:
0x28c: {  	_ = 	snop;
	(pc) =	sbr.rel @p0 .LBB2_16-.Ltmp7, $3  }
0x28d: {  	_ =	sdelay $0x1  }
0x28e: {  	[tilespmem:v32+s17+$0x0] =	vst.idx.msk vm14, v9  }
0x28f: {  	s23 =	sadd.s32 $0x1, s23;
	s24 =	sadd.s32 $0x80, s24;
	[tilespmem:v30+s17+$0x0] =	vst.idx.msk vm15, v1  }
0x290: {  	[hbm4b:s12+s19] =	stream.strided.scatter [tilespmem:s17], [sflag:$0x2], $0xF000, s20, s19, $0x38;
	[tilespmem:$0x1E200] =	vst v63  }
0x291: {  	_ =	swait.ge [sflag:s18], $0xF000  }
0x292: {  	[sflag:s18] =	ssyncset.done $0x0  }
0x293: {  	s23 =	simm.s32 $0x0;
	s24 =	simm.s32 $0x40;
	[sflag:s18] =	ssyncadd.s32 $0xFFFF1000  }
.LBB2_18:
0x294: {  	v30 =	vld [tilespmem:s24+$0xFFFFFFC0];
	_ =	sdelay $0x4  }
0x295: {  	v31 =	vshll.u32 v30, $0x9  }
0x296: {  	s25 =	sshll.u32 s23, $0xA;
	v32 =	vshll.u32 v30, $0x7;
	v31 =	vand.u32 $0xFFFFF000, v31  }
0x297: {  	v32 =	vand.u32 $0x380, v32;
	v31 =	vadd.s32 s25, v31  }
0x298: {  	v41 =	vadd.s32 $0xFFFFFD30, v30;
	v31 =	vor.u32 v32, v31  }
0x299: {  	v30 =	vadd.s32 $0xFFFFFC40, v30;
	vm0 =	vlt.u32 v41, $0x78;
	v42 =	vor.u32 v0, v31  }
0x29a: {  	vm1 =	vlt.u32 v30, $0x28;
	v30 =	vor.u32 $0xFFF88000, v0;
	v32 =	vadd.s32 $0xFFFA6000, v42  }
0x29b: {  	v30 =	vadd.s32 v30, v31;
	_ =	sdelay $0x3  }
0x29c: {  	[tilespmem:v32+s16+$0x0] =	vst.idx.msk vm0, v9  }
0x29d: {  	[tilespmem:v30+s16+$0x0] =	vst.idx.msk vm1, v1  }
0x29e: {  	v30 =	vld [tilespmem:s24+$0xFFFFFFD0];
	_ =	sdelay $0x4  }
0x29f: {  	v31 =	vshll.u32 v30, $0x9  }
0x2a0: {  	v43 =	vshll.u32 v30, $0x7;
	v31 =	vand.u32 $0xFFFFF000, v31  }
0x2a1: {  	v32 =	vand.u32 $0x380, v43;
	v31 =	vadd.s32 s25, v31  }
0x2a2: {  	v44 =	vadd.s32 $0xFFFFFD30, v30;
	v31 =	vor.u32 v32, v31  }
0x2a3: {  	v30 =	vadd.s32 $0xFFFFFC40, v30;
	vm14 =	vlt.u32 v44, $0x78;
	v45 =	vor.u32 v2, v31  }
0x2a4: {  	vm15 =	vlt.u32 v30, $0x28;
	v30 =	vor.u32 $0xFFF88010, v0;
	v32 =	vadd.s32 $0xFFFA6000, v45  }
0x2a5: {  	v30 =	vadd.s32 v30, v31;
	_ =	sdelay $0x3  }
0x2a6: {  	[tilespmem:v32+s16+$0x0] =	vst.idx.msk vm14, v9  }
0x2a7: {  	[tilespmem:v30+s16+$0x0] =	vst.idx.msk vm15, v1  }
0x2a8: {  	v30 =	vld [tilespmem:s24+$0xFFFFFFE0];
	_ =	sdelay $0x4  }
0x2a9: {  	v31 =	vshll.u32 v30, $0x9  }
0x2aa: {  	v46 =	vshll.u32 v30, $0x7;
	v31 =	vand.u32 $0xFFFFF000, v31  }
0x2ab: {  	v32 =	vand.u32 $0x380, v46;
	v31 =	vadd.s32 s25, v31  }
0x2ac: {  	v47 =	vadd.s32 $0xFFFFFD30, v30;
	v31 =	vor.u32 v32, v31  }
0x2ad: {  	v30 =	vadd.s32 $0xFFFFFC40, v30;
	vm4 =	vlt.u32 v47, $0x78;
	v48 =	vor.u32 v3, v31  }
0x2ae: {  	vm5 =	vlt.u32 v30, $0x28;
	v30 =	vor.u32 $0xFFF88020, v0;
	v32 =	vadd.s32 $0xFFFA6000, v48  }
0x2af: {  	v30 =	vadd.s32 v30, v31;
	_ =	sdelay $0x3  }
0x2b0: {  	[tilespmem:v32+s16+$0x0] =	vst.idx.msk vm4, v9  }
0x2b1: {  	[tilespmem:v30+s16+$0x0] =	vst.idx.msk vm5, v1  }
0x2b2: {  	v30 =	vld [tilespmem:s24+$0xFFFFFFF0];
	_ =	sdelay $0x4  }
0x2b3: {  	v31 =	vshll.u32 v30, $0x9  }
0x2b4: {  	v49 =	vshll.u32 v30, $0x7;
	v31 =	vand.u32 $0xFFFFF000, v31  }
0x2b5: {  	v32 =	vand.u32 $0x380, v49;
	v31 =	vadd.s32 s25, v31  }
0x2b6: {  	v50 =	vadd.s32 $0xFFFFFD30, v30;
	v31 =	vor.u32 v32, v31  }
0x2b7: {  	v30 =	vadd.s32 $0xFFFFFC40, v30;
	vm6 =	vlt.u32 v50, $0x78;
	v51 =	vor.u32 v4, v31  }
0x2b8: {  	vm7 =	vlt.u32 v30, $0x28;
	v30 =	vor.u32 $0xFFF88030, v0;
	v32 =	vadd.s32 $0xFFFA6000, v51  }
0x2b9: {  	v30 =	vadd.s32 v30, v31;
	_ =	sdelay $0x3  }
0x2ba: {  	[tilespmem:v32+s16+$0x0] =	vst.idx.msk vm6, v9  }
0x2bb: {  	[tilespmem:v30+s16+$0x0] =	vst.idx.msk vm7, v1  }
0x2bc: {  	v30 =	vld [tilespmem:s24+$0x0];
	_ =	sdelay $0x4  }
0x2bd: {  	v31 =	vshll.u32 v30, $0x9  }
0x2be: {  	v52 =	vshll.u32 v30, $0x7;
	v31 =	vand.u32 $0xFFFFF000, v31  }
0x2bf: {  	v32 =	vand.u32 $0x380, v52;
	v31 =	vadd.s32 s25, v31  }
0x2c0: {  	v53 =	vadd.s32 $0xFFFFFD30, v30;
	v31 =	vor.u32 v32, v31  }
0x2c1: {  	v30 =	vadd.s32 $0xFFFFFC40, v30;
	vm8 =	vlt.u32 v53, $0x78;
	v54 =	vor.u32 v5, v31  }
0x2c2: {  	vm9 =	vlt.u32 v30, $0x28;
	v30 =	vor.u32 $0xFFF88040, v0;
	v32 =	vadd.s32 $0xFFFA6000, v54  }
0x2c3: {  	v30 =	vadd.s32 v30, v31;
	_ =	sdelay $0x3  }
0x2c4: {  	[tilespmem:v32+s16+$0x0] =	vst.idx.msk vm8, v9  }
0x2c5: {  	[tilespmem:v30+s16+$0x0] =	vst.idx.msk vm9, v1  }
0x2c6: {  	v30 =	vld [tilespmem:s24+$0x10];
	_ =	sdelay $0x4  }
0x2c7: {  	v31 =	vshll.u32 v30, $0x9  }
0x2c8: {  	v55 =	vshll.u32 v30, $0x7;
	v31 =	vand.u32 $0xFFFFF000, v31  }
0x2c9: {  	v32 =	vand.u32 $0x380, v55;
	v31 =	vadd.s32 s25, v31  }
0x2ca: {  	v56 =	vadd.s32 $0xFFFFFD30, v30;
	v31 =	vor.u32 v32, v31  }
0x2cb: {  	v30 =	vadd.s32 $0xFFFFFC40, v30;
	vm10 =	vlt.u32 v56, $0x78;
	v57 =	vor.u32 v6, v31  }
0x2cc: {  	vm11 =	vlt.u32 v30, $0x28;
	v30 =	vor.u32 $0xFFF88050, v0;
	v32 =	vadd.s32 $0xFFFA6000, v57  }
0x2cd: {  	v30 =	vadd.s32 v30, v31;
	_ =	sdelay $0x3  }
0x2ce: {  	[tilespmem:v32+s16+$0x0] =	vst.idx.msk vm10, v9  }
0x2cf: {  	[tilespmem:v30+s16+$0x0] =	vst.idx.msk vm11, v1  }
0x2d0: {  	v30 =	vld [tilespmem:s24+$0x20];
	_ =	sdelay $0x4  }
0x2d1: {  	v31 =	vshll.u32 v30, $0x9  }
0x2d2: {  	v58 =	vshll.u32 v30, $0x7;
	v31 =	vand.u32 $0xFFFFF000, v31  }
0x2d3: {  	v32 =	vand.u32 $0x380, v58;
	v31 =	vadd.s32 s25, v31  }
0x2d4: {  	v59 =	vadd.s32 $0xFFFFFD30, v30;
	v31 =	vor.u32 v32, v31  }
0x2d5: {  	v30 =	vadd.s32 $0xFFFFFC40, v30;
	vm12 =	vlt.u32 v59, $0x78;
	v60 =	vor.u32 v7, v31  }
0x2d6: {  	vm13 =	vlt.u32 v30, $0x28;
	v30 =	vor.u32 $0xFFF88060, v0;
	v32 =	vadd.s32 $0xFFFA6000, v60  }
0x2d7: {  	v30 =	vadd.s32 v30, v31;
	_ =	sdelay $0x3  }
0x2d8: {  	[tilespmem:v32+s16+$0x0] =	vst.idx.msk vm12, v9  }
0x2d9: {  	[tilespmem:v30+s16+$0x0] =	vst.idx.msk vm13, v1  }
0x2da: {  	v30 =	vld [tilespmem:s24+$0x30];
	_ =	sdelay $0x4  }
0x2db: {  	v31 =	vshll.u32 v30, $0x9  }
0x2dc: {  	v61 =	vshll.u32 v30, $0x7;
	v31 =	vand.u32 $0xFFFFF000, v31  }
0x2dd: {  	v32 =	vand.u32 $0x380, v61;
	v31 =	vadd.s32 s25, v31  }
0x2de: {  	v62 =	vadd.s32 $0xFFFFFD30, v30;
	v31 =	vor.u32 v32, v31  }
0x2df: {  	v30 =	vadd.s32 $0xFFFFFC40, v30;
	vm14 =	vlt.u32 v62, $0x78;
	v63 =	vor.u32 v8, v31  }
0x2e0: {  	vm15 =	vlt.u32 v30, $0x28;
	v30 =	vor.u32 $0xFFF88070, v0;
	v32 =	vadd.s32 $0xFFFA6000, v63  }
0x2e1: {  	p0 =	sne.s32 s23, $0x3;
	v30 =	vadd.s32 v30, v31  }
.Ltmp8:
0x2e2: {  	_ = 	snop;
	(pc) =	sbr.rel @p0 .LBB2_18-.Ltmp8, $3  }
0x2e3: {  	_ =	sdelay $0x1  }
0x2e4: {  	[tilespmem:v32+s16+$0x0] =	vst.idx.msk vm14, v9  }
0x2e5: {  	s23 =	sadd.s32 $0x1, s23;
	s24 =	sadd.s32 $0x80, s24;
	[tilespmem:v30+s16+$0x0] =	vst.idx.msk vm15, v1  }
0x2e6: {  	[hbm4b:s13+s19] =	stream.strided.scatter [tilespmem:s16], [sflag:$0x1], $0x5000, s20, s19, $0x38;
	[tilespmem:$0x1E200] =	vst v63  }
0x2e7: {  	s22 =	sadd.s32 $0x1, s22  }
0x2e8: {  	_ =	swait.ge [sflag:s21], $0xF000;
	p0 =	sne.s32 s22, s14  }
.Ltmp9:
0x2e9: {  	[sflag:s21] =	ssyncset.done $0x0;
	(pc) =	sbr.rel @p0 .LBB2_1-.Ltmp9, $4  }
0x2ea: {  	[sflag:s21] =	ssyncadd.s32 $0xFFFF1000  }
0x2eb: {  	_ =	swait.ge [sflag:s18], $0x5000  }
0x2ec: {  	[sflag:s18] =	ssyncset.done $0x0  }
0x2ed: {  	[sflag:s18] =	ssyncadd.s32 $0xFFFFB000  }
0x2ee: {  	_ =	sfence.sel $0x180000  }
0x2ef: {  	[bflag:$0x0] =	sbarrier.arrive $0xFFFF  }
0x2f0: {  	p0 =	sne.s32 s2, $0x0;
	_ =	strace $0x90000047  }
0x2f1: {  	s0 =	sadd.s32 @!p0 $0x100000, s0;
	[bflag:$0x2] =	sbarrier.arrive $0xFFFF  }
0x2f2: {  	[sflag:s0] =	ssyncadd.tile.s32 @!p0 $0x1;
	_ =	shalt  }
.Lfunc_end2:
_tile_overlayer_lowered:
.L_overlay_start_2:
0x2f3: {  	(tag) =	ssettag $0x2  }
0x2f4: {  	s0 =	rddreg [dreg:$0x0];
	s2 =	stileid.u32  }
0x2f5: {  	s1 =	rddreg [dreg:$0x1];
	p0 =	sne.s32 s2, $0x0  }
0x2f6: {  	s3 =	rddreg [dreg:$0x2];
	[bflag:$0x3] =	sbarrier.arrive $0xFFFF;
	s2 =	simm.s32 @!p0 $0x1C03  }
0x2f7: {  	[timem:s3], [sflag:s2] =	dma.local @!p0 [hbm:s0], s1  }
0x2f8: {  	s0 =	simm.s32 @!p0 $0x3  }
0x2f9: {  	_ =	swait.ge @!p0 [sflag:s0], s1  }
0x2fa: {  	s1 =	ssub.s32 @!p0 $0x0, s1;
	[sflag:s0] =	ssyncset.done @!p0 $0x0  }
0x2fb: {  	[sflag:s0] =	ssyncadd.s32 @!p0 s1  }
0x2fc: {  	[bflag:$0x3] =	sbarrier.arrive $0xFFFF  }
0x2fd: {  	_ =	shalt  }

</sc_bundles>
